<compile_context>
chip_gen: v7x
topology: tpu7x:2x2x1
jax: 0.10.2.dev20260603
libtpu: 0.0.44.dev20260713+nightly
codegen_flags: <defaults>
</compile_context>

<pallas_src>
import jax
import jax.numpy as jnp
from jax import lax
from jax.experimental import pallas as pl
from jax.experimental.pallas import tpu as pltpu
from jax.experimental.pallas import tpu_sc as plsc

_NUM_ENT = 100000
_NUM_REL = 1000
_D = 64
_B = 16384
_NC = 2
_NS = 16
_NW = _NC * _NS
_BPW = _B // _NW
_CH = 128
_NCH = _BPW // _CH
_L = 16

_EPW = _NUM_ENT // _NW
_ECH = 125
_ENCH = _EPW // _ECH
_RPW = 32


def _rsqrt_nr(x):
    i = plsc.bitcast(x, jnp.int32)
    i = jnp.int32(0x5F3759DF) - (i >> 1)
    y = plsc.bitcast(i, jnp.float32)
    for _ in range(3):
        y = y * (1.5 - 0.5 * x * y * y)
    return y


def _sc_body(h_hbm, r_hbm, t_hbm, n_hbm, ent_hbm, relnorm_hbm, rel_hbm, norm_hbm,
             score_hbm, nscore_hbm, spart_hbm, orth_hbm,
             hi, ri, ti, ni,
             hbufs, tbufs, nbufs, rwbufs, s1, s2,
             ebuf2, sbuf, r2b, n2b, srnb, srrb, valb, accb,
             gsems, esem, isem):
    wid = lax.axis_index("s") * _NC + lax.axis_index("c")
    base = wid * _BPW
    idx_cps = [
        pltpu.async_copy(h_hbm.at[pl.ds(base, _BPW)], hi, isem),
        pltpu.async_copy(r_hbm.at[pl.ds(base, _BPW)], ri, isem),
        pltpu.async_copy(t_hbm.at[pl.ds(base, _BPW)], ti, isem),
        pltpu.async_copy(n_hbm.at[pl.ds(base, _BPW)], ni, isem),
    ]
    for cp in idx_cps:
        cp.wait()

    lane0 = lax.iota(jnp.int32, _L) == 0

    ebase = wid * _EPW
    for p in range(3):
        pltpu.async_copy(ent_hbm.at[pl.ds(ebase + p * _ECH, _ECH)],
                         ebuf2.at[pl.ds(p * _ECH, _ECH)], esem)

    def fire(c, b):
        cb = c * _CH
        return [
            pltpu.async_copy(ent_hbm.at[hi.at[pl.ds(cb, _CH)]], hbufs[b],
                             gsems[b]),
            pltpu.async_copy(ent_hbm.at[ti.at[pl.ds(cb, _CH)]], tbufs[b],
                             gsems[b]),
            pltpu.async_copy(ent_hbm.at[ni.at[pl.ds(cb, _CH)]], nbufs[b],
                             gsems[b]),
            pltpu.async_copy(relnorm_hbm.at[ri.at[pl.ds(cb, _CH)]], rwbufs[b],
                             gsems[b]),
        ]

    inflight = {0: fire(0, 0)}
    for c in range(_NCH):
        b = c % 2
        if c + 1 < _NCH:
            inflight[c + 1] = fire(c + 1, (c + 1) % 2)
        for cp in inflight.pop(c):
            cp.wait()
        hbuf, tbuf, nbuf, rwbuf = (hbufs[b], tbufs[b], nbufs[b], rwbufs[b])
        cb = c * _CH

        def row(i, cb=cb, hbuf=hbuf, tbuf=tbuf, nbuf=nbuf, rwbuf=rwbuf):
            w = [rwbuf[i, pl.ds(_D + _L * j, _L)] for j in range(4)]
            hh = [hbuf[i, pl.ds(_L * j, _L)] for j in range(4)]
            tt = [tbuf[i, pl.ds(_L * j, _L)] for j in range(4)]
            nn = [nbuf[i, pl.ds(_L * j, _L)] for j in range(4)]
            rr = [rwbuf[i, pl.ds(_L * j, _L)] for j in range(4)]
            ww = w[0] * w[0] + w[1] * w[1] + w[2] * w[2] + w[3] * w[3]
            wh = w[0] * hh[0] + w[1] * hh[1] + w[2] * hh[2] + w[3] * hh[3]
            wt = w[0] * tt[0] + w[1] * tt[1] + w[2] * tt[2] + w[3] * tt[3]
            wn = w[0] * nn[0] + w[1] * nn[1] + w[2] * nn[2] + w[3] * nn[3]
            sww = jnp.broadcast_to(jnp.sum(ww), (_L,))
            swh = jnp.broadcast_to(jnp.sum(wh), (_L,))
            swt = jnp.broadcast_to(jnp.sum(wt), (_L,))
            swn = jnp.broadcast_to(jnp.sum(wn), (_L,))
            inv = 1.0 / jnp.maximum(sww, jnp.float32(1e-24))
            alpha = (swh - swt) * inv
            beta = (swh - swn) * inv
            acc1 = None
            acc2 = None
            for j in range(4):
                d = hh[j] + rr[j]
                e1 = d - tt[j] - alpha * w[j]
                e2 = d - nn[j] - beta * w[j]
                acc1 = e1 * e1 if acc1 is None else acc1 + e1 * e1
                acc2 = e2 * e2 if acc2 is None else acc2 + e2 * e2
            pos = jnp.broadcast_to(cb + i, (_L,))
            plsc.store_scatter(s1, [pos], jnp.broadcast_to(jnp.sum(acc1), (_L,)),
                               mask=lane0)
            plsc.store_scatter(s2, [pos], jnp.broadcast_to(jnp.sum(acc2), (_L,)),
                               mask=lane0)
        plsc.parallel_loop(0, _CH, 1, unroll=4)(row)

    def sqrt_pass(k):
        v1 = jnp.maximum(s1[pl.ds(_L * k, _L)], jnp.float32(1e-30))
        v2 = jnp.maximum(s2[pl.ds(_L * k, _L)], jnp.float32(1e-30))
        s1[pl.ds(_L * k, _L)] = v1 * _rsqrt_nr(v1)
        s2[pl.ds(_L * k, _L)] = v2 * _rsqrt_nr(v2)

    plsc.parallel_loop(0, _BPW // _L, 1, unroll=2)(sqrt_pass)

    out1 = pltpu.async_copy(s1, score_hbm.at[pl.ds(base, _BPW)], isem)
    out2 = pltpu.async_copy(s2, nscore_hbm.at[pl.ds(base, _BPW)], isem)

    ones = jnp.ones((_L,), jnp.float32)

    def ent_chunk(c, acc):
        off = (c % 4) * _ECH
        row0 = ebase + c * _ECH

        @pl.when(c + 3 < _ENCH)
        def _():
            noff = ((c + 3) % 4) * _ECH
            pltpu.async_copy(ent_hbm.at[pl.ds(row0 + 3 * _ECH, _ECH)],
                             ebuf2.at[pl.ds(noff, _ECH)], esem)

        pltpu.make_async_copy(ent_hbm.at[pl.ds(row0, _ECH)],
                              ebuf2.at[pl.ds(off, _ECH)], esem).wait()
        sbuf[pl.ds(112, _L)] = ones

        def erow(i, off=off):
            x = [ebuf2[off + i, pl.ds(_L * j, _L)] for j in range(4)]
            sq = x[0] * x[0] + x[1] * x[1] + x[2] * x[2] + x[3] * x[3]
            pos = jnp.broadcast_to(i, (_L,))
            plsc.store_scatter(sbuf, [pos],
                               jnp.broadcast_to(jnp.sum(sq), (_L,)),
                               mask=lane0)

        plsc.parallel_loop(0, _ECH, 1, unroll=4)(erow)
        for k in range(8):
            m = jnp.maximum(sbuf[pl.ds(_L * k, _L)], jnp.float32(1.0))
            acc = acc + jnp.maximum(m * _rsqrt_nr(m) - 1.0, jnp.float32(0.0))
        return acc

    acc = lax.fori_loop(0, _ENCH, ent_chunk, jnp.zeros((_L,), jnp.float32))
    accb[pl.ds(0, _L)] = acc
    pltpu.sync_copy(accb, spart_hbm.at[wid])

    rstart = jnp.minimum(wid * _RPW, jnp.int32(_NUM_REL - _RPW))
    pltpu.sync_copy(rel_hbm.at[pl.ds(rstart, _RPW)], r2b)
    pltpu.sync_copy(norm_hbm.at[pl.ds(rstart, _RPW)], n2b)

    def rrow(i):
        rv = [r2b[i, pl.ds(_L * j, _L)] for j in range(4)]
        nv = [n2b[i, pl.ds(_L * j, _L)] for j in range(4)]
        rn = rv[0] * nv[0] + rv[1] * nv[1] + rv[2] * nv[2] + rv[3] * nv[3]
        r2 = rv[0] * rv[0] + rv[1] * rv[1] + rv[2] * rv[2] + rv[3] * rv[3]
        pos = jnp.broadcast_to(i, (_L,))
        plsc.store_scatter(srnb, [pos],
                           jnp.broadcast_to(jnp.sum(rn), (_L,)), mask=lane0)
        plsc.store_scatter(srrb, [pos],
                           jnp.broadcast_to(jnp.sum(r2), (_L,)), mask=lane0)

    plsc.parallel_loop(0, _RPW, 1, unroll=4)(rrow)
    for k in range(_RPW // _L):
        valb[pl.ds(_L * k, _L)] = (srnb[pl.ds(_L * k, _L)]
                                   * _rsqrt_nr(srrb[pl.ds(_L * k, _L)]))

    @pl.when(wid < _NW - 1)
    def _():
        pltpu.sync_copy(valb, orth_hbm.at[pl.ds(wid * _RPW, _RPW)])

    @pl.when(wid == _NW - 1)
    def _():
        pltpu.sync_copy(valb.at[pl.ds(24, 8)],
                        orth_hbm.at[pl.ds(_NUM_REL - 8, 8)])

    out1.wait()
    out2.wait()


def kernel(h, basic_r, t, neg_idx, ent_table, rel_table, norm_table):
    mesh = plsc.VectorSubcoreMesh(core_axis_name="c", subcore_axis_name="s")
    rowbuf = pltpu.VMEM((_CH, _D), jnp.float32)
    sc_call = pl.kernel(
        _sc_body,
        out_type=(
            jax.ShapeDtypeStruct((_B,), jnp.float32),
            jax.ShapeDtypeStruct((_B,), jnp.float32),
            jax.ShapeDtypeStruct((_NW, _L), jnp.float32),
            jax.ShapeDtypeStruct((_NUM_REL,), jnp.float32),
        ),
        mesh=mesh,
        compiler_params=pltpu.CompilerParams(
            needs_layout_passes=False, use_tc_tiling_on_sc=False,
            disable_bounds_checks=True, skip_device_barrier=True),
        scratch_types=[
            pltpu.VMEM((_BPW,), jnp.int32),
            pltpu.VMEM((_BPW,), jnp.int32),
            pltpu.VMEM((_BPW,), jnp.int32),
            pltpu.VMEM((_BPW,), jnp.int32),
            (rowbuf, rowbuf),
            (rowbuf, rowbuf),
            (rowbuf, rowbuf),
            (pltpu.VMEM((_CH, 2 * _D), jnp.float32),
             pltpu.VMEM((_CH, 2 * _D), jnp.float32)),
            pltpu.VMEM((_BPW,), jnp.float32),
            pltpu.VMEM((_BPW,), jnp.float32),
            pltpu.VMEM((4 * _ECH, _D), jnp.float32),
            pltpu.VMEM((128,), jnp.float32),
            pltpu.VMEM((_RPW, _D), jnp.float32),
            pltpu.VMEM((_RPW, _D), jnp.float32),
            pltpu.VMEM((_RPW,), jnp.float32),
            pltpu.VMEM((_RPW,), jnp.float32),
            pltpu.VMEM((_RPW,), jnp.float32),
            pltpu.VMEM((_L,), jnp.float32),
            (pltpu.SemaphoreType.DMA, pltpu.SemaphoreType.DMA),
            pltpu.SemaphoreType.DMA,
            pltpu.SemaphoreType.DMA,
        ],
    )
    relnorm = jnp.concatenate([rel_table, norm_table], axis=1)
    score, neg_score, sparts, orth = sc_call(
        h, basic_r, t, neg_idx, ent_table, relnorm, rel_table, norm_table)

    scale_loss = jnp.sum(sparts) / _NUM_ENT
    return (score, neg_score, scale_loss, orth)

# --- scband reference (transcript-rebuilt; emitter-appended) ---
"""Pipeline reference for scband-trans-h-11046655885956 (READ-ONLY COPY).

The authoritative reference and input builder live on the scoring server;
editing this copy changes nothing except your own understanding.
"""

import jax, jax.numpy as jnp
import numpy as np

NUM_ENT = 100000
NUM_REL = 1000
EMBED_DIM = 64
BATCH = 16384


def _normalize(x, eps=1e-12):
    n = jnp.linalg.norm(x, ord=2, axis=-1, keepdims=True)
    return x / jnp.maximum(n, eps)


def _projection(vector, norm):
    norm = _normalize(norm)
    return vector - jnp.sum(norm * vector, axis=-1, keepdims=True) * norm


def setup_inputs(seed: int = 0) -> dict:
    key = jax.random.key(seed)
    ks = jax.random.split(key, 7)
    h = jax.random.randint(ks[0], (BATCH,), 0, NUM_ENT, dtype=jnp.int32)
    basic_r = jax.random.randint(ks[1], (BATCH,), 0, NUM_REL, dtype=jnp.int32)
    t = jax.random.randint(ks[2], (BATCH,), 0, NUM_ENT, dtype=jnp.int32)
    neg_idx = jax.random.randint(ks[3], (BATCH,), 0, NUM_ENT, dtype=jnp.int32)
    std_e = (2.0 / (NUM_ENT + EMBED_DIM)) ** 0.5
    std_r = (2.0 / (NUM_REL + EMBED_DIM)) ** 0.5
    ent_table = std_e * jax.random.normal(ks[4], (NUM_ENT, EMBED_DIM), dtype=jnp.float32)
    rel_table = std_r * jax.random.normal(ks[5], (NUM_REL, EMBED_DIM), dtype=jnp.float32)
    norm_table = std_r * jax.random.normal(ks[6], (NUM_REL, EMBED_DIM), dtype=jnp.float32)
    return {"h": h, "basic_r": basic_r, "t": t, "neg_idx": neg_idx,
            "ent_table": ent_table, "rel_table": rel_table, "norm_table": norm_table}


def reference(h, basic_r, t, neg_idx, ent_table, rel_table, norm_table):
    # embedding gathers (word2index is an identity mapping here)
    h_e = jnp.take(ent_table, h, axis=0)
    t_e = jnp.take(ent_table, t, axis=0)
    r = jnp.take(rel_table, basic_r, axis=0)
    r_norm = jnp.take(norm_table, basic_r, axis=0)
    # hyperplane projections
    h_r = _projection(h_e, r_norm)
    t_r = _projection(t_e, r_norm)
    neg = jnp.take(ent_table, neg_idx, axis=0)
    neg_r = _projection(neg, r_norm)
    score = jnp.linalg.norm(h_r + r - t_r, ord=2, axis=-1)
    neg_score = jnp.linalg.norm(h_r + r - neg_r, ord=2, axis=-1)
    # in torch these use .data (detached) -> stop_gradient
    ent_sg = jax.lax.stop_gradient(ent_table)
    rel_sg = jax.lax.stop_gradient(rel_table)
    norm_sg = jax.lax.stop_gradient(norm_table)
    scale_loss = jnp.mean(jax.nn.relu(jnp.linalg.norm(ent_sg, ord=2, axis=-1) - 1.0))
    orthogonal_loss = jnp.sum(rel_sg * norm_sg, axis=-1) / jnp.linalg.norm(rel_sg, ord=2, axis=-1)
    return (score, neg_score, scale_loss, orthogonal_loss)

if __name__ == "__main__":
    import jax
    _d = setup_inputs()
    print(jax.jit(kernel)(*tuple(_d.values())))

</pallas_src>

<mosaic_0001>
#map = affine_map<(d0, d1) -> (0)>
#map1 = affine_map<(d0, d1) -> (0, 0)>
module attributes {stable_mosaic.version = 14 : i64} {
  func.func @_sc_body(%arg0: i32, %arg1: i32, %arg2: memref<16384xi32, #tpu.memory_space<hbm>>, %arg3: memref<16384xi32, #tpu.memory_space<hbm>>, %arg4: memref<16384xi32, #tpu.memory_space<hbm>>, %arg5: memref<16384xi32, #tpu.memory_space<hbm>>, %arg6: memref<100000x64xf32, #tpu.memory_space<hbm>>, %arg7: memref<1000x128xf32, #tpu.memory_space<hbm>>, %arg8: memref<1000x64xf32, #tpu.memory_space<hbm>>, %arg9: memref<1000x64xf32, #tpu.memory_space<hbm>>, %arg10: memref<16384xf32, #tpu.memory_space<hbm>>, %arg11: memref<16384xf32, #tpu.memory_space<hbm>>, %arg12: memref<32x16xf32, #tpu.memory_space<hbm>>, %arg13: memref<1000xf32, #tpu.memory_space<hbm>>, %arg14: memref<512xi32, #tpu.memory_space<vmem>>, %arg15: memref<512xi32, #tpu.memory_space<vmem>>, %arg16: memref<512xi32, #tpu.memory_space<vmem>>, %arg17: memref<512xi32, #tpu.memory_space<vmem>>, %arg18: memref<128x64xf32, #tpu.memory_space<vmem>>, %arg19: memref<128x64xf32, #tpu.memory_space<vmem>>, %arg20: memref<128x64xf32, #tpu.memory_space<vmem>>, %arg21: memref<128x64xf32, #tpu.memory_space<vmem>>, %arg22: memref<128x64xf32, #tpu.memory_space<vmem>>, %arg23: memref<128x64xf32, #tpu.memory_space<vmem>>, %arg24: memref<128x128xf32, #tpu.memory_space<vmem>>, %arg25: memref<128x128xf32, #tpu.memory_space<vmem>>, %arg26: memref<512xf32, #tpu.memory_space<vmem>>, %arg27: memref<512xf32, #tpu.memory_space<vmem>>, %arg28: memref<500x64xf32, #tpu.memory_space<vmem>>, %arg29: memref<128xf32, #tpu.memory_space<vmem>>, %arg30: memref<32x64xf32, #tpu.memory_space<vmem>>, %arg31: memref<32x64xf32, #tpu.memory_space<vmem>>, %arg32: memref<32xf32, #tpu.memory_space<vmem>>, %arg33: memref<32xf32, #tpu.memory_space<vmem>>, %arg34: memref<32xf32, #tpu.memory_space<vmem>>, %arg35: memref<16xf32, #tpu.memory_space<vmem>>, %arg36: memref<!tpu.dma_semaphore, #tpu.memory_space<semaphore_mem>>, %arg37: memref<!tpu.dma_semaphore, #tpu.memory_space<semaphore_mem>>, %arg38: memref<!tpu.dma_semaphore, #tpu.memory_space<semaphore_mem>>, %arg39: memref<!tpu.dma_semaphore, #tpu.memory_space<semaphore_mem>>) attributes {dimension_semantics = [#tpu.dimension_semantics<core_parallel>, #tpu.dimension_semantics<subcore_parallel>], iteration_bounds = array<i64: 2, 16>, scalar_prefetch = 0 : i64, scratch_operands = 26 : i64, tpu.core_type = #tpu.core_type<sc_vector_subcore>, window_params = [{transform_indices = #map}, {transform_indices = #map}, {transform_indices = #map}, {transform_indices = #map}, {transform_indices = #map1}, {transform_indices = #map1}, {transform_indices = #map1}, {transform_indices = #map1}, {transform_indices = #map}, {transform_indices = #map}, {transform_indices = #map1}, {transform_indices = #map}]} {
    %mul3A = arith.constant 2 : i32
    %mul3A_0 = arith.muli %arg1, %mul3A : i32
    %add3A = arith.addi %mul3A_0, %arg0 : i32
    %mul3A_1 = arith.constant 512 : i32
    %mul3A_2 = arith.muli %add3A, %mul3A_1 : i32
    %dma_start3A = tpu.memref_slice %arg2[%mul3A_2] : memref<16384xi32, #tpu.memory_space<hbm>> -> memref<512xi32, #tpu.memory_space<hbm>>
    %dma_start3A_3 = tpu.memref_slice %arg2[%mul3A_2] : memref<16384xi32, #tpu.memory_space<hbm>> -> memref<512xi32, #tpu.memory_space<hbm>>
    tpu.enqueue_dma source(%dma_start3A_3 : memref<512xi32, #tpu.memory_space<hbm>>) target(%arg14 : memref<512xi32, #tpu.memory_space<vmem>>) target_semaphore(%arg39 : memref<!tpu.dma_semaphore, #tpu.memory_space<semaphore_mem>>)
    %dma_start3A_4 = tpu.memref_slice %arg3[%mul3A_2] : memref<16384xi32, #tpu.memory_space<hbm>> -> memref<512xi32, #tpu.memory_space<hbm>>
    %dma_start3A_5 = tpu.memref_slice %arg3[%mul3A_2] : memref<16384xi32, #tpu.memory_space<hbm>> -> memref<512xi32, #tpu.memory_space<hbm>>
    tpu.enqueue_dma source(%dma_start3A_5 : memref<512xi32, #tpu.memory_space<hbm>>) target(%arg15 : memref<512xi32, #tpu.memory_space<vmem>>) target_semaphore(%arg39 : memref<!tpu.dma_semaphore, #tpu.memory_space<semaphore_mem>>)
    %dma_start3A_6 = tpu.memref_slice %arg4[%mul3A_2] : memref<16384xi32, #tpu.memory_space<hbm>> -> memref<512xi32, #tpu.memory_space<hbm>>
    %dma_start3A_7 = tpu.memref_slice %arg4[%mul3A_2] : memref<16384xi32, #tpu.memory_space<hbm>> -> memref<512xi32, #tpu.memory_space<hbm>>
    tpu.enqueue_dma source(%dma_start3A_7 : memref<512xi32, #tpu.memory_space<hbm>>) target(%arg16 : memref<512xi32, #tpu.memory_space<vmem>>) target_semaphore(%arg39 : memref<!tpu.dma_semaphore, #tpu.memory_space<semaphore_mem>>)
    %dma_start3A_8 = tpu.memref_slice %arg5[%mul3A_2] : memref<16384xi32, #tpu.memory_space<hbm>> -> memref<512xi32, #tpu.memory_space<hbm>>
    %dma_start3A_9 = tpu.memref_slice %arg5[%mul3A_2] : memref<16384xi32, #tpu.memory_space<hbm>> -> memref<512xi32, #tpu.memory_space<hbm>>
    tpu.enqueue_dma source(%dma_start3A_9 : memref<512xi32, #tpu.memory_space<hbm>>) target(%arg17 : memref<512xi32, #tpu.memory_space<vmem>>) target_semaphore(%arg39 : memref<!tpu.dma_semaphore, #tpu.memory_space<semaphore_mem>>)
    %dma_wait3A = tpu.memref_slice %arg2[%mul3A_2] : memref<16384xi32, #tpu.memory_space<hbm>> -> memref<512xi32, #tpu.memory_space<hbm>>
    %dma_wait3A_10 = tpu.memref_slice %arg2[%mul3A_2] : memref<16384xi32, #tpu.memory_space<hbm>> -> memref<512xi32, #tpu.memory_space<hbm>>
    tpu.wait_dma2 semaphore(%arg39 : memref<!tpu.dma_semaphore, #tpu.memory_space<semaphore_mem>>) src(%dma_wait3A_10 : memref<512xi32, #tpu.memory_space<hbm>>) dst(%arg14 : memref<512xi32, #tpu.memory_space<vmem>>)
    %dma_wait3A_11 = tpu.memref_slice %arg3[%mul3A_2] : memref<16384xi32, #tpu.memory_space<hbm>> -> memref<512xi32, #tpu.memory_space<hbm>>
    %dma_wait3A_12 = tpu.memref_slice %arg3[%mul3A_2] : memref<16384xi32, #tpu.memory_space<hbm>> -> memref<512xi32, #tpu.memory_space<hbm>>
    tpu.wait_dma2 semaphore(%arg39 : memref<!tpu.dma_semaphore, #tpu.memory_space<semaphore_mem>>) src(%dma_wait3A_12 : memref<512xi32, #tpu.memory_space<hbm>>) dst(%arg15 : memref<512xi32, #tpu.memory_space<vmem>>)
    %dma_wait3A_13 = tpu.memref_slice %arg4[%mul3A_2] : memref<16384xi32, #tpu.memory_space<hbm>> -> memref<512xi32, #tpu.memory_space<hbm>>
    %dma_wait3A_14 = tpu.memref_slice %arg4[%mul3A_2] : memref<16384xi32, #tpu.memory_space<hbm>> -> memref<512xi32, #tpu.memory_space<hbm>>
    tpu.wait_dma2 semaphore(%arg39 : memref<!tpu.dma_semaphore, #tpu.memory_space<semaphore_mem>>) src(%dma_wait3A_14 : memref<512xi32, #tpu.memory_space<hbm>>) dst(%arg16 : memref<512xi32, #tpu.memory_space<vmem>>)
    %dma_wait3A_15 = tpu.memref_slice %arg5[%mul3A_2] : memref<16384xi32, #tpu.memory_space<hbm>> -> memref<512xi32, #tpu.memory_space<hbm>>
    %dma_wait3A_16 = tpu.memref_slice %arg5[%mul3A_2] : memref<16384xi32, #tpu.memory_space<hbm>> -> memref<512xi32, #tpu.memory_space<hbm>>
    tpu.wait_dma2 semaphore(%arg39 : memref<!tpu.dma_semaphore, #tpu.memory_space<semaphore_mem>>) src(%dma_wait3A_16 : memref<512xi32, #tpu.memory_space<hbm>>) dst(%arg17 : memref<512xi32, #tpu.memory_space<vmem>>)
    %iota3A = tpu.iota {dimensions = array<i32: 0>} : vector<16xi32>
    %eq3A = arith.constant 0 : i32
    %eq3A_17 = vector.broadcast %eq3A : i32 to vector<16xi32>
    %eq3A_18 = arith.cmpi eq, %iota3A, %eq3A_17 : vector<16xi32>
    %mul3A_19 = arith.constant 3125 : i32
    %mul3A_20 = arith.muli %add3A, %mul3A_19 : i32
    %add3A_21 = arith.constant 0 : i32
    %add3A_22 = arith.addi %mul3A_20, %add3A_21 : i32
    %dma_start3A_23 = arith.constant 0 : i32
    %dma_start3A_24 = arith.constant 0 : i32
    %dma_start3A_25 = tpu.memref_slice %arg28[%dma_start3A_23, %dma_start3A_24] : memref<500x64xf32, #tpu.memory_space<vmem>> -> memref<125x64xf32, #tpu.memory_space<vmem>>
    %dma_start3A_26 = arith.constant 0 : i32
    %dma_start3A_27 = tpu.memref_slice %arg6[%add3A_22, %dma_start3A_26] : memref<100000x64xf32, #tpu.memory_space<hbm>> -> memref<125x64xf32, #tpu.memory_space<hbm>>
    %dma_start3A_28 = arith.constant 0 : i32
    %dma_start3A_29 = arith.constant 0 : i32
    %dma_start3A_30 = tpu.memref_slice %arg28[%dma_start3A_28, %dma_start3A_29] : memref<500x64xf32, #tpu.memory_space<vmem>> -> memref<125x64xf32, #tpu.memory_space<vmem>>
    %dma_start3A_31 = arith.constant 0 : i32
    %dma_start3A_32 = tpu.memref_slice %arg6[%add3A_22, %dma_start3A_31] : memref<100000x64xf32, #tpu.memory_space<hbm>> -> memref<125x64xf32, #tpu.memory_space<hbm>>
    tpu.enqueue_dma source(%dma_start3A_32 : memref<125x64xf32, #tpu.memory_space<hbm>>) target(%dma_start3A_30 : memref<125x64xf32, #tpu.memory_space<vmem>>) target_semaphore(%arg38 : memref<!tpu.dma_semaphore, #tpu.memory_space<semaphore_mem>>)
    %add3A_33 = arith.constant 125 : i32
    %add3A_34 = arith.addi %mul3A_20, %add3A_33 : i32
    %dma_start3A_35 = arith.constant 125 : i32
    %dma_start3A_36 = arith.constant 0 : i32
    %dma_start3A_37 = tpu.memref_slice %arg28[%dma_start3A_35, %dma_start3A_36] : memref<500x64xf32, #tpu.memory_space<vmem>> -> memref<125x64xf32, #tpu.memory_space<vmem>>
    %dma_start3A_38 = arith.constant 0 : i32
    %dma_start3A_39 = tpu.memref_slice %arg6[%add3A_34, %dma_start3A_38] : memref<100000x64xf32, #tpu.memory_space<hbm>> -> memref<125x64xf32, #tpu.memory_space<hbm>>
    %dma_start3A_40 = arith.constant 125 : i32
    %dma_start3A_41 = arith.constant 0 : i32
    %dma_start3A_42 = tpu.memref_slice %arg28[%dma_start3A_40, %dma_start3A_41] : memref<500x64xf32, #tpu.memory_space<vmem>> -> memref<125x64xf32, #tpu.memory_space<vmem>>
    %dma_start3A_43 = arith.constant 0 : i32
    %dma_start3A_44 = tpu.memref_slice %arg6[%add3A_34, %dma_start3A_43] : memref<100000x64xf32, #tpu.memory_space<hbm>> -> memref<125x64xf32, #tpu.memory_space<hbm>>
    tpu.enqueue_dma source(%dma_start3A_44 : memref<125x64xf32, #tpu.memory_space<hbm>>) target(%dma_start3A_42 : memref<125x64xf32, #tpu.memory_space<vmem>>) target_semaphore(%arg38 : memref<!tpu.dma_semaphore, #tpu.memory_space<semaphore_mem>>)
    %add3A_45 = arith.constant 250 : i32
    %add3A_46 = arith.addi %mul3A_20, %add3A_45 : i32
    %dma_start3A_47 = arith.constant 250 : i32
    %dma_start3A_48 = arith.constant 0 : i32
    %dma_start3A_49 = tpu.memref_slice %arg28[%dma_start3A_47, %dma_start3A_48] : memref<500x64xf32, #tpu.memory_space<vmem>> -> memref<125x64xf32, #tpu.memory_space<vmem>>
    %dma_start3A_50 = arith.constant 0 : i32
    %dma_start3A_51 = tpu.memref_slice %arg6[%add3A_46, %dma_start3A_50] : memref<100000x64xf32, #tpu.memory_space<hbm>> -> memref<125x64xf32, #tpu.memory_space<hbm>>
    %dma_start3A_52 = arith.constant 250 : i32
    %dma_start3A_53 = arith.constant 0 : i32
    %dma_start3A_54 = tpu.memref_slice %arg28[%dma_start3A_52, %dma_start3A_53] : memref<500x64xf32, #tpu.memory_space<vmem>> -> memref<125x64xf32, #tpu.memory_space<vmem>>
    %dma_start3A_55 = arith.constant 0 : i32
    %dma_start3A_56 = tpu.memref_slice %arg6[%add3A_46, %dma_start3A_55] : memref<100000x64xf32, #tpu.memory_space<hbm>> -> memref<125x64xf32, #tpu.memory_space<hbm>>
    tpu.enqueue_dma source(%dma_start3A_56 : memref<125x64xf32, #tpu.memory_space<hbm>>) target(%dma_start3A_54 : memref<125x64xf32, #tpu.memory_space<vmem>>) target_semaphore(%arg38 : memref<!tpu.dma_semaphore, #tpu.memory_space<semaphore_mem>>)
    %dma_start3A_57 = arith.constant 0 : i32
    %dma_start3A_58 = tpu.memref_slice %arg14[%dma_start3A_57] : memref<512xi32, #tpu.memory_space<vmem>> -> memref<128xi32, #tpu.memory_space<vmem>>
    %dma_start3A_59 = arith.constant 0 : i32
    %dma_start3A_60 = arith.constant 0 : i32
    %dma_start3A_61 = tpu.memref_slice %arg6[%dma_start3A_59, %dma_start3A_60] : memref<100000x64xf32, #tpu.memory_space<hbm>> -> memref<100000x64xf32, #tpu.memory_space<hbm>>
    tpu.enqueue_indirect_dma source(%dma_start3A_61 : memref<100000x64xf32, #tpu.memory_space<hbm>>) target(%arg18 : memref<128x64xf32, #tpu.memory_space<vmem>>) offsets(%dma_start3A_58 : memref<128xi32, #tpu.memory_space<vmem>>) semaphore(%arg36 : memref<!tpu.dma_semaphore, #tpu.memory_space<semaphore_mem>>)
    %dma_start3A_62 = arith.constant 0 : i32
    %dma_start3A_63 = tpu.memref_slice %arg16[%dma_start3A_62] : memref<512xi32, #tpu.memory_space<vmem>> -> memref<128xi32, #tpu.memory_space<vmem>>
    %dma_start3A_64 = arith.constant 0 : i32
    %dma_start3A_65 = arith.constant 0 : i32
    %dma_start3A_66 = tpu.memref_slice %arg6[%dma_start3A_64, %dma_start3A_65] : memref<100000x64xf32, #tpu.memory_space<hbm>> -> memref<100000x64xf32, #tpu.memory_space<hbm>>
    tpu.enqueue_indirect_dma source(%dma_start3A_66 : memref<100000x64xf32, #tpu.memory_space<hbm>>) target(%arg20 : memref<128x64xf32, #tpu.memory_space<vmem>>) offsets(%dma_start3A_63 : memref<128xi32, #tpu.memory_space<vmem>>) semaphore(%arg36 : memref<!tpu.dma_semaphore, #tpu.memory_space<semaphore_mem>>)
    %dma_start3A_67 = arith.constant 0 : i32
    %dma_start3A_68 = tpu.memref_slice %arg17[%dma_start3A_67] : memref<512xi32, #tpu.memory_space<vmem>> -> memref<128xi32, #tpu.memory_space<vmem>>
    %dma_start3A_69 = arith.constant 0 : i32
    %dma_start3A_70 = arith.constant 0 : i32
    %dma_start3A_71 = tpu.memref_slice %arg6[%dma_start3A_69, %dma_start3A_70] : memref<100000x64xf32, #tpu.memory_space<hbm>> -> memref<100000x64xf32, #tpu.memory_space<hbm>>
    tpu.enqueue_indirect_dma source(%dma_start3A_71 : memref<100000x64xf32, #tpu.memory_space<hbm>>) target(%arg22 : memref<128x64xf32, #tpu.memory_space<vmem>>) offsets(%dma_start3A_68 : memref<128xi32, #tpu.memory_space<vmem>>) semaphore(%arg36 : memref<!tpu.dma_semaphore, #tpu.memory_space<semaphore_mem>>)
    %dma_start3A_72 = arith.constant 0 : i32
    %dma_start3A_73 = tpu.memref_slice %arg15[%dma_start3A_72] : memref<512xi32, #tpu.memory_space<vmem>> -> memref<128xi32, #tpu.memory_space<vmem>>
    %dma_start3A_74 = arith.constant 0 : i32
    %dma_start3A_75 = arith.constant 0 : i32
    %dma_start3A_76 = tpu.memref_slice %arg7[%dma_start3A_74, %dma_start3A_75] : memref<1000x128xf32, #tpu.memory_space<hbm>> -> memref<1000x128xf32, #tpu.memory_space<hbm>>
    tpu.enqueue_indirect_dma source(%dma_start3A_76 : memref<1000x128xf32, #tpu.memory_space<hbm>>) target(%arg24 : memref<128x128xf32, #tpu.memory_space<vmem>>) offsets(%dma_start3A_73 : memref<128xi32, #tpu.memory_space<vmem>>) semaphore(%arg36 : memref<!tpu.dma_semaphore, #tpu.memory_space<semaphore_mem>>)
    %dma_start3A_77 = arith.constant 128 : i32
    %dma_start3A_78 = tpu.memref_slice %arg14[%dma_start3A_77] : memref<512xi32, #tpu.memory_space<vmem>> -> memref<128xi32, #tpu.memory_space<vmem>>
    %dma_start3A_79 = arith.constant 0 : i32
    %dma_start3A_80 = arith.constant 0 : i32
    %dma_start3A_81 = tpu.memref_slice %arg6[%dma_start3A_79, %dma_start3A_80] : memref<100000x64xf32, #tpu.memory_space<hbm>> -> memref<100000x64xf32, #tpu.memory_space<hbm>>
    tpu.enqueue_indirect_dma source(%dma_start3A_81 : memref<100000x64xf32, #tpu.memory_space<hbm>>) target(%arg19 : memref<128x64xf32, #tpu.memory_space<vmem>>) offsets(%dma_start3A_78 : memref<128xi32, #tpu.memory_space<vmem>>) semaphore(%arg37 : memref<!tpu.dma_semaphore, #tpu.memory_space<semaphore_mem>>)
    %dma_start3A_82 = arith.constant 128 : i32
    %dma_start3A_83 = tpu.memref_slice %arg16[%dma_start3A_82] : memref<512xi32, #tpu.memory_space<vmem>> -> memref<128xi32, #tpu.memory_space<vmem>>
    %dma_start3A_84 = arith.constant 0 : i32
    %dma_start3A_85 = arith.constant 0 : i32
    %dma_start3A_86 = tpu.memref_slice %arg6[%dma_start3A_84, %dma_start3A_85] : memref<100000x64xf32, #tpu.memory_space<hbm>> -> memref<100000x64xf32, #tpu.memory_space<hbm>>
    tpu.enqueue_indirect_dma source(%dma_start3A_86 : memref<100000x64xf32, #tpu.memory_space<hbm>>) target(%arg21 : memref<128x64xf32, #tpu.memory_space<vmem>>) offsets(%dma_start3A_83 : memref<128xi32, #tpu.memory_space<vmem>>) semaphore(%arg37 : memref<!tpu.dma_semaphore, #tpu.memory_space<semaphore_mem>>)
    %dma_start3A_87 = arith.constant 128 : i32
    %dma_start3A_88 = tpu.memref_slice %arg17[%dma_start3A_87] : memref<512xi32, #tpu.memory_space<vmem>> -> memref<128xi32, #tpu.memory_space<vmem>>
    %dma_start3A_89 = arith.constant 0 : i32
    %dma_start3A_90 = arith.constant 0 : i32
    %dma_start3A_91 = tpu.memref_slice %arg6[%dma_start3A_89, %dma_start3A_90] : memref<100000x64xf32, #tpu.memory_space<hbm>> -> memref<100000x64xf32, #tpu.memory_space<hbm>>
    tpu.enqueue_indirect_dma source(%dma_start3A_91 : memref<100000x64xf32, #tpu.memory_space<hbm>>) target(%arg23 : memref<128x64xf32, #tpu.memory_space<vmem>>) offsets(%dma_start3A_88 : memref<128xi32, #tpu.memory_space<vmem>>) semaphore(%arg37 : memref<!tpu.dma_semaphore, #tpu.memory_space<semaphore_mem>>)
    %dma_start3A_92 = arith.constant 128 : i32
    %dma_start3A_93 = tpu.memref_slice %arg15[%dma_start3A_92] : memref<512xi32, #tpu.memory_space<vmem>> -> memref<128xi32, #tpu.memory_space<vmem>>
    %dma_start3A_94 = arith.constant 0 : i32
    %dma_start3A_95 = arith.constant 0 : i32
    %dma_start3A_96 = tpu.memref_slice %arg7[%dma_start3A_94, %dma_start3A_95] : memref<1000x128xf32, #tpu.memory_space<hbm>> -> memref<1000x128xf32, #tpu.memory_space<hbm>>
    tpu.enqueue_indirect_dma source(%dma_start3A_96 : memref<1000x128xf32, #tpu.memory_space<hbm>>) target(%arg25 : memref<128x128xf32, #tpu.memory_space<vmem>>) offsets(%dma_start3A_93 : memref<128xi32, #tpu.memory_space<vmem>>) semaphore(%arg37 : memref<!tpu.dma_semaphore, #tpu.memory_space<semaphore_mem>>)
    %dma_wait3A_97 = arith.constant 0 : i32
    %dma_wait3A_98 = tpu.memref_slice %arg14[%dma_wait3A_97] : memref<512xi32, #tpu.memory_space<vmem>> -> memref<128xi32, #tpu.memory_space<vmem>>
    %dma_wait3A_99 = arith.constant 0 : i32
    %dma_wait3A_100 = arith.constant 0 : i32
    %dma_wait3A_101 = tpu.memref_slice %arg6[%dma_wait3A_99, %dma_wait3A_100] : memref<100000x64xf32, #tpu.memory_space<hbm>> -> memref<100000x64xf32, #tpu.memory_space<hbm>>
    tpu.wait_indirect_dma semaphore(%arg36 : memref<!tpu.dma_semaphore, #tpu.memory_space<semaphore_mem>>) src(%dma_wait3A_101 : memref<100000x64xf32, #tpu.memory_space<hbm>>) dst(%arg18 : memref<128x64xf32, #tpu.memory_space<vmem>>)
    %dma_wait3A_102 = arith.constant 0 : i32
    %dma_wait3A_103 = tpu.memref_slice %arg16[%dma_wait3A_102] : memref<512xi32, #tpu.memory_space<vmem>> -> memref<128xi32, #tpu.memory_space<vmem>>
    %dma_wait3A_104 = arith.constant 0 : i32
    %dma_wait3A_105 = arith.constant 0 : i32
    %dma_wait3A_106 = tpu.memref_slice %arg6[%dma_wait3A_104, %dma_wait3A_105] : memref<100000x64xf32, #tpu.memory_space<hbm>> -> memref<100000x64xf32, #tpu.memory_space<hbm>>
    tpu.wait_indirect_dma semaphore(%arg36 : memref<!tpu.dma_semaphore, #tpu.memory_space<semaphore_mem>>) src(%dma_wait3A_106 : memref<100000x64xf32, #tpu.memory_space<hbm>>) dst(%arg20 : memref<128x64xf32, #tpu.memory_space<vmem>>)
    %dma_wait3A_107 = arith.constant 0 : i32
    %dma_wait3A_108 = tpu.memref_slice %arg17[%dma_wait3A_107] : memref<512xi32, #tpu.memory_space<vmem>> -> memref<128xi32, #tpu.memory_space<vmem>>
    %dma_wait3A_109 = arith.constant 0 : i32
    %dma_wait3A_110 = arith.constant 0 : i32
    %dma_wait3A_111 = tpu.memref_slice %arg6[%dma_wait3A_109, %dma_wait3A_110] : memref<100000x64xf32, #tpu.memory_space<hbm>> -> memref<100000x64xf32, #tpu.memory_space<hbm>>
    tpu.wait_indirect_dma semaphore(%arg36 : memref<!tpu.dma_semaphore, #tpu.memory_space<semaphore_mem>>) src(%dma_wait3A_111 : memref<100000x64xf32, #tpu.memory_space<hbm>>) dst(%arg22 : memref<128x64xf32, #tpu.memory_space<vmem>>)
    %dma_wait3A_112 = arith.constant 0 : i32
    %dma_wait3A_113 = tpu.memref_slice %arg15[%dma_wait3A_112] : memref<512xi32, #tpu.memory_space<vmem>> -> memref<128xi32, #tpu.memory_space<vmem>>
    %dma_wait3A_114 = arith.constant 0 : i32
    %dma_wait3A_115 = arith.constant 0 : i32
    %dma_wait3A_116 = tpu.memref_slice %arg7[%dma_wait3A_114, %dma_wait3A_115] : memref<1000x128xf32, #tpu.memory_space<hbm>> -> memref<1000x128xf32, #tpu.memory_space<hbm>>
    tpu.wait_indirect_dma semaphore(%arg36 : memref<!tpu.dma_semaphore, #tpu.memory_space<semaphore_mem>>) src(%dma_wait3A_116 : memref<1000x128xf32, #tpu.memory_space<hbm>>) dst(%arg24 : memref<128x128xf32, #tpu.memory_space<vmem>>)
    %parallel_loop3A = arith.constant 0 : i32
    %parallel_loop3A_117 = arith.constant 128 : i32
    %parallel_loop3A_118 = arith.constant 1 : i32
    scf.for %parallel_loop3A_341 = %parallel_loop3A to %parallel_loop3A_117 step %parallel_loop3A_118  : i32 {
      %parallel_loop3A_342 = arith.index_cast %parallel_loop3A_341 : i32 to index
      %parallel_loop3A_343 = arith.constant 64 : index
      %parallel_loop3A_344 = tpu.vector_load %arg24[%parallel_loop3A_342, %parallel_loop3A_343] {strides = array<i32>} : memref<128x128xf32, #tpu.memory_space<vmem>>, vector<16xf32>,
      %parallel_loop3A_345 = arith.index_cast %parallel_loop3A_341 : i32 to index
      %parallel_loop3A_346 = arith.constant 80 : index
      %parallel_loop3A_347 = tpu.vector_load %arg24[%parallel_loop3A_345, %parallel_loop3A_346] {strides = array<i32>} : memref<128x128xf32, #tpu.memory_space<vmem>>, vector<16xf32>,
      %parallel_loop3A_348 = arith.index_cast %parallel_loop3A_341 : i32 to index
      %parallel_loop3A_349 = arith.constant 96 : index
      %parallel_loop3A_350 = tpu.vector_load %arg24[%parallel_loop3A_348, %parallel_loop3A_349] {strides = array<i32>} : memref<128x128xf32, #tpu.memory_space<vmem>>, vector<16xf32>,
      %parallel_loop3A_351 = arith.index_cast %parallel_loop3A_341 : i32 to index
      %parallel_loop3A_352 = arith.constant 112 : index
      %parallel_loop3A_353 = tpu.vector_load %arg24[%parallel_loop3A_351, %parallel_loop3A_352] {strides = array<i32>} : memref<128x128xf32, #tpu.memory_space<vmem>>, vector<16xf32>,
      %parallel_loop3A_354 = arith.index_cast %parallel_loop3A_341 : i32 to index
      %parallel_loop3A_355 = arith.constant 0 : index
      %parallel_loop3A_356 = tpu.vector_load %arg18[%parallel_loop3A_354, %parallel_loop3A_355] {strides = array<i32>} : memref<128x64xf32, #tpu.memory_space<vmem>>, vector<16xf32>,
      %parallel_loop3A_357 = arith.index_cast %parallel_loop3A_341 : i32 to index
      %parallel_loop3A_358 = arith.constant 16 : index
      %parallel_loop3A_359 = tpu.vector_load %arg18[%parallel_loop3A_357, %parallel_loop3A_358] {strides = array<i32>} : memref<128x64xf32, #tpu.memory_space<vmem>>, vector<16xf32>,
      %parallel_loop3A_360 = arith.index_cast %parallel_loop3A_341 : i32 to index
      %parallel_loop3A_361 = arith.constant 32 : index
      %parallel_loop3A_362 = tpu.vector_load %arg18[%parallel_loop3A_360, %parallel_loop3A_361] {strides = array<i32>} : memref<128x64xf32, #tpu.memory_space<vmem>>, vector<16xf32>,
      %parallel_loop3A_363 = arith.index_cast %parallel_loop3A_341 : i32 to index
      %parallel_loop3A_364 = arith.constant 48 : index
      %parallel_loop3A_365 = tpu.vector_load %arg18[%parallel_loop3A_363, %parallel_loop3A_364] {strides = array<i32>} : memref<128x64xf32, #tpu.memory_space<vmem>>, vector<16xf32>,
      %parallel_loop3A_366 = arith.index_cast %parallel_loop3A_341 : i32 to index
      %parallel_loop3A_367 = arith.constant 0 : index
      %parallel_loop3A_368 = tpu.vector_load %arg20[%parallel_loop3A_366, %parallel_loop3A_367] {strides = array<i32>} : memref<128x64xf32, #tpu.memory_space<vmem>>, vector<16xf32>,
      %parallel_loop3A_369 = arith.index_cast %parallel_loop3A_341 : i32 to index
      %parallel_loop3A_370 = arith.constant 16 : index
      %parallel_loop3A_371 = tpu.vector_load %arg20[%parallel_loop3A_369, %parallel_loop3A_370] {strides = array<i32>} : memref<128x64xf32, #tpu.memory_space<vmem>>, vector<16xf32>,
      %parallel_loop3A_372 = arith.index_cast %parallel_loop3A_341 : i32 to index
      %parallel_loop3A_373 = arith.constant 32 : index
      %parallel_loop3A_374 = tpu.vector_load %arg20[%parallel_loop3A_372, %parallel_loop3A_373] {strides = array<i32>} : memref<128x64xf32, #tpu.memory_space<vmem>>, vector<16xf32>,
      %parallel_loop3A_375 = arith.index_cast %parallel_loop3A_341 : i32 to index
      %parallel_loop3A_376 = arith.constant 48 : index
      %parallel_loop3A_377 = tpu.vector_load %arg20[%parallel_loop3A_375, %parallel_loop3A_376] {strides = array<i32>} : memref<128x64xf32, #tpu.memory_space<vmem>>, vector<16xf32>,
      %parallel_loop3A_378 = arith.index_cast %parallel_loop3A_341 : i32 to index
      %parallel_loop3A_379 = arith.constant 0 : index
      %parallel_loop3A_380 = tpu.vector_load %arg22[%parallel_loop3A_378, %parallel_loop3A_379] {strides = array<i32>} : memref<128x64xf32, #tpu.memory_space<vmem>>, vector<16xf32>,
      %parallel_loop3A_381 = arith.index_cast %parallel_loop3A_341 : i32 to index
      %parallel_loop3A_382 = arith.constant 16 : index
      %parallel_loop3A_383 = tpu.vector_load %arg22[%parallel_loop3A_381, %parallel_loop3A_382] {strides = array<i32>} : memref<128x64xf32, #tpu.memory_space<vmem>>, vector<16xf32>,
      %parallel_loop3A_384 = arith.index_cast %parallel_loop3A_341 : i32 to index
      %parallel_loop3A_385 = arith.constant 32 : index
      %parallel_loop3A_386 = tpu.vector_load %arg22[%parallel_loop3A_384, %parallel_loop3A_385] {strides = array<i32>} : memref<128x64xf32, #tpu.memory_space<vmem>>, vector<16xf32>,
      %parallel_loop3A_387 = arith.index_cast %parallel_loop3A_341 : i32 to index
      %parallel_loop3A_388 = arith.constant 48 : index
      %parallel_loop3A_389 = tpu.vector_load %arg22[%parallel_loop3A_387, %parallel_loop3A_388] {strides = array<i32>} : memref<128x64xf32, #tpu.memory_space<vmem>>, vector<16xf32>,
      %parallel_loop3A_390 = arith.index_cast %parallel_loop3A_341 : i32 to index
      %parallel_loop3A_391 = arith.constant 0 : index
      %parallel_loop3A_392 = tpu.vector_load %arg24[%parallel_loop3A_390, %parallel_loop3A_391] {strides = array<i32>} : memref<128x128xf32, #tpu.memory_space<vmem>>, vector<16xf32>,
      %parallel_loop3A_393 = arith.index_cast %parallel_loop3A_341 : i32 to index
      %parallel_loop3A_394 = arith.constant 16 : index
      %parallel_loop3A_395 = tpu.vector_load %arg24[%parallel_loop3A_393, %parallel_loop3A_394] {strides = array<i32>} : memref<128x128xf32, #tpu.memory_space<vmem>>, vector<16xf32>,
      %parallel_loop3A_396 = arith.index_cast %parallel_loop3A_341 : i32 to index
      %parallel_loop3A_397 = arith.constant 32 : index
      %parallel_loop3A_398 = tpu.vector_load %arg24[%parallel_loop3A_396, %parallel_loop3A_397] {strides = array<i32>} : memref<128x128xf32, #tpu.memory_space<vmem>>, vector<16xf32>,
      %parallel_loop3A_399 = arith.index_cast %parallel_loop3A_341 : i32 to index
      %parallel_loop3A_400 = arith.constant 48 : index
      %parallel_loop3A_401 = tpu.vector_load %arg24[%parallel_loop3A_399, %parallel_loop3A_400] {strides = array<i32>} : memref<128x128xf32, #tpu.memory_space<vmem>>, vector<16xf32>,
      %parallel_loop3A_402 = arith.mulf %parallel_loop3A_344, %parallel_loop3A_344 : vector<16xf32>
      %parallel_loop3A_403 = arith.mulf %parallel_loop3A_347, %parallel_loop3A_347 : vector<16xf32>
      %parallel_loop3A_404 = arith.addf %parallel_loop3A_402, %parallel_loop3A_403 : vector<16xf32>
      %parallel_loop3A_405 = arith.mulf %parallel_loop3A_350, %parallel_loop3A_350 : vector<16xf32>
      %parallel_loop3A_406 = arith.addf %parallel_loop3A_404, %parallel_loop3A_405 : vector<16xf32>
      %parallel_loop3A_407 = arith.mulf %parallel_loop3A_353, %parallel_loop3A_353 : vector<16xf32>
      %parallel_loop3A_408 = arith.addf %parallel_loop3A_406, %parallel_loop3A_407 : vector<16xf32>
      %parallel_loop3A_409 = arith.mulf %parallel_loop3A_344, %parallel_loop3A_356 : vector<16xf32>
      %parallel_loop3A_410 = arith.mulf %parallel_loop3A_347, %parallel_loop3A_359 : vector<16xf32>
      %parallel_loop3A_411 = arith.addf %parallel_loop3A_409, %parallel_loop3A_410 : vector<16xf32>
      %parallel_loop3A_412 = arith.mulf %parallel_loop3A_350, %parallel_loop3A_362 : vector<16xf32>
      %parallel_loop3A_413 = arith.addf %parallel_loop3A_411, %parallel_loop3A_412 : vector<16xf32>
      %parallel_loop3A_414 = arith.mulf %parallel_loop3A_353, %parallel_loop3A_365 : vector<16xf32>
      %parallel_loop3A_415 = arith.addf %parallel_loop3A_413, %parallel_loop3A_414 : vector<16xf32>
      %parallel_loop3A_416 = arith.mulf %parallel_loop3A_344, %parallel_loop3A_368 : vector<16xf32>
      %parallel_loop3A_417 = arith.mulf %parallel_loop3A_347, %parallel_loop3A_371 : vector<16xf32>
      %parallel_loop3A_418 = arith.addf %parallel_loop3A_416, %parallel_loop3A_417 : vector<16xf32>
      %parallel_loop3A_419 = arith.mulf %parallel_loop3A_350, %parallel_loop3A_374 : vector<16xf32>
      %parallel_loop3A_420 = arith.addf %parallel_loop3A_418, %parallel_loop3A_419 : vector<16xf32>
      %parallel_loop3A_421 = arith.mulf %parallel_loop3A_353, %parallel_loop3A_377 : vector<16xf32>
      %parallel_loop3A_422 = arith.addf %parallel_loop3A_420, %parallel_loop3A_421 : vector<16xf32>
      %parallel_loop3A_423 = arith.mulf %parallel_loop3A_344, %parallel_loop3A_380 : vector<16xf32>
      %parallel_loop3A_424 = arith.mulf %parallel_loop3A_347, %parallel_loop3A_383 : vector<16xf32>
      %parallel_loop3A_425 = arith.addf %parallel_loop3A_423, %parallel_loop3A_424 : vector<16xf32>
      %parallel_loop3A_426 = arith.mulf %parallel_loop3A_350, %parallel_loop3A_386 : vector<16xf32>
      %parallel_loop3A_427 = arith.addf %parallel_loop3A_425, %parallel_loop3A_426 : vector<16xf32>
      %parallel_loop3A_428 = arith.mulf %parallel_loop3A_353, %parallel_loop3A_389 : vector<16xf32>
      %parallel_loop3A_429 = arith.addf %parallel_loop3A_427, %parallel_loop3A_428 : vector<16xf32>
      %parallel_loop3A_430 = arith.constant true
      %parallel_loop3A_431 = vector.broadcast %parallel_loop3A_430 : i1 to vector<16xi1>
      %parallel_loop3A_432 = tpu.scan <sum>, %parallel_loop3A_408 masked %parallel_loop3A_431 : vector<16xf32>, vector<16xi1> -> vector<16xf32>
      %parallel_loop3A_433 = vector.extract %parallel_loop3A_432[15] : f32 from vector<16xf32>
      %parallel_loop3A_434 = vector.broadcast %parallel_loop3A_433 : f32 to vector<16xf32>
      %parallel_loop3A_435 = arith.constant true
      %parallel_loop3A_436 = vector.broadcast %parallel_loop3A_435 : i1 to vector<16xi1>
      %parallel_loop3A_437 = tpu.scan <sum>, %parallel_loop3A_415 masked %parallel_loop3A_436 : vector<16xf32>, vector<16xi1> -> vector<16xf32>
      %parallel_loop3A_438 = vector.extract %parallel_loop3A_437[15] : f32 from vector<16xf32>
      %parallel_loop3A_439 = vector.broadcast %parallel_loop3A_438 : f32 to vector<16xf32>
      %parallel_loop3A_440 = arith.constant true
      %parallel_loop3A_441 = vector.broadcast %parallel_loop3A_440 : i1 to vector<16xi1>
      %parallel_loop3A_442 = tpu.scan <sum>, %parallel_loop3A_422 masked %parallel_loop3A_441 : vector<16xf32>, vector<16xi1> -> vector<16xf32>
      %parallel_loop3A_443 = vector.extract %parallel_loop3A_442[15] : f32 from vector<16xf32>
      %parallel_loop3A_444 = vector.broadcast %parallel_loop3A_443 : f32 to vector<16xf32>
      %parallel_loop3A_445 = arith.constant true
      %parallel_loop3A_446 = vector.broadcast %parallel_loop3A_445 : i1 to vector<16xi1>
      %parallel_loop3A_447 = tpu.scan <sum>, %parallel_loop3A_429 masked %parallel_loop3A_446 : vector<16xf32>, vector<16xi1> -> vector<16xf32>
      %parallel_loop3A_448 = vector.extract %parallel_loop3A_447[15] : f32 from vector<16xf32>
      %parallel_loop3A_449 = vector.broadcast %parallel_loop3A_448 : f32 to vector<16xf32>
      %parallel_loop3A_450 = arith.constant 1.000000e-24 : f32
      %parallel_loop3A_451 = vector.broadcast %parallel_loop3A_450 : f32 to vector<16xf32>
      %parallel_loop3A_452 = arith.maximumf %parallel_loop3A_434, %parallel_loop3A_451 : vector<16xf32>
      %parallel_loop3A_453 = arith.constant 1.000000e+00 : f32
      %parallel_loop3A_454 = vector.broadcast %parallel_loop3A_453 : f32 to vector<16xf32>
      %parallel_loop3A_455 = arith.divf %parallel_loop3A_454, %parallel_loop3A_452 : vector<16xf32>
      %parallel_loop3A_456 = arith.subf %parallel_loop3A_439, %parallel_loop3A_444 : vector<16xf32>
      %parallel_loop3A_457 = arith.mulf %parallel_loop3A_456, %parallel_loop3A_455 : vector<16xf32>
      %parallel_loop3A_458 = arith.subf %parallel_loop3A_439, %parallel_loop3A_449 : vector<16xf32>
      %parallel_loop3A_459 = arith.mulf %parallel_loop3A_458, %parallel_loop3A_455 : vector<16xf32>
      %parallel_loop3A_460 = arith.addf %parallel_loop3A_356, %parallel_loop3A_392 : vector<16xf32>
      %parallel_loop3A_461 = arith.subf %parallel_loop3A_460, %parallel_loop3A_368 : vector<16xf32>
      %parallel_loop3A_462 = arith.mulf %parallel_loop3A_457, %parallel_loop3A_344 : vector<16xf32>
      %parallel_loop3A_463 = arith.subf %parallel_loop3A_461, %parallel_loop3A_462 : vector<16xf32>
      %parallel_loop3A_464 = arith.subf %parallel_loop3A_460, %parallel_loop3A_380 : vector<16xf32>
      %parallel_loop3A_465 = arith.mulf %parallel_loop3A_459, %parallel_loop3A_344 : vector<16xf32>
      %parallel_loop3A_466 = arith.subf %parallel_loop3A_464, %parallel_loop3A_465 : vector<16xf32>
      %parallel_loop3A_467 = arith.mulf %parallel_loop3A_463, %parallel_loop3A_463 : vector<16xf32>
      %parallel_loop3A_468 = arith.mulf %parallel_loop3A_466, %parallel_loop3A_466 : vector<16xf32>
      %parallel_loop3A_469 = arith.addf %parallel_loop3A_359, %parallel_loop3A_395 : vector<16xf32>
      %parallel_loop3A_470 = arith.subf %parallel_loop3A_469, %parallel_loop3A_371 : vector<16xf32>
      %parallel_loop3A_471 = arith.mulf %parallel_loop3A_457, %parallel_loop3A_347 : vector<16xf32>
      %parallel_loop3A_472 = arith.subf %parallel_loop3A_470, %parallel_loop3A_471 : vector<16xf32>
      %parallel_loop3A_473 = arith.subf %parallel_loop3A_469, %parallel_loop3A_383 : vector<16xf32>
      %parallel_loop3A_474 = arith.mulf %parallel_loop3A_459, %parallel_loop3A_347 : vector<16xf32>
      %parallel_loop3A_475 = arith.subf %parallel_loop3A_473, %parallel_loop3A_474 : vector<16xf32>
      %parallel_loop3A_476 = arith.mulf %parallel_loop3A_472, %parallel_loop3A_472 : vector<16xf32>
      %parallel_loop3A_477 = arith.addf %parallel_loop3A_467, %parallel_loop3A_476 : vector<16xf32>
      %parallel_loop3A_478 = arith.mulf %parallel_loop3A_475, %parallel_loop3A_475 : vector<16xf32>
      %parallel_loop3A_479 = arith.addf %parallel_loop3A_468, %parallel_loop3A_478 : vector<16xf32>
      %parallel_loop3A_480 = arith.addf %parallel_loop3A_362, %parallel_loop3A_398 : vector<16xf32>
      %parallel_loop3A_481 = arith.subf %parallel_loop3A_480, %parallel_loop3A_374 : vector<16xf32>
      %parallel_loop3A_482 = arith.mulf %parallel_loop3A_457, %parallel_loop3A_350 : vector<16xf32>
      %parallel_loop3A_483 = arith.subf %parallel_loop3A_481, %parallel_loop3A_482 : vector<16xf32>
      %parallel_loop3A_484 = arith.subf %parallel_loop3A_480, %parallel_loop3A_386 : vector<16xf32>
      %parallel_loop3A_485 = arith.mulf %parallel_loop3A_459, %parallel_loop3A_350 : vector<16xf32>
      %parallel_loop3A_486 = arith.subf %parallel_loop3A_484, %parallel_loop3A_485 : vector<16xf32>
      %parallel_loop3A_487 = arith.mulf %parallel_loop3A_483, %parallel_loop3A_483 : vector<16xf32>
      %parallel_loop3A_488 = arith.addf %parallel_loop3A_477, %parallel_loop3A_487 : vector<16xf32>
      %parallel_loop3A_489 = arith.mulf %parallel_loop3A_486, %parallel_loop3A_486 : vector<16xf32>
      %parallel_loop3A_490 = arith.addf %parallel_loop3A_479, %parallel_loop3A_489 : vector<16xf32>
      %parallel_loop3A_491 = arith.addf %parallel_loop3A_365, %parallel_loop3A_401 : vector<16xf32>
      %parallel_loop3A_492 = arith.subf %parallel_loop3A_491, %parallel_loop3A_377 : vector<16xf32>
      %parallel_loop3A_493 = arith.mulf %parallel_loop3A_457, %parallel_loop3A_353 : vector<16xf32>
      %parallel_loop3A_494 = arith.subf %parallel_loop3A_492, %parallel_loop3A_493 : vector<16xf32>
      %parallel_loop3A_495 = arith.subf %parallel_loop3A_491, %parallel_loop3A_389 : vector<16xf32>
      %parallel_loop3A_496 = arith.mulf %parallel_loop3A_459, %parallel_loop3A_353 : vector<16xf32>
      %parallel_loop3A_497 = arith.subf %parallel_loop3A_495, %parallel_loop3A_496 : vector<16xf32>
      %parallel_loop3A_498 = arith.mulf %parallel_loop3A_494, %parallel_loop3A_494 : vector<16xf32>
      %parallel_loop3A_499 = arith.addf %parallel_loop3A_488, %parallel_loop3A_498 : vector<16xf32>
      %parallel_loop3A_500 = arith.mulf %parallel_loop3A_497, %parallel_loop3A_497 : vector<16xf32>
      %parallel_loop3A_501 = arith.addf %parallel_loop3A_490, %parallel_loop3A_500 : vector<16xf32>
      %parallel_loop3A_502 = arith.constant 0 : i32
      %parallel_loop3A_503 = arith.addi %parallel_loop3A_502, %parallel_loop3A_341 : i32
      %parallel_loop3A_504 = vector.broadcast %parallel_loop3A_503 : i32 to vector<16xi32>
      %parallel_loop3A_505 = arith.constant true
      %parallel_loop3A_506 = vector.broadcast %parallel_loop3A_505 : i1 to vector<16xi1>
      %parallel_loop3A_507 = tpu.scan <sum>, %parallel_loop3A_499 masked %parallel_loop3A_506 : vector<16xf32>, vector<16xi1> -> vector<16xf32>
      %parallel_loop3A_508 = vector.extract %parallel_loop3A_507[15] : f32 from vector<16xf32>
      %parallel_loop3A_509 = vector.broadcast %parallel_loop3A_508 : f32 to vector<16xf32>
      tpu.vector_store_idx %arg26[%parallel_loop3A_504], %parallel_loop3A_509 masked %eq3A_18 : memref<512xf32, #tpu.memory_space<vmem>>[vector<16xi32>], vector<16xf32>, vector<16xi1>
      %parallel_loop3A_510 = arith.constant true
      %parallel_loop3A_511 = vector.broadcast %parallel_loop3A_510 : i1 to vector<16xi1>
      %parallel_loop3A_512 = tpu.scan <sum>, %parallel_loop3A_501 masked %parallel_loop3A_511 : vector<16xf32>, vector<16xi1> -> vector<16xf32>
      %parallel_loop3A_513 = vector.extract %parallel_loop3A_512[15] : f32 from vector<16xf32>
      %parallel_loop3A_514 = vector.broadcast %parallel_loop3A_513 : f32 to vector<16xf32>
      tpu.vector_store_idx %arg27[%parallel_loop3A_504], %parallel_loop3A_514 masked %eq3A_18 : memref<512xf32, #tpu.memory_space<vmem>>[vector<16xi32>], vector<16xf32>, vector<16xi1>
    } {sc.loop_unroll_factor = 4 : i64, sc.parallel_access}
    %dma_start3A_119 = arith.constant 256 : i32
    %dma_start3A_120 = tpu.memref_slice %arg14[%dma_start3A_119] : memref<512xi32, #tpu.memory_space<vmem>> -> memref<128xi32, #tpu.memory_space<vmem>>
    %dma_start3A_121 = arith.constant 0 : i32
    %dma_start3A_122 = arith.constant 0 : i32
    %dma_start3A_123 = tpu.memref_slice %arg6[%dma_start3A_121, %dma_start3A_122] : memref<100000x64xf32, #tpu.memory_space<hbm>> -> memref<100000x64xf32, #tpu.memory_space<hbm>>
    tpu.enqueue_indirect_dma source(%dma_start3A_123 : memref<100000x64xf32, #tpu.memory_space<hbm>>) target(%arg18 : memref<128x64xf32, #tpu.memory_space<vmem>>) offsets(%dma_start3A_120 : memref<128xi32, #tpu.memory_space<vmem>>) semaphore(%arg36 : memref<!tpu.dma_semaphore, #tpu.memory_space<semaphore_mem>>)
    %dma_start3A_124 = arith.constant 256 : i32
    %dma_start3A_125 = tpu.memref_slice %arg16[%dma_start3A_124] : memref<512xi32, #tpu.memory_space<vmem>> -> memref<128xi32, #tpu.memory_space<vmem>>
    %dma_start3A_126 = arith.constant 0 : i32
    %dma_start3A_127 = arith.constant 0 : i32
    %dma_start3A_128 = tpu.memref_slice %arg6[%dma_start3A_126, %dma_start3A_127] : memref<100000x64xf32, #tpu.memory_space<hbm>> -> memref<100000x64xf32, #tpu.memory_space<hbm>>
    tpu.enqueue_indirect_dma source(%dma_start3A_128 : memref<100000x64xf32, #tpu.memory_space<hbm>>) target(%arg20 : memref<128x64xf32, #tpu.memory_space<vmem>>) offsets(%dma_start3A_125 : memref<128xi32, #tpu.memory_space<vmem>>) semaphore(%arg36 : memref<!tpu.dma_semaphore, #tpu.memory_space<semaphore_mem>>)
    %dma_start3A_129 = arith.constant 256 : i32
    %dma_start3A_130 = tpu.memref_slice %arg17[%dma_start3A_129] : memref<512xi32, #tpu.memory_space<vmem>> -> memref<128xi32, #tpu.memory_space<vmem>>
    %dma_start3A_131 = arith.constant 0 : i32
    %dma_start3A_132 = arith.constant 0 : i32
    %dma_start3A_133 = tpu.memref_slice %arg6[%dma_start3A_131, %dma_start3A_132] : memref<100000x64xf32, #tpu.memory_space<hbm>> -> memref<100000x64xf32, #tpu.memory_space<hbm>>
    tpu.enqueue_indirect_dma source(%dma_start3A_133 : memref<100000x64xf32, #tpu.memory_space<hbm>>) target(%arg22 : memref<128x64xf32, #tpu.memory_space<vmem>>) offsets(%dma_start3A_130 : memref<128xi32, #tpu.memory_space<vmem>>) semaphore(%arg36 : memref<!tpu.dma_semaphore, #tpu.memory_space<semaphore_mem>>)
    %dma_start3A_134 = arith.constant 256 : i32
    %dma_start3A_135 = tpu.memref_slice %arg15[%dma_start3A_134] : memref<512xi32, #tpu.memory_space<vmem>> -> memref<128xi32, #tpu.memory_space<vmem>>
    %dma_start3A_136 = arith.constant 0 : i32
    %dma_start3A_137 = arith.constant 0 : i32
    %dma_start3A_138 = tpu.memref_slice %arg7[%dma_start3A_136, %dma_start3A_137] : memref<1000x128xf32, #tpu.memory_space<hbm>> -> memref<1000x128xf32, #tpu.memory_space<hbm>>
    tpu.enqueue_indirect_dma source(%dma_start3A_138 : memref<1000x128xf32, #tpu.memory_space<hbm>>) target(%arg24 : memref<128x128xf32, #tpu.memory_space<vmem>>) offsets(%dma_start3A_135 : memref<128xi32, #tpu.memory_space<vmem>>) semaphore(%arg36 : memref<!tpu.dma_semaphore, #tpu.memory_space<semaphore_mem>>)
    %dma_wait3A_139 = arith.constant 128 : i32
    %dma_wait3A_140 = tpu.memref_slice %arg14[%dma_wait3A_139] : memref<512xi32, #tpu.memory_space<vmem>> -> memref<128xi32, #tpu.memory_space<vmem>>
    %dma_wait3A_141 = arith.constant 0 : i32
    %dma_wait3A_142 = arith.constant 0 : i32
    %dma_wait3A_143 = tpu.memref_slice %arg6[%dma_wait3A_141, %dma_wait3A_142] : memref<100000x64xf32, #tpu.memory_space<hbm>> -> memref<100000x64xf32, #tpu.memory_space<hbm>>
    tpu.wait_indirect_dma semaphore(%arg37 : memref<!tpu.dma_semaphore, #tpu.memory_space<semaphore_mem>>) src(%dma_wait3A_143 : memref<100000x64xf32, #tpu.memory_space<hbm>>) dst(%arg19 : memref<128x64xf32, #tpu.memory_space<vmem>>)
    %dma_wait3A_144 = arith.constant 128 : i32
    %dma_wait3A_145 = tpu.memref_slice %arg16[%dma_wait3A_144] : memref<512xi32, #tpu.memory_space<vmem>> -> memref<128xi32, #tpu.memory_space<vmem>>
    %dma_wait3A_146 = arith.constant 0 : i32
    %dma_wait3A_147 = arith.constant 0 : i32
    %dma_wait3A_148 = tpu.memref_slice %arg6[%dma_wait3A_146, %dma_wait3A_147] : memref<100000x64xf32, #tpu.memory_space<hbm>> -> memref<100000x64xf32, #tpu.memory_space<hbm>>
    tpu.wait_indirect_dma semaphore(%arg37 : memref<!tpu.dma_semaphore, #tpu.memory_space<semaphore_mem>>) src(%dma_wait3A_148 : memref<100000x64xf32, #tpu.memory_space<hbm>>) dst(%arg21 : memref<128x64xf32, #tpu.memory_space<vmem>>)
    %dma_wait3A_149 = arith.constant 128 : i32
    %dma_wait3A_150 = tpu.memref_slice %arg17[%dma_wait3A_149] : memref<512xi32, #tpu.memory_space<vmem>> -> memref<128xi32, #tpu.memory_space<vmem>>
    %dma_wait3A_151 = arith.constant 0 : i32
    %dma_wait3A_152 = arith.constant 0 : i32
    %dma_wait3A_153 = tpu.memref_slice %arg6[%dma_wait3A_151, %dma_wait3A_152] : memref<100000x64xf32, #tpu.memory_space<hbm>> -> memref<100000x64xf32, #tpu.memory_space<hbm>>
    tpu.wait_indirect_dma semaphore(%arg37 : memref<!tpu.dma_semaphore, #tpu.memory_space<semaphore_mem>>) src(%dma_wait3A_153 : memref<100000x64xf32, #tpu.memory_space<hbm>>) dst(%arg23 : memref<128x64xf32, #tpu.memory_space<vmem>>)
    %dma_wait3A_154 = arith.constant 128 : i32
    %dma_wait3A_155 = tpu.memref_slice %arg15[%dma_wait3A_154] : memref<512xi32, #tpu.memory_space<vmem>> -> memref<128xi32, #tpu.memory_space<vmem>>
    %dma_wait3A_156 = arith.constant 0 : i32
    %dma_wait3A_157 = arith.constant 0 : i32
    %dma_wait3A_158 = tpu.memref_slice %arg7[%dma_wait3A_156, %dma_wait3A_157] : memref<1000x128xf32, #tpu.memory_space<hbm>> -> memref<1000x128xf32, #tpu.memory_space<hbm>>
    tpu.wait_indirect_dma semaphore(%arg37 : memref<!tpu.dma_semaphore, #tpu.memory_space<semaphore_mem>>) src(%dma_wait3A_158 : memref<1000x128xf32, #tpu.memory_space<hbm>>) dst(%arg25 : memref<128x128xf32, #tpu.memory_space<vmem>>)
    %parallel_loop3A_159 = arith.constant 0 : i32
    %parallel_loop3A_160 = arith.constant 128 : i32
    %parallel_loop3A_161 = arith.constant 1 : i32
    scf.for %parallel_loop3A_341 = %parallel_loop3A_159 to %parallel_loop3A_160 step %parallel_loop3A_161  : i32 {
      %parallel_loop3A_342 = arith.index_cast %parallel_loop3A_341 : i32 to index
      %parallel_loop3A_343 = arith.constant 64 : index
      %parallel_loop3A_344 = tpu.vector_load %arg25[%parallel_loop3A_342, %parallel_loop3A_343] {strides = array<i32>} : memref<128x128xf32, #tpu.memory_space<vmem>>, vector<16xf32>,
      %parallel_loop3A_345 = arith.index_cast %parallel_loop3A_341 : i32 to index
      %parallel_loop3A_346 = arith.constant 80 : index
      %parallel_loop3A_347 = tpu.vector_load %arg25[%parallel_loop3A_345, %parallel_loop3A_346] {strides = array<i32>} : memref<128x128xf32, #tpu.memory_space<vmem>>, vector<16xf32>,
      %parallel_loop3A_348 = arith.index_cast %parallel_loop3A_341 : i32 to index
      %parallel_loop3A_349 = arith.constant 96 : index
      %parallel_loop3A_350 = tpu.vector_load %arg25[%parallel_loop3A_348, %parallel_loop3A_349] {strides = array<i32>} : memref<128x128xf32, #tpu.memory_space<vmem>>, vector<16xf32>,
      %parallel_loop3A_351 = arith.index_cast %parallel_loop3A_341 : i32 to index
      %parallel_loop3A_352 = arith.constant 112 : index
      %parallel_loop3A_353 = tpu.vector_load %arg25[%parallel_loop3A_351, %parallel_loop3A_352] {strides = array<i32>} : memref<128x128xf32, #tpu.memory_space<vmem>>, vector<16xf32>,
      %parallel_loop3A_354 = arith.index_cast %parallel_loop3A_341 : i32 to index
      %parallel_loop3A_355 = arith.constant 0 : index
      %parallel_loop3A_356 = tpu.vector_load %arg19[%parallel_loop3A_354, %parallel_loop3A_355] {strides = array<i32>} : memref<128x64xf32, #tpu.memory_space<vmem>>, vector<16xf32>,
      %parallel_loop3A_357 = arith.index_cast %parallel_loop3A_341 : i32 to index
      %parallel_loop3A_358 = arith.constant 16 : index
      %parallel_loop3A_359 = tpu.vector_load %arg19[%parallel_loop3A_357, %parallel_loop3A_358] {strides = array<i32>} : memref<128x64xf32, #tpu.memory_space<vmem>>, vector<16xf32>,
      %parallel_loop3A_360 = arith.index_cast %parallel_loop3A_341 : i32 to index
      %parallel_loop3A_361 = arith.constant 32 : index
      %parallel_loop3A_362 = tpu.vector_load %arg19[%parallel_loop3A_360, %parallel_loop3A_361] {strides = array<i32>} : memref<128x64xf32, #tpu.memory_space<vmem>>, vector<16xf32>,
      %parallel_loop3A_363 = arith.index_cast %parallel_loop3A_341 : i32 to index
      %parallel_loop3A_364 = arith.constant 48 : index
      %parallel_loop3A_365 = tpu.vector_load %arg19[%parallel_loop3A_363, %parallel_loop3A_364] {strides = array<i32>} : memref<128x64xf32, #tpu.memory_space<vmem>>, vector<16xf32>,
      %parallel_loop3A_366 = arith.index_cast %parallel_loop3A_341 : i32 to index
      %parallel_loop3A_367 = arith.constant 0 : index
      %parallel_loop3A_368 = tpu.vector_load %arg21[%parallel_loop3A_366, %parallel_loop3A_367] {strides = array<i32>} : memref<128x64xf32, #tpu.memory_space<vmem>>, vector<16xf32>,
      %parallel_loop3A_369 = arith.index_cast %parallel_loop3A_341 : i32 to index
      %parallel_loop3A_370 = arith.constant 16 : index
      %parallel_loop3A_371 = tpu.vector_load %arg21[%parallel_loop3A_369, %parallel_loop3A_370] {strides = array<i32>} : memref<128x64xf32, #tpu.memory_space<vmem>>, vector<16xf32>,
      %parallel_loop3A_372 = arith.index_cast %parallel_loop3A_341 : i32 to index
      %parallel_loop3A_373 = arith.constant 32 : index
      %parallel_loop3A_374 = tpu.vector_load %arg21[%parallel_loop3A_372, %parallel_loop3A_373] {strides = array<i32>} : memref<128x64xf32, #tpu.memory_space<vmem>>, vector<16xf32>,
      %parallel_loop3A_375 = arith.index_cast %parallel_loop3A_341 : i32 to index
      %parallel_loop3A_376 = arith.constant 48 : index
      %parallel_loop3A_377 = tpu.vector_load %arg21[%parallel_loop3A_375, %parallel_loop3A_376] {strides = array<i32>} : memref<128x64xf32, #tpu.memory_space<vmem>>, vector<16xf32>,
      %parallel_loop3A_378 = arith.index_cast %parallel_loop3A_341 : i32 to index
      %parallel_loop3A_379 = arith.constant 0 : index
      %parallel_loop3A_380 = tpu.vector_load %arg23[%parallel_loop3A_378, %parallel_loop3A_379] {strides = array<i32>} : memref<128x64xf32, #tpu.memory_space<vmem>>, vector<16xf32>,
      %parallel_loop3A_381 = arith.index_cast %parallel_loop3A_341 : i32 to index
      %parallel_loop3A_382 = arith.constant 16 : index
      %parallel_loop3A_383 = tpu.vector_load %arg23[%parallel_loop3A_381, %parallel_loop3A_382] {strides = array<i32>} : memref<128x64xf32, #tpu.memory_space<vmem>>, vector<16xf32>,
      %parallel_loop3A_384 = arith.index_cast %parallel_loop3A_341 : i32 to index
      %parallel_loop3A_385 = arith.constant 32 : index
      %parallel_loop3A_386 = tpu.vector_load %arg23[%parallel_loop3A_384, %parallel_loop3A_385] {strides = array<i32>} : memref<128x64xf32, #tpu.memory_space<vmem>>, vector<16xf32>,
      %parallel_loop3A_387 = arith.index_cast %parallel_loop3A_341 : i32 to index
      %parallel_loop3A_388 = arith.constant 48 : index
      %parallel_loop3A_389 = tpu.vector_load %arg23[%parallel_loop3A_387, %parallel_loop3A_388] {strides = array<i32>} : memref<128x64xf32, #tpu.memory_space<vmem>>, vector<16xf32>,
      %parallel_loop3A_390 = arith.index_cast %parallel_loop3A_341 : i32 to index
      %parallel_loop3A_391 = arith.constant 0 : index
      %parallel_loop3A_392 = tpu.vector_load %arg25[%parallel_loop3A_390, %parallel_loop3A_391] {strides = array<i32>} : memref<128x128xf32, #tpu.memory_space<vmem>>, vector<16xf32>,
      %parallel_loop3A_393 = arith.index_cast %parallel_loop3A_341 : i32 to index
      %parallel_loop3A_394 = arith.constant 16 : index
      %parallel_loop3A_395 = tpu.vector_load %arg25[%parallel_loop3A_393, %parallel_loop3A_394] {strides = array<i32>} : memref<128x128xf32, #tpu.memory_space<vmem>>, vector<16xf32>,
      %parallel_loop3A_396 = arith.index_cast %parallel_loop3A_341 : i32 to index
      %parallel_loop3A_397 = arith.constant 32 : index
      %parallel_loop3A_398 = tpu.vector_load %arg25[%parallel_loop3A_396, %parallel_loop3A_397] {strides = array<i32>} : memref<128x128xf32, #tpu.memory_space<vmem>>, vector<16xf32>,
      %parallel_loop3A_399 = arith.index_cast %parallel_loop3A_341 : i32 to index
      %parallel_loop3A_400 = arith.constant 48 : index
      %parallel_loop3A_401 = tpu.vector_load %arg25[%parallel_loop3A_399, %parallel_loop3A_400] {strides = array<i32>} : memref<128x128xf32, #tpu.memory_space<vmem>>, vector<16xf32>,
      %parallel_loop3A_402 = arith.mulf %parallel_loop3A_344, %parallel_loop3A_344 : vector<16xf32>
      %parallel_loop3A_403 = arith.mulf %parallel_loop3A_347, %parallel_loop3A_347 : vector<16xf32>
      %parallel_loop3A_404 = arith.addf %parallel_loop3A_402, %parallel_loop3A_403 : vector<16xf32>
      %parallel_loop3A_405 = arith.mulf %parallel_loop3A_350, %parallel_loop3A_350 : vector<16xf32>
      %parallel_loop3A_406 = arith.addf %parallel_loop3A_404, %parallel_loop3A_405 : vector<16xf32>
      %parallel_loop3A_407 = arith.mulf %parallel_loop3A_353, %parallel_loop3A_353 : vector<16xf32>
      %parallel_loop3A_408 = arith.addf %parallel_loop3A_406, %parallel_loop3A_407 : vector<16xf32>
      %parallel_loop3A_409 = arith.mulf %parallel_loop3A_344, %parallel_loop3A_356 : vector<16xf32>
      %parallel_loop3A_410 = arith.mulf %parallel_loop3A_347, %parallel_loop3A_359 : vector<16xf32>
      %parallel_loop3A_411 = arith.addf %parallel_loop3A_409, %parallel_loop3A_410 : vector<16xf32>
      %parallel_loop3A_412 = arith.mulf %parallel_loop3A_350, %parallel_loop3A_362 : vector<16xf32>
      %parallel_loop3A_413 = arith.addf %parallel_loop3A_411, %parallel_loop3A_412 : vector<16xf32>
      %parallel_loop3A_414 = arith.mulf %parallel_loop3A_353, %parallel_loop3A_365 : vector<16xf32>
      %parallel_loop3A_415 = arith.addf %parallel_loop3A_413, %parallel_loop3A_414 : vector<16xf32>
      %parallel_loop3A_416 = arith.mulf %parallel_loop3A_344, %parallel_loop3A_368 : vector<16xf32>
      %parallel_loop3A_417 = arith.mulf %parallel_loop3A_347, %parallel_loop3A_371 : vector<16xf32>
      %parallel_loop3A_418 = arith.addf %parallel_loop3A_416, %parallel_loop3A_417 : vector<16xf32>
      %parallel_loop3A_419 = arith.mulf %parallel_loop3A_350, %parallel_loop3A_374 : vector<16xf32>
      %parallel_loop3A_420 = arith.addf %parallel_loop3A_418, %parallel_loop3A_419 : vector<16xf32>
      %parallel_loop3A_421 = arith.mulf %parallel_loop3A_353, %parallel_loop3A_377 : vector<16xf32>
      %parallel_loop3A_422 = arith.addf %parallel_loop3A_420, %parallel_loop3A_421 : vector<16xf32>
      %parallel_loop3A_423 = arith.mulf %parallel_loop3A_344, %parallel_loop3A_380 : vector<16xf32>
      %parallel_loop3A_424 = arith.mulf %parallel_loop3A_347, %parallel_loop3A_383 : vector<16xf32>
      %parallel_loop3A_425 = arith.addf %parallel_loop3A_423, %parallel_loop3A_424 : vector<16xf32>
      %parallel_loop3A_426 = arith.mulf %parallel_loop3A_350, %parallel_loop3A_386 : vector<16xf32>
      %parallel_loop3A_427 = arith.addf %parallel_loop3A_425, %parallel_loop3A_426 : vector<16xf32>
      %parallel_loop3A_428 = arith.mulf %parallel_loop3A_353, %parallel_loop3A_389 : vector<16xf32>
      %parallel_loop3A_429 = arith.addf %parallel_loop3A_427, %parallel_loop3A_428 : vector<16xf32>
      %parallel_loop3A_430 = arith.constant true
      %parallel_loop3A_431 = vector.broadcast %parallel_loop3A_430 : i1 to vector<16xi1>
      %parallel_loop3A_432 = tpu.scan <sum>, %parallel_loop3A_408 masked %parallel_loop3A_431 : vector<16xf32>, vector<16xi1> -> vector<16xf32>
      %parallel_loop3A_433 = vector.extract %parallel_loop3A_432[15] : f32 from vector<16xf32>
      %parallel_loop3A_434 = vector.broadcast %parallel_loop3A_433 : f32 to vector<16xf32>
      %parallel_loop3A_435 = arith.constant true
      %parallel_loop3A_436 = vector.broadcast %parallel_loop3A_435 : i1 to vector<16xi1>
      %parallel_loop3A_437 = tpu.scan <sum>, %parallel_loop3A_415 masked %parallel_loop3A_436 : vector<16xf32>, vector<16xi1> -> vector<16xf32>
      %parallel_loop3A_438 = vector.extract %parallel_loop3A_437[15] : f32 from vector<16xf32>
      %parallel_loop3A_439 = vector.broadcast %parallel_loop3A_438 : f32 to vector<16xf32>
      %parallel_loop3A_440 = arith.constant true
      %parallel_loop3A_441 = vector.broadcast %parallel_loop3A_440 : i1 to vector<16xi1>
      %parallel_loop3A_442 = tpu.scan <sum>, %parallel_loop3A_422 masked %parallel_loop3A_441 : vector<16xf32>, vector<16xi1> -> vector<16xf32>
      %parallel_loop3A_443 = vector.extract %parallel_loop3A_442[15] : f32 from vector<16xf32>
      %parallel_loop3A_444 = vector.broadcast %parallel_loop3A_443 : f32 to vector<16xf32>
      %parallel_loop3A_445 = arith.constant true
      %parallel_loop3A_446 = vector.broadcast %parallel_loop3A_445 : i1 to vector<16xi1>
      %parallel_loop3A_447 = tpu.scan <sum>, %parallel_loop3A_429 masked %parallel_loop3A_446 : vector<16xf32>, vector<16xi1> -> vector<16xf32>
      %parallel_loop3A_448 = vector.extract %parallel_loop3A_447[15] : f32 from vector<16xf32>
      %parallel_loop3A_449 = vector.broadcast %parallel_loop3A_448 : f32 to vector<16xf32>
      %parallel_loop3A_450 = arith.constant 1.000000e-24 : f32
      %parallel_loop3A_451 = vector.broadcast %parallel_loop3A_450 : f32 to vector<16xf32>
      %parallel_loop3A_452 = arith.maximumf %parallel_loop3A_434, %parallel_loop3A_451 : vector<16xf32>
      %parallel_loop3A_453 = arith.constant 1.000000e+00 : f32
      %parallel_loop3A_454 = vector.broadcast %parallel_loop3A_453 : f32 to vector<16xf32>
      %parallel_loop3A_455 = arith.divf %parallel_loop3A_454, %parallel_loop3A_452 : vector<16xf32>
      %parallel_loop3A_456 = arith.subf %parallel_loop3A_439, %parallel_loop3A_444 : vector<16xf32>
      %parallel_loop3A_457 = arith.mulf %parallel_loop3A_456, %parallel_loop3A_455 : vector<16xf32>
      %parallel_loop3A_458 = arith.subf %parallel_loop3A_439, %parallel_loop3A_449 : vector<16xf32>
      %parallel_loop3A_459 = arith.mulf %parallel_loop3A_458, %parallel_loop3A_455 : vector<16xf32>
      %parallel_loop3A_460 = arith.addf %parallel_loop3A_356, %parallel_loop3A_392 : vector<16xf32>
      %parallel_loop3A_461 = arith.subf %parallel_loop3A_460, %parallel_loop3A_368 : vector<16xf32>
      %parallel_loop3A_462 = arith.mulf %parallel_loop3A_457, %parallel_loop3A_344 : vector<16xf32>
      %parallel_loop3A_463 = arith.subf %parallel_loop3A_461, %parallel_loop3A_462 : vector<16xf32>
      %parallel_loop3A_464 = arith.subf %parallel_loop3A_460, %parallel_loop3A_380 : vector<16xf32>
      %parallel_loop3A_465 = arith.mulf %parallel_loop3A_459, %parallel_loop3A_344 : vector<16xf32>
      %parallel_loop3A_466 = arith.subf %parallel_loop3A_464, %parallel_loop3A_465 : vector<16xf32>
      %parallel_loop3A_467 = arith.mulf %parallel_loop3A_463, %parallel_loop3A_463 : vector<16xf32>
      %parallel_loop3A_468 = arith.mulf %parallel_loop3A_466, %parallel_loop3A_466 : vector<16xf32>
      %parallel_loop3A_469 = arith.addf %parallel_loop3A_359, %parallel_loop3A_395 : vector<16xf32>
      %parallel_loop3A_470 = arith.subf %parallel_loop3A_469, %parallel_loop3A_371 : vector<16xf32>
      %parallel_loop3A_471 = arith.mulf %parallel_loop3A_457, %parallel_loop3A_347 : vector<16xf32>
      %parallel_loop3A_472 = arith.subf %parallel_loop3A_470, %parallel_loop3A_471 : vector<16xf32>
      %parallel_loop3A_473 = arith.subf %parallel_loop3A_469, %parallel_loop3A_383 : vector<16xf32>
      %parallel_loop3A_474 = arith.mulf %parallel_loop3A_459, %parallel_loop3A_347 : vector<16xf32>
      %parallel_loop3A_475 = arith.subf %parallel_loop3A_473, %parallel_loop3A_474 : vector<16xf32>
      %parallel_loop3A_476 = arith.mulf %parallel_loop3A_472, %parallel_loop3A_472 : vector<16xf32>
      %parallel_loop3A_477 = arith.addf %parallel_loop3A_467, %parallel_loop3A_476 : vector<16xf32>
      %parallel_loop3A_478 = arith.mulf %parallel_loop3A_475, %parallel_loop3A_475 : vector<16xf32>
      %parallel_loop3A_479 = arith.addf %parallel_loop3A_468, %parallel_loop3A_478 : vector<16xf32>
      %parallel_loop3A_480 = arith.addf %parallel_loop3A_362, %parallel_loop3A_398 : vector<16xf32>
      %parallel_loop3A_481 = arith.subf %parallel_loop3A_480, %parallel_loop3A_374 : vector<16xf32>
      %parallel_loop3A_482 = arith.mulf %parallel_loop3A_457, %parallel_loop3A_350 : vector<16xf32>
      %parallel_loop3A_483 = arith.subf %parallel_loop3A_481, %parallel_loop3A_482 : vector<16xf32>
      %parallel_loop3A_484 = arith.subf %parallel_loop3A_480, %parallel_loop3A_386 : vector<16xf32>
      %parallel_loop3A_485 = arith.mulf %parallel_loop3A_459, %parallel_loop3A_350 : vector<16xf32>
      %parallel_loop3A_486 = arith.subf %parallel_loop3A_484, %parallel_loop3A_485 : vector<16xf32>
      %parallel_loop3A_487 = arith.mulf %parallel_loop3A_483, %parallel_loop3A_483 : vector<16xf32>
      %parallel_loop3A_488 = arith.addf %parallel_loop3A_477, %parallel_loop3A_487 : vector<16xf32>
      %parallel_loop3A_489 = arith.mulf %parallel_loop3A_486, %parallel_loop3A_486 : vector<16xf32>
      %parallel_loop3A_490 = arith.addf %parallel_loop3A_479, %parallel_loop3A_489 : vector<16xf32>
      %parallel_loop3A_491 = arith.addf %parallel_loop3A_365, %parallel_loop3A_401 : vector<16xf32>
      %parallel_loop3A_492 = arith.subf %parallel_loop3A_491, %parallel_loop3A_377 : vector<16xf32>
      %parallel_loop3A_493 = arith.mulf %parallel_loop3A_457, %parallel_loop3A_353 : vector<16xf32>
      %parallel_loop3A_494 = arith.subf %parallel_loop3A_492, %parallel_loop3A_493 : vector<16xf32>
      %parallel_loop3A_495 = arith.subf %parallel_loop3A_491, %parallel_loop3A_389 : vector<16xf32>
      %parallel_loop3A_496 = arith.mulf %parallel_loop3A_459, %parallel_loop3A_353 : vector<16xf32>
      %parallel_loop3A_497 = arith.subf %parallel_loop3A_495, %parallel_loop3A_496 : vector<16xf32>
      %parallel_loop3A_498 = arith.mulf %parallel_loop3A_494, %parallel_loop3A_494 : vector<16xf32>
      %parallel_loop3A_499 = arith.addf %parallel_loop3A_488, %parallel_loop3A_498 : vector<16xf32>
      %parallel_loop3A_500 = arith.mulf %parallel_loop3A_497, %parallel_loop3A_497 : vector<16xf32>
      %parallel_loop3A_501 = arith.addf %parallel_loop3A_490, %parallel_loop3A_500 : vector<16xf32>
      %parallel_loop3A_502 = arith.constant 128 : i32
      %parallel_loop3A_503 = arith.addi %parallel_loop3A_502, %parallel_loop3A_341 : i32
      %parallel_loop3A_504 = vector.broadcast %parallel_loop3A_503 : i32 to vector<16xi32>
      %parallel_loop3A_505 = arith.constant true
      %parallel_loop3A_506 = vector.broadcast %parallel_loop3A_505 : i1 to vector<16xi1>
      %parallel_loop3A_507 = tpu.scan <sum>, %parallel_loop3A_499 masked %parallel_loop3A_506 : vector<16xf32>, vector<16xi1> -> vector<16xf32>
      %parallel_loop3A_508 = vector.extract %parallel_loop3A_507[15] : f32 from vector<16xf32>
      %parallel_loop3A_509 = vector.broadcast %parallel_loop3A_508 : f32 to vector<16xf32>
      tpu.vector_store_idx %arg26[%parallel_loop3A_504], %parallel_loop3A_509 masked %eq3A_18 : memref<512xf32, #tpu.memory_space<vmem>>[vector<16xi32>], vector<16xf32>, vector<16xi1>
      %parallel_loop3A_510 = arith.constant true
      %parallel_loop3A_511 = vector.broadcast %parallel_loop3A_510 : i1 to vector<16xi1>
      %parallel_loop3A_512 = tpu.scan <sum>, %parallel_loop3A_501 masked %parallel_loop3A_511 : vector<16xf32>, vector<16xi1> -> vector<16xf32>
      %parallel_loop3A_513 = vector.extract %parallel_loop3A_512[15] : f32 from vector<16xf32>
      %parallel_loop3A_514 = vector.broadcast %parallel_loop3A_513 : f32 to vector<16xf32>
      tpu.vector_store_idx %arg27[%parallel_loop3A_504], %parallel_loop3A_514 masked %eq3A_18 : memref<512xf32, #tpu.memory_space<vmem>>[vector<16xi32>], vector<16xf32>, vector<16xi1>
    } {sc.loop_unroll_factor = 4 : i64, sc.parallel_access}
    %dma_start3A_162 = arith.constant 384 : i32
    %dma_start3A_163 = tpu.memref_slice %arg14[%dma_start3A_162] : memref<512xi32, #tpu.memory_space<vmem>> -> memref<128xi32, #tpu.memory_space<vmem>>
    %dma_start3A_164 = arith.constant 0 : i32
    %dma_start3A_165 = arith.constant 0 : i32
    %dma_start3A_166 = tpu.memref_slice %arg6[%dma_start3A_164, %dma_start3A_165] : memref<100000x64xf32, #tpu.memory_space<hbm>> -> memref<100000x64xf32, #tpu.memory_space<hbm>>
    tpu.enqueue_indirect_dma source(%dma_start3A_166 : memref<100000x64xf32, #tpu.memory_space<hbm>>) target(%arg19 : memref<128x64xf32, #tpu.memory_space<vmem>>) offsets(%dma_start3A_163 : memref<128xi32, #tpu.memory_space<vmem>>) semaphore(%arg37 : memref<!tpu.dma_semaphore, #tpu.memory_space<semaphore_mem>>)
    %dma_start3A_167 = arith.constant 384 : i32
    %dma_start3A_168 = tpu.memref_slice %arg16[%dma_start3A_167] : memref<512xi32, #tpu.memory_space<vmem>> -> memref<128xi32, #tpu.memory_space<vmem>>
    %dma_start3A_169 = arith.constant 0 : i32
    %dma_start3A_170 = arith.constant 0 : i32
    %dma_start3A_171 = tpu.memref_slice %arg6[%dma_start3A_169, %dma_start3A_170] : memref<100000x64xf32, #tpu.memory_space<hbm>> -> memref<100000x64xf32, #tpu.memory_space<hbm>>
    tpu.enqueue_indirect_dma source(%dma_start3A_171 : memref<100000x64xf32, #tpu.memory_space<hbm>>) target(%arg21 : memref<128x64xf32, #tpu.memory_space<vmem>>) offsets(%dma_start3A_168 : memref<128xi32, #tpu.memory_space<vmem>>) semaphore(%arg37 : memref<!tpu.dma_semaphore, #tpu.memory_space<semaphore_mem>>)
    %dma_start3A_172 = arith.constant 384 : i32
    %dma_start3A_173 = tpu.memref_slice %arg17[%dma_start3A_172] : memref<512xi32, #tpu.memory_space<vmem>> -> memref<128xi32, #tpu.memory_space<vmem>>
    %dma_start3A_174 = arith.constant 0 : i32
    %dma_start3A_175 = arith.constant 0 : i32
    %dma_start3A_176 = tpu.memref_slice %arg6[%dma_start3A_174, %dma_start3A_175] : memref<100000x64xf32, #tpu.memory_space<hbm>> -> memref<100000x64xf32, #tpu.memory_space<hbm>>
    tpu.enqueue_indirect_dma source(%dma_start3A_176 : memref<100000x64xf32, #tpu.memory_space<hbm>>) target(%arg23 : memref<128x64xf32, #tpu.memory_space<vmem>>) offsets(%dma_start3A_173 : memref<128xi32, #tpu.memory_space<vmem>>) semaphore(%arg37 : memref<!tpu.dma_semaphore, #tpu.memory_space<semaphore_mem>>)
    %dma_start3A_177 = arith.constant 384 : i32
    %dma_start3A_178 = tpu.memref_slice %arg15[%dma_start3A_177] : memref<512xi32, #tpu.memory_space<vmem>> -> memref<128xi32, #tpu.memory_space<vmem>>
    %dma_start3A_179 = arith.constant 0 : i32
    %dma_start3A_180 = arith.constant 0 : i32
    %dma_start3A_181 = tpu.memref_slice %arg7[%dma_start3A_179, %dma_start3A_180] : memref<1000x128xf32, #tpu.memory_space<hbm>> -> memref<1000x128xf32, #tpu.memory_space<hbm>>
    tpu.enqueue_indirect_dma source(%dma_start3A_181 : memref<1000x128xf32, #tpu.memory_space<hbm>>) target(%arg25 : memref<128x128xf32, #tpu.memory_space<vmem>>) offsets(%dma_start3A_178 : memref<128xi32, #tpu.memory_space<vmem>>) semaphore(%arg37 : memref<!tpu.dma_semaphore, #tpu.memory_space<semaphore_mem>>)
    %dma_wait3A_182 = arith.constant 256 : i32
    %dma_wait3A_183 = tpu.memref_slice %arg14[%dma_wait3A_182] : memref<512xi32, #tpu.memory_space<vmem>> -> memref<128xi32, #tpu.memory_space<vmem>>
    %dma_wait3A_184 = arith.constant 0 : i32
    %dma_wait3A_185 = arith.constant 0 : i32
    %dma_wait3A_186 = tpu.memref_slice %arg6[%dma_wait3A_184, %dma_wait3A_185] : memref<100000x64xf32, #tpu.memory_space<hbm>> -> memref<100000x64xf32, #tpu.memory_space<hbm>>
    tpu.wait_indirect_dma semaphore(%arg36 : memref<!tpu.dma_semaphore, #tpu.memory_space<semaphore_mem>>) src(%dma_wait3A_186 : memref<100000x64xf32, #tpu.memory_space<hbm>>) dst(%arg18 : memref<128x64xf32, #tpu.memory_space<vmem>>)
    %dma_wait3A_187 = arith.constant 256 : i32
    %dma_wait3A_188 = tpu.memref_slice %arg16[%dma_wait3A_187] : memref<512xi32, #tpu.memory_space<vmem>> -> memref<128xi32, #tpu.memory_space<vmem>>
    %dma_wait3A_189 = arith.constant 0 : i32
    %dma_wait3A_190 = arith.constant 0 : i32
    %dma_wait3A_191 = tpu.memref_slice %arg6[%dma_wait3A_189, %dma_wait3A_190] : memref<100000x64xf32, #tpu.memory_space<hbm>> -> memref<100000x64xf32, #tpu.memory_space<hbm>>
    tpu.wait_indirect_dma semaphore(%arg36 : memref<!tpu.dma_semaphore, #tpu.memory_space<semaphore_mem>>) src(%dma_wait3A_191 : memref<100000x64xf32, #tpu.memory_space<hbm>>) dst(%arg20 : memref<128x64xf32, #tpu.memory_space<vmem>>)
    %dma_wait3A_192 = arith.constant 256 : i32
    %dma_wait3A_193 = tpu.memref_slice %arg17[%dma_wait3A_192] : memref<512xi32, #tpu.memory_space<vmem>> -> memref<128xi32, #tpu.memory_space<vmem>>
    %dma_wait3A_194 = arith.constant 0 : i32
    %dma_wait3A_195 = arith.constant 0 : i32
    %dma_wait3A_196 = tpu.memref_slice %arg6[%dma_wait3A_194, %dma_wait3A_195] : memref<100000x64xf32, #tpu.memory_space<hbm>> -> memref<100000x64xf32, #tpu.memory_space<hbm>>
    tpu.wait_indirect_dma semaphore(%arg36 : memref<!tpu.dma_semaphore, #tpu.memory_space<semaphore_mem>>) src(%dma_wait3A_196 : memref<100000x64xf32, #tpu.memory_space<hbm>>) dst(%arg22 : memref<128x64xf32, #tpu.memory_space<vmem>>)
    %dma_wait3A_197 = arith.constant 256 : i32
    %dma_wait3A_198 = tpu.memref_slice %arg15[%dma_wait3A_197] : memref<512xi32, #tpu.memory_space<vmem>> -> memref<128xi32, #tpu.memory_space<vmem>>
    %dma_wait3A_199 = arith.constant 0 : i32
    %dma_wait3A_200 = arith.constant 0 : i32
    %dma_wait3A_201 = tpu.memref_slice %arg7[%dma_wait3A_199, %dma_wait3A_200] : memref<1000x128xf32, #tpu.memory_space<hbm>> -> memref<1000x128xf32, #tpu.memory_space<hbm>>
    tpu.wait_indirect_dma semaphore(%arg36 : memref<!tpu.dma_semaphore, #tpu.memory_space<semaphore_mem>>) src(%dma_wait3A_201 : memref<1000x128xf32, #tpu.memory_space<hbm>>) dst(%arg24 : memref<128x128xf32, #tpu.memory_space<vmem>>)
    %parallel_loop3A_202 = arith.constant 0 : i32
    %parallel_loop3A_203 = arith.constant 128 : i32
    %parallel_loop3A_204 = arith.constant 1 : i32
    scf.for %parallel_loop3A_341 = %parallel_loop3A_202 to %parallel_loop3A_203 step %parallel_loop3A_204  : i32 {
      %parallel_loop3A_342 = arith.index_cast %parallel_loop3A_341 : i32 to index
      %parallel_loop3A_343 = arith.constant 64 : index
      %parallel_loop3A_344 = tpu.vector_load %arg24[%parallel_loop3A_342, %parallel_loop3A_343] {strides = array<i32>} : memref<128x128xf32, #tpu.memory_space<vmem>>, vector<16xf32>,
      %parallel_loop3A_345 = arith.index_cast %parallel_loop3A_341 : i32 to index
      %parallel_loop3A_346 = arith.constant 80 : index
      %parallel_loop3A_347 = tpu.vector_load %arg24[%parallel_loop3A_345, %parallel_loop3A_346] {strides = array<i32>} : memref<128x128xf32, #tpu.memory_space<vmem>>, vector<16xf32>,
      %parallel_loop3A_348 = arith.index_cast %parallel_loop3A_341 : i32 to index
      %parallel_loop3A_349 = arith.constant 96 : index
      %parallel_loop3A_350 = tpu.vector_load %arg24[%parallel_loop3A_348, %parallel_loop3A_349] {strides = array<i32>} : memref<128x128xf32, #tpu.memory_space<vmem>>, vector<16xf32>,
      %parallel_loop3A_351 = arith.index_cast %parallel_loop3A_341 : i32 to index
      %parallel_loop3A_352 = arith.constant 112 : index
      %parallel_loop3A_353 = tpu.vector_load %arg24[%parallel_loop3A_351, %parallel_loop3A_352] {strides = array<i32>} : memref<128x128xf32, #tpu.memory_space<vmem>>, vector<16xf32>,
      %parallel_loop3A_354 = arith.index_cast %parallel_loop3A_341 : i32 to index
      %parallel_loop3A_355 = arith.constant 0 : index
      %parallel_loop3A_356 = tpu.vector_load %arg18[%parallel_loop3A_354, %parallel_loop3A_355] {strides = array<i32>} : memref<128x64xf32, #tpu.memory_space<vmem>>, vector<16xf32>,
      %parallel_loop3A_357 = arith.index_cast %parallel_loop3A_341 : i32 to index
      %parallel_loop3A_358 = arith.constant 16 : index
      %parallel_loop3A_359 = tpu.vector_load %arg18[%parallel_loop3A_357, %parallel_loop3A_358] {strides = array<i32>} : memref<128x64xf32, #tpu.memory_space<vmem>>, vector<16xf32>,
      %parallel_loop3A_360 = arith.index_cast %parallel_loop3A_341 : i32 to index
      %parallel_loop3A_361 = arith.constant 32 : index
      %parallel_loop3A_362 = tpu.vector_load %arg18[%parallel_loop3A_360, %parallel_loop3A_361] {strides = array<i32>} : memref<128x64xf32, #tpu.memory_space<vmem>>, vector<16xf32>,
      %parallel_loop3A_363 = arith.index_cast %parallel_loop3A_341 : i32 to index
      %parallel_loop3A_364 = arith.constant 48 : index
      %parallel_loop3A_365 = tpu.vector_load %arg18[%parallel_loop3A_363, %parallel_loop3A_364] {strides = array<i32>} : memref<128x64xf32, #tpu.memory_space<vmem>>, vector<16xf32>,
      %parallel_loop3A_366 = arith.index_cast %parallel_loop3A_341 : i32 to index
      %parallel_loop3A_367 = arith.constant 0 : index
      %parallel_loop3A_368 = tpu.vector_load %arg20[%parallel_loop3A_366, %parallel_loop3A_367] {strides = array<i32>} : memref<128x64xf32, #tpu.memory_space<vmem>>, vector<16xf32>,
      %parallel_loop3A_369 = arith.index_cast %parallel_loop3A_341 : i32 to index
      %parallel_loop3A_370 = arith.constant 16 : index
      %parallel_loop3A_371 = tpu.vector_load %arg20[%parallel_loop3A_369, %parallel_loop3A_370] {strides = array<i32>} : memref<128x64xf32, #tpu.memory_space<vmem>>, vector<16xf32>,
      %parallel_loop3A_372 = arith.index_cast %parallel_loop3A_341 : i32 to index
      %parallel_loop3A_373 = arith.constant 32 : index
      %parallel_loop3A_374 = tpu.vector_load %arg20[%parallel_loop3A_372, %parallel_loop3A_373] {strides = array<i32>} : memref<128x64xf32, #tpu.memory_space<vmem>>, vector<16xf32>,
      %parallel_loop3A_375 = arith.index_cast %parallel_loop3A_341 : i32 to index
      %parallel_loop3A_376 = arith.constant 48 : index
      %parallel_loop3A_377 = tpu.vector_load %arg20[%parallel_loop3A_375, %parallel_loop3A_376] {strides = array<i32>} : memref<128x64xf32, #tpu.memory_space<vmem>>, vector<16xf32>,
      %parallel_loop3A_378 = arith.index_cast %parallel_loop3A_341 : i32 to index
      %parallel_loop3A_379 = arith.constant 0 : index
      %parallel_loop3A_380 = tpu.vector_load %arg22[%parallel_loop3A_378, %parallel_loop3A_379] {strides = array<i32>} : memref<128x64xf32, #tpu.memory_space<vmem>>, vector<16xf32>,
      %parallel_loop3A_381 = arith.index_cast %parallel_loop3A_341 : i32 to index
      %parallel_loop3A_382 = arith.constant 16 : index
      %parallel_loop3A_383 = tpu.vector_load %arg22[%parallel_loop3A_381, %parallel_loop3A_382] {strides = array<i32>} : memref<128x64xf32, #tpu.memory_space<vmem>>, vector<16xf32>,
      %parallel_loop3A_384 = arith.index_cast %parallel_loop3A_341 : i32 to index
      %parallel_loop3A_385 = arith.constant 32 : index
      %parallel_loop3A_386 = tpu.vector_load %arg22[%parallel_loop3A_384, %parallel_loop3A_385] {strides = array<i32>} : memref<128x64xf32, #tpu.memory_space<vmem>>, vector<16xf32>,
      %parallel_loop3A_387 = arith.index_cast %parallel_loop3A_341 : i32 to index
      %parallel_loop3A_388 = arith.constant 48 : index
      %parallel_loop3A_389 = tpu.vector_load %arg22[%parallel_loop3A_387, %parallel_loop3A_388] {strides = array<i32>} : memref<128x64xf32, #tpu.memory_space<vmem>>, vector<16xf32>,
      %parallel_loop3A_390 = arith.index_cast %parallel_loop3A_341 : i32 to index
      %parallel_loop3A_391 = arith.constant 0 : index
      %parallel_loop3A_392 = tpu.vector_load %arg24[%parallel_loop3A_390, %parallel_loop3A_391] {strides = array<i32>} : memref<128x128xf32, #tpu.memory_space<vmem>>, vector<16xf32>,
      %parallel_loop3A_393 = arith.index_cast %parallel_loop3A_341 : i32 to index
      %parallel_loop3A_394 = arith.constant 16 : index
      %parallel_loop3A_395 = tpu.vector_load %arg24[%parallel_loop3A_393, %parallel_loop3A_394] {strides = array<i32>} : memref<128x128xf32, #tpu.memory_space<vmem>>, vector<16xf32>,
      %parallel_loop3A_396 = arith.index_cast %parallel_loop3A_341 : i32 to index
      %parallel_loop3A_397 = arith.constant 32 : index
      %parallel_loop3A_398 = tpu.vector_load %arg24[%parallel_loop3A_396, %parallel_loop3A_397] {strides = array<i32>} : memref<128x128xf32, #tpu.memory_space<vmem>>, vector<16xf32>,
      %parallel_loop3A_399 = arith.index_cast %parallel_loop3A_341 : i32 to index
      %parallel_loop3A_400 = arith.constant 48 : index
      %parallel_loop3A_401 = tpu.vector_load %arg24[%parallel_loop3A_399, %parallel_loop3A_400] {strides = array<i32>} : memref<128x128xf32, #tpu.memory_space<vmem>>, vector<16xf32>,
      %parallel_loop3A_402 = arith.mulf %parallel_loop3A_344, %parallel_loop3A_344 : vector<16xf32>
      %parallel_loop3A_403 = arith.mulf %parallel_loop3A_347, %parallel_loop3A_347 : vector<16xf32>
      %parallel_loop3A_404 = arith.addf %parallel_loop3A_402, %parallel_loop3A_403 : vector<16xf32>
      %parallel_loop3A_405 = arith.mulf %parallel_loop3A_350, %parallel_loop3A_350 : vector<16xf32>
      %parallel_loop3A_406 = arith.addf %parallel_loop3A_404, %parallel_loop3A_405 : vector<16xf32>
      %parallel_loop3A_407 = arith.mulf %parallel_loop3A_353, %parallel_loop3A_353 : vector<16xf32>
      %parallel_loop3A_408 = arith.addf %parallel_loop3A_406, %parallel_loop3A_407 : vector<16xf32>
      %parallel_loop3A_409 = arith.mulf %parallel_loop3A_344, %parallel_loop3A_356 : vector<16xf32>
      %parallel_loop3A_410 = arith.mulf %parallel_loop3A_347, %parallel_loop3A_359 : vector<16xf32>
      %parallel_loop3A_411 = arith.addf %parallel_loop3A_409, %parallel_loop3A_410 : vector<16xf32>
      %parallel_loop3A_412 = arith.mulf %parallel_loop3A_350, %parallel_loop3A_362 : vector<16xf32>
      %parallel_loop3A_413 = arith.addf %parallel_loop3A_411, %parallel_loop3A_412 : vector<16xf32>
      %parallel_loop3A_414 = arith.mulf %parallel_loop3A_353, %parallel_loop3A_365 : vector<16xf32>
      %parallel_loop3A_415 = arith.addf %parallel_loop3A_413, %parallel_loop3A_414 : vector<16xf32>
      %parallel_loop3A_416 = arith.mulf %parallel_loop3A_344, %parallel_loop3A_368 : vector<16xf32>
      %parallel_loop3A_417 = arith.mulf %parallel_loop3A_347, %parallel_loop3A_371 : vector<16xf32>
      %parallel_loop3A_418 = arith.addf %parallel_loop3A_416, %parallel_loop3A_417 : vector<16xf32>
      %parallel_loop3A_419 = arith.mulf %parallel_loop3A_350, %parallel_loop3A_374 : vector<16xf32>
      %parallel_loop3A_420 = arith.addf %parallel_loop3A_418, %parallel_loop3A_419 : vector<16xf32>
      %parallel_loop3A_421 = arith.mulf %parallel_loop3A_353, %parallel_loop3A_377 : vector<16xf32>
      %parallel_loop3A_422 = arith.addf %parallel_loop3A_420, %parallel_loop3A_421 : vector<16xf32>
      %parallel_loop3A_423 = arith.mulf %parallel_loop3A_344, %parallel_loop3A_380 : vector<16xf32>
      %parallel_loop3A_424 = arith.mulf %parallel_loop3A_347, %parallel_loop3A_383 : vector<16xf32>
      %parallel_loop3A_425 = arith.addf %parallel_loop3A_423, %parallel_loop3A_424 : vector<16xf32>
      %parallel_loop3A_426 = arith.mulf %parallel_loop3A_350, %parallel_loop3A_386 : vector<16xf32>
      %parallel_loop3A_427 = arith.addf %parallel_loop3A_425, %parallel_loop3A_426 : vector<16xf32>
      %parallel_loop3A_428 = arith.mulf %parallel_loop3A_353, %parallel_loop3A_389 : vector<16xf32>
      %parallel_loop3A_429 = arith.addf %parallel_loop3A_427, %parallel_loop3A_428 : vector<16xf32>
      %parallel_loop3A_430 = arith.constant true
      %parallel_loop3A_431 = vector.broadcast %parallel_loop3A_430 : i1 to vector<16xi1>
      %parallel_loop3A_432 = tpu.scan <sum>, %parallel_loop3A_408 masked %parallel_loop3A_431 : vector<16xf32>, vector<16xi1> -> vector<16xf32>
      %parallel_loop3A_433 = vector.extract %parallel_loop3A_432[15] : f32 from vector<16xf32>
      %parallel_loop3A_434 = vector.broadcast %parallel_loop3A_433 : f32 to vector<16xf32>
      %parallel_loop3A_435 = arith.constant true
      %parallel_loop3A_436 = vector.broadcast %parallel_loop3A_435 : i1 to vector<16xi1>
      %parallel_loop3A_437 = tpu.scan <sum>, %parallel_loop3A_415 masked %parallel_loop3A_436 : vector<16xf32>, vector<16xi1> -> vector<16xf32>
      %parallel_loop3A_438 = vector.extract %parallel_loop3A_437[15] : f32 from vector<16xf32>
      %parallel_loop3A_439 = vector.broadcast %parallel_loop3A_438 : f32 to vector<16xf32>
      %parallel_loop3A_440 = arith.constant true
      %parallel_loop3A_441 = vector.broadcast %parallel_loop3A_440 : i1 to vector<16xi1>
      %parallel_loop3A_442 = tpu.scan <sum>, %parallel_loop3A_422 masked %parallel_loop3A_441 : vector<16xf32>, vector<16xi1> -> vector<16xf32>
      %parallel_loop3A_443 = vector.extract %parallel_loop3A_442[15] : f32 from vector<16xf32>
      %parallel_loop3A_444 = vector.broadcast %parallel_loop3A_443 : f32 to vector<16xf32>
      %parallel_loop3A_445 = arith.constant true
      %parallel_loop3A_446 = vector.broadcast %parallel_loop3A_445 : i1 to vector<16xi1>
      %parallel_loop3A_447 = tpu.scan <sum>, %parallel_loop3A_429 masked %parallel_loop3A_446 : vector<16xf32>, vector<16xi1> -> vector<16xf32>
      %parallel_loop3A_448 = vector.extract %parallel_loop3A_447[15] : f32 from vector<16xf32>
      %parallel_loop3A_449 = vector.broadcast %parallel_loop3A_448 : f32 to vector<16xf32>
      %parallel_loop3A_450 = arith.constant 1.000000e-24 : f32
      %parallel_loop3A_451 = vector.broadcast %parallel_loop3A_450 : f32 to vector<16xf32>
      %parallel_loop3A_452 = arith.maximumf %parallel_loop3A_434, %parallel_loop3A_451 : vector<16xf32>
      %parallel_loop3A_453 = arith.constant 1.000000e+00 : f32
      %parallel_loop3A_454 = vector.broadcast %parallel_loop3A_453 : f32 to vector<16xf32>
      %parallel_loop3A_455 = arith.divf %parallel_loop3A_454, %parallel_loop3A_452 : vector<16xf32>
      %parallel_loop3A_456 = arith.subf %parallel_loop3A_439, %parallel_loop3A_444 : vector<16xf32>
      %parallel_loop3A_457 = arith.mulf %parallel_loop3A_456, %parallel_loop3A_455 : vector<16xf32>
      %parallel_loop3A_458 = arith.subf %parallel_loop3A_439, %parallel_loop3A_449 : vector<16xf32>
      %parallel_loop3A_459 = arith.mulf %parallel_loop3A_458, %parallel_loop3A_455 : vector<16xf32>
      %parallel_loop3A_460 = arith.addf %parallel_loop3A_356, %parallel_loop3A_392 : vector<16xf32>
      %parallel_loop3A_461 = arith.subf %parallel_loop3A_460, %parallel_loop3A_368 : vector<16xf32>
      %parallel_loop3A_462 = arith.mulf %parallel_loop3A_457, %parallel_loop3A_344 : vector<16xf32>
      %parallel_loop3A_463 = arith.subf %parallel_loop3A_461, %parallel_loop3A_462 : vector<16xf32>
      %parallel_loop3A_464 = arith.subf %parallel_loop3A_460, %parallel_loop3A_380 : vector<16xf32>
      %parallel_loop3A_465 = arith.mulf %parallel_loop3A_459, %parallel_loop3A_344 : vector<16xf32>
      %parallel_loop3A_466 = arith.subf %parallel_loop3A_464, %parallel_loop3A_465 : vector<16xf32>
      %parallel_loop3A_467 = arith.mulf %parallel_loop3A_463, %parallel_loop3A_463 : vector<16xf32>
      %parallel_loop3A_468 = arith.mulf %parallel_loop3A_466, %parallel_loop3A_466 : vector<16xf32>
      %parallel_loop3A_469 = arith.addf %parallel_loop3A_359, %parallel_loop3A_395 : vector<16xf32>
      %parallel_loop3A_470 = arith.subf %parallel_loop3A_469, %parallel_loop3A_371 : vector<16xf32>
      %parallel_loop3A_471 = arith.mulf %parallel_loop3A_457, %parallel_loop3A_347 : vector<16xf32>
      %parallel_loop3A_472 = arith.subf %parallel_loop3A_470, %parallel_loop3A_471 : vector<16xf32>
      %parallel_loop3A_473 = arith.subf %parallel_loop3A_469, %parallel_loop3A_383 : vector<16xf32>
      %parallel_loop3A_474 = arith.mulf %parallel_loop3A_459, %parallel_loop3A_347 : vector<16xf32>
      %parallel_loop3A_475 = arith.subf %parallel_loop3A_473, %parallel_loop3A_474 : vector<16xf32>
      %parallel_loop3A_476 = arith.mulf %parallel_loop3A_472, %parallel_loop3A_472 : vector<16xf32>
      %parallel_loop3A_477 = arith.addf %parallel_loop3A_467, %parallel_loop3A_476 : vector<16xf32>
      %parallel_loop3A_478 = arith.mulf %parallel_loop3A_475, %parallel_loop3A_475 : vector<16xf32>
      %parallel_loop3A_479 = arith.addf %parallel_loop3A_468, %parallel_loop3A_478 : vector<16xf32>
      %parallel_loop3A_480 = arith.addf %parallel_loop3A_362, %parallel_loop3A_398 : vector<16xf32>
      %parallel_loop3A_481 = arith.subf %parallel_loop3A_480, %parallel_loop3A_374 : vector<16xf32>
      %parallel_loop3A_482 = arith.mulf %parallel_loop3A_457, %parallel_loop3A_350 : vector<16xf32>
      %parallel_loop3A_483 = arith.subf %parallel_loop3A_481, %parallel_loop3A_482 : vector<16xf32>
      %parallel_loop3A_484 = arith.subf %parallel_loop3A_480, %parallel_loop3A_386 : vector<16xf32>
      %parallel_loop3A_485 = arith.mulf %parallel_loop3A_459, %parallel_loop3A_350 : vector<16xf32>
      %parallel_loop3A_486 = arith.subf %parallel_loop3A_484, %parallel_loop3A_485 : vector<16xf32>
      %parallel_loop3A_487 = arith.mulf %parallel_loop3A_483, %parallel_loop3A_483 : vector<16xf32>
      %parallel_loop3A_488 = arith.addf %parallel_loop3A_477, %parallel_loop3A_487 : vector<16xf32>
      %parallel_loop3A_489 = arith.mulf %parallel_loop3A_486, %parallel_loop3A_486 : vector<16xf32>
      %parallel_loop3A_490 = arith.addf %parallel_loop3A_479, %parallel_loop3A_489 : vector<16xf32>
      %parallel_loop3A_491 = arith.addf %parallel_loop3A_365, %parallel_loop3A_401 : vector<16xf32>
      %parallel_loop3A_492 = arith.subf %parallel_loop3A_491, %parallel_loop3A_377 : vector<16xf32>
      %parallel_loop3A_493 = arith.mulf %parallel_loop3A_457, %parallel_loop3A_353 : vector<16xf32>
      %parallel_loop3A_494 = arith.subf %parallel_loop3A_492, %parallel_loop3A_493 : vector<16xf32>
      %parallel_loop3A_495 = arith.subf %parallel_loop3A_491, %parallel_loop3A_389 : vector<16xf32>
      %parallel_loop3A_496 = arith.mulf %parallel_loop3A_459, %parallel_loop3A_353 : vector<16xf32>
      %parallel_loop3A_497 = arith.subf %parallel_loop3A_495, %parallel_loop3A_496 : vector<16xf32>
      %parallel_loop3A_498 = arith.mulf %parallel_loop3A_494, %parallel_loop3A_494 : vector<16xf32>
      %parallel_loop3A_499 = arith.addf %parallel_loop3A_488, %parallel_loop3A_498 : vector<16xf32>
      %parallel_loop3A_500 = arith.mulf %parallel_loop3A_497, %parallel_loop3A_497 : vector<16xf32>
      %parallel_loop3A_501 = arith.addf %parallel_loop3A_490, %parallel_loop3A_500 : vector<16xf32>
      %parallel_loop3A_502 = arith.constant 256 : i32
      %parallel_loop3A_503 = arith.addi %parallel_loop3A_502, %parallel_loop3A_341 : i32
      %parallel_loop3A_504 = vector.broadcast %parallel_loop3A_503 : i32 to vector<16xi32>
      %parallel_loop3A_505 = arith.constant true
      %parallel_loop3A_506 = vector.broadcast %parallel_loop3A_505 : i1 to vector<16xi1>
      %parallel_loop3A_507 = tpu.scan <sum>, %parallel_loop3A_499 masked %parallel_loop3A_506 : vector<16xf32>, vector<16xi1> -> vector<16xf32>
      %parallel_loop3A_508 = vector.extract %parallel_loop3A_507[15] : f32 from vector<16xf32>
      %parallel_loop3A_509 = vector.broadcast %parallel_loop3A_508 : f32 to vector<16xf32>
      tpu.vector_store_idx %arg26[%parallel_loop3A_504], %parallel_loop3A_509 masked %eq3A_18 : memref<512xf32, #tpu.memory_space<vmem>>[vector<16xi32>], vector<16xf32>, vector<16xi1>
      %parallel_loop3A_510 = arith.constant true
      %parallel_loop3A_511 = vector.broadcast %parallel_loop3A_510 : i1 to vector<16xi1>
      %parallel_loop3A_512 = tpu.scan <sum>, %parallel_loop3A_501 masked %parallel_loop3A_511 : vector<16xf32>, vector<16xi1> -> vector<16xf32>
      %parallel_loop3A_513 = vector.extract %parallel_loop3A_512[15] : f32 from vector<16xf32>
      %parallel_loop3A_514 = vector.broadcast %parallel_loop3A_513 : f32 to vector<16xf32>
      tpu.vector_store_idx %arg27[%parallel_loop3A_504], %parallel_loop3A_514 masked %eq3A_18 : memref<512xf32, #tpu.memory_space<vmem>>[vector<16xi32>], vector<16xf32>, vector<16xi1>
    } {sc.loop_unroll_factor = 4 : i64, sc.parallel_access}
    %dma_wait3A_205 = arith.constant 384 : i32
    %dma_wait3A_206 = tpu.memref_slice %arg14[%dma_wait3A_205] : memref<512xi32, #tpu.memory_space<vmem>> -> memref<128xi32, #tpu.memory_space<vmem>>
    %dma_wait3A_207 = arith.constant 0 : i32
    %dma_wait3A_208 = arith.constant 0 : i32
    %dma_wait3A_209 = tpu.memref_slice %arg6[%dma_wait3A_207, %dma_wait3A_208] : memref<100000x64xf32, #tpu.memory_space<hbm>> -> memref<100000x64xf32, #tpu.memory_space<hbm>>
    tpu.wait_indirect_dma semaphore(%arg37 : memref<!tpu.dma_semaphore, #tpu.memory_space<semaphore_mem>>) src(%dma_wait3A_209 : memref<100000x64xf32, #tpu.memory_space<hbm>>) dst(%arg19 : memref<128x64xf32, #tpu.memory_space<vmem>>)
    %dma_wait3A_210 = arith.constant 384 : i32
    %dma_wait3A_211 = tpu.memref_slice %arg16[%dma_wait3A_210] : memref<512xi32, #tpu.memory_space<vmem>> -> memref<128xi32, #tpu.memory_space<vmem>>
    %dma_wait3A_212 = arith.constant 0 : i32
    %dma_wait3A_213 = arith.constant 0 : i32
    %dma_wait3A_214 = tpu.memref_slice %arg6[%dma_wait3A_212, %dma_wait3A_213] : memref<100000x64xf32, #tpu.memory_space<hbm>> -> memref<100000x64xf32, #tpu.memory_space<hbm>>
    tpu.wait_indirect_dma semaphore(%arg37 : memref<!tpu.dma_semaphore, #tpu.memory_space<semaphore_mem>>) src(%dma_wait3A_214 : memref<100000x64xf32, #tpu.memory_space<hbm>>) dst(%arg21 : memref<128x64xf32, #tpu.memory_space<vmem>>)
    %dma_wait3A_215 = arith.constant 384 : i32
    %dma_wait3A_216 = tpu.memref_slice %arg17[%dma_wait3A_215] : memref<512xi32, #tpu.memory_space<vmem>> -> memref<128xi32, #tpu.memory_space<vmem>>
    %dma_wait3A_217 = arith.constant 0 : i32
    %dma_wait3A_218 = arith.constant 0 : i32
    %dma_wait3A_219 = tpu.memref_slice %arg6[%dma_wait3A_217, %dma_wait3A_218] : memref<100000x64xf32, #tpu.memory_space<hbm>> -> memref<100000x64xf32, #tpu.memory_space<hbm>>
    tpu.wait_indirect_dma semaphore(%arg37 : memref<!tpu.dma_semaphore, #tpu.memory_space<semaphore_mem>>) src(%dma_wait3A_219 : memref<100000x64xf32, #tpu.memory_space<hbm>>) dst(%arg23 : memref<128x64xf32, #tpu.memory_space<vmem>>)
    %dma_wait3A_220 = arith.constant 384 : i32
    %dma_wait3A_221 = tpu.memref_slice %arg15[%dma_wait3A_220] : memref<512xi32, #tpu.memory_space<vmem>> -> memref<128xi32, #tpu.memory_space<vmem>>
    %dma_wait3A_222 = arith.constant 0 : i32
    %dma_wait3A_223 = arith.constant 0 : i32
    %dma_wait3A_224 = tpu.memref_slice %arg7[%dma_wait3A_222, %dma_wait3A_223] : memref<1000x128xf32, #tpu.memory_space<hbm>> -> memref<1000x128xf32, #tpu.memory_space<hbm>>
    tpu.wait_indirect_dma semaphore(%arg37 : memref<!tpu.dma_semaphore, #tpu.memory_space<semaphore_mem>>) src(%dma_wait3A_224 : memref<1000x128xf32, #tpu.memory_space<hbm>>) dst(%arg25 : memref<128x128xf32, #tpu.memory_space<vmem>>)
    %parallel_loop3A_225 = arith.constant 0 : i32
    %parallel_loop3A_226 = arith.constant 128 : i32
    %parallel_loop3A_227 = arith.constant 1 : i32
    scf.for %parallel_loop3A_341 = %parallel_loop3A_225 to %parallel_loop3A_226 step %parallel_loop3A_227  : i32 {
      %parallel_loop3A_342 = arith.index_cast %parallel_loop3A_341 : i32 to index
      %parallel_loop3A_343 = arith.constant 64 : index
      %parallel_loop3A_344 = tpu.vector_load %arg25[%parallel_loop3A_342, %parallel_loop3A_343] {strides = array<i32>} : memref<128x128xf32, #tpu.memory_space<vmem>>, vector<16xf32>,
      %parallel_loop3A_345 = arith.index_cast %parallel_loop3A_341 : i32 to index
      %parallel_loop3A_346 = arith.constant 80 : index
      %parallel_loop3A_347 = tpu.vector_load %arg25[%parallel_loop3A_345, %parallel_loop3A_346] {strides = array<i32>} : memref<128x128xf32, #tpu.memory_space<vmem>>, vector<16xf32>,
      %parallel_loop3A_348 = arith.index_cast %parallel_loop3A_341 : i32 to index
      %parallel_loop3A_349 = arith.constant 96 : index
      %parallel_loop3A_350 = tpu.vector_load %arg25[%parallel_loop3A_348, %parallel_loop3A_349] {strides = array<i32>} : memref<128x128xf32, #tpu.memory_space<vmem>>, vector<16xf32>,
      %parallel_loop3A_351 = arith.index_cast %parallel_loop3A_341 : i32 to index
      %parallel_loop3A_352 = arith.constant 112 : index
      %parallel_loop3A_353 = tpu.vector_load %arg25[%parallel_loop3A_351, %parallel_loop3A_352] {strides = array<i32>} : memref<128x128xf32, #tpu.memory_space<vmem>>, vector<16xf32>,
      %parallel_loop3A_354 = arith.index_cast %parallel_loop3A_341 : i32 to index
      %parallel_loop3A_355 = arith.constant 0 : index
      %parallel_loop3A_356 = tpu.vector_load %arg19[%parallel_loop3A_354, %parallel_loop3A_355] {strides = array<i32>} : memref<128x64xf32, #tpu.memory_space<vmem>>, vector<16xf32>,
      %parallel_loop3A_357 = arith.index_cast %parallel_loop3A_341 : i32 to index
      %parallel_loop3A_358 = arith.constant 16 : index
      %parallel_loop3A_359 = tpu.vector_load %arg19[%parallel_loop3A_357, %parallel_loop3A_358] {strides = array<i32>} : memref<128x64xf32, #tpu.memory_space<vmem>>, vector<16xf32>,
      %parallel_loop3A_360 = arith.index_cast %parallel_loop3A_341 : i32 to index
      %parallel_loop3A_361 = arith.constant 32 : index
      %parallel_loop3A_362 = tpu.vector_load %arg19[%parallel_loop3A_360, %parallel_loop3A_361] {strides = array<i32>} : memref<128x64xf32, #tpu.memory_space<vmem>>, vector<16xf32>,
      %parallel_loop3A_363 = arith.index_cast %parallel_loop3A_341 : i32 to index
      %parallel_loop3A_364 = arith.constant 48 : index
      %parallel_loop3A_365 = tpu.vector_load %arg19[%parallel_loop3A_363, %parallel_loop3A_364] {strides = array<i32>} : memref<128x64xf32, #tpu.memory_space<vmem>>, vector<16xf32>,
      %parallel_loop3A_366 = arith.index_cast %parallel_loop3A_341 : i32 to index
      %parallel_loop3A_367 = arith.constant 0 : index
      %parallel_loop3A_368 = tpu.vector_load %arg21[%parallel_loop3A_366, %parallel_loop3A_367] {strides = array<i32>} : memref<128x64xf32, #tpu.memory_space<vmem>>, vector<16xf32>,
      %parallel_loop3A_369 = arith.index_cast %parallel_loop3A_341 : i32 to index
      %parallel_loop3A_370 = arith.constant 16 : index
      %parallel_loop3A_371 = tpu.vector_load %arg21[%parallel_loop3A_369, %parallel_loop3A_370] {strides = array<i32>} : memref<128x64xf32, #tpu.memory_space<vmem>>, vector<16xf32>,
      %parallel_loop3A_372 = arith.index_cast %parallel_loop3A_341 : i32 to index
      %parallel_loop3A_373 = arith.constant 32 : index
      %parallel_loop3A_374 = tpu.vector_load %arg21[%parallel_loop3A_372, %parallel_loop3A_373] {strides = array<i32>} : memref<128x64xf32, #tpu.memory_space<vmem>>, vector<16xf32>,
      %parallel_loop3A_375 = arith.index_cast %parallel_loop3A_341 : i32 to index
      %parallel_loop3A_376 = arith.constant 48 : index
      %parallel_loop3A_377 = tpu.vector_load %arg21[%parallel_loop3A_375, %parallel_loop3A_376] {strides = array<i32>} : memref<128x64xf32, #tpu.memory_space<vmem>>, vector<16xf32>,
      %parallel_loop3A_378 = arith.index_cast %parallel_loop3A_341 : i32 to index
      %parallel_loop3A_379 = arith.constant 0 : index
      %parallel_loop3A_380 = tpu.vector_load %arg23[%parallel_loop3A_378, %parallel_loop3A_379] {strides = array<i32>} : memref<128x64xf32, #tpu.memory_space<vmem>>, vector<16xf32>,
      %parallel_loop3A_381 = arith.index_cast %parallel_loop3A_341 : i32 to index
      %parallel_loop3A_382 = arith.constant 16 : index
      %parallel_loop3A_383 = tpu.vector_load %arg23[%parallel_loop3A_381, %parallel_loop3A_382] {strides = array<i32>} : memref<128x64xf32, #tpu.memory_space<vmem>>, vector<16xf32>,
      %parallel_loop3A_384 = arith.index_cast %parallel_loop3A_341 : i32 to index
      %parallel_loop3A_385 = arith.constant 32 : index
      %parallel_loop3A_386 = tpu.vector_load %arg23[%parallel_loop3A_384, %parallel_loop3A_385] {strides = array<i32>} : memref<128x64xf32, #tpu.memory_space<vmem>>, vector<16xf32>,
      %parallel_loop3A_387 = arith.index_cast %parallel_loop3A_341 : i32 to index
      %parallel_loop3A_388 = arith.constant 48 : index
      %parallel_loop3A_389 = tpu.vector_load %arg23[%parallel_loop3A_387, %parallel_loop3A_388] {strides = array<i32>} : memref<128x64xf32, #tpu.memory_space<vmem>>, vector<16xf32>,
      %parallel_loop3A_390 = arith.index_cast %parallel_loop3A_341 : i32 to index
      %parallel_loop3A_391 = arith.constant 0 : index
      %parallel_loop3A_392 = tpu.vector_load %arg25[%parallel_loop3A_390, %parallel_loop3A_391] {strides = array<i32>} : memref<128x128xf32, #tpu.memory_space<vmem>>, vector<16xf32>,
      %parallel_loop3A_393 = arith.index_cast %parallel_loop3A_341 : i32 to index
      %parallel_loop3A_394 = arith.constant 16 : index
      %parallel_loop3A_395 = tpu.vector_load %arg25[%parallel_loop3A_393, %parallel_loop3A_394] {strides = array<i32>} : memref<128x128xf32, #tpu.memory_space<vmem>>, vector<16xf32>,
      %parallel_loop3A_396 = arith.index_cast %parallel_loop3A_341 : i32 to index
      %parallel_loop3A_397 = arith.constant 32 : index
      %parallel_loop3A_398 = tpu.vector_load %arg25[%parallel_loop3A_396, %parallel_loop3A_397] {strides = array<i32>} : memref<128x128xf32, #tpu.memory_space<vmem>>, vector<16xf32>,
      %parallel_loop3A_399 = arith.index_cast %parallel_loop3A_341 : i32 to index
      %parallel_loop3A_400 = arith.constant 48 : index
      %parallel_loop3A_401 = tpu.vector_load %arg25[%parallel_loop3A_399, %parallel_loop3A_400] {strides = array<i32>} : memref<128x128xf32, #tpu.memory_space<vmem>>, vector<16xf32>,
      %parallel_loop3A_402 = arith.mulf %parallel_loop3A_344, %parallel_loop3A_344 : vector<16xf32>
      %parallel_loop3A_403 = arith.mulf %parallel_loop3A_347, %parallel_loop3A_347 : vector<16xf32>
      %parallel_loop3A_404 = arith.addf %parallel_loop3A_402, %parallel_loop3A_403 : vector<16xf32>
      %parallel_loop3A_405 = arith.mulf %parallel_loop3A_350, %parallel_loop3A_350 : vector<16xf32>
      %parallel_loop3A_406 = arith.addf %parallel_loop3A_404, %parallel_loop3A_405 : vector<16xf32>
      %parallel_loop3A_407 = arith.mulf %parallel_loop3A_353, %parallel_loop3A_353 : vector<16xf32>
      %parallel_loop3A_408 = arith.addf %parallel_loop3A_406, %parallel_loop3A_407 : vector<16xf32>
      %parallel_loop3A_409 = arith.mulf %parallel_loop3A_344, %parallel_loop3A_356 : vector<16xf32>
      %parallel_loop3A_410 = arith.mulf %parallel_loop3A_347, %parallel_loop3A_359 : vector<16xf32>
      %parallel_loop3A_411 = arith.addf %parallel_loop3A_409, %parallel_loop3A_410 : vector<16xf32>
      %parallel_loop3A_412 = arith.mulf %parallel_loop3A_350, %parallel_loop3A_362 : vector<16xf32>
      %parallel_loop3A_413 = arith.addf %parallel_loop3A_411, %parallel_loop3A_412 : vector<16xf32>
      %parallel_loop3A_414 = arith.mulf %parallel_loop3A_353, %parallel_loop3A_365 : vector<16xf32>
      %parallel_loop3A_415 = arith.addf %parallel_loop3A_413, %parallel_loop3A_414 : vector<16xf32>
      %parallel_loop3A_416 = arith.mulf %parallel_loop3A_344, %parallel_loop3A_368 : vector<16xf32>
      %parallel_loop3A_417 = arith.mulf %parallel_loop3A_347, %parallel_loop3A_371 : vector<16xf32>
      %parallel_loop3A_418 = arith.addf %parallel_loop3A_416, %parallel_loop3A_417 : vector<16xf32>
      %parallel_loop3A_419 = arith.mulf %parallel_loop3A_350, %parallel_loop3A_374 : vector<16xf32>
      %parallel_loop3A_420 = arith.addf %parallel_loop3A_418, %parallel_loop3A_419 : vector<16xf32>
      %parallel_loop3A_421 = arith.mulf %parallel_loop3A_353, %parallel_loop3A_377 : vector<16xf32>
      %parallel_loop3A_422 = arith.addf %parallel_loop3A_420, %parallel_loop3A_421 : vector<16xf32>
      %parallel_loop3A_423 = arith.mulf %parallel_loop3A_344, %parallel_loop3A_380 : vector<16xf32>
      %parallel_loop3A_424 = arith.mulf %parallel_loop3A_347, %parallel_loop3A_383 : vector<16xf32>
      %parallel_loop3A_425 = arith.addf %parallel_loop3A_423, %parallel_loop3A_424 : vector<16xf32>
      %parallel_loop3A_426 = arith.mulf %parallel_loop3A_350, %parallel_loop3A_386 : vector<16xf32>
      %parallel_loop3A_427 = arith.addf %parallel_loop3A_425, %parallel_loop3A_426 : vector<16xf32>
      %parallel_loop3A_428 = arith.mulf %parallel_loop3A_353, %parallel_loop3A_389 : vector<16xf32>
      %parallel_loop3A_429 = arith.addf %parallel_loop3A_427, %parallel_loop3A_428 : vector<16xf32>
      %parallel_loop3A_430 = arith.constant true
      %parallel_loop3A_431 = vector.broadcast %parallel_loop3A_430 : i1 to vector<16xi1>
      %parallel_loop3A_432 = tpu.scan <sum>, %parallel_loop3A_408 masked %parallel_loop3A_431 : vector<16xf32>, vector<16xi1> -> vector<16xf32>
      %parallel_loop3A_433 = vector.extract %parallel_loop3A_432[15] : f32 from vector<16xf32>
      %parallel_loop3A_434 = vector.broadcast %parallel_loop3A_433 : f32 to vector<16xf32>
      %parallel_loop3A_435 = arith.constant true
      %parallel_loop3A_436 = vector.broadcast %parallel_loop3A_435 : i1 to vector<16xi1>
      %parallel_loop3A_437 = tpu.scan <sum>, %parallel_loop3A_415 masked %parallel_loop3A_436 : vector<16xf32>, vector<16xi1> -> vector<16xf32>
      %parallel_loop3A_438 = vector.extract %parallel_loop3A_437[15] : f32 from vector<16xf32>
      %parallel_loop3A_439 = vector.broadcast %parallel_loop3A_438 : f32 to vector<16xf32>
      %parallel_loop3A_440 = arith.constant true
      %parallel_loop3A_441 = vector.broadcast %parallel_loop3A_440 : i1 to vector<16xi1>
      %parallel_loop3A_442 = tpu.scan <sum>, %parallel_loop3A_422 masked %parallel_loop3A_441 : vector<16xf32>, vector<16xi1> -> vector<16xf32>
      %parallel_loop3A_443 = vector.extract %parallel_loop3A_442[15] : f32 from vector<16xf32>
      %parallel_loop3A_444 = vector.broadcast %parallel_loop3A_443 : f32 to vector<16xf32>
      %parallel_loop3A_445 = arith.constant true
      %parallel_loop3A_446 = vector.broadcast %parallel_loop3A_445 : i1 to vector<16xi1>
      %parallel_loop3A_447 = tpu.scan <sum>, %parallel_loop3A_429 masked %parallel_loop3A_446 : vector<16xf32>, vector<16xi1> -> vector<16xf32>
      %parallel_loop3A_448 = vector.extract %parallel_loop3A_447[15] : f32 from vector<16xf32>
      %parallel_loop3A_449 = vector.broadcast %parallel_loop3A_448 : f32 to vector<16xf32>
      %parallel_loop3A_450 = arith.constant 1.000000e-24 : f32
      %parallel_loop3A_451 = vector.broadcast %parallel_loop3A_450 : f32 to vector<16xf32>
      %parallel_loop3A_452 = arith.maximumf %parallel_loop3A_434, %parallel_loop3A_451 : vector<16xf32>
      %parallel_loop3A_453 = arith.constant 1.000000e+00 : f32
      %parallel_loop3A_454 = vector.broadcast %parallel_loop3A_453 : f32 to vector<16xf32>
      %parallel_loop3A_455 = arith.divf %parallel_loop3A_454, %parallel_loop3A_452 : vector<16xf32>
      %parallel_loop3A_456 = arith.subf %parallel_loop3A_439, %parallel_loop3A_444 : vector<16xf32>
      %parallel_loop3A_457 = arith.mulf %parallel_loop3A_456, %parallel_loop3A_455 : vector<16xf32>
      %parallel_loop3A_458 = arith.subf %parallel_loop3A_439, %parallel_loop3A_449 : vector<16xf32>
      %parallel_loop3A_459 = arith.mulf %parallel_loop3A_458, %parallel_loop3A_455 : vector<16xf32>
      %parallel_loop3A_460 = arith.addf %parallel_loop3A_356, %parallel_loop3A_392 : vector<16xf32>
      %parallel_loop3A_461 = arith.subf %parallel_loop3A_460, %parallel_loop3A_368 : vector<16xf32>
      %parallel_loop3A_462 = arith.mulf %parallel_loop3A_457, %parallel_loop3A_344 : vector<16xf32>
      %parallel_loop3A_463 = arith.subf %parallel_loop3A_461, %parallel_loop3A_462 : vector<16xf32>
      %parallel_loop3A_464 = arith.subf %parallel_loop3A_460, %parallel_loop3A_380 : vector<16xf32>
      %parallel_loop3A_465 = arith.mulf %parallel_loop3A_459, %parallel_loop3A_344 : vector<16xf32>
      %parallel_loop3A_466 = arith.subf %parallel_loop3A_464, %parallel_loop3A_465 : vector<16xf32>
      %parallel_loop3A_467 = arith.mulf %parallel_loop3A_463, %parallel_loop3A_463 : vector<16xf32>
      %parallel_loop3A_468 = arith.mulf %parallel_loop3A_466, %parallel_loop3A_466 : vector<16xf32>
      %parallel_loop3A_469 = arith.addf %parallel_loop3A_359, %parallel_loop3A_395 : vector<16xf32>
      %parallel_loop3A_470 = arith.subf %parallel_loop3A_469, %parallel_loop3A_371 : vector<16xf32>
      %parallel_loop3A_471 = arith.mulf %parallel_loop3A_457, %parallel_loop3A_347 : vector<16xf32>
      %parallel_loop3A_472 = arith.subf %parallel_loop3A_470, %parallel_loop3A_471 : vector<16xf32>
      %parallel_loop3A_473 = arith.subf %parallel_loop3A_469, %parallel_loop3A_383 : vector<16xf32>
      %parallel_loop3A_474 = arith.mulf %parallel_loop3A_459, %parallel_loop3A_347 : vector<16xf32>
      %parallel_loop3A_475 = arith.subf %parallel_loop3A_473, %parallel_loop3A_474 : vector<16xf32>
      %parallel_loop3A_476 = arith.mulf %parallel_loop3A_472, %parallel_loop3A_472 : vector<16xf32>
      %parallel_loop3A_477 = arith.addf %parallel_loop3A_467, %parallel_loop3A_476 : vector<16xf32>
      %parallel_loop3A_478 = arith.mulf %parallel_loop3A_475, %parallel_loop3A_475 : vector<16xf32>
      %parallel_loop3A_479 = arith.addf %parallel_loop3A_468, %parallel_loop3A_478 : vector<16xf32>
      %parallel_loop3A_480 = arith.addf %parallel_loop3A_362, %parallel_loop3A_398 : vector<16xf32>
      %parallel_loop3A_481 = arith.subf %parallel_loop3A_480, %parallel_loop3A_374 : vector<16xf32>
      %parallel_loop3A_482 = arith.mulf %parallel_loop3A_457, %parallel_loop3A_350 : vector<16xf32>
      %parallel_loop3A_483 = arith.subf %parallel_loop3A_481, %parallel_loop3A_482 : vector<16xf32>
      %parallel_loop3A_484 = arith.subf %parallel_loop3A_480, %parallel_loop3A_386 : vector<16xf32>
      %parallel_loop3A_485 = arith.mulf %parallel_loop3A_459, %parallel_loop3A_350 : vector<16xf32>
      %parallel_loop3A_486 = arith.subf %parallel_loop3A_484, %parallel_loop3A_485 : vector<16xf32>
      %parallel_loop3A_487 = arith.mulf %parallel_loop3A_483, %parallel_loop3A_483 : vector<16xf32>
      %parallel_loop3A_488 = arith.addf %parallel_loop3A_477, %parallel_loop3A_487 : vector<16xf32>
      %parallel_loop3A_489 = arith.mulf %parallel_loop3A_486, %parallel_loop3A_486 : vector<16xf32>
      %parallel_loop3A_490 = arith.addf %parallel_loop3A_479, %parallel_loop3A_489 : vector<16xf32>
      %parallel_loop3A_491 = arith.addf %parallel_loop3A_365, %parallel_loop3A_401 : vector<16xf32>
      %parallel_loop3A_492 = arith.subf %parallel_loop3A_491, %parallel_loop3A_377 : vector<16xf32>
      %parallel_loop3A_493 = arith.mulf %parallel_loop3A_457, %parallel_loop3A_353 : vector<16xf32>
      %parallel_loop3A_494 = arith.subf %parallel_loop3A_492, %parallel_loop3A_493 : vector<16xf32>
      %parallel_loop3A_495 = arith.subf %parallel_loop3A_491, %parallel_loop3A_389 : vector<16xf32>
      %parallel_loop3A_496 = arith.mulf %parallel_loop3A_459, %parallel_loop3A_353 : vector<16xf32>
      %parallel_loop3A_497 = arith.subf %parallel_loop3A_495, %parallel_loop3A_496 : vector<16xf32>
      %parallel_loop3A_498 = arith.mulf %parallel_loop3A_494, %parallel_loop3A_494 : vector<16xf32>
      %parallel_loop3A_499 = arith.addf %parallel_loop3A_488, %parallel_loop3A_498 : vector<16xf32>
      %parallel_loop3A_500 = arith.mulf %parallel_loop3A_497, %parallel_loop3A_497 : vector<16xf32>
      %parallel_loop3A_501 = arith.addf %parallel_loop3A_490, %parallel_loop3A_500 : vector<16xf32>
      %parallel_loop3A_502 = arith.constant 384 : i32
      %parallel_loop3A_503 = arith.addi %parallel_loop3A_502, %parallel_loop3A_341 : i32
      %parallel_loop3A_504 = vector.broadcast %parallel_loop3A_503 : i32 to vector<16xi32>
      %parallel_loop3A_505 = arith.constant true
      %parallel_loop3A_506 = vector.broadcast %parallel_loop3A_505 : i1 to vector<16xi1>
      %parallel_loop3A_507 = tpu.scan <sum>, %parallel_loop3A_499 masked %parallel_loop3A_506 : vector<16xf32>, vector<16xi1> -> vector<16xf32>
      %parallel_loop3A_508 = vector.extract %parallel_loop3A_507[15] : f32 from vector<16xf32>
      %parallel_loop3A_509 = vector.broadcast %parallel_loop3A_508 : f32 to vector<16xf32>
      tpu.vector_store_idx %arg26[%parallel_loop3A_504], %parallel_loop3A_509 masked %eq3A_18 : memref<512xf32, #tpu.memory_space<vmem>>[vector<16xi32>], vector<16xf32>, vector<16xi1>
      %parallel_loop3A_510 = arith.constant true
      %parallel_loop3A_511 = vector.broadcast %parallel_loop3A_510 : i1 to vector<16xi1>
      %parallel_loop3A_512 = tpu.scan <sum>, %parallel_loop3A_501 masked %parallel_loop3A_511 : vector<16xf32>, vector<16xi1> -> vector<16xf32>
      %parallel_loop3A_513 = vector.extract %parallel_loop3A_512[15] : f32 from vector<16xf32>
      %parallel_loop3A_514 = vector.broadcast %parallel_loop3A_513 : f32 to vector<16xf32>
      tpu.vector_store_idx %arg27[%parallel_loop3A_504], %parallel_loop3A_514 masked %eq3A_18 : memref<512xf32, #tpu.memory_space<vmem>>[vector<16xi32>], vector<16xf32>, vector<16xi1>
    } {sc.loop_unroll_factor = 4 : i64, sc.parallel_access}
    %parallel_loop3A_228 = arith.constant 0 : i32
    %parallel_loop3A_229 = arith.constant 32 : i32
    %parallel_loop3A_230 = arith.constant 1 : i32
    scf.for %parallel_loop3A_341 = %parallel_loop3A_228 to %parallel_loop3A_229 step %parallel_loop3A_230  : i32 {
      %parallel_loop3A_342 = arith.constant 16 : i32
      %parallel_loop3A_343 = arith.muli %parallel_loop3A_342, %parallel_loop3A_341 : i32
      %parallel_loop3A_344 = arith.index_cast %parallel_loop3A_343 : i32 to index
      %parallel_loop3A_345 = tpu.vector_load %arg26[%parallel_loop3A_344] {strides = array<i32>} : memref<512xf32, #tpu.memory_space<vmem>>, vector<16xf32>,
      %parallel_loop3A_346 = arith.constant 1.000000e-30 : f32
      %parallel_loop3A_347 = vector.broadcast %parallel_loop3A_346 : f32 to vector<16xf32>
      %parallel_loop3A_348 = arith.maximumf %parallel_loop3A_345, %parallel_loop3A_347 : vector<16xf32>
      %parallel_loop3A_349 = arith.constant 16 : i32
      %parallel_loop3A_350 = arith.muli %parallel_loop3A_349, %parallel_loop3A_341 : i32
      %parallel_loop3A_351 = arith.index_cast %parallel_loop3A_350 : i32 to index
      %parallel_loop3A_352 = tpu.vector_load %arg27[%parallel_loop3A_351] {strides = array<i32>} : memref<512xf32, #tpu.memory_space<vmem>>, vector<16xf32>,
      %parallel_loop3A_353 = arith.constant 1.000000e-30 : f32
      %parallel_loop3A_354 = vector.broadcast %parallel_loop3A_353 : f32 to vector<16xf32>
      %parallel_loop3A_355 = arith.maximumf %parallel_loop3A_352, %parallel_loop3A_354 : vector<16xf32>
      %parallel_loop3A_356 = vector.bitcast %parallel_loop3A_348 : vector<16xf32> to vector<16xi32>
      %parallel_loop3A_357 = arith.constant 1 : i32
      %parallel_loop3A_358 = vector.broadcast %parallel_loop3A_357 : i32 to vector<16xi32>
      %parallel_loop3A_359 = arith.shrsi %parallel_loop3A_356, %parallel_loop3A_358 : vector<16xi32>
      %parallel_loop3A_360 = arith.constant 1597463007 : i32
      %parallel_loop3A_361 = vector.broadcast %parallel_loop3A_360 : i32 to vector<16xi32>
      %parallel_loop3A_362 = arith.subi %parallel_loop3A_361, %parallel_loop3A_359 : vector<16xi32>
      %parallel_loop3A_363 = vector.bitcast %parallel_loop3A_362 : vector<16xi32> to vector<16xf32>
      %parallel_loop3A_364 = arith.constant 5.000000e-01 : f32
      %parallel_loop3A_365 = vector.broadcast %parallel_loop3A_364 : f32 to vector<16xf32>
      %parallel_loop3A_366 = arith.mulf %parallel_loop3A_365, %parallel_loop3A_348 : vector<16xf32>
      %parallel_loop3A_367 = arith.mulf %parallel_loop3A_366, %parallel_loop3A_363 : vector<16xf32>
      %parallel_loop3A_368 = arith.mulf %parallel_loop3A_367, %parallel_loop3A_363 : vector<16xf32>
      %parallel_loop3A_369 = arith.constant 1.500000e+00 : f32
      %parallel_loop3A_370 = vector.broadcast %parallel_loop3A_369 : f32 to vector<16xf32>
      %parallel_loop3A_371 = arith.subf %parallel_loop3A_370, %parallel_loop3A_368 : vector<16xf32>
      %parallel_loop3A_372 = arith.mulf %parallel_loop3A_363, %parallel_loop3A_371 : vector<16xf32>
      %parallel_loop3A_373 = arith.constant 5.000000e-01 : f32
      %parallel_loop3A_374 = vector.broadcast %parallel_loop3A_373 : f32 to vector<16xf32>
      %parallel_loop3A_375 = arith.mulf %parallel_loop3A_374, %parallel_loop3A_348 : vector<16xf32>
      %parallel_loop3A_376 = arith.mulf %parallel_loop3A_375, %parallel_loop3A_372 : vector<16xf32>
      %parallel_loop3A_377 = arith.mulf %parallel_loop3A_376, %parallel_loop3A_372 : vector<16xf32>
      %parallel_loop3A_378 = arith.constant 1.500000e+00 : f32
      %parallel_loop3A_379 = vector.broadcast %parallel_loop3A_378 : f32 to vector<16xf32>
      %parallel_loop3A_380 = arith.subf %parallel_loop3A_379, %parallel_loop3A_377 : vector<16xf32>
      %parallel_loop3A_381 = arith.mulf %parallel_loop3A_372, %parallel_loop3A_380 : vector<16xf32>
      %parallel_loop3A_382 = arith.constant 5.000000e-01 : f32
      %parallel_loop3A_383 = vector.broadcast %parallel_loop3A_382 : f32 to vector<16xf32>
      %parallel_loop3A_384 = arith.mulf %parallel_loop3A_383, %parallel_loop3A_348 : vector<16xf32>
      %parallel_loop3A_385 = arith.mulf %parallel_loop3A_384, %parallel_loop3A_381 : vector<16xf32>
      %parallel_loop3A_386 = arith.mulf %parallel_loop3A_385, %parallel_loop3A_381 : vector<16xf32>
      %parallel_loop3A_387 = arith.constant 1.500000e+00 : f32
      %parallel_loop3A_388 = vector.broadcast %parallel_loop3A_387 : f32 to vector<16xf32>
      %parallel_loop3A_389 = arith.subf %parallel_loop3A_388, %parallel_loop3A_386 : vector<16xf32>
      %parallel_loop3A_390 = arith.mulf %parallel_loop3A_381, %parallel_loop3A_389 : vector<16xf32>
      %parallel_loop3A_391 = arith.mulf %parallel_loop3A_348, %parallel_loop3A_390 : vector<16xf32>
      %parallel_loop3A_392 = arith.constant 16 : i32
      %parallel_loop3A_393 = arith.muli %parallel_loop3A_392, %parallel_loop3A_341 : i32
      %parallel_loop3A_394 = arith.index_cast %parallel_loop3A_393 : i32 to index
      %parallel_loop3A_395 = tpu.vector_load %arg26[%parallel_loop3A_394] {strides = array<i32>} : memref<512xf32, #tpu.memory_space<vmem>>, vector<16xf32>,
      tpu.vector_store %arg26[%parallel_loop3A_394], %parallel_loop3A_391 {strides = array<i32>} : memref<512xf32, #tpu.memory_space<vmem>>, vector<16xf32>,
      %parallel_loop3A_396 = vector.bitcast %parallel_loop3A_355 : vector<16xf32> to vector<16xi32>
      %parallel_loop3A_397 = arith.constant 1 : i32
      %parallel_loop3A_398 = vector.broadcast %parallel_loop3A_397 : i32 to vector<16xi32>
      %parallel_loop3A_399 = arith.shrsi %parallel_loop3A_396, %parallel_loop3A_398 : vector<16xi32>
      %parallel_loop3A_400 = arith.constant 1597463007 : i32
      %parallel_loop3A_401 = vector.broadcast %parallel_loop3A_400 : i32 to vector<16xi32>
      %parallel_loop3A_402 = arith.subi %parallel_loop3A_401, %parallel_loop3A_399 : vector<16xi32>
      %parallel_loop3A_403 = vector.bitcast %parallel_loop3A_402 : vector<16xi32> to vector<16xf32>
      %parallel_loop3A_404 = arith.constant 5.000000e-01 : f32
      %parallel_loop3A_405 = vector.broadcast %parallel_loop3A_404 : f32 to vector<16xf32>
      %parallel_loop3A_406 = arith.mulf %parallel_loop3A_405, %parallel_loop3A_355 : vector<16xf32>
      %parallel_loop3A_407 = arith.mulf %parallel_loop3A_406, %parallel_loop3A_403 : vector<16xf32>
      %parallel_loop3A_408 = arith.mulf %parallel_loop3A_407, %parallel_loop3A_403 : vector<16xf32>
      %parallel_loop3A_409 = arith.constant 1.500000e+00 : f32
      %parallel_loop3A_410 = vector.broadcast %parallel_loop3A_409 : f32 to vector<16xf32>
      %parallel_loop3A_411 = arith.subf %parallel_loop3A_410, %parallel_loop3A_408 : vector<16xf32>
      %parallel_loop3A_412 = arith.mulf %parallel_loop3A_403, %parallel_loop3A_411 : vector<16xf32>
      %parallel_loop3A_413 = arith.constant 5.000000e-01 : f32
      %parallel_loop3A_414 = vector.broadcast %parallel_loop3A_413 : f32 to vector<16xf32>
      %parallel_loop3A_415 = arith.mulf %parallel_loop3A_414, %parallel_loop3A_355 : vector<16xf32>
      %parallel_loop3A_416 = arith.mulf %parallel_loop3A_415, %parallel_loop3A_412 : vector<16xf32>
      %parallel_loop3A_417 = arith.mulf %parallel_loop3A_416, %parallel_loop3A_412 : vector<16xf32>
      %parallel_loop3A_418 = arith.constant 1.500000e+00 : f32
      %parallel_loop3A_419 = vector.broadcast %parallel_loop3A_418 : f32 to vector<16xf32>
      %parallel_loop3A_420 = arith.subf %parallel_loop3A_419, %parallel_loop3A_417 : vector<16xf32>
      %parallel_loop3A_421 = arith.mulf %parallel_loop3A_412, %parallel_loop3A_420 : vector<16xf32>
      %parallel_loop3A_422 = arith.constant 5.000000e-01 : f32
      %parallel_loop3A_423 = vector.broadcast %parallel_loop3A_422 : f32 to vector<16xf32>
      %parallel_loop3A_424 = arith.mulf %parallel_loop3A_423, %parallel_loop3A_355 : vector<16xf32>
      %parallel_loop3A_425 = arith.mulf %parallel_loop3A_424, %parallel_loop3A_421 : vector<16xf32>
      %parallel_loop3A_426 = arith.mulf %parallel_loop3A_425, %parallel_loop3A_421 : vector<16xf32>
      %parallel_loop3A_427 = arith.constant 1.500000e+00 : f32
      %parallel_loop3A_428 = vector.broadcast %parallel_loop3A_427 : f32 to vector<16xf32>
      %parallel_loop3A_429 = arith.subf %parallel_loop3A_428, %parallel_loop3A_426 : vector<16xf32>
      %parallel_loop3A_430 = arith.mulf %parallel_loop3A_421, %parallel_loop3A_429 : vector<16xf32>
      %parallel_loop3A_431 = arith.mulf %parallel_loop3A_355, %parallel_loop3A_430 : vector<16xf32>
      %parallel_loop3A_432 = arith.constant 16 : i32
      %parallel_loop3A_433 = arith.muli %parallel_loop3A_432, %parallel_loop3A_341 : i32
      %parallel_loop3A_434 = arith.index_cast %parallel_loop3A_433 : i32 to index
      %parallel_loop3A_435 = tpu.vector_load %arg27[%parallel_loop3A_434] {strides = array<i32>} : memref<512xf32, #tpu.memory_space<vmem>>, vector<16xf32>,
      tpu.vector_store %arg27[%parallel_loop3A_434], %parallel_loop3A_431 {strides = array<i32>} : memref<512xf32, #tpu.memory_space<vmem>>, vector<16xf32>,
    } {sc.loop_unroll_factor = 2 : i64, sc.parallel_access}
    %dma_start3A_231 = tpu.memref_slice %arg10[%mul3A_2] : memref<16384xf32, #tpu.memory_space<hbm>> -> memref<512xf32, #tpu.memory_space<hbm>>
    %dma_start3A_232 = tpu.memref_slice %arg10[%mul3A_2] : memref<16384xf32, #tpu.memory_space<hbm>> -> memref<512xf32, #tpu.memory_space<hbm>>
    tpu.enqueue_dma source(%arg26 : memref<512xf32, #tpu.memory_space<vmem>>) target(%dma_start3A_232 : memref<512xf32, #tpu.memory_space<hbm>>) target_semaphore(%arg39 : memref<!tpu.dma_semaphore, #tpu.memory_space<semaphore_mem>>)
    %dma_start3A_233 = tpu.memref_slice %arg11[%mul3A_2] : memref<16384xf32, #tpu.memory_space<hbm>> -> memref<512xf32, #tpu.memory_space<hbm>>
    %dma_start3A_234 = tpu.memref_slice %arg11[%mul3A_2] : memref<16384xf32, #tpu.memory_space<hbm>> -> memref<512xf32, #tpu.memory_space<hbm>>
    tpu.enqueue_dma source(%arg27 : memref<512xf32, #tpu.memory_space<vmem>>) target(%dma_start3A_234 : memref<512xf32, #tpu.memory_space<hbm>>) target_semaphore(%arg39 : memref<!tpu.dma_semaphore, #tpu.memory_space<semaphore_mem>>)
    %broadcast_in_dim3A = arith.constant 1.000000e+00 : f32
    %broadcast_in_dim3A_235 = vector.broadcast %broadcast_in_dim3A : f32 to vector<16xf32>
    %broadcast_in_dim3A_236 = arith.constant 0.000000e+00 : f32
    %broadcast_in_dim3A_237 = vector.broadcast %broadcast_in_dim3A_236 : f32 to vector<16xf32>
    %scan3A = arith.constant 0 : i32
    %scan3A_238 = arith.constant 25 : i32
    %scan3A_239 = arith.addi %scan3A, %scan3A_238 : i32
    %scan3A_240 = arith.constant 1 : i32
    %scan3A_241 = scf.for %scan3A_341 = %scan3A to %scan3A_239 step %scan3A_240 iter_args(%scan3A_342 = %broadcast_in_dim3A_237) -> (vector<16xf32>)  : i32 {
      %jit3A = arith.constant 4 : i32
      %eq3A_343 = arith.constant 0 : i32
      %eq3A_344 = arith.cmpi eq, %jit3A, %eq3A_343 : i32
      %jit3A_345 = arith.constant 1 : i32
      %select_n3A = arith.select %eq3A_344, %jit3A_345, %jit3A : i32
      %rem3A = arith.remsi %scan3A_341, %select_n3A : i32
      %ne3A = arith.constant 0 : i32
      %ne3A_346 = arith.cmpi ne, %rem3A, %ne3A : i32
      %lt3A_347 = arith.constant 0 : i32
      %lt3A_348 = arith.cmpi slt, %rem3A, %lt3A_347 : i32
      %lt3A_349 = arith.constant 0 : i32
      %lt3A_350 = arith.cmpi slt, %select_n3A, %lt3A_349 : i32
      %ne3A_351 = arith.xori %lt3A_348, %lt3A_350 : i1
      %and3A = arith.andi %ne3A_351, %ne3A_346 : i1
      %add3A_352 = arith.addi %rem3A, %select_n3A : i32
      %select_n3A_353 = arith.select %and3A, %add3A_352, %rem3A : i32
      %mul3A_354 = arith.constant 125 : i32
      %mul3A_355 = arith.muli %select_n3A_353, %mul3A_354 : i32
      %mul3A_356 = arith.constant 125 : i32
      %mul3A_357 = arith.muli %scan3A_341, %mul3A_356 : i32
      %add3A_358 = arith.addi %mul3A_20, %mul3A_357 : i32
      %add3A_359 = arith.constant 3 : i32
      %add3A_360 = arith.addi %scan3A_341, %add3A_359 : i32
      %lt3A_361 = arith.constant 25 : i32
      %lt3A_362 = arith.cmpi slt, %add3A_360, %lt3A_361 : i32
      %convert_element_type3A_363 = arith.extui %lt3A_362 : i1 to i32
      %cond3A_364 = arith.constant 0 : i32
      %cond3A_365 = arith.cmpi ne, %convert_element_type3A_363, %cond3A_364 : i32
      scf.if %cond3A_365 {
        %add3A_762 = arith.constant 3 : i32
        %add3A_763 = arith.addi %scan3A_341, %add3A_762 : i32
        %jit3A_764 = arith.constant 4 : i32
        %eq3A_765 = arith.constant 0 : i32
        %eq3A_766 = arith.cmpi eq, %jit3A_764, %eq3A_765 : i32
        %jit3A_767 = arith.constant 1 : i32
        %select_n3A_768 = arith.select %eq3A_766, %jit3A_767, %jit3A_764 : i32
        %rem3A_769 = arith.remsi %add3A_763, %select_n3A_768 : i32
        %ne3A_770 = arith.constant 0 : i32
        %ne3A_771 = arith.cmpi ne, %rem3A_769, %ne3A_770 : i32
        %lt3A_772 = arith.constant 0 : i32
        %lt3A_773 = arith.cmpi slt, %rem3A_769, %lt3A_772 : i32
        %lt3A_774 = arith.constant 0 : i32
        %lt3A_775 = arith.cmpi slt, %select_n3A_768, %lt3A_774 : i32
        %ne3A_776 = arith.xori %lt3A_773, %lt3A_775 : i1
        %and3A_777 = arith.andi %ne3A_776, %ne3A_771 : i1
        %add3A_778 = arith.addi %rem3A_769, %select_n3A_768 : i32
        %select_n3A_779 = arith.select %and3A_777, %add3A_778, %rem3A_769 : i32
        %mul3A_780 = arith.constant 125 : i32
        %mul3A_781 = arith.muli %select_n3A_779, %mul3A_780 : i32
        %add3A_782 = arith.constant 375 : i32
        %add3A_783 = arith.addi %add3A_358, %add3A_782 : i32
        %dma_start3A_784 = arith.constant 0 : i32
        %dma_start3A_785 = tpu.memref_slice %arg28[%mul3A_781, %dma_start3A_784] : memref<500x64xf32, #tpu.memory_space<vmem>> -> memref<125x64xf32, #tpu.memory_space<vmem>>
        %dma_start3A_786 = arith.constant 0 : i32
        %dma_start3A_787 = tpu.memref_slice %arg6[%add3A_783, %dma_start3A_786] : memref<100000x64xf32, #tpu.memory_space<hbm>> -> memref<125x64xf32, #tpu.memory_space<hbm>>
        %dma_start3A_788 = arith.constant 0 : i32
        %dma_start3A_789 = tpu.memref_slice %arg28[%mul3A_781, %dma_start3A_788] : memref<500x64xf32, #tpu.memory_space<vmem>> -> memref<125x64xf32, #tpu.memory_space<vmem>>
        %dma_start3A_790 = arith.constant 0 : i32
        %dma_start3A_791 = tpu.memref_slice %arg6[%add3A_783, %dma_start3A_790] : memref<100000x64xf32, #tpu.memory_space<hbm>> -> memref<125x64xf32, #tpu.memory_space<hbm>>
        tpu.enqueue_dma source(%dma_start3A_791 : memref<125x64xf32, #tpu.memory_space<hbm>>) target(%dma_start3A_789 : memref<125x64xf32, #tpu.memory_space<vmem>>) target_semaphore(%arg38 : memref<!tpu.dma_semaphore, #tpu.memory_space<semaphore_mem>>)
      } else {
      }
      %dma_wait3A_366 = arith.constant 0 : i32
      %dma_wait3A_367 = tpu.memref_slice %arg28[%mul3A_355, %dma_wait3A_366] : memref<500x64xf32, #tpu.memory_space<vmem>> -> memref<125x64xf32, #tpu.memory_space<vmem>>
      %dma_wait3A_368 = arith.constant 0 : i32
      %dma_wait3A_369 = tpu.memref_slice %arg6[%add3A_358, %dma_wait3A_368] : memref<100000x64xf32, #tpu.memory_space<hbm>> -> memref<125x64xf32, #tpu.memory_space<hbm>>
      %dma_wait3A_370 = arith.constant 0 : i32
      %dma_wait3A_371 = tpu.memref_slice %arg28[%mul3A_355, %dma_wait3A_370] : memref<500x64xf32, #tpu.memory_space<vmem>> -> memref<125x64xf32, #tpu.memory_space<vmem>>
      %dma_wait3A_372 = arith.constant 0 : i32
      %dma_wait3A_373 = tpu.memref_slice %arg6[%add3A_358, %dma_wait3A_372] : memref<100000x64xf32, #tpu.memory_space<hbm>> -> memref<125x64xf32, #tpu.memory_space<hbm>>
      tpu.wait_dma2 semaphore(%arg38 : memref<!tpu.dma_semaphore, #tpu.memory_space<semaphore_mem>>) src(%dma_wait3A_373 : memref<125x64xf32, #tpu.memory_space<hbm>>) dst(%dma_wait3A_371 : memref<125x64xf32, #tpu.memory_space<vmem>>)
      %swap3A_374 = arith.constant 112 : index
      %swap3A_375 = tpu.vector_load %arg29[%swap3A_374] {strides = array<i32>} : memref<128xf32, #tpu.memory_space<vmem>>, vector<16xf32>,
      tpu.vector_store %arg29[%swap3A_374], %broadcast_in_dim3A_235 {strides = array<i32>} : memref<128xf32, #tpu.memory_space<vmem>>, vector<16xf32>,
      %parallel_loop3A_376 = arith.constant 0 : i32
      %parallel_loop3A_377 = arith.constant 125 : i32
      %parallel_loop3A_378 = arith.constant 1 : i32
      scf.for %parallel_loop3A_762 = %parallel_loop3A_376 to %parallel_loop3A_377 step %parallel_loop3A_378  : i32 {
        %parallel_loop3A_763 = arith.addi %mul3A_355, %parallel_loop3A_762 : i32
        %parallel_loop3A_764 = arith.index_cast %parallel_loop3A_763 : i32 to index
        %parallel_loop3A_765 = arith.constant 0 : index
        %parallel_loop3A_766 = tpu.vector_load %arg28[%parallel_loop3A_764, %parallel_loop3A_765] {strides = array<i32>} : memref<500x64xf32, #tpu.memory_space<vmem>>, vector<16xf32>,
        %parallel_loop3A_767 = arith.addi %mul3A_355, %parallel_loop3A_762 : i32
        %parallel_loop3A_768 = arith.index_cast %parallel_loop3A_767 : i32 to index
        %parallel_loop3A_769 = arith.constant 16 : index
        %parallel_loop3A_770 = tpu.vector_load %arg28[%parallel_loop3A_768, %parallel_loop3A_769] {strides = array<i32>} : memref<500x64xf32, #tpu.memory_space<vmem>>, vector<16xf32>,
        %parallel_loop3A_771 = arith.addi %mul3A_355, %parallel_loop3A_762 : i32
        %parallel_loop3A_772 = arith.index_cast %parallel_loop3A_771 : i32 to index
        %parallel_loop3A_773 = arith.constant 32 : index
        %parallel_loop3A_774 = tpu.vector_load %arg28[%parallel_loop3A_772, %parallel_loop3A_773] {strides = array<i32>} : memref<500x64xf32, #tpu.memory_space<vmem>>, vector<16xf32>,
        %parallel_loop3A_775 = arith.addi %mul3A_355, %parallel_loop3A_762 : i32
        %parallel_loop3A_776 = arith.index_cast %parallel_loop3A_775 : i32 to index
        %parallel_loop3A_777 = arith.constant 48 : index
        %parallel_loop3A_778 = tpu.vector_load %arg28[%parallel_loop3A_776, %parallel_loop3A_777] {strides = array<i32>} : memref<500x64xf32, #tpu.memory_space<vmem>>, vector<16xf32>,
        %parallel_loop3A_779 = arith.mulf %parallel_loop3A_766, %parallel_loop3A_766 : vector<16xf32>
        %parallel_loop3A_780 = arith.mulf %parallel_loop3A_770, %parallel_loop3A_770 : vector<16xf32>
        %parallel_loop3A_781 = arith.addf %parallel_loop3A_779, %parallel_loop3A_780 : vector<16xf32>
        %parallel_loop3A_782 = arith.mulf %parallel_loop3A_774, %parallel_loop3A_774 : vector<16xf32>
        %parallel_loop3A_783 = arith.addf %parallel_loop3A_781, %parallel_loop3A_782 : vector<16xf32>
        %parallel_loop3A_784 = arith.mulf %parallel_loop3A_778, %parallel_loop3A_778 : vector<16xf32>
        %parallel_loop3A_785 = arith.addf %parallel_loop3A_783, %parallel_loop3A_784 : vector<16xf32>
        %parallel_loop3A_786 = vector.broadcast %parallel_loop3A_762 : i32 to vector<16xi32>
        %parallel_loop3A_787 = arith.constant true
        %parallel_loop3A_788 = vector.broadcast %parallel_loop3A_787 : i1 to vector<16xi1>
        %parallel_loop3A_789 = tpu.scan <sum>, %parallel_loop3A_785 masked %parallel_loop3A_788 : vector<16xf32>, vector<16xi1> -> vector<16xf32>
        %parallel_loop3A_790 = vector.extract %parallel_loop3A_789[15] : f32 from vector<16xf32>
        %parallel_loop3A_791 = vector.broadcast %parallel_loop3A_790 : f32 to vector<16xf32>
        tpu.vector_store_idx %arg29[%parallel_loop3A_786], %parallel_loop3A_791 masked %eq3A_18 : memref<128xf32, #tpu.memory_space<vmem>>[vector<16xi32>], vector<16xf32>, vector<16xi1>
      } {sc.loop_unroll_factor = 4 : i64, sc.parallel_access}
      %get3A_379 = arith.constant 0 : index
      %get3A_380 = tpu.vector_load %arg29[%get3A_379] {strides = array<i32>} : memref<128xf32, #tpu.memory_space<vmem>>, vector<16xf32>,
      %max3A = arith.constant 1.000000e+00 : f32
      %max3A_381 = vector.broadcast %max3A : f32 to vector<16xf32>
      %max3A_382 = arith.maximumf %get3A_380, %max3A_381 : vector<16xf32>
      %bitcast3A_383 = vector.bitcast %max3A_382 : vector<16xf32> to vector<16xi32>
      %shift_right_arithmetic3A_384 = arith.constant 1 : i32
      %shift_right_arithmetic3A_385 = vector.broadcast %shift_right_arithmetic3A_384 : i32 to vector<16xi32>
      %shift_right_arithmetic3A_386 = arith.shrsi %bitcast3A_383, %shift_right_arithmetic3A_385 : vector<16xi32>
      %sub3A_387 = arith.constant 1597463007 : i32
      %sub3A_388 = vector.broadcast %sub3A_387 : i32 to vector<16xi32>
      %sub3A_389 = arith.subi %sub3A_388, %shift_right_arithmetic3A_386 : vector<16xi32>
      %bitcast3A_390 = vector.bitcast %sub3A_389 : vector<16xi32> to vector<16xf32>
      %mul3A_391 = arith.constant 5.000000e-01 : f32
      %mul3A_392 = vector.broadcast %mul3A_391 : f32 to vector<16xf32>
      %mul3A_393 = arith.mulf %mul3A_392, %max3A_382 : vector<16xf32>
      %mul3A_394 = arith.mulf %mul3A_393, %bitcast3A_390 : vector<16xf32>
      %mul3A_395 = arith.mulf %mul3A_394, %bitcast3A_390 : vector<16xf32>
      %sub3A_396 = arith.constant 1.500000e+00 : f32
      %sub3A_397 = vector.broadcast %sub3A_396 : f32 to vector<16xf32>
      %sub3A_398 = arith.subf %sub3A_397, %mul3A_395 : vector<16xf32>
      %mul3A_399 = arith.mulf %bitcast3A_390, %sub3A_398 : vector<16xf32>
      %mul3A_400 = arith.constant 5.000000e-01 : f32
      %mul3A_401 = vector.broadcast %mul3A_400 : f32 to vector<16xf32>
      %mul3A_402 = arith.mulf %mul3A_401, %max3A_382 : vector<16xf32>
      %mul3A_403 = arith.mulf %mul3A_402, %mul3A_399 : vector<16xf32>
      %mul3A_404 = arith.mulf %mul3A_403, %mul3A_399 : vector<16xf32>
      %sub3A_405 = arith.constant 1.500000e+00 : f32
      %sub3A_406 = vector.broadcast %sub3A_405 : f32 to vector<16xf32>
      %sub3A_407 = arith.subf %sub3A_406, %mul3A_404 : vector<16xf32>
      %mul3A_408 = arith.mulf %mul3A_399, %sub3A_407 : vector<16xf32>
      %mul3A_409 = arith.constant 5.000000e-01 : f32
      %mul3A_410 = vector.broadcast %mul3A_409 : f32 to vector<16xf32>
      %mul3A_411 = arith.mulf %mul3A_410, %max3A_382 : vector<16xf32>
      %mul3A_412 = arith.mulf %mul3A_411, %mul3A_408 : vector<16xf32>
      %mul3A_413 = arith.mulf %mul3A_412, %mul3A_408 : vector<16xf32>
      %sub3A_414 = arith.constant 1.500000e+00 : f32
      %sub3A_415 = vector.broadcast %sub3A_414 : f32 to vector<16xf32>
      %sub3A_416 = arith.subf %sub3A_415, %mul3A_413 : vector<16xf32>
      %mul3A_417 = arith.mulf %mul3A_408, %sub3A_416 : vector<16xf32>
      %mul3A_418 = arith.mulf %max3A_382, %mul3A_417 : vector<16xf32>
      %sub3A_419 = arith.constant 1.000000e+00 : f32
      %sub3A_420 = vector.broadcast %sub3A_419 : f32 to vector<16xf32>
      %sub3A_421 = arith.subf %mul3A_418, %sub3A_420 : vector<16xf32>
      %max3A_422 = arith.constant 0.000000e+00 : f32
      %max3A_423 = vector.broadcast %max3A_422 : f32 to vector<16xf32>
      %max3A_424 = arith.maximumf %sub3A_421, %max3A_423 : vector<16xf32>
      %add3A_425 = arith.addf %scan3A_342, %max3A_424 : vector<16xf32>
      %get3A_426 = arith.constant 16 : index
      %get3A_427 = tpu.vector_load %arg29[%get3A_426] {strides = array<i32>} : memref<128xf32, #tpu.memory_space<vmem>>, vector<16xf32>,
      %max3A_428 = arith.constant 1.000000e+00 : f32
      %max3A_429 = vector.broadcast %max3A_428 : f32 to vector<16xf32>
      %max3A_430 = arith.maximumf %get3A_427, %max3A_429 : vector<16xf32>
      %bitcast3A_431 = vector.bitcast %max3A_430 : vector<16xf32> to vector<16xi32>
      %shift_right_arithmetic3A_432 = arith.constant 1 : i32
      %shift_right_arithmetic3A_433 = vector.broadcast %shift_right_arithmetic3A_432 : i32 to vector<16xi32>
      %shift_right_arithmetic3A_434 = arith.shrsi %bitcast3A_431, %shift_right_arithmetic3A_433 : vector<16xi32>
      %sub3A_435 = arith.constant 1597463007 : i32
      %sub3A_436 = vector.broadcast %sub3A_435 : i32 to vector<16xi32>
      %sub3A_437 = arith.subi %sub3A_436, %shift_right_arithmetic3A_434 : vector<16xi32>
      %bitcast3A_438 = vector.bitcast %sub3A_437 : vector<16xi32> to vector<16xf32>
      %mul3A_439 = arith.constant 5.000000e-01 : f32
      %mul3A_440 = vector.broadcast %mul3A_439 : f32 to vector<16xf32>
      %mul3A_441 = arith.mulf %mul3A_440, %max3A_430 : vector<16xf32>
      %mul3A_442 = arith.mulf %mul3A_441, %bitcast3A_438 : vector<16xf32>
      %mul3A_443 = arith.mulf %mul3A_442, %bitcast3A_438 : vector<16xf32>
      %sub3A_444 = arith.constant 1.500000e+00 : f32
      %sub3A_445 = vector.broadcast %sub3A_444 : f32 to vector<16xf32>
      %sub3A_446 = arith.subf %sub3A_445, %mul3A_443 : vector<16xf32>
      %mul3A_447 = arith.mulf %bitcast3A_438, %sub3A_446 : vector<16xf32>
      %mul3A_448 = arith.constant 5.000000e-01 : f32
      %mul3A_449 = vector.broadcast %mul3A_448 : f32 to vector<16xf32>
      %mul3A_450 = arith.mulf %mul3A_449, %max3A_430 : vector<16xf32>
      %mul3A_451 = arith.mulf %mul3A_450, %mul3A_447 : vector<16xf32>
      %mul3A_452 = arith.mulf %mul3A_451, %mul3A_447 : vector<16xf32>
      %sub3A_453 = arith.constant 1.500000e+00 : f32
      %sub3A_454 = vector.broadcast %sub3A_453 : f32 to vector<16xf32>
      %sub3A_455 = arith.subf %sub3A_454, %mul3A_452 : vector<16xf32>
      %mul3A_456 = arith.mulf %mul3A_447, %sub3A_455 : vector<16xf32>
      %mul3A_457 = arith.constant 5.000000e-01 : f32
      %mul3A_458 = vector.broadcast %mul3A_457 : f32 to vector<16xf32>
      %mul3A_459 = arith.mulf %mul3A_458, %max3A_430 : vector<16xf32>
      %mul3A_460 = arith.mulf %mul3A_459, %mul3A_456 : vector<16xf32>
      %mul3A_461 = arith.mulf %mul3A_460, %mul3A_456 : vector<16xf32>
      %sub3A_462 = arith.constant 1.500000e+00 : f32
      %sub3A_463 = vector.broadcast %sub3A_462 : f32 to vector<16xf32>
      %sub3A_464 = arith.subf %sub3A_463, %mul3A_461 : vector<16xf32>
      %mul3A_465 = arith.mulf %mul3A_456, %sub3A_464 : vector<16xf32>
      %mul3A_466 = arith.mulf %max3A_430, %mul3A_465 : vector<16xf32>
      %sub3A_467 = arith.constant 1.000000e+00 : f32
      %sub3A_468 = vector.broadcast %sub3A_467 : f32 to vector<16xf32>
      %sub3A_469 = arith.subf %mul3A_466, %sub3A_468 : vector<16xf32>
      %max3A_470 = arith.constant 0.000000e+00 : f32
      %max3A_471 = vector.broadcast %max3A_470 : f32 to vector<16xf32>
      %max3A_472 = arith.maximumf %sub3A_469, %max3A_471 : vector<16xf32>
      %add3A_473 = arith.addf %add3A_425, %max3A_472 : vector<16xf32>
      %get3A_474 = arith.constant 32 : index
      %get3A_475 = tpu.vector_load %arg29[%get3A_474] {strides = array<i32>} : memref<128xf32, #tpu.memory_space<vmem>>, vector<16xf32>,
      %max3A_476 = arith.constant 1.000000e+00 : f32
      %max3A_477 = vector.broadcast %max3A_476 : f32 to vector<16xf32>
      %max3A_478 = arith.maximumf %get3A_475, %max3A_477 : vector<16xf32>
      %bitcast3A_479 = vector.bitcast %max3A_478 : vector<16xf32> to vector<16xi32>
      %shift_right_arithmetic3A_480 = arith.constant 1 : i32
      %shift_right_arithmetic3A_481 = vector.broadcast %shift_right_arithmetic3A_480 : i32 to vector<16xi32>
      %shift_right_arithmetic3A_482 = arith.shrsi %bitcast3A_479, %shift_right_arithmetic3A_481 : vector<16xi32>
      %sub3A_483 = arith.constant 1597463007 : i32
      %sub3A_484 = vector.broadcast %sub3A_483 : i32 to vector<16xi32>
      %sub3A_485 = arith.subi %sub3A_484, %shift_right_arithmetic3A_482 : vector<16xi32>
      %bitcast3A_486 = vector.bitcast %sub3A_485 : vector<16xi32> to vector<16xf32>
      %mul3A_487 = arith.constant 5.000000e-01 : f32
      %mul3A_488 = vector.broadcast %mul3A_487 : f32 to vector<16xf32>
      %mul3A_489 = arith.mulf %mul3A_488, %max3A_478 : vector<16xf32>
      %mul3A_490 = arith.mulf %mul3A_489, %bitcast3A_486 : vector<16xf32>
      %mul3A_491 = arith.mulf %mul3A_490, %bitcast3A_486 : vector<16xf32>
      %sub3A_492 = arith.constant 1.500000e+00 : f32
      %sub3A_493 = vector.broadcast %sub3A_492 : f32 to vector<16xf32>
      %sub3A_494 = arith.subf %sub3A_493, %mul3A_491 : vector<16xf32>
      %mul3A_495 = arith.mulf %bitcast3A_486, %sub3A_494 : vector<16xf32>
      %mul3A_496 = arith.constant 5.000000e-01 : f32
      %mul3A_497 = vector.broadcast %mul3A_496 : f32 to vector<16xf32>
      %mul3A_498 = arith.mulf %mul3A_497, %max3A_478 : vector<16xf32>
      %mul3A_499 = arith.mulf %mul3A_498, %mul3A_495 : vector<16xf32>
      %mul3A_500 = arith.mulf %mul3A_499, %mul3A_495 : vector<16xf32>
      %sub3A_501 = arith.constant 1.500000e+00 : f32
      %sub3A_502 = vector.broadcast %sub3A_501 : f32 to vector<16xf32>
      %sub3A_503 = arith.subf %sub3A_502, %mul3A_500 : vector<16xf32>
      %mul3A_504 = arith.mulf %mul3A_495, %sub3A_503 : vector<16xf32>
      %mul3A_505 = arith.constant 5.000000e-01 : f32
      %mul3A_506 = vector.broadcast %mul3A_505 : f32 to vector<16xf32>
      %mul3A_507 = arith.mulf %mul3A_506, %max3A_478 : vector<16xf32>
      %mul3A_508 = arith.mulf %mul3A_507, %mul3A_504 : vector<16xf32>
      %mul3A_509 = arith.mulf %mul3A_508, %mul3A_504 : vector<16xf32>
      %sub3A_510 = arith.constant 1.500000e+00 : f32
      %sub3A_511 = vector.broadcast %sub3A_510 : f32 to vector<16xf32>
      %sub3A_512 = arith.subf %sub3A_511, %mul3A_509 : vector<16xf32>
      %mul3A_513 = arith.mulf %mul3A_504, %sub3A_512 : vector<16xf32>
      %mul3A_514 = arith.mulf %max3A_478, %mul3A_513 : vector<16xf32>
      %sub3A_515 = arith.constant 1.000000e+00 : f32
      %sub3A_516 = vector.broadcast %sub3A_515 : f32 to vector<16xf32>
      %sub3A_517 = arith.subf %mul3A_514, %sub3A_516 : vector<16xf32>
      %max3A_518 = arith.constant 0.000000e+00 : f32
      %max3A_519 = vector.broadcast %max3A_518 : f32 to vector<16xf32>
      %max3A_520 = arith.maximumf %sub3A_517, %max3A_519 : vector<16xf32>
      %add3A_521 = arith.addf %add3A_473, %max3A_520 : vector<16xf32>
      %get3A_522 = arith.constant 48 : index
      %get3A_523 = tpu.vector_load %arg29[%get3A_522] {strides = array<i32>} : memref<128xf32, #tpu.memory_space<vmem>>, vector<16xf32>,
      %max3A_524 = arith.constant 1.000000e+00 : f32
      %max3A_525 = vector.broadcast %max3A_524 : f32 to vector<16xf32>
      %max3A_526 = arith.maximumf %get3A_523, %max3A_525 : vector<16xf32>
      %bitcast3A_527 = vector.bitcast %max3A_526 : vector<16xf32> to vector<16xi32>
      %shift_right_arithmetic3A_528 = arith.constant 1 : i32
      %shift_right_arithmetic3A_529 = vector.broadcast %shift_right_arithmetic3A_528 : i32 to vector<16xi32>
      %shift_right_arithmetic3A_530 = arith.shrsi %bitcast3A_527, %shift_right_arithmetic3A_529 : vector<16xi32>
      %sub3A_531 = arith.constant 1597463007 : i32
      %sub3A_532 = vector.broadcast %sub3A_531 : i32 to vector<16xi32>
      %sub3A_533 = arith.subi %sub3A_532, %shift_right_arithmetic3A_530 : vector<16xi32>
      %bitcast3A_534 = vector.bitcast %sub3A_533 : vector<16xi32> to vector<16xf32>
      %mul3A_535 = arith.constant 5.000000e-01 : f32
      %mul3A_536 = vector.broadcast %mul3A_535 : f32 to vector<16xf32>
      %mul3A_537 = arith.mulf %mul3A_536, %max3A_526 : vector<16xf32>
      %mul3A_538 = arith.mulf %mul3A_537, %bitcast3A_534 : vector<16xf32>
      %mul3A_539 = arith.mulf %mul3A_538, %bitcast3A_534 : vector<16xf32>
      %sub3A_540 = arith.constant 1.500000e+00 : f32
      %sub3A_541 = vector.broadcast %sub3A_540 : f32 to vector<16xf32>
      %sub3A_542 = arith.subf %sub3A_541, %mul3A_539 : vector<16xf32>
      %mul3A_543 = arith.mulf %bitcast3A_534, %sub3A_542 : vector<16xf32>
      %mul3A_544 = arith.constant 5.000000e-01 : f32
      %mul3A_545 = vector.broadcast %mul3A_544 : f32 to vector<16xf32>
      %mul3A_546 = arith.mulf %mul3A_545, %max3A_526 : vector<16xf32>
      %mul3A_547 = arith.mulf %mul3A_546, %mul3A_543 : vector<16xf32>
      %mul3A_548 = arith.mulf %mul3A_547, %mul3A_543 : vector<16xf32>
      %sub3A_549 = arith.constant 1.500000e+00 : f32
      %sub3A_550 = vector.broadcast %sub3A_549 : f32 to vector<16xf32>
      %sub3A_551 = arith.subf %sub3A_550, %mul3A_548 : vector<16xf32>
      %mul3A_552 = arith.mulf %mul3A_543, %sub3A_551 : vector<16xf32>
      %mul3A_553 = arith.constant 5.000000e-01 : f32
      %mul3A_554 = vector.broadcast %mul3A_553 : f32 to vector<16xf32>
      %mul3A_555 = arith.mulf %mul3A_554, %max3A_526 : vector<16xf32>
      %mul3A_556 = arith.mulf %mul3A_555, %mul3A_552 : vector<16xf32>
      %mul3A_557 = arith.mulf %mul3A_556, %mul3A_552 : vector<16xf32>
      %sub3A_558 = arith.constant 1.500000e+00 : f32
      %sub3A_559 = vector.broadcast %sub3A_558 : f32 to vector<16xf32>
      %sub3A_560 = arith.subf %sub3A_559, %mul3A_557 : vector<16xf32>
      %mul3A_561 = arith.mulf %mul3A_552, %sub3A_560 : vector<16xf32>
      %mul3A_562 = arith.mulf %max3A_526, %mul3A_561 : vector<16xf32>
      %sub3A_563 = arith.constant 1.000000e+00 : f32
      %sub3A_564 = vector.broadcast %sub3A_563 : f32 to vector<16xf32>
      %sub3A_565 = arith.subf %mul3A_562, %sub3A_564 : vector<16xf32>
      %max3A_566 = arith.constant 0.000000e+00 : f32
      %max3A_567 = vector.broadcast %max3A_566 : f32 to vector<16xf32>
      %max3A_568 = arith.maximumf %sub3A_565, %max3A_567 : vector<16xf32>
      %add3A_569 = arith.addf %add3A_521, %max3A_568 : vector<16xf32>
      %get3A_570 = arith.constant 64 : index
      %get3A_571 = tpu.vector_load %arg29[%get3A_570] {strides = array<i32>} : memref<128xf32, #tpu.memory_space<vmem>>, vector<16xf32>,
      %max3A_572 = arith.constant 1.000000e+00 : f32
      %max3A_573 = vector.broadcast %max3A_572 : f32 to vector<16xf32>
      %max3A_574 = arith.maximumf %get3A_571, %max3A_573 : vector<16xf32>
      %bitcast3A_575 = vector.bitcast %max3A_574 : vector<16xf32> to vector<16xi32>
      %shift_right_arithmetic3A_576 = arith.constant 1 : i32
      %shift_right_arithmetic3A_577 = vector.broadcast %shift_right_arithmetic3A_576 : i32 to vector<16xi32>
      %shift_right_arithmetic3A_578 = arith.shrsi %bitcast3A_575, %shift_right_arithmetic3A_577 : vector<16xi32>
      %sub3A_579 = arith.constant 1597463007 : i32
      %sub3A_580 = vector.broadcast %sub3A_579 : i32 to vector<16xi32>
      %sub3A_581 = arith.subi %sub3A_580, %shift_right_arithmetic3A_578 : vector<16xi32>
      %bitcast3A_582 = vector.bitcast %sub3A_581 : vector<16xi32> to vector<16xf32>
      %mul3A_583 = arith.constant 5.000000e-01 : f32
      %mul3A_584 = vector.broadcast %mul3A_583 : f32 to vector<16xf32>
      %mul3A_585 = arith.mulf %mul3A_584, %max3A_574 : vector<16xf32>
      %mul3A_586 = arith.mulf %mul3A_585, %bitcast3A_582 : vector<16xf32>
      %mul3A_587 = arith.mulf %mul3A_586, %bitcast3A_582 : vector<16xf32>
      %sub3A_588 = arith.constant 1.500000e+00 : f32
      %sub3A_589 = vector.broadcast %sub3A_588 : f32 to vector<16xf32>
      %sub3A_590 = arith.subf %sub3A_589, %mul3A_587 : vector<16xf32>
      %mul3A_591 = arith.mulf %bitcast3A_582, %sub3A_590 : vector<16xf32>
      %mul3A_592 = arith.constant 5.000000e-01 : f32
      %mul3A_593 = vector.broadcast %mul3A_592 : f32 to vector<16xf32>
      %mul3A_594 = arith.mulf %mul3A_593, %max3A_574 : vector<16xf32>
      %mul3A_595 = arith.mulf %mul3A_594, %mul3A_591 : vector<16xf32>
      %mul3A_596 = arith.mulf %mul3A_595, %mul3A_591 : vector<16xf32>
      %sub3A_597 = arith.constant 1.500000e+00 : f32
      %sub3A_598 = vector.broadcast %sub3A_597 : f32 to vector<16xf32>
      %sub3A_599 = arith.subf %sub3A_598, %mul3A_596 : vector<16xf32>
      %mul3A_600 = arith.mulf %mul3A_591, %sub3A_599 : vector<16xf32>
      %mul3A_601 = arith.constant 5.000000e-01 : f32
      %mul3A_602 = vector.broadcast %mul3A_601 : f32 to vector<16xf32>
      %mul3A_603 = arith.mulf %mul3A_602, %max3A_574 : vector<16xf32>
      %mul3A_604 = arith.mulf %mul3A_603, %mul3A_600 : vector<16xf32>
      %mul3A_605 = arith.mulf %mul3A_604, %mul3A_600 : vector<16xf32>
      %sub3A_606 = arith.constant 1.500000e+00 : f32
      %sub3A_607 = vector.broadcast %sub3A_606 : f32 to vector<16xf32>
      %sub3A_608 = arith.subf %sub3A_607, %mul3A_605 : vector<16xf32>
      %mul3A_609 = arith.mulf %mul3A_600, %sub3A_608 : vector<16xf32>
      %mul3A_610 = arith.mulf %max3A_574, %mul3A_609 : vector<16xf32>
      %sub3A_611 = arith.constant 1.000000e+00 : f32
      %sub3A_612 = vector.broadcast %sub3A_611 : f32 to vector<16xf32>
      %sub3A_613 = arith.subf %mul3A_610, %sub3A_612 : vector<16xf32>
      %max3A_614 = arith.constant 0.000000e+00 : f32
      %max3A_615 = vector.broadcast %max3A_614 : f32 to vector<16xf32>
      %max3A_616 = arith.maximumf %sub3A_613, %max3A_615 : vector<16xf32>
      %add3A_617 = arith.addf %add3A_569, %max3A_616 : vector<16xf32>
      %get3A_618 = arith.constant 80 : index
      %get3A_619 = tpu.vector_load %arg29[%get3A_618] {strides = array<i32>} : memref<128xf32, #tpu.memory_space<vmem>>, vector<16xf32>,
      %max3A_620 = arith.constant 1.000000e+00 : f32
      %max3A_621 = vector.broadcast %max3A_620 : f32 to vector<16xf32>
      %max3A_622 = arith.maximumf %get3A_619, %max3A_621 : vector<16xf32>
      %bitcast3A_623 = vector.bitcast %max3A_622 : vector<16xf32> to vector<16xi32>
      %shift_right_arithmetic3A_624 = arith.constant 1 : i32
      %shift_right_arithmetic3A_625 = vector.broadcast %shift_right_arithmetic3A_624 : i32 to vector<16xi32>
      %shift_right_arithmetic3A_626 = arith.shrsi %bitcast3A_623, %shift_right_arithmetic3A_625 : vector<16xi32>
      %sub3A_627 = arith.constant 1597463007 : i32
      %sub3A_628 = vector.broadcast %sub3A_627 : i32 to vector<16xi32>
      %sub3A_629 = arith.subi %sub3A_628, %shift_right_arithmetic3A_626 : vector<16xi32>
      %bitcast3A_630 = vector.bitcast %sub3A_629 : vector<16xi32> to vector<16xf32>
      %mul3A_631 = arith.constant 5.000000e-01 : f32
      %mul3A_632 = vector.broadcast %mul3A_631 : f32 to vector<16xf32>
      %mul3A_633 = arith.mulf %mul3A_632, %max3A_622 : vector<16xf32>
      %mul3A_634 = arith.mulf %mul3A_633, %bitcast3A_630 : vector<16xf32>
      %mul3A_635 = arith.mulf %mul3A_634, %bitcast3A_630 : vector<16xf32>
      %sub3A_636 = arith.constant 1.500000e+00 : f32
      %sub3A_637 = vector.broadcast %sub3A_636 : f32 to vector<16xf32>
      %sub3A_638 = arith.subf %sub3A_637, %mul3A_635 : vector<16xf32>
      %mul3A_639 = arith.mulf %bitcast3A_630, %sub3A_638 : vector<16xf32>
      %mul3A_640 = arith.constant 5.000000e-01 : f32
      %mul3A_641 = vector.broadcast %mul3A_640 : f32 to vector<16xf32>
      %mul3A_642 = arith.mulf %mul3A_641, %max3A_622 : vector<16xf32>
      %mul3A_643 = arith.mulf %mul3A_642, %mul3A_639 : vector<16xf32>
      %mul3A_644 = arith.mulf %mul3A_643, %mul3A_639 : vector<16xf32>
      %sub3A_645 = arith.constant 1.500000e+00 : f32
      %sub3A_646 = vector.broadcast %sub3A_645 : f32 to vector<16xf32>
      %sub3A_647 = arith.subf %sub3A_646, %mul3A_644 : vector<16xf32>
      %mul3A_648 = arith.mulf %mul3A_639, %sub3A_647 : vector<16xf32>
      %mul3A_649 = arith.constant 5.000000e-01 : f32
      %mul3A_650 = vector.broadcast %mul3A_649 : f32 to vector<16xf32>
      %mul3A_651 = arith.mulf %mul3A_650, %max3A_622 : vector<16xf32>
      %mul3A_652 = arith.mulf %mul3A_651, %mul3A_648 : vector<16xf32>
      %mul3A_653 = arith.mulf %mul3A_652, %mul3A_648 : vector<16xf32>
      %sub3A_654 = arith.constant 1.500000e+00 : f32
      %sub3A_655 = vector.broadcast %sub3A_654 : f32 to vector<16xf32>
      %sub3A_656 = arith.subf %sub3A_655, %mul3A_653 : vector<16xf32>
      %mul3A_657 = arith.mulf %mul3A_648, %sub3A_656 : vector<16xf32>
      %mul3A_658 = arith.mulf %max3A_622, %mul3A_657 : vector<16xf32>
      %sub3A_659 = arith.constant 1.000000e+00 : f32
      %sub3A_660 = vector.broadcast %sub3A_659 : f32 to vector<16xf32>
      %sub3A_661 = arith.subf %mul3A_658, %sub3A_660 : vector<16xf32>
      %max3A_662 = arith.constant 0.000000e+00 : f32
      %max3A_663 = vector.broadcast %max3A_662 : f32 to vector<16xf32>
      %max3A_664 = arith.maximumf %sub3A_661, %max3A_663 : vector<16xf32>
      %add3A_665 = arith.addf %add3A_617, %max3A_664 : vector<16xf32>
      %get3A_666 = arith.constant 96 : index
      %get3A_667 = tpu.vector_load %arg29[%get3A_666] {strides = array<i32>} : memref<128xf32, #tpu.memory_space<vmem>>, vector<16xf32>,
      %max3A_668 = arith.constant 1.000000e+00 : f32
      %max3A_669 = vector.broadcast %max3A_668 : f32 to vector<16xf32>
      %max3A_670 = arith.maximumf %get3A_667, %max3A_669 : vector<16xf32>
      %bitcast3A_671 = vector.bitcast %max3A_670 : vector<16xf32> to vector<16xi32>
      %shift_right_arithmetic3A_672 = arith.constant 1 : i32
      %shift_right_arithmetic3A_673 = vector.broadcast %shift_right_arithmetic3A_672 : i32 to vector<16xi32>
      %shift_right_arithmetic3A_674 = arith.shrsi %bitcast3A_671, %shift_right_arithmetic3A_673 : vector<16xi32>
      %sub3A_675 = arith.constant 1597463007 : i32
      %sub3A_676 = vector.broadcast %sub3A_675 : i32 to vector<16xi32>
      %sub3A_677 = arith.subi %sub3A_676, %shift_right_arithmetic3A_674 : vector<16xi32>
      %bitcast3A_678 = vector.bitcast %sub3A_677 : vector<16xi32> to vector<16xf32>
      %mul3A_679 = arith.constant 5.000000e-01 : f32
      %mul3A_680 = vector.broadcast %mul3A_679 : f32 to vector<16xf32>
      %mul3A_681 = arith.mulf %mul3A_680, %max3A_670 : vector<16xf32>
      %mul3A_682 = arith.mulf %mul3A_681, %bitcast3A_678 : vector<16xf32>
      %mul3A_683 = arith.mulf %mul3A_682, %bitcast3A_678 : vector<16xf32>
      %sub3A_684 = arith.constant 1.500000e+00 : f32
      %sub3A_685 = vector.broadcast %sub3A_684 : f32 to vector<16xf32>
      %sub3A_686 = arith.subf %sub3A_685, %mul3A_683 : vector<16xf32>
      %mul3A_687 = arith.mulf %bitcast3A_678, %sub3A_686 : vector<16xf32>
      %mul3A_688 = arith.constant 5.000000e-01 : f32
      %mul3A_689 = vector.broadcast %mul3A_688 : f32 to vector<16xf32>
      %mul3A_690 = arith.mulf %mul3A_689, %max3A_670 : vector<16xf32>
      %mul3A_691 = arith.mulf %mul3A_690, %mul3A_687 : vector<16xf32>
      %mul3A_692 = arith.mulf %mul3A_691, %mul3A_687 : vector<16xf32>
      %sub3A_693 = arith.constant 1.500000e+00 : f32
      %sub3A_694 = vector.broadcast %sub3A_693 : f32 to vector<16xf32>
      %sub3A_695 = arith.subf %sub3A_694, %mul3A_692 : vector<16xf32>
      %mul3A_696 = arith.mulf %mul3A_687, %sub3A_695 : vector<16xf32>
      %mul3A_697 = arith.constant 5.000000e-01 : f32
      %mul3A_698 = vector.broadcast %mul3A_697 : f32 to vector<16xf32>
      %mul3A_699 = arith.mulf %mul3A_698, %max3A_670 : vector<16xf32>
      %mul3A_700 = arith.mulf %mul3A_699, %mul3A_696 : vector<16xf32>
      %mul3A_701 = arith.mulf %mul3A_700, %mul3A_696 : vector<16xf32>
      %sub3A_702 = arith.constant 1.500000e+00 : f32
      %sub3A_703 = vector.broadcast %sub3A_702 : f32 to vector<16xf32>
      %sub3A_704 = arith.subf %sub3A_703, %mul3A_701 : vector<16xf32>
      %mul3A_705 = arith.mulf %mul3A_696, %sub3A_704 : vector<16xf32>
      %mul3A_706 = arith.mulf %max3A_670, %mul3A_705 : vector<16xf32>
      %sub3A_707 = arith.constant 1.000000e+00 : f32
      %sub3A_708 = vector.broadcast %sub3A_707 : f32 to vector<16xf32>
      %sub3A_709 = arith.subf %mul3A_706, %sub3A_708 : vector<16xf32>
      %max3A_710 = arith.constant 0.000000e+00 : f32
      %max3A_711 = vector.broadcast %max3A_710 : f32 to vector<16xf32>
      %max3A_712 = arith.maximumf %sub3A_709, %max3A_711 : vector<16xf32>
      %add3A_713 = arith.addf %add3A_665, %max3A_712 : vector<16xf32>
      %get3A_714 = arith.constant 112 : index
      %get3A_715 = tpu.vector_load %arg29[%get3A_714] {strides = array<i32>} : memref<128xf32, #tpu.memory_space<vmem>>, vector<16xf32>,
      %max3A_716 = arith.constant 1.000000e+00 : f32
      %max3A_717 = vector.broadcast %max3A_716 : f32 to vector<16xf32>
      %max3A_718 = arith.maximumf %get3A_715, %max3A_717 : vector<16xf32>
      %bitcast3A_719 = vector.bitcast %max3A_718 : vector<16xf32> to vector<16xi32>
      %shift_right_arithmetic3A_720 = arith.constant 1 : i32
      %shift_right_arithmetic3A_721 = vector.broadcast %shift_right_arithmetic3A_720 : i32 to vector<16xi32>
      %shift_right_arithmetic3A_722 = arith.shrsi %bitcast3A_719, %shift_right_arithmetic3A_721 : vector<16xi32>
      %sub3A_723 = arith.constant 1597463007 : i32
      %sub3A_724 = vector.broadcast %sub3A_723 : i32 to vector<16xi32>
      %sub3A_725 = arith.subi %sub3A_724, %shift_right_arithmetic3A_722 : vector<16xi32>
      %bitcast3A_726 = vector.bitcast %sub3A_725 : vector<16xi32> to vector<16xf32>
      %mul3A_727 = arith.constant 5.000000e-01 : f32
      %mul3A_728 = vector.broadcast %mul3A_727 : f32 to vector<16xf32>
      %mul3A_729 = arith.mulf %mul3A_728, %max3A_718 : vector<16xf32>
      %mul3A_730 = arith.mulf %mul3A_729, %bitcast3A_726 : vector<16xf32>
      %mul3A_731 = arith.mulf %mul3A_730, %bitcast3A_726 : vector<16xf32>
      %sub3A_732 = arith.constant 1.500000e+00 : f32
      %sub3A_733 = vector.broadcast %sub3A_732 : f32 to vector<16xf32>
      %sub3A_734 = arith.subf %sub3A_733, %mul3A_731 : vector<16xf32>
      %mul3A_735 = arith.mulf %bitcast3A_726, %sub3A_734 : vector<16xf32>
      %mul3A_736 = arith.constant 5.000000e-01 : f32
      %mul3A_737 = vector.broadcast %mul3A_736 : f32 to vector<16xf32>
      %mul3A_738 = arith.mulf %mul3A_737, %max3A_718 : vector<16xf32>
      %mul3A_739 = arith.mulf %mul3A_738, %mul3A_735 : vector<16xf32>
      %mul3A_740 = arith.mulf %mul3A_739, %mul3A_735 : vector<16xf32>
      %sub3A_741 = arith.constant 1.500000e+00 : f32
      %sub3A_742 = vector.broadcast %sub3A_741 : f32 to vector<16xf32>
      %sub3A_743 = arith.subf %sub3A_742, %mul3A_740 : vector<16xf32>
      %mul3A_744 = arith.mulf %mul3A_735, %sub3A_743 : vector<16xf32>
      %mul3A_745 = arith.constant 5.000000e-01 : f32
      %mul3A_746 = vector.broadcast %mul3A_745 : f32 to vector<16xf32>
      %mul3A_747 = arith.mulf %mul3A_746, %max3A_718 : vector<16xf32>
      %mul3A_748 = arith.mulf %mul3A_747, %mul3A_744 : vector<16xf32>
      %mul3A_749 = arith.mulf %mul3A_748, %mul3A_744 : vector<16xf32>
      %sub3A_750 = arith.constant 1.500000e+00 : f32
      %sub3A_751 = vector.broadcast %sub3A_750 : f32 to vector<16xf32>
      %sub3A_752 = arith.subf %sub3A_751, %mul3A_749 : vector<16xf32>
      %mul3A_753 = arith.mulf %mul3A_744, %sub3A_752 : vector<16xf32>
      %mul3A_754 = arith.mulf %max3A_718, %mul3A_753 : vector<16xf32>
      %sub3A_755 = arith.constant 1.000000e+00 : f32
      %sub3A_756 = vector.broadcast %sub3A_755 : f32 to vector<16xf32>
      %sub3A_757 = arith.subf %mul3A_754, %sub3A_756 : vector<16xf32>
      %max3A_758 = arith.constant 0.000000e+00 : f32
      %max3A_759 = vector.broadcast %max3A_758 : f32 to vector<16xf32>
      %max3A_760 = arith.maximumf %sub3A_757, %max3A_759 : vector<16xf32>
      %add3A_761 = arith.addf %add3A_713, %max3A_760 : vector<16xf32>
      scf.yield %add3A_761 : vector<16xf32>
    }
    %scan3A_242 = arith.constant 25 : i32
    %swap3A = arith.constant 0 : index
    %swap3A_243 = tpu.vector_load %arg35[%swap3A] {strides = array<i32>} : memref<16xf32, #tpu.memory_space<vmem>>, vector<16xf32>,
    tpu.vector_store %arg35[%swap3A], %scan3A_241 {strides = array<i32>} : memref<16xf32, #tpu.memory_space<vmem>>, vector<16xf32>,
    "tpu.region"() ({
      %run_scoped3A = tpu.sem_alloc : memref<!tpu.dma_semaphore, #tpu.memory_space<semaphore_mem>>
      %dma_start3A_341 = arith.constant 0 : i32
      %dma_start3A_342 = tpu.memref_slice %arg12[%add3A, %dma_start3A_341] : memref<32x16xf32, #tpu.memory_space<hbm>> -> memref<1x16xf32, #tpu.memory_space<hbm>>
      %dma_start3A_343 = tpu.memref_squeeze %dma_start3A_342 : memref<1x16xf32, #tpu.memory_space<hbm>> -> memref<16xf32, #tpu.memory_space<hbm>>
      %dma_start3A_344 = arith.constant 0 : i32
      %dma_start3A_345 = tpu.memref_slice %arg12[%add3A, %dma_start3A_344] : memref<32x16xf32, #tpu.memory_space<hbm>> -> memref<1x16xf32, #tpu.memory_space<hbm>>
      %dma_start3A_346 = tpu.memref_squeeze %dma_start3A_345 : memref<1x16xf32, #tpu.memory_space<hbm>> -> memref<16xf32, #tpu.memory_space<hbm>>
      tpu.enqueue_dma source(%arg35 : memref<16xf32, #tpu.memory_space<vmem>>) target(%dma_start3A_346 : memref<16xf32, #tpu.memory_space<hbm>>) target_semaphore(%run_scoped3A : memref<!tpu.dma_semaphore, #tpu.memory_space<semaphore_mem>>)
      %dma_wait3A_347 = arith.constant 0 : i32
      %dma_wait3A_348 = tpu.memref_slice %arg12[%add3A, %dma_wait3A_347] : memref<32x16xf32, #tpu.memory_space<hbm>> -> memref<1x16xf32, #tpu.memory_space<hbm>>
      %dma_wait3A_349 = tpu.memref_squeeze %dma_wait3A_348 : memref<1x16xf32, #tpu.memory_space<hbm>> -> memref<16xf32, #tpu.memory_space<hbm>>
      %dma_wait3A_350 = arith.constant 0 : i32
      %dma_wait3A_351 = tpu.memref_slice %arg12[%add3A, %dma_wait3A_350] : memref<32x16xf32, #tpu.memory_space<hbm>> -> memref<1x16xf32, #tpu.memory_space<hbm>>
      %dma_wait3A_352 = tpu.memref_squeeze %dma_wait3A_351 : memref<1x16xf32, #tpu.memory_space<hbm>> -> memref<16xf32, #tpu.memory_space<hbm>>
      tpu.wait_dma2 semaphore(%run_scoped3A : memref<!tpu.dma_semaphore, #tpu.memory_space<semaphore_mem>>) src(%arg35 : memref<16xf32, #tpu.memory_space<vmem>>) dst(%dma_wait3A_352 : memref<16xf32, #tpu.memory_space<hbm>>)
      tpu.yield
    }) : () -> ()
    %mul3A_244 = arith.constant 32 : i32
    %mul3A_245 = arith.muli %add3A, %mul3A_244 : i32
    %min3A = arith.constant 968 : i32
    %min3A_246 = arith.minsi %mul3A_245, %min3A : i32
    "tpu.region"() ({
      %run_scoped3A = tpu.sem_alloc : memref<!tpu.dma_semaphore, #tpu.memory_space<semaphore_mem>>
      %dma_start3A_341 = arith.constant 0 : i32
      %dma_start3A_342 = tpu.memref_slice %arg8[%min3A_246, %dma_start3A_341] : memref<1000x64xf32, #tpu.memory_space<hbm>> -> memref<32x64xf32, #tpu.memory_space<hbm>>
      %dma_start3A_343 = arith.constant 0 : i32
      %dma_start3A_344 = tpu.memref_slice %arg8[%min3A_246, %dma_start3A_343] : memref<1000x64xf32, #tpu.memory_space<hbm>> -> memref<32x64xf32, #tpu.memory_space<hbm>>
      tpu.enqueue_dma source(%dma_start3A_344 : memref<32x64xf32, #tpu.memory_space<hbm>>) target(%arg30 : memref<32x64xf32, #tpu.memory_space<vmem>>) target_semaphore(%run_scoped3A : memref<!tpu.dma_semaphore, #tpu.memory_space<semaphore_mem>>)
      %dma_wait3A_345 = arith.constant 0 : i32
      %dma_wait3A_346 = tpu.memref_slice %arg8[%min3A_246, %dma_wait3A_345] : memref<1000x64xf32, #tpu.memory_space<hbm>> -> memref<32x64xf32, #tpu.memory_space<hbm>>
      %dma_wait3A_347 = arith.constant 0 : i32
      %dma_wait3A_348 = tpu.memref_slice %arg8[%min3A_246, %dma_wait3A_347] : memref<1000x64xf32, #tpu.memory_space<hbm>> -> memref<32x64xf32, #tpu.memory_space<hbm>>
      tpu.wait_dma2 semaphore(%run_scoped3A : memref<!tpu.dma_semaphore, #tpu.memory_space<semaphore_mem>>) src(%dma_wait3A_348 : memref<32x64xf32, #tpu.memory_space<hbm>>) dst(%arg30 : memref<32x64xf32, #tpu.memory_space<vmem>>)
      tpu.yield
    }) : () -> ()
    "tpu.region"() ({
      %run_scoped3A = tpu.sem_alloc : memref<!tpu.dma_semaphore, #tpu.memory_space<semaphore_mem>>
      %dma_start3A_341 = arith.constant 0 : i32
      %dma_start3A_342 = tpu.memref_slice %arg9[%min3A_246, %dma_start3A_341] : memref<1000x64xf32, #tpu.memory_space<hbm>> -> memref<32x64xf32, #tpu.memory_space<hbm>>
      %dma_start3A_343 = arith.constant 0 : i32
      %dma_start3A_344 = tpu.memref_slice %arg9[%min3A_246, %dma_start3A_343] : memref<1000x64xf32, #tpu.memory_space<hbm>> -> memref<32x64xf32, #tpu.memory_space<hbm>>
      tpu.enqueue_dma source(%dma_start3A_344 : memref<32x64xf32, #tpu.memory_space<hbm>>) target(%arg31 : memref<32x64xf32, #tpu.memory_space<vmem>>) target_semaphore(%run_scoped3A : memref<!tpu.dma_semaphore, #tpu.memory_space<semaphore_mem>>)
      %dma_wait3A_345 = arith.constant 0 : i32
      %dma_wait3A_346 = tpu.memref_slice %arg9[%min3A_246, %dma_wait3A_345] : memref<1000x64xf32, #tpu.memory_space<hbm>> -> memref<32x64xf32, #tpu.memory_space<hbm>>
      %dma_wait3A_347 = arith.constant 0 : i32
      %dma_wait3A_348 = tpu.memref_slice %arg9[%min3A_246, %dma_wait3A_347] : memref<1000x64xf32, #tpu.memory_space<hbm>> -> memref<32x64xf32, #tpu.memory_space<hbm>>
      tpu.wait_dma2 semaphore(%run_scoped3A : memref<!tpu.dma_semaphore, #tpu.memory_space<semaphore_mem>>) src(%dma_wait3A_348 : memref<32x64xf32, #tpu.memory_space<hbm>>) dst(%arg31 : memref<32x64xf32, #tpu.memory_space<vmem>>)
      tpu.yield
    }) : () -> ()
    %parallel_loop3A_247 = arith.constant 0 : i32
    %parallel_loop3A_248 = arith.constant 32 : i32
    %parallel_loop3A_249 = arith.constant 1 : i32
    scf.for %parallel_loop3A_341 = %parallel_loop3A_247 to %parallel_loop3A_248 step %parallel_loop3A_249  : i32 {
      %parallel_loop3A_342 = arith.index_cast %parallel_loop3A_341 : i32 to index
      %parallel_loop3A_343 = arith.constant 0 : index
      %parallel_loop3A_344 = tpu.vector_load %arg30[%parallel_loop3A_342, %parallel_loop3A_343] {strides = array<i32>} : memref<32x64xf32, #tpu.memory_space<vmem>>, vector<16xf32>,
      %parallel_loop3A_345 = arith.index_cast %parallel_loop3A_341 : i32 to index
      %parallel_loop3A_346 = arith.constant 16 : index
      %parallel_loop3A_347 = tpu.vector_load %arg30[%parallel_loop3A_345, %parallel_loop3A_346] {strides = array<i32>} : memref<32x64xf32, #tpu.memory_space<vmem>>, vector<16xf32>,
      %parallel_loop3A_348 = arith.index_cast %parallel_loop3A_341 : i32 to index
      %parallel_loop3A_349 = arith.constant 32 : index
      %parallel_loop3A_350 = tpu.vector_load %arg30[%parallel_loop3A_348, %parallel_loop3A_349] {strides = array<i32>} : memref<32x64xf32, #tpu.memory_space<vmem>>, vector<16xf32>,
      %parallel_loop3A_351 = arith.index_cast %parallel_loop3A_341 : i32 to index
      %parallel_loop3A_352 = arith.constant 48 : index
      %parallel_loop3A_353 = tpu.vector_load %arg30[%parallel_loop3A_351, %parallel_loop3A_352] {strides = array<i32>} : memref<32x64xf32, #tpu.memory_space<vmem>>, vector<16xf32>,
      %parallel_loop3A_354 = arith.index_cast %parallel_loop3A_341 : i32 to index
      %parallel_loop3A_355 = arith.constant 0 : index
      %parallel_loop3A_356 = tpu.vector_load %arg31[%parallel_loop3A_354, %parallel_loop3A_355] {strides = array<i32>} : memref<32x64xf32, #tpu.memory_space<vmem>>, vector<16xf32>,
      %parallel_loop3A_357 = arith.index_cast %parallel_loop3A_341 : i32 to index
      %parallel_loop3A_358 = arith.constant 16 : index
      %parallel_loop3A_359 = tpu.vector_load %arg31[%parallel_loop3A_357, %parallel_loop3A_358] {strides = array<i32>} : memref<32x64xf32, #tpu.memory_space<vmem>>, vector<16xf32>,
      %parallel_loop3A_360 = arith.index_cast %parallel_loop3A_341 : i32 to index
      %parallel_loop3A_361 = arith.constant 32 : index
      %parallel_loop3A_362 = tpu.vector_load %arg31[%parallel_loop3A_360, %parallel_loop3A_361] {strides = array<i32>} : memref<32x64xf32, #tpu.memory_space<vmem>>, vector<16xf32>,
      %parallel_loop3A_363 = arith.index_cast %parallel_loop3A_341 : i32 to index
      %parallel_loop3A_364 = arith.constant 48 : index
      %parallel_loop3A_365 = tpu.vector_load %arg31[%parallel_loop3A_363, %parallel_loop3A_364] {strides = array<i32>} : memref<32x64xf32, #tpu.memory_space<vmem>>, vector<16xf32>,
      %parallel_loop3A_366 = arith.mulf %parallel_loop3A_344, %parallel_loop3A_356 : vector<16xf32>
      %parallel_loop3A_367 = arith.mulf %parallel_loop3A_347, %parallel_loop3A_359 : vector<16xf32>
      %parallel_loop3A_368 = arith.addf %parallel_loop3A_366, %parallel_loop3A_367 : vector<16xf32>
      %parallel_loop3A_369 = arith.mulf %parallel_loop3A_350, %parallel_loop3A_362 : vector<16xf32>
      %parallel_loop3A_370 = arith.addf %parallel_loop3A_368, %parallel_loop3A_369 : vector<16xf32>
      %parallel_loop3A_371 = arith.mulf %parallel_loop3A_353, %parallel_loop3A_365 : vector<16xf32>
      %parallel_loop3A_372 = arith.addf %parallel_loop3A_370, %parallel_loop3A_371 : vector<16xf32>
      %parallel_loop3A_373 = arith.mulf %parallel_loop3A_344, %parallel_loop3A_344 : vector<16xf32>
      %parallel_loop3A_374 = arith.mulf %parallel_loop3A_347, %parallel_loop3A_347 : vector<16xf32>
      %parallel_loop3A_375 = arith.addf %parallel_loop3A_373, %parallel_loop3A_374 : vector<16xf32>
      %parallel_loop3A_376 = arith.mulf %parallel_loop3A_350, %parallel_loop3A_350 : vector<16xf32>
      %parallel_loop3A_377 = arith.addf %parallel_loop3A_375, %parallel_loop3A_376 : vector<16xf32>
      %parallel_loop3A_378 = arith.mulf %parallel_loop3A_353, %parallel_loop3A_353 : vector<16xf32>
      %parallel_loop3A_379 = arith.addf %parallel_loop3A_377, %parallel_loop3A_378 : vector<16xf32>
      %parallel_loop3A_380 = vector.broadcast %parallel_loop3A_341 : i32 to vector<16xi32>
      %parallel_loop3A_381 = arith.constant true
      %parallel_loop3A_382 = vector.broadcast %parallel_loop3A_381 : i1 to vector<16xi1>
      %parallel_loop3A_383 = tpu.scan <sum>, %parallel_loop3A_372 masked %parallel_loop3A_382 : vector<16xf32>, vector<16xi1> -> vector<16xf32>
      %parallel_loop3A_384 = vector.extract %parallel_loop3A_383[15] : f32 from vector<16xf32>
      %parallel_loop3A_385 = vector.broadcast %parallel_loop3A_384 : f32 to vector<16xf32>
      tpu.vector_store_idx %arg32[%parallel_loop3A_380], %parallel_loop3A_385 masked %eq3A_18 : memref<32xf32, #tpu.memory_space<vmem>>[vector<16xi32>], vector<16xf32>, vector<16xi1>
      %parallel_loop3A_386 = arith.constant true
      %parallel_loop3A_387 = vector.broadcast %parallel_loop3A_386 : i1 to vector<16xi1>
      %parallel_loop3A_388 = tpu.scan <sum>, %parallel_loop3A_379 masked %parallel_loop3A_387 : vector<16xf32>, vector<16xi1> -> vector<16xf32>
      %parallel_loop3A_389 = vector.extract %parallel_loop3A_388[15] : f32 from vector<16xf32>
      %parallel_loop3A_390 = vector.broadcast %parallel_loop3A_389 : f32 to vector<16xf32>
      tpu.vector_store_idx %arg33[%parallel_loop3A_380], %parallel_loop3A_390 masked %eq3A_18 : memref<32xf32, #tpu.memory_space<vmem>>[vector<16xi32>], vector<16xf32>, vector<16xi1>
    } {sc.loop_unroll_factor = 4 : i64, sc.parallel_access}
    %get3A = arith.constant 0 : index
    %get3A_250 = tpu.vector_load %arg32[%get3A] {strides = array<i32>} : memref<32xf32, #tpu.memory_space<vmem>>, vector<16xf32>,
    %get3A_251 = arith.constant 0 : index
    %get3A_252 = tpu.vector_load %arg33[%get3A_251] {strides = array<i32>} : memref<32xf32, #tpu.memory_space<vmem>>, vector<16xf32>,
    %bitcast3A = vector.bitcast %get3A_252 : vector<16xf32> to vector<16xi32>
    %shift_right_arithmetic3A = arith.constant 1 : i32
    %shift_right_arithmetic3A_253 = vector.broadcast %shift_right_arithmetic3A : i32 to vector<16xi32>
    %shift_right_arithmetic3A_254 = arith.shrsi %bitcast3A, %shift_right_arithmetic3A_253 : vector<16xi32>
    %sub3A = arith.constant 1597463007 : i32
    %sub3A_255 = vector.broadcast %sub3A : i32 to vector<16xi32>
    %sub3A_256 = arith.subi %sub3A_255, %shift_right_arithmetic3A_254 : vector<16xi32>
    %bitcast3A_257 = vector.bitcast %sub3A_256 : vector<16xi32> to vector<16xf32>
    %mul3A_258 = arith.constant 5.000000e-01 : f32
    %mul3A_259 = vector.broadcast %mul3A_258 : f32 to vector<16xf32>
    %mul3A_260 = arith.mulf %mul3A_259, %get3A_252 : vector<16xf32>
    %mul3A_261 = arith.mulf %mul3A_260, %bitcast3A_257 : vector<16xf32>
    %mul3A_262 = arith.mulf %mul3A_261, %bitcast3A_257 : vector<16xf32>
    %sub3A_263 = arith.constant 1.500000e+00 : f32
    %sub3A_264 = vector.broadcast %sub3A_263 : f32 to vector<16xf32>
    %sub3A_265 = arith.subf %sub3A_264, %mul3A_262 : vector<16xf32>
    %mul3A_266 = arith.mulf %bitcast3A_257, %sub3A_265 : vector<16xf32>
    %mul3A_267 = arith.constant 5.000000e-01 : f32
    %mul3A_268 = vector.broadcast %mul3A_267 : f32 to vector<16xf32>
    %mul3A_269 = arith.mulf %mul3A_268, %get3A_252 : vector<16xf32>
    %mul3A_270 = arith.mulf %mul3A_269, %mul3A_266 : vector<16xf32>
    %mul3A_271 = arith.mulf %mul3A_270, %mul3A_266 : vector<16xf32>
    %sub3A_272 = arith.constant 1.500000e+00 : f32
    %sub3A_273 = vector.broadcast %sub3A_272 : f32 to vector<16xf32>
    %sub3A_274 = arith.subf %sub3A_273, %mul3A_271 : vector<16xf32>
    %mul3A_275 = arith.mulf %mul3A_266, %sub3A_274 : vector<16xf32>
    %mul3A_276 = arith.constant 5.000000e-01 : f32
    %mul3A_277 = vector.broadcast %mul3A_276 : f32 to vector<16xf32>
    %mul3A_278 = arith.mulf %mul3A_277, %get3A_252 : vector<16xf32>
    %mul3A_279 = arith.mulf %mul3A_278, %mul3A_275 : vector<16xf32>
    %mul3A_280 = arith.mulf %mul3A_279, %mul3A_275 : vector<16xf32>
    %sub3A_281 = arith.constant 1.500000e+00 : f32
    %sub3A_282 = vector.broadcast %sub3A_281 : f32 to vector<16xf32>
    %sub3A_283 = arith.subf %sub3A_282, %mul3A_280 : vector<16xf32>
    %mul3A_284 = arith.mulf %mul3A_275, %sub3A_283 : vector<16xf32>
    %mul3A_285 = arith.mulf %get3A_250, %mul3A_284 : vector<16xf32>
    %swap3A_286 = arith.constant 0 : index
    %swap3A_287 = tpu.vector_load %arg34[%swap3A_286] {strides = array<i32>} : memref<32xf32, #tpu.memory_space<vmem>>, vector<16xf32>,
    tpu.vector_store %arg34[%swap3A_286], %mul3A_285 {strides = array<i32>} : memref<32xf32, #tpu.memory_space<vmem>>, vector<16xf32>,
    %get3A_288 = arith.constant 16 : index
    %get3A_289 = tpu.vector_load %arg32[%get3A_288] {strides = array<i32>} : memref<32xf32, #tpu.memory_space<vmem>>, vector<16xf32>,
    %get3A_290 = arith.constant 16 : index
    %get3A_291 = tpu.vector_load %arg33[%get3A_290] {strides = array<i32>} : memref<32xf32, #tpu.memory_space<vmem>>, vector<16xf32>,
    %bitcast3A_292 = vector.bitcast %get3A_291 : vector<16xf32> to vector<16xi32>
    %shift_right_arithmetic3A_293 = arith.constant 1 : i32
    %shift_right_arithmetic3A_294 = vector.broadcast %shift_right_arithmetic3A_293 : i32 to vector<16xi32>
    %shift_right_arithmetic3A_295 = arith.shrsi %bitcast3A_292, %shift_right_arithmetic3A_294 : vector<16xi32>
    %sub3A_296 = arith.constant 1597463007 : i32
    %sub3A_297 = vector.broadcast %sub3A_296 : i32 to vector<16xi32>
    %sub3A_298 = arith.subi %sub3A_297, %shift_right_arithmetic3A_295 : vector<16xi32>
    %bitcast3A_299 = vector.bitcast %sub3A_298 : vector<16xi32> to vector<16xf32>
    %mul3A_300 = arith.constant 5.000000e-01 : f32
    %mul3A_301 = vector.broadcast %mul3A_300 : f32 to vector<16xf32>
    %mul3A_302 = arith.mulf %mul3A_301, %get3A_291 : vector<16xf32>
    %mul3A_303 = arith.mulf %mul3A_302, %bitcast3A_299 : vector<16xf32>
    %mul3A_304 = arith.mulf %mul3A_303, %bitcast3A_299 : vector<16xf32>
    %sub3A_305 = arith.constant 1.500000e+00 : f32
    %sub3A_306 = vector.broadcast %sub3A_305 : f32 to vector<16xf32>
    %sub3A_307 = arith.subf %sub3A_306, %mul3A_304 : vector<16xf32>
    %mul3A_308 = arith.mulf %bitcast3A_299, %sub3A_307 : vector<16xf32>
    %mul3A_309 = arith.constant 5.000000e-01 : f32
    %mul3A_310 = vector.broadcast %mul3A_309 : f32 to vector<16xf32>
    %mul3A_311 = arith.mulf %mul3A_310, %get3A_291 : vector<16xf32>
    %mul3A_312 = arith.mulf %mul3A_311, %mul3A_308 : vector<16xf32>
    %mul3A_313 = arith.mulf %mul3A_312, %mul3A_308 : vector<16xf32>
    %sub3A_314 = arith.constant 1.500000e+00 : f32
    %sub3A_315 = vector.broadcast %sub3A_314 : f32 to vector<16xf32>
    %sub3A_316 = arith.subf %sub3A_315, %mul3A_313 : vector<16xf32>
    %mul3A_317 = arith.mulf %mul3A_308, %sub3A_316 : vector<16xf32>
    %mul3A_318 = arith.constant 5.000000e-01 : f32
    %mul3A_319 = vector.broadcast %mul3A_318 : f32 to vector<16xf32>
    %mul3A_320 = arith.mulf %mul3A_319, %get3A_291 : vector<16xf32>
    %mul3A_321 = arith.mulf %mul3A_320, %mul3A_317 : vector<16xf32>
    %mul3A_322 = arith.mulf %mul3A_321, %mul3A_317 : vector<16xf32>
    %sub3A_323 = arith.constant 1.500000e+00 : f32
    %sub3A_324 = vector.broadcast %sub3A_323 : f32 to vector<16xf32>
    %sub3A_325 = arith.subf %sub3A_324, %mul3A_322 : vector<16xf32>
    %mul3A_326 = arith.mulf %mul3A_317, %sub3A_325 : vector<16xf32>
    %mul3A_327 = arith.mulf %get3A_289, %mul3A_326 : vector<16xf32>
    %swap3A_328 = arith.constant 16 : index
    %swap3A_329 = tpu.vector_load %arg34[%swap3A_328] {strides = array<i32>} : memref<32xf32, #tpu.memory_space<vmem>>, vector<16xf32>,
    tpu.vector_store %arg34[%swap3A_328], %mul3A_327 {strides = array<i32>} : memref<32xf32, #tpu.memory_space<vmem>>, vector<16xf32>,
    %lt3A = arith.constant 31 : i32
    %lt3A_330 = arith.cmpi slt, %add3A, %lt3A : i32
    %convert_element_type3A = arith.extui %lt3A_330 : i1 to i32
    %cond3A = arith.constant 0 : i32
    %cond3A_331 = arith.cmpi ne, %convert_element_type3A, %cond3A : i32
    scf.if %cond3A_331 {
      %mul3A_341 = arith.constant 32 : i32
      %mul3A_342 = arith.muli %add3A, %mul3A_341 : i32
      "tpu.region"() ({
        %run_scoped3A = tpu.sem_alloc : memref<!tpu.dma_semaphore, #tpu.memory_space<semaphore_mem>>
        %dma_start3A_343 = tpu.memref_slice %arg13[%mul3A_342] : memref<1000xf32, #tpu.memory_space<hbm>> -> memref<32xf32, #tpu.memory_space<hbm>>
        %dma_start3A_344 = tpu.memref_slice %arg13[%mul3A_342] : memref<1000xf32, #tpu.memory_space<hbm>> -> memref<32xf32, #tpu.memory_space<hbm>>
        tpu.enqueue_dma source(%arg34 : memref<32xf32, #tpu.memory_space<vmem>>) target(%dma_start3A_344 : memref<32xf32, #tpu.memory_space<hbm>>) target_semaphore(%run_scoped3A : memref<!tpu.dma_semaphore, #tpu.memory_space<semaphore_mem>>)
        %dma_wait3A_345 = tpu.memref_slice %arg13[%mul3A_342] : memref<1000xf32, #tpu.memory_space<hbm>> -> memref<32xf32, #tpu.memory_space<hbm>>
        %dma_wait3A_346 = tpu.memref_slice %arg13[%mul3A_342] : memref<1000xf32, #tpu.memory_space<hbm>> -> memref<32xf32, #tpu.memory_space<hbm>>
        tpu.wait_dma2 semaphore(%run_scoped3A : memref<!tpu.dma_semaphore, #tpu.memory_space<semaphore_mem>>) src(%arg34 : memref<32xf32, #tpu.memory_space<vmem>>) dst(%dma_wait3A_346 : memref<32xf32, #tpu.memory_space<hbm>>)
        tpu.yield
      }) : () -> ()
    } else {
    }
    %eq3A_332 = arith.constant 31 : i32
    %eq3A_333 = arith.cmpi eq, %add3A, %eq3A_332 : i32
    %convert_element_type3A_334 = arith.extui %eq3A_333 : i1 to i32
    %cond3A_335 = arith.constant 0 : i32
    %cond3A_336 = arith.cmpi ne, %convert_element_type3A_334, %cond3A_335 : i32
    scf.if %cond3A_336 {
      "tpu.region"() ({
        %run_scoped3A = tpu.sem_alloc : memref<!tpu.dma_semaphore, #tpu.memory_space<semaphore_mem>>
        %dma_start3A_341 = arith.constant 24 : i32
        %dma_start3A_342 = tpu.memref_slice %arg34[%dma_start3A_341] : memref<32xf32, #tpu.memory_space<vmem>> -> memref<8xf32, #tpu.memory_space<vmem>>
        %dma_start3A_343 = arith.constant 992 : i32
        %dma_start3A_344 = tpu.memref_slice %arg13[%dma_start3A_343] : memref<1000xf32, #tpu.memory_space<hbm>> -> memref<8xf32, #tpu.memory_space<hbm>>
        %dma_start3A_345 = arith.constant 992 : i32
        %dma_start3A_346 = tpu.memref_slice %arg13[%dma_start3A_345] : memref<1000xf32, #tpu.memory_space<hbm>> -> memref<8xf32, #tpu.memory_space<hbm>>
        %dma_start3A_347 = arith.constant 24 : i32
        %dma_start3A_348 = tpu.memref_slice %arg34[%dma_start3A_347] : memref<32xf32, #tpu.memory_space<vmem>> -> memref<8xf32, #tpu.memory_space<vmem>>
        tpu.enqueue_dma source(%dma_start3A_348 : memref<8xf32, #tpu.memory_space<vmem>>) target(%dma_start3A_346 : memref<8xf32, #tpu.memory_space<hbm>>) target_semaphore(%run_scoped3A : memref<!tpu.dma_semaphore, #tpu.memory_space<semaphore_mem>>)
        %dma_wait3A_349 = arith.constant 24 : i32
        %dma_wait3A_350 = tpu.memref_slice %arg34[%dma_wait3A_349] : memref<32xf32, #tpu.memory_space<vmem>> -> memref<8xf32, #tpu.memory_space<vmem>>
        %dma_wait3A_351 = arith.constant 992 : i32
        %dma_wait3A_352 = tpu.memref_slice %arg13[%dma_wait3A_351] : memref<1000xf32, #tpu.memory_space<hbm>> -> memref<8xf32, #tpu.memory_space<hbm>>
        %dma_wait3A_353 = arith.constant 992 : i32
        %dma_wait3A_354 = tpu.memref_slice %arg13[%dma_wait3A_353] : memref<1000xf32, #tpu.memory_space<hbm>> -> memref<8xf32, #tpu.memory_space<hbm>>
        %dma_wait3A_355 = arith.constant 24 : i32
        %dma_wait3A_356 = tpu.memref_slice %arg34[%dma_wait3A_355] : memref<32xf32, #tpu.memory_space<vmem>> -> memref<8xf32, #tpu.memory_space<vmem>>
        tpu.wait_dma2 semaphore(%run_scoped3A : memref<!tpu.dma_semaphore, #tpu.memory_space<semaphore_mem>>) src(%dma_wait3A_356 : memref<8xf32, #tpu.memory_space<vmem>>) dst(%dma_wait3A_354 : memref<8xf32, #tpu.memory_space<hbm>>)
        tpu.yield
      }) : () -> ()
    } else {
    }
    %dma_wait3A_337 = tpu.memref_slice %arg10[%mul3A_2] : memref<16384xf32, #tpu.memory_space<hbm>> -> memref<512xf32, #tpu.memory_space<hbm>>
    %dma_wait3A_338 = tpu.memref_slice %arg10[%mul3A_2] : memref<16384xf32, #tpu.memory_space<hbm>> -> memref<512xf32, #tpu.memory_space<hbm>>
    tpu.wait_dma2 semaphore(%arg39 : memref<!tpu.dma_semaphore, #tpu.memory_space<semaphore_mem>>) src(%arg26 : memref<512xf32, #tpu.memory_space<vmem>>) dst(%dma_wait3A_338 : memref<512xf32, #tpu.memory_space<hbm>>)
    %dma_wait3A_339 = tpu.memref_slice %arg11[%mul3A_2] : memref<16384xf32, #tpu.memory_space<hbm>> -> memref<512xf32, #tpu.memory_space<hbm>>
    %dma_wait3A_340 = tpu.memref_slice %arg11[%mul3A_2] : memref<16384xf32, #tpu.memory_space<hbm>> -> memref<512xf32, #tpu.memory_space<hbm>>
    tpu.wait_dma2 semaphore(%arg39 : memref<!tpu.dma_semaphore, #tpu.memory_space<semaphore_mem>>) src(%arg27 : memref<512xf32, #tpu.memory_space<vmem>>) dst(%dma_wait3A_340 : memref<512xf32, #tpu.memory_space<hbm>>)
    return
  }
}

</mosaic_0001>

<sc_bundles>
// kernel: kernel.3.cloned.1.call-start
scs
__scs_entry_jumppad:
0x0: {  	(pc) =	sbr.rel $0x88, $3  }
0x1: {  	(tag) =	ssettag $0x0;
	lr =	simm.s32 $0x1  }
0x2: {  	[smem:$0x3F9A] =	sst lr;
	_ =	strace $0xD0000000  }
0x3: {  	_ = 	snop  }
0x4: {  	_ = 	snop  }
0x5: {  	_ = 	snop  }
0x6: {  	_ = 	snop  }
0x7: {  	_ = 	snop  }
__scs_overlays_trampoline_lowered:
0x8: {  	[smem:$0x3FA9] =	sst s0  }
0x9: {  	[smem:$0x3FAA] =	sst s1  }
0xa: {  	[smem:$0x3FAB] =	sst s2  }
0xb: {  	[smem:$0x3FAC] =	sst s3  }
0xc: {  	[smem:$0x3FAD] =	sst s4  }
0xd: {  	[smem:$0x3FAE] =	sst s5  }
0xe: {  	[smem:$0x3FAF] =	sst s6  }
0xf: {  	[smem:$0x3FB0] =	sst s7  }
0x10: {  	[smem:$0x3FB1] =	sst s8  }
0x11: {  	[smem:$0x3FB2] =	sst s9;
	s0 =	simm.s32 @!p0 $0x0  }
0x12: {  	s1 =	sld [smem:$0x3F98];
	s0 =	simm.s32 @p0 $0x1  }
0x13: {  	[smem:$0x3FB3] =	sst s0;
	s0 =	simm.s32 @!p1 $0x0  }
0x14: {  	s2 =	sld [smem:$0x3F97];
	s0 =	simm.s32 @p1 $0x1  }
0x15: {  	[smem:$0x3FB4] =	sst s0;
	s0 =	simm.s32 @!p2 $0x0  }
0x16: {  	s3 =	sld [smem:$0x3FDB];
	s0 =	simm.s32 @p2 $0x1  }
0x17: {  	s4 =	simm.s32 $0x1BF5;
	[smem:$0x3FB6] =	sst s0  }
0x18: {  	s0 =	sld [smem:$0x3F99];
	_ =	swait.ge [sflag:s4], $0x0  }
0x19: {  	s7 =	sld [smem:$0x3F9A]  }
0x1a: {  	s8 =	sadd.s32 $0xFFFFE003, lr  }
0x1b: {  	s9 =	sadd.s32 $0xFFFFFEF7, lr;
	s5 =	simm.s32 $0xFFFFFFFF;
	p2 =	slt.u32 s8, $0xFFFFF086  }
0x1c: {  	p1 =	slt.u32 s9, $0xF7A;
	s5 =	simm.s32 @!p2 $0x0  }
0x1d: {  	s5 =	simm.s32 @p1 $0x1;
	p0 =	seq.s32 s7, s2  }
0x1e: {  	s7 =	smul.u32 @!p0 $0xF7A, s2;
	p2 =	seq.s32 @!p0 s5, $0x0  }
0x1f: {  	s9 =	smul.u32 $0xF7A, s1;
	s8 =	simm.s32 @!p0 $0x1BF5;
	p2 =	por !p2, p0  }
0x20: {  	[sflag:s8] =	ssyncset.s32 @!p0 $0xFFFFF086;
	s6 =	sadd.s32 @!p0 s3, s7;
	s7 =	simm.s32 @!p0 $0x108  }
0x21: {  	s3 =	sadd.s32 s3, s9;
	s6 =	sadd.s32 @!p0 $0x88, s6;
	s7 =	simm.s32 @p2 $0x1082  }
0x22: {  	[simem:s7], [sflag:s8] =	dma.local @!p0 [hbm:s6], $0xF7A  }
0x23: {  	s9 =	sor.u32 $0xD0000000, s2;
	s6 =	simm.s32 $0x108;
	_ =	swait.ge @!p0 [sflag:s8], $0x0  }
0x24: {  	s3 =	sadd.s32 $0x88, s3;
	s6 =	simm.s32 @!p1 $0x1082;
	[sflag:s4] =	ssyncset.s32 $0xFFFFF086  }
0x25: {  	[simem:s6], [sflag:s4] =	dma.local [hbm:s3], $0xF7A  }
0x26: {  	[smem:$0x3F9A] =	sst s1;
	(tag) =	ssettag s2;
	_ =	strace s9  }
0x27: {  	s1 =	sld [smem:$0x3FAA]  }
0x28: {  	s2 =	sld [smem:$0x3FAB]  }
0x29: {  	s4 =	sld [smem:$0x3FAD]  }
0x2a: {  	p0 =	seq.s32 s5, $0x0;
	s5 =	sld [smem:$0x3FAE]  }
0x2b: {  	s6 =	sld [smem:$0x3FAF]  }
0x2c: {  	s7 =	sld [smem:$0x3FB0]  }
0x2d: {  	s3 =	simm.s32 $0x108;
	s8 =	sld [smem:$0x3FB1]  }
0x2e: {  	s3 =	simm.s32 @!p0 $0x1082;
	s9 =	sld [smem:$0x3FB2]  }
0x2f: {  	lr =	sadd.s32 s0, s3;
	s0 =	sld [smem:$0x3FA9]  }
0x30: {  	s3 =	sld [smem:$0x3FAC]  }
0x31: {  	[smem:$0x3FB5] =	sst s10  }
0x32: {  	s10 =	sld [smem:$0x3FB3];
	_ =	sdelay $0x3  }
0x33: {  	p0 =	seq.s32 s10, $0x1;
	s10 =	sld [smem:$0x3FB5];
	_ =	sdelay $0x3  }
0x34: {  	[smem:$0x3FB5] =	sst s10  }
0x35: {  	s10 =	sld [smem:$0x3FB4];
	_ =	sdelay $0x3  }
0x36: {  	p1 =	seq.s32 s10, $0x1;
	s10 =	sld [smem:$0x3FB5];
	_ =	sdelay $0x3  }
0x37: {  	[smem:$0x3FB5] =	sst s10  }
0x38: {  	s10 =	sld [smem:$0x3FB6]  }
0x39: {  	_ = 	snop;
	(pc) =	sbr.ind lr, $3  }
0x3a: {  	_ = 	snop  }
0x3b: {  	_ = 	snop  }
0x3c: {  	p2 =	seq.s32 s10, $0x1;
	s10 =	sld [smem:$0x3FB5]  }
0x3d: {  	_ =	shalt  }
0x3e: {  	_ =	shalt  }
0x3f: {  	_ =	shalt  }
0x40: {  	_ =	shalt  }
0x41: {  	_ =	shalt  }
0x42: {  	_ =	shalt  }
0x43: {  	_ =	shalt  }
0x44: {  	_ =	shalt  }
0x45: {  	_ =	shalt  }
0x46: {  	_ =	shalt  }
0x47: {  	_ =	shalt  }
0x48: {  	_ =	shalt  }
0x49: {  	_ =	shalt  }
0x4a: {  	_ =	shalt  }
0x4b: {  	_ =	shalt  }
0x4c: {  	_ =	shalt  }
0x4d: {  	_ =	shalt  }
0x4e: {  	_ =	shalt  }
0x4f: {  	_ =	shalt  }
0x50: {  	_ =	shalt  }
0x51: {  	_ =	shalt  }
0x52: {  	_ =	shalt  }
0x53: {  	_ =	shalt  }
0x54: {  	_ =	shalt  }
0x55: {  	_ =	shalt  }
0x56: {  	_ =	shalt  }
0x57: {  	_ =	shalt  }
0x58: {  	_ =	shalt  }
0x59: {  	_ =	shalt  }
0x5a: {  	_ =	shalt  }
0x5b: {  	_ =	shalt  }
0x5c: {  	_ =	shalt  }
0x5d: {  	_ =	shalt  }
0x5e: {  	_ =	shalt  }
0x5f: {  	_ =	shalt  }
0x60: {  	_ =	shalt  }
0x61: {  	_ =	shalt  }
0x62: {  	_ =	shalt  }
0x63: {  	_ =	shalt  }
0x64: {  	_ =	shalt  }
0x65: {  	_ =	shalt  }
0x66: {  	_ =	shalt  }
0x67: {  	_ =	shalt  }
0x68: {  	_ =	shalt  }
0x69: {  	_ =	shalt  }
0x6a: {  	_ =	shalt  }
0x6b: {  	_ =	shalt  }
0x6c: {  	_ =	shalt  }
0x6d: {  	_ =	shalt  }
0x6e: {  	_ =	shalt  }
0x6f: {  	_ =	shalt  }
0x70: {  	_ =	shalt  }
0x71: {  	_ =	shalt  }
0x72: {  	_ =	shalt  }
0x73: {  	_ =	shalt  }
0x74: {  	_ =	shalt  }
0x75: {  	_ =	shalt  }
0x76: {  	_ =	shalt  }
0x77: {  	_ =	shalt  }
0x78: {  	_ =	shalt  }
0x79: {  	_ =	shalt  }
0x7a: {  	_ =	shalt  }
0x7b: {  	_ =	shalt  }
0x7c: {  	_ =	shalt  }
0x7d: {  	_ =	shalt  }
0x7e: {  	_ =	shalt  }
0x7f: {  	_ =	shalt  }
0x80: {  	_ =	shalt  }
0x81: {  	_ =	shalt  }
0x82: {  	_ =	shalt  }
0x83: {  	_ =	shalt  }
0x84: {  	_ =	shalt  }
0x85: {  	_ =	shalt  }
0x86: {  	_ =	shalt  }
0x87: {  	_ =	shalt  }
.Lfunc_end0:
.L_simem_size_0:
called_computation_lowered:
.L_overlay_start_0:
0x88: {  	s2 =	sld [smem:$0x3FD9]  }
0x89: {  	s3 =	sld [smem:$0x3FFE];
	_ =	sdelay $0x1  }
0x8a: {  	s1 =	srdreg.scid  }
0x8b: {  	s0 =	sand.u32 $0x1, s1  }
0x8c: {  	s14 =	sshll.u32 s0, $0xA;
	s2 =	sadd.s32 s3, s2  }
0x8d: {  	s2 =	sadd.s32 s2, s14  }
0x8e: {  	[smem:$0x3FC1] =	sst s2  }
0x8f: {  	_ = 	snop  }
0x90: {  	s2 =	sld [smem:$0x3FC9]  }
0x91: {  	s15 =	sld [smem:$0x3FD0]  }
0x92: {  	s4 =	sld [smem:$0x3FC8]  }
0x93: {  	s5 =	sld [smem:$0x3FC7]  }
0x94: {  	s7 =	simm.s32 $0xA;
	s8 =	simm.s32 $0x10;
	s6 =	sld [smem:$0x3FC6]  }
0x95: {  	[smem:s8], [sflag:s7] =	dma.local [hbm:s15], $0x1  }
0x96: {  	_ =	swait.eq [sflag:s7], $0x1  }
0x97: {  	s16 =	sld [smem:$0x10];
	[sflag:s7] =	ssyncset.done $0x0  }
0x98: {  	s17 =	sld [smem:$0x11];
	[sflag:s7] =	ssyncadd.s32 $0xFFFFFFFF  }
0x99: {  	s18 =	sld [smem:$0x13];
	(tm) =	ssettm $0x1  }
0x9a: {  	s9 =	sld [smem:$0x3FFB];
	_ =	sdelay $0x3  }
0x9b: {  	_ =	strace s9  }
0x9c: {  	s9 =	sld [smem:$0x3FFC];
	_ =	sdelay $0x3  }
0x9d: {  	_ =	strace s9  }
0x9e: {  	s9 =	sld [smem:$0x3FFD];
	_ =	sdelay $0x3  }
0x9f: {  	_ =	strace s9  }
0xa0: {  	_ =	strace $0x8FFFFFFF  }
0xa1: {  	s19 =	sld [smem:$0x3FDB];
	_ =	sdelay $0x1  }
0xa2: {  	s10 =	simm.s32 $_scs_section_size  }
0xa3: {  	s11 =	simm.s32 $_size__tile_overlayer_lowered;
	s12 =	simm.s32 $_tile_overlayer_lowered  }
0xa4: {  	s22 =	simm.s32 $0x1BFF;
	s21 =	sshll.u32 s12, $0x1;
	s9 =	sadd.s32 s10, s19  }
0xa5: {  	s13 =	simm.s32 $0x0;
	s20 =	sshll.u32 s11, $0x1;
	s11 =	sadd.s32 s21, s9  }
0xa6: {  	[timem:s13], [sflag:s22] =	dma.local [hbm:s11], s20  }
0xa7: {  	_ =	swait.ge [sflag:s22], s20  }
0xa8: {  	s10 =	ssub.s32 $0x0, s20;
	[sflag:s22] =	ssyncset.done $0x0  }
0xa9: {  	[sflag:s22] =	ssyncadd.s32 s10;
	_ =	sdelay $0x1  }
0xaa: {  	s23 =	simm.s32 $0x1B8B  }
0xab: {  	_ =	swait.ge [sflag:s23], $0x1  }
0xac: {  	[sflag:s23] =	ssyncset.done $0x0  }
0xad: {  	s25 =	simm.s32 $0x1B8E;
	s24 =	sld [smem:$0x3FFE];
	[sflag:s23] =	ssyncadd.s32 $0xFFFFFFFF  }
0xae: {  	s26 =	simm.s32 $execute0_lowered;
	[smem:$0x3FD2] =	sst s25  }
0xaf: {  	s11 =	sshll.u32 s26, $0x1;
	_ =	strace $0x80000046;
	[dreg:$0x1] =	wrdreg $0xFFFFFFFF  }
0xb0: {  	s28 =	simm.s32 $_size_execute0_lowered;
	s9 =	sadd.s32 s9, s11;
	[dreg:$0x0] =	wrdreg $0x0  }
0xb1: {  	s11 =	sshll.u32 s28, $0x1;
	[dreg:$0x2] =	wrdreg s9  }
0xb2: {  	[dreg:$0x3] =	wrdreg s11  }
0xb3: {  	[dreg:$0x4] =	wrdreg $0xC0  }
0xb4: {  	_ =	task [dreg:s13], $0x5FFFF  }
0xb5: {  	[dreg:$0x1] =	wrdreg $0xFFFFFFFF  }
0xb6: {  	[dreg:$0x0] =	wrdreg $0x60  }
0xb7: {  	[dreg:$0x2] =	wrdreg s2  }
0xb8: {  	[dreg:$0x3] =	wrdreg s4  }
0xb9: {  	[dreg:$0x4] =	wrdreg s5  }
0xba: {  	[dreg:$0x5] =	wrdreg s6  }
0xbb: {  	[dreg:$0x6] =	wrdreg s24  }
0xbc: {  	[dreg:$0x7] =	wrdreg s16  }
0xbd: {  	[dreg:$0x8] =	wrdreg s17  }
0xbe: {  	[dreg:$0x9] =	wrdreg s18  }
0xbf: {  	[dreg:$0xa] =	wrdreg $0x9  }
0xc0: {  	_ =	task.clear_ibuf [dreg:s13], $0xBFFFF;
	_ =	strace $0x90000046  }
0xc1: {  	s29 =	simm.s32 $0x9;
	_ =	strace $0x80000048  }
0xc2: {  	_ =	swait.ge [sflag:s29], $0x1  }
0xc3: {  	[sflag:s29] =	ssyncadd.s32 $0xFFFFFFFF  }
0xc4: {  	_ =	strace $0x90000048  }
0xc5: {  	_ =	sfence  }
0xc6: {  	s30 =	sld [smem:$0x0];
	_ =	sdelay $0x2  }
0xc7: {  	s31 =	sshll.u32 s1, $0xD;
	s1 =	sshrl.u32 s1, $0x2  }
0xc8: {  	s3 =	sand.u32 $0x4000, s31;
	s1 =	sadd.s32 s1, s30  }
0xc9: {  	s0 =	sor.u32 s3, s0;
	s1 =	sshll.u32 s1, $0x11  }
0xca: {  	s0 =	sor.u32 s1, s0  }
0xcb: {  	s0 =	sadd.s32 $0x8F2B, s0  }
0xcc: {  	[sflag:s0] =	ssyncadd.remote.s32 $0x1  }
0xcd: {  	_ =	sfence.sel $0xFFFF  }
0xce: {  	[dreg:$0x0] =	wrdreg $0xFFFFFFFF;
	(pc) =	sbr.abs _section_cstart, $3  }
0xcf: {  	[dreg:$0x1] =	wrdreg $0xFFFFFFFF  }
0xd0: {  	_ =	task.clear_ibuf [dreg:s13], $0x2FFFF;
	_ =	strace $0x9FFFFFFF  }
0xd1: {  	(tm) =	ssettm $0x7FFFFFFF  }
tec
execute0_lowered:
.L_overlay_start_1:
0x0: {  	(tag) =	ssettag $0x1  }
0x1: {  	s0 =	rddreg [dreg:$0x0]  }
0x2: {  	s1 =	rddreg [dreg:$0x1]  }
0x3: {  	s5 =	rddreg [dreg:$0x2]  }
0x4: {  	s6 =	rddreg [dreg:$0x3]  }
0x5: {  	s7 =	rddreg [dreg:$0x4]  }
0x6: {  	s8 =	rddreg [dreg:$0x5]  }
0x7: {  	s10 =	rddreg [dreg:$0x6]  }
0x8: {  	s11 =	rddreg [dreg:$0x7];
	s3 =	srdreg.scid  }
0x9: {  	s4 =	stileid.u32;
	s2 =	simm.s32 $0x0;
	s30 =	simm.s32 $0x80  }
0xa: {  	s31 =	simm.s32 $0x14800;
	s28 =	simm.s32 $0x1C900;
	s29 =	simm.s32 $0x5  }
0xb: {  	s9 =	sand.u32 $0x1, s3;
	s22 =	sshll.u32 s4, $0x1;
	[smem:$0x7FF] =	sst s2  }
0xc: {  	s3 =	sadd.s32 $0x18EE00, s7;
	s4 =	sadd.s32 $0x2400, s7;
	s12 =	sor.u32 s9, s22  }
0xd: {  	_ =	strace $0x80000047;
	s9 =	ssub.s32 $0x2, s9;
	s23 =	sshll.u32 s12, $0x5  }
0xe: {  	s14 =	sshll.u32 s12, $0x1;
	s15 =	sshrl.u32 s9, $0x1;
	s17 =	smul.u32 $0x30D40, s12  }
0xf: {  	s16 =	sshll.u32 s12, $0x6;
	s26 =	smul.u32 $0x61A8, s12;
	p0 =	seq.s32 s12, $0x1F  }
0x10: {  	s13 =	smin.u32 s23, $0x3C8;
	s14 =	sadd.s32 s14, s7;
	s21 =	ssub.s32 s9, s15  }
0x11: {  	s0 =	sadd.s32 s0, s16;
	s24 =	sadd.s32 s1, s16;
	s25 =	sadd.s32 s5, s16  }
0x12: {  	s9 =	smul.u32 $0xC35, s12;
	s20 =	sadd.s32 s8, s16;
	[dreg:$0x9] =	wrdreg s0  }
0x13: {  	s22 =	sadd.s32 s10, s16;
	s5 =	simm.s32 $0x0;
	[dreg:$0xa] =	wrdreg s24  }
0x14: {  	s13 =	sshll.u32 s13, $0x3;
	[dreg:$0xb] =	wrdreg s25;
	s15 =	sshrl.u32 s17, $0x3  }
0x15: {  	s17 =	sadd.s32 s6, s16;
	s0 =	sadd.s32 s3, s26;
	[dreg:$0x10] =	wrdreg s20  }
0x16: {  	[dreg:$0x11] =	wrdreg s22;
	s23 =	sadd.s32 $0x8400, s14;
	s25 =	sshll.u32 s12, $0x2  }
0x17: {  	s20 =	sadd.s32 $0x7C, s11;
	s21 =	smax.u32 s21, $0x1;
	s16 =	simm.s32 $0x800  }
0x18: {  	s22 =	simm.s32 $0x1D980;
	s13 =	sadd.s32 s13, s7;
	[dreg:$0xc] =	wrdreg s17  }
0x19: {  	s1 =	sadd.s32 s3, s15;
	[dreg:$0xd] =	wrdreg s0;
	s15 =	sadd.s32 $0x18F9B8, s7  }
0x1a: {  	[dreg:$0x12] =	wrdreg s23;
	s17 =	simm.s32 $0x4800;
	s18 =	sadd.s32 $0x3E8, s1  }
0x1b: {  	s0 =	simm.s32 $0x14A00;
	s19 =	sadd.s32 $0x7D0, s1;
	[dreg:$0xe] =	wrdreg s18  }
0x1c: {  	s23 =	simm.s32 $0x1D9A0;
	s24 =	sadd.s32 $0x400, s13;
	[dreg:$0xf] =	wrdreg s19  }
0x1d: {  	s26 =	sadd.s32 $0x6400, s13;
	s1 =	simm.s32 $0x2;
	[dreg:$0x13] =	wrdreg s24  }
0x1e: {  	[dreg:$0x14] =	wrdreg s26;
	s19 =	sadd.s32 s11, s25;
	s25 =	simm.s32 $0x4  }
0x1f: {  	s18 =	simm.s32 $0x8800;
	s24 =	simm.s32 $0x1;
	s26 =	simm.s32 $0x3  }
.LBB2_1:
0x20: {  	s6 =	rddreg [dreg:$0x9]  }
0x21: {  	[tilespmem:s2], [sflag:$0x4] =	stream.linear.gather [hbm4b:s6+s2], $0x200, $0x38;
	[tilespmem:$0x1D9F0] =	vst v63  }
0x22: {  	s11 =	rddreg [dreg:$0xa];
	s7 =	simm.s32 $0x200  }
0x23: {  	[tilespmem:s7], [sflag:$0x4] =	stream.linear.gather [hbm4b:s11+s2], $0x200, $0x38;
	[tilespmem:$0x1D9F0] =	vst v63  }
0x24: {  	s12 =	rddreg [dreg:$0xb];
	s8 =	simm.s32 $0x400  }
0x25: {  	[tilespmem:s8], [sflag:$0x4] =	stream.linear.gather [hbm4b:s12+s2], $0x200, $0x38;
	[tilespmem:$0x1D9F0] =	vst v63  }
0x26: {  	s13 =	rddreg [dreg:$0xc];
	s10 =	simm.s32 $0x600  }
0x27: {  	[tilespmem:s10], [sflag:$0x4] =	stream.linear.gather [hbm4b:s13+s2], $0x200, $0x38;
	[tilespmem:$0x1D9F0] =	vst v63  }
0x28: {  	_ =	swait.ge [sflag:s25], $0x200  }
0x29: {  	[sflag:s25] =	ssyncset.done $0x0  }
0x2a: {  	[sflag:s25] =	ssyncadd.s32 $0xFFFFFE00  }
0x2b: {  	_ =	swait.ge [sflag:s25], $0x200  }
0x2c: {  	[sflag:s25] =	ssyncset.done $0x0  }
0x2d: {  	[sflag:s25] =	ssyncadd.s32 $0xFFFFFE00  }
0x2e: {  	_ =	swait.ge [sflag:s25], $0x200  }
0x2f: {  	[sflag:s25] =	ssyncset.done $0x0  }
0x30: {  	[sflag:s25] =	ssyncadd.s32 $0xFFFFFE00  }
0x31: {  	_ =	swait.ge [sflag:s25], $0x200  }
0x32: {  	[sflag:s25] =	ssyncset.done $0x0  }
0x33: {  	s11 =	simm.s32 $0x14C00;
	s14 =	rddreg [dreg:$0xd];
	[sflag:s25] =	ssyncadd.s32 $0xFFFFFE00  }
0x34: {  	[tilespmem:s11], [sflag:$0x3] =	stream.linear.gather [hbm4b:s14+s2], $0x1F40, $0x38;
	[tilespmem:$0x1D9F0] =	vst v63  }
0x35: {  	s12 =	simm.s32 $0x16B40;
	s11 =	rddreg [dreg:$0xe]  }
0x36: {  	[tilespmem:s12], [sflag:$0x3] =	stream.linear.gather [hbm4b:s11+s2], $0x1F40, $0x38;
	[tilespmem:$0x1D9F0] =	vst v63  }
0x37: {  	s13 =	rddreg [dreg:$0xf];
	s14 =	simm.s32 $0x18A80  }
0x38: {  	[tilespmem:s14], [sflag:$0x3] =	stream.linear.gather [hbm4b:s13+s2], $0x1F40, $0x38;
	[tilespmem:$0x1D9F0] =	vst v63  }
0x39: {  	_ = 	snop  }
0x3a: {  	[tilespmem:s16], [sflag:$0x1] =	stream.indirect.gather [hbm4b:s3+s30], $0x40, s2, s30, $0xb8;
	[tilespmem:$0x1D9F0] =	vst v63  }
0x3b: {  	_ = 	snop  }
0x3c: {  	[tilespmem:s17], [sflag:$0x1] =	stream.indirect.gather [hbm4b:s3+s30], $0x40, s8, s30, $0xb8;
	[tilespmem:$0x1D9F0] =	vst v63  }
0x3d: {  	_ = 	snop  }
0x3e: {  	[tilespmem:s18], [sflag:$0x1] =	stream.indirect.gather [hbm4b:s3+s30], $0x40, s10, s30, $0xb8;
	[tilespmem:$0x1D9F0] =	vst v63  }
0x3f: {  	s11 =	simm.s32 $0xC800  }
0x40: {  	[tilespmem:s11], [sflag:$0x1] =	stream.indirect.gather [hbm4b:s4+s30], $0x80, s7, s30, $0xb8;
	[tilespmem:$0x1D9F0] =	vst v63  }
0x41: {  	s12 =	simm.s32 $0x2800  }
0x42: {  	[tilespmem:s12], [sflag:$0x2] =	stream.indirect.gather [hbm4b:s3+s30], $0x40, s30, s30, $0xb8;
	[tilespmem:$0x1D9F0] =	vst v63  }
0x43: {  	s13 =	simm.s32 $0x480;
	s14 =	simm.s32 $0x6800  }
0x44: {  	[tilespmem:s14], [sflag:$0x2] =	stream.indirect.gather [hbm4b:s3+s30], $0x40, s13, s30, $0xb8;
	[tilespmem:$0x1D9F0] =	vst v63  }
0x45: {  	s8 =	simm.s32 $0xA800;
	s7 =	simm.s32 $0x680  }
0x46: {  	[tilespmem:s8], [sflag:$0x2] =	stream.indirect.gather [hbm4b:s3+s30], $0x40, s7, s30, $0xb8;
	[tilespmem:$0x1D9F0] =	vst v63  }
0x47: {  	s10 =	simm.s32 $0x280;
	s11 =	simm.s32 $0x10800  }
0x48: {  	[tilespmem:s11], [sflag:$0x2] =	stream.indirect.gather [hbm4b:s4+s30], $0x80, s10, s30, $0xb8;
	[tilespmem:$0x1D9F0] =	vst v63  }
0x49: {  	_ =	swait.ge [sflag:s24], $0x2000  }
0x4a: {  	[sflag:s24] =	ssyncset.done $0x0  }
0x4b: {  	[sflag:s24] =	ssyncadd.s32 $0xFFFFE000  }
0x4c: {  	_ =	swait.ge [sflag:s24], $0x2000  }
0x4d: {  	[sflag:s24] =	ssyncset.done $0x0  }
0x4e: {  	[sflag:s24] =	ssyncadd.s32 $0xFFFFE000  }
0x4f: {  	_ =	swait.ge [sflag:s24], $0x2000  }
0x50: {  	[sflag:s24] =	ssyncset.done $0x0  }
0x51: {  	[sflag:s24] =	ssyncadd.s32 $0xFFFFE000  }
0x52: {  	_ =	swait.ge [sflag:s24], $0x4000  }
0x53: {  	[sflag:s24] =	ssyncset.done $0x0  }
0x54: {  	s12 =	simm.s32 $0x880;
	[sflag:s24] =	ssyncadd.s32 $0xFFFFC000  }
0x55: {  	s13 =	simm.s32 $0xC900;
	v20 =	vld [tilespmem:s12+$0x70]  }
0x56: {  	v28 =	vld [tilespmem:s13+$0xC0]  }
0x57: {  	v27 =	vld [tilespmem:s13+$0xD0]  }
0x58: {  	v21 =	vld [tilespmem:s12+$0x40]  }
0x59: {  	v29 =	vld [tilespmem:s13+$0xE0]  }
0x5a: {  	v22 =	vld [tilespmem:s12+$0x50]  }
0x5b: {  	v26 =	vld [tilespmem:s13+$0xF0]  }
0x5c: {  	s10 =	simm.s32 $0x4880;
	v23 =	vld [tilespmem:s12+$0x60]  }
0x5d: {  	v30 =	vld [tilespmem:s10+$0x40]  }
0x5e: {  	v31 =	vld [tilespmem:s10+$0x50]  }
0x5f: {  	s8 =	simm.s32 $0x8880;
	v32 =	vld [tilespmem:s10+$0x60];
	v2 =	vmul.f32 v28, v28;
	v3 =	vmul.f32 v27, v27  }
0x60: {  	v33 =	vld [tilespmem:s8+$0x40]  }
0x61: {  	v34 =	vld [tilespmem:s8+$0x50];
	v2 =	vadd.f32 v3, v2;
	v3 =	vmul.f32 v29, v29  }
0x62: {  	v35 =	vld [tilespmem:s10+$0x70]  }
0x63: {  	v36 =	vld [tilespmem:s8+$0x60];
	v2 =	vadd.f32 v3, v2;
	v3 =	vmul.f32 v26, v26  }
0x64: {  	v10 =	vld [tilespmem:s13+$0xFFFFFF50]  }
0x65: {  	v39 =	vld [tilespmem:s8+$0x70];
	v2 =	vadd.f32 v3, v2  }
0x66: {  	v7 =	vld [tilespmem:s13+$0xFFFFFFC0];
	v6 =	vmul.f32 v33, v28;
	v9 =	vmul.f32 v34, v27  }
0x67: {  	v8 =	vld [tilespmem:s13+$0xFFFFFFD0];
	v4 =	vmul.f32 v22, v27;
	v3 =	vmul.f32 v21, v28;
	(xrf2) =	vadd.scan.msk.f32 $0xffff, v2  }
0x68: {  	v15 =	vld [tilespmem:s13+$0x50];
	v5 =	vmul.f32 v23, v29;
	v6 =	vadd.f32 v9, v6;
	v9 =	vmul.f32 v36, v29  }
0x69: {  	v13 =	vld [tilespmem:s13+$0xFFFFFF40];
	v60 =	vadd.f32 v4, v3;
	v3 =	vmul.f32 v30, v28;
	v4 =	vmul.f32 v31, v27  }
0x6a: {  	v0 =	vld [tilespmem:s12+$0xFFFFFF80];
	v14 =	vmul.f32 v39, v26;
	v6 =	vadd.f32 v9, v6  }
0x6b: {  	v11 =	vmul.f32 v32, v29;
	v9 =	vld [tilespmem:s13+$0xFFFFFFE0];
	v2 =	vadd.f32 v5, v60;
	v5 =	vadd.f32 v4, v3  }
0x6c: {  	v12 =	vmul.f32 v20, v26;
	v61 =	vadd.f32 v14, v6;
	v6 =	vld [tilespmem:s13+$0xFFFFFFF0]  }
0x6d: {  	v4 =	vld [tilespmem:s13+$0x40];
	v5 =	vadd.f32 v11, v5;
	v11 =	vmul.f32 v35, v26  }
0x6e: {  	v2 =	vadd.f32 v12, v2;
	v12 =	vld [tilespmem:s13+$0xFFFFFF60]  }
0x6f: {  	v11 =	vadd.f32 v11, v5;
	v5 =	vld [tilespmem:s13+$0x60]  }
0x70: {  	v16 =	vmul.f32 v10, v10;
	v17 =	vmul.f32 v7, v7;
	(xrf2) =	vadd.scan.msk.f32 $0xffff, v2;
	v2 =	vld [tilespmem:s13+$0x70]  }
0x71: {  	v18 =	vmul.f32 v8, v8;
	v25 =	vmul.f32 v13, v13;
	(xrf2) =	vadd.scan.msk.f32 $0xffff, v11;
	v11 =	vld [tilespmem:s13+$0xFFFFFF70];
	[tilespmem:$0x1FFF0] =	vst v0;
	v14, _, _ =	vpop (xrf2)  }
0x72: {  	v37 =	vmul.f32 v15, v15;
	v24 =	vmul.f32 v4, v4;
	(xrf2) =	vadd.scan.msk.f32 $0xffff, v61;
	v40 =	vld [tilespmem:s13+$0xB0];
	v14 =	vmax.f32 v14, $1.000000020e-24  }
0x73: {  	v16 =	vadd.f32 v16, v25;
	v17 =	vadd.f32 v18, v17;
	v25 =	vld [tilespmem:s13+$0xA0];
	v19 =	vbroadcast v14, $0xF  }
0x74: {  	v18 =	vadd.f32 v37, v24;
	v24 =	vmul.f32 v9, v9;
	v41 =	vld [tilespmem:s13+$0x80];
	v62 =	vmul.f32 v5, v5  }
0x75: {  	v42 =	vld [tilespmem:s13+$0x90];
	(erf) = vrcp.f32 v19;
	v19 =	vmul.f32 v12, v12  }
0x76: {  	v38 =	vmul.f32 v6, v6;
	v24 =	vadd.f32 v24, v17  }
0x77: {  	v17 =	vld [tilespmem:s10+$0xFFFFFF80];
	v18 =	vadd.f32 v62, v18;
	v16 =	vadd.f32 v19, v16;
	v19 =	vmul.f32 v11, v11  }
0x78: {  	v45 =	vmul.f32 v2, v2;
	v14 =	vld [tilespmem:s12+$0xFFFFFF90];
	v37 =	vadd.f32 v38, v24;
	v20 =	vadd.f32 v40, v20  }
0x79: {  	v23 =	vadd.f32 v25, v23;
	v41 =	vadd.f32 v41, v21;
	v21 =	vld [tilespmem:s10+$0xFFFFFFC0]  }
0x7a: {  	v42 =	vadd.f32 v42, v22;
	v38 =	vadd.f32 v45, v18;
	v18 =	vld [tilespmem:s8+$0xFFFFFF90];
	v43, _, _ =	vpop (xrf2)  }
0x7b: {  	v48 =	vsub.f32 v20, v35;
	v44 =	vadd.f32 v19, v16;
	v16 =	vld [tilespmem:s10+$0xFFFFFF90];
	v19, _, _ =	vpop (xrf2)  }
0x7c: {  	v47 =	vmul.f32 v0, v13;
	v32 =	vsub.f32 v23, v32;
	v24 =	vsub.f32 v43, v19;
	v46, _, _ =	vpop (xrf2);
	v19 =	vld [tilespmem:s8+$0xFFFFFF80]  }
0x7d: {  	v25 =	vld [tilespmem:s12+$0xFFFFFFD0];
	v58 =	vmul.f32 v17, v13;
	v45 =	vmul.f32 v14, v10;
	v43 =	vsub.f32 v43, v46  }
0x7e: {  	v3 =	vld [tilespmem:s8+$0xFFFFFFF0];
	v39 =	vsub.f32 v20, v39;
	v51 =	vmul.f32 v21, v7;
	v63 =	vbroadcast v24, $0xF  }
0x7f: {  	v22 =	vld [tilespmem:s8+$0xFFFFFFC0];
	v30 =	vsub.f32 v41, v30;
	v62 =	vmul.f32 v18, v10;
	v0 =	vpop (erf);
	v1 =	vbroadcast v43, $0xF  }
0x80: {  	v20 =	vld [tilespmem:s10+$0xFFFFFFD0];
	v31 =	vsub.f32 v42, v31;
	v60 =	vmul.f32 v16, v10;
	v40 =	vmul.f32 v63, v0  }
0x81: {  	v50 =	vsub.f32 v23, v36;
	v24 =	vld [tilespmem:s12+$0xFFFFFFC0];
	v46 =	vmul.f32 v1, v0;
	v61 =	vmul.f32 v19, v13  }
0x82: {  	v33 =	vsub.f32 v41, v33;
	v23 =	vld [tilespmem:s8+$0xFFFFFFD0];
	v0 =	vmul.f32 v25, v8;
	v52 =	vmul.f32 v40, v28  }
0x83: {  	v36 =	vld [tilespmem:s12+$0x0];
	v34 =	vsub.f32 v42, v34;
	v49 =	vmul.f32 v40, v27;
	v53 =	vmul.f32 v40, v29  }
0x84: {  	v35 =	vld [tilespmem:s12+$0x10];
	v45 =	vadd.f32 v45, v47;
	v40 =	vmul.f32 v40, v26;
	v28 =	vmul.f32 v46, v28  }
0x85: {  	v42 =	vadd.f32 v60, v58;
	v54 =	vmul.f32 v46, v27;
	v27 =	vld [tilespmem:s10+$0x0];
	v29 =	vmul.f32 v46, v29  }
0x86: {  	v57 =	vmul.f32 v46, v26;
	v26 =	vld [tilespmem:s10+$0xFFFFFFA0];
	v63 =	vmul.f32 v24, v7;
	v30 =	vsub.f32 v30, v52  }
0x87: {  	v46 =	vmul.f32 v23, v8;
	v31 =	vsub.f32 v31, v49;
	v32 =	vsub.f32 v32, v53;
	v49 =	vld [tilespmem:s12+$0xFFFFFFE0]  }
0x88: {  	v40 =	vsub.f32 v48, v40;
	v52 =	vmul.f32 v20, v8;
	v33 =	vsub.f32 v33, v28;
	v28 =	vld [tilespmem:s10+$0x10]  }
0x89: {  	v53 =	vmul.f32 v22, v7;
	v34 =	vsub.f32 v34, v54;
	v29 =	vsub.f32 v50, v29;
	v54 =	vld [tilespmem:s12+$0x20]  }
0x8a: {  	v39 =	vsub.f32 v39, v57;
	v57 =	vld [tilespmem:s8+$0x20];
	v30 =	vmul.f32 v30, v30;
	v31 =	vmul.f32 v31, v31  }
0x8b: {  	v47 =	vadd.f32 v0, v63;
	v56 =	vmul.f32 v33, v33;
	v34 =	vmul.f32 v34, v34;
	v33 =	vld [tilespmem:s12+$0xFFFFFFA0]  }
0x8c: {  	v32 =	vmul.f32 v32, v32;
	v59 =	vmul.f32 v29, v29;
	v29 =	vld [tilespmem:s8+$0xFFFFFFA0];
	v55 =	vadd.f32 v31, v30  }
0x8d: {  	v1 =	vmul.f32 v35, v15;
	v51 =	vadd.f32 v52, v51;
	v31 =	vld [tilespmem:s8+$0x0];
	v34 =	vadd.f32 v34, v56  }
0x8e: {  	v40 =	vmul.f32 v40, v40;
	v46 =	vadd.f32 v46, v53;
	v30 =	vld [tilespmem:s8+$0x10];
	v32 =	vadd.f32 v32, v55  }
0x8f: {  	v39 =	vmul.f32 v39, v39;
	v56 =	vmul.f32 v27, v4;
	v41 =	vadd.f32 v34, v59;
	v34 =	vld [tilespmem:s8+$0xFFFFFFE0]  }
0x90: {  	v55 =	vmul.f32 v36, v4;
	v50 =	vmul.f32 v28, v15;
	v48 =	vadd.f32 v40, v32;
	v32 =	vld [tilespmem:s10+$0xFFFFFFE0]  }
0x91: {  	v53 =	vmul.f32 v54, v5;
	v40 =	vadd.f32 v62, v61;
	v41 =	vadd.f32 v41, v39;
	v39 =	vld [tilespmem:s10+$0x20]  }
0x92: {  	v59 =	vld [tilespmem:s12+$0xFFFFFFB0];
	v60 =	vmul.f32 v33, v12;
	v43 =	vadd.f32 v1, v55;
	v1 =	vmul.f32 v26, v12  }
0x93: {  	v61 =	vld [tilespmem:s10+$0xFFFFFFB0];
	v50 =	vadd.f32 v50, v56;
	v56 =	vmul.f32 v29, v12;
	v58 =	vmul.f32 v31, v4  }
0x94: {  	v55 =	vld [tilespmem:s8+$0xFFFFFFB0];
	v0 =	vmul.f32 v30, v15;
	v45 =	vadd.f32 v60, v45;
	v60 =	vmul.f32 v49, v9  }
0x95: {  	(xrf2) =	vadd.scan.msk.f32 $0xffff, v44;
	v63 =	vld [tilespmem:s10+$0xFFFFFFF0];
	v42 =	vadd.f32 v1, v42;
	v56 =	vadd.f32 v56, v40;
	v44 =	vmul.f32 v34, v9  }
0x96: {  	v52 =	vadd.f32 v0, v58;
	v58 =	vld [tilespmem:s12+$0xFFFFFFF0];
	v62 =	vmul.f32 v32, v9;
	v1 =	vmul.f32 v39, v5  }
0x97: {  	v40 =	vmul.f32 v57, v5;
	v43 =	vadd.f32 v53, v43;
	v46 =	vadd.f32 v44, v46;
	v44 =	vld [tilespmem:s10+$0x30]  }
0x98: {  	(xrf2) =	vadd.scan.msk.f32 $0xffff, v37;
	v51 =	vadd.f32 v62, v51;
	v62 =	vmul.f32 v59, v11;
	v1 =	vadd.f32 v1, v50;
	v50 =	vld [tilespmem:s8+$0x30]  }
0x99: {  	(xrf2) =	vadd.scan.msk.f32 $0xffff, v38;
	v47 =	vadd.f32 v60, v47;
	v60 =	vld [tilespmem:s12+$0x30];
	v37 =	vmul.f32 v61, v11;
	v53 =	vmul.f32 v55, v11  }
0x9a: {  	(xrf2) =	vadd.scan.msk.f32 $0xffff, v48;
	v0 =	vmul.f32 v63, v6;
	v40 =	vadd.f32 v40, v52;
	v52 =	vld [tilespmem:s13+$0xFFFFFF00];
	v45 =	vadd.f32 v62, v45  }
0x9b: {  	(xrf2) =	vadd.scan.msk.f32 $0xffff, v41;
	v37 =	vadd.f32 v37, v42;
	v42 =	vmul.f32 v3, v6;
	v48 =	vadd.f32 v53, v56;
	v53 =	vld [tilespmem:s13+$0xFFFFFF80]  }
0x9c: {  	v38 =	vmul.f32 v58, v6;
	v62 =	vld [tilespmem:s13+$0xFFFFFF10];
	v56 =	vmul.f32 v44, v2;
	(xrf2) =	vadd.scan.msk.f32 $0xffff, v45  }
0x9d: {  	v0 =	vadd.f32 v0, v51;
	v42 =	vadd.f32 v42, v46;
	v46 =	vld [tilespmem:s13+$0x0];
	(xrf2) =	vadd.scan.msk.f32 $0xffff, v37;
	v51 =	vmul.f32 v50, v2  }
0x9e: {  	v38 =	vadd.f32 v38, v47;
	v47 =	vld [tilespmem:s13+$0xFFFFFF90]  }
0x9f: {  	v40 =	vadd.f32 v51, v40;
	v51 =	vld [tilespmem:$0x1FFF0]  }
0xa0: {  	v41 =	vmul.f32 v60, v2;
	v1 =	vadd.f32 v56, v1;
	v56, _, _ =	vpop (xrf2)  }
0xa1: {  	v24 =	vadd.f32 v53, v24;
	v45 =	vmax.f32 v56, $1.000000020e-24  }
0xa2: {  	v41 =	vadd.f32 v41, v43;
	v14 =	vadd.f32 v62, v14;
	(xrf2) =	vadd.scan.msk.f32 $0xffff, v48;
	v62, _, _ =	vpop (xrf2);
	v45 =	vbroadcast v45, $0xF  }
0xa3: {  	v37 =	vld [tilespmem:s13+$0x10];
	v36 =	vadd.f32 v46, v36;
	v22 =	vsub.f32 v24, v22;
	v53, _, _ =	vpop (xrf2)  }
0xa4: {  	v25 =	vadd.f32 v47, v25;
	v47 =	vld [tilespmem:s13+$0xFFFFFF20];
	v48, _, _ =	vpop (xrf2);
	(erf) = vrcp.f32 v45;
	v43 =	vadd.f32 v52, v51  }
0xa5: {  	v16 =	vsub.f32 v14, v16;
	v14 =	vsub.f32 v14, v18;
	(xrf2) =	vadd.scan.msk.f32 $0xffff, v38;
	v38, _, _ =	vpop (xrf2)  }
0xa6: {  	v56 =	vld [tilespmem:s13+$0x20];
	v18 =	vsub.f32 v24, v21;
	v21 =	vmax.f32 v62, $1.000000020e-24;
	v62, _, _ =	vpop (xrf2);
	v17 =	vsub.f32 v43, v17  }
0xa7: {  	v24 =	vld [tilespmem:s13+$0xFFFFFF30];
	v21 =	vbroadcast v21, $0xF;
	v19 =	vsub.f32 v43, v19;
	v43 =	vsub.f32 v25, v23;
	v23, _, _ =	vpop (xrf2)  }
0xa8: {  	v27 =	vsub.f32 v36, v27;
	v52 =	vld [tilespmem:s13+$0xFFFFFFA0];
	v23 =	vsub.f32 v62, v23  }
0xa9: {  	v35 =	vadd.f32 v37, v35;
	(erf) = vrcp.f32 v21;
	v21 =	vadd.f32 v47, v33;
	v47 =	vld [tilespmem:s13+$0xFFFFFFB0]  }
0xaa: {  	v31 =	vsub.f32 v36, v31;
	v20 =	vsub.f32 v25, v20;
	(xrf2) =	vadd.scan.msk.f32 $0xffff, v0;
	v51 =	vld [tilespmem:s13+$0x30]  }
0xab: {  	v28 =	vsub.f32 v35, v28;
	v30 =	vsub.f32 v35, v30;
	v25 =	vmax.f32 v53, $1.000000020e-24  }
0xac: {  	v26 =	vsub.f32 v21, v26;
	v29 =	vsub.f32 v21, v29;
	v21 =	vbroadcast v23, $0xF;
	v23, _, _ =	vpop (xrf2)  }
0xad: {  	(xrf2) =	vadd.scan.msk.f32 $0xffff, v42;
	v24 =	vadd.f32 v24, v59;
	v25 =	vbroadcast v25, $0xF;
	v0 =	vsub.f32 v62, v23;
	v23 =	vpop (erf)  }
0xae: {  	v46 =	vadd.f32 v52, v49;
	v53 =	vmul.f32 v21, v23;
	v21 =	vadd.f32 v47, v58  }
0xaf: {  	v49 =	vadd.f32 v56, v54;
	v54 =	vadd.f32 v51, v60;
	v0 =	vbroadcast v0, $0xF  }
0xb0: {  	(erf) = vrcp.f32 v25;
	v56 =	vsub.f32 v24, v61;
	v59 =	vsub.f32 v21, v63  }
0xb1: {  	(xrf2) =	vadd.scan.msk.f32 $0xffff, v41;
	v21 =	vsub.f32 v21, v3;
	v3 =	vmul.f32 v53, v12;
	v0 =	vmul.f32 v0, v23  }
0xb2: {  	v36 =	vsub.f32 v49, v57;
	v57 =	vsub.f32 v24, v55;
	v58, _, _ =	vpop (xrf2);
	(xrf2) =	vadd.scan.msk.f32 $0xffff, v1;
	v25 =	vmul.f32 v53, v13  }
0xb3: {  	v24 =	vsub.f32 v26, v3;
	v13 =	vmul.f32 v0, v13;
	v3 =	vmul.f32 v0, v10  }
0xb4: {  	v32 =	vsub.f32 v46, v32;
	v33 =	vsub.f32 v46, v34;
	v60, _, _ =	vpop (xrf2);
	v23 =	vmul.f32 v53, v10  }
0xb5: {  	v1 =	vsub.f32 v58, v60;
	v3 =	vsub.f32 v14, v3  }
0xb6: {  	v17 =	vsub.f32 v17, v25;
	v16 =	vsub.f32 v16, v23  }
0xb7: {  	(xrf2) =	vadd.scan.msk.f32 $0xffff, v40;
	v10 =	vmul.f32 v0, v12;
	v12 =	vsub.f32 v19, v13;
	v13, _, _ =	vpop (xrf2);
	v3 =	vmul.f32 v3, v3  }
0xb8: {  	v1 =	vbroadcast v1, $0xF;
	v17 =	vmul.f32 v17, v17;
	v13 =	vsub.f32 v58, v13  }
0xb9: {  	v14 =	vpop (erf);
	v25 =	vsub.f32 v29, v10;
	v10 =	vmul.f32 v16, v16;
	v12 =	vmul.f32 v12, v12  }
0xba: {  	v52 =	vsub.f32 v49, v39;
	v1 =	vmul.f32 v1, v14;
	v13 =	vbroadcast v13, $0xF  }
0xbb: {  	s14 =	simm.s32 $0x3;
	v16 =	vadd.f32 v10, v17;
	v17 =	vadd.f32 v3, v12;
	v3, _, _ =	vpop (xrf2)  }
0xbc: {  	v62 =	vmov s14;
	v19 =	vmul.f32 v1, v7;
	v29 =	vmul.f32 v13, v14;
	v14, _, _ =	vpop (xrf2)  }
0xbd: {  	v26 =	vsub.f32 v54, v44;
	v0 =	vmul.f32 v0, v11;
	v14 =	vsub.f32 v3, v14  }
0xbe: {  	v10 =	vmul.f32 v1, v8;
	v12 =	vsub.f32 v18, v19;
	v18 =	vmul.f32 v53, v11  }
0xbf: {  	v23 =	vsub.f32 v54, v50;
	v13 =	vmul.f32 v1, v9;
	v8 =	vmul.f32 v29, v8  }
0xc0: {  	v10 =	vsub.f32 v20, v10;
	v19 =	vmul.f32 v12, v12;
	v7 =	vmul.f32 v29, v7  }
0xc1: {  	v11 =	vsub.f32 v32, v13;
	v13 =	vsub.f32 v43, v8;
	v8 =	vbroadcast v14, $0xF;
	v14, _, _ =	vpop (xrf2)  }
0xc2: {  	v10 =	vmul.f32 v10, v10;
	v9 =	vmul.f32 v29, v9;
	v3 =	vsub.f32 v3, v14  }
0xc3: {  	v12 =	vsub.f32 v56, v18;
	v1 =	vmul.f32 v1, v6;
	v7 =	vsub.f32 v22, v7;
	v14 =	vpop (erf)  }
0xc4: {  	v9 =	vsub.f32 v33, v9;
	v20 =	vmul.f32 v8, v14;
	v3 =	vbroadcast v3, $0xF  }
0xc5: {  	v7 =	vmul.f32 v7, v7;
	v8 =	vadd.f32 v10, v19;
	v10 =	vmul.f32 v13, v13  }
0xc6: {  	v22 =	vsub.f32 v57, v0;
	v61 =	vmul.f32 v20, v4;
	v33 =	vmul.f32 v3, v14  }
0xc7: {  	v10 =	vadd.f32 v10, v7;
	v7 =	vmul.f32 v20, v5;
	v3 =	vmul.f32 v20, v15  }
0xc8: {  	s12 =	simm.s32 $0x980;
	v0 =	vsub.f32 v27, v61;
	v27 =	vsub.f32 v59, v1;
	v13 =	vmul.f32 v33, v4  }
0xc9: {  	v55 =	vld [tilespmem:s12+$0x40];
	v4 =	vsub.f32 v52, v7;
	v63 =	vmul.f32 v33, v15;
	v7 =	vbroadcast v48, $0xF  }
0xca: {  	s11 =	simm.s32 $0xCB00;
	v53 =	vld [tilespmem:s12+$0x70];
	v3 =	vsub.f32 v28, v3;
	v15 =	vbroadcast v38, $0xF;
	v5 =	vmul.f32 v33, v5  }
0xcb: {  	v14 =	vld [tilespmem:s11+$0xD0];
	v28 =	vmul.f32 v29, v6;
	v0 =	vmul.f32 v0, v0;
	v31 =	vsub.f32 v31, v13  }
0xcc: {  	v13 =	vld [tilespmem:s11+$0xC0];
	v1 =	vsub.f32 v30, v63;
	[tilespmem:v62+s31+$0x0] =	vst.idx.msk $0x1, v7;
	v7 =	vmov s2;
	v29 =	vmul.f32 v3, v3  }
0xcd: {  	v6 =	vsub.f32 v36, v5;
	[tilespmem:v62+s0+$0x0] =	vst.idx.msk $0x1, v15;
	v60 =	vand.u32 $0xFFFFFFFC, v7;
	v15 =	vld [tilespmem:s11+$0xE0];
	v7 =	vmul.f32 v20, v2  }
0xce: {  	s6 =	simm.s32 $0x4;
	s7 =	simm.s32 $0x0;
	s13 =	simm.s32 $0x8;
	v38 =	vmovc v2;
	v20 =	vld [tilespmem:s12+$0x50];
	v5 =	vadd.f32 v29, v0;
	v34 =	vmul.f32 v31, v31;
	v37 =	vmul.f32 v1, v1  }
.LBB2_2:
0xcf: {  	_ = 	snop  }
0xd0: {  	v30 =	vld [tilespmem:s11+$0xF0]  }
0xd1: {  	v0 =	vmul.f32 v24, v24;
	v2 =	vmul.f32 v33, v38;
	v19 =	vld [tilespmem:s11+$0xFFFFFF50]  }
0xd2: {  	v25 =	vmul.f32 v25, v25;
	v11 =	vmul.f32 v11, v11;
	v56 =	vld [tilespmem:s11+$0xFFFFFFC0]  }
0xd3: {  	s10 =	sadd.s32 $0x100, s10;
	v1 =	vsub.f32 v21, v28;
	v28 =	vld [tilespmem:s12+$0x60];
	v21 =	vmul.f32 v13, v13;
	v24 =	vmul.f32 v14, v14  }
0xd4: {  	v9 =	vmul.f32 v9, v9;
	v4 =	vmul.f32 v4, v4;
	v35 =	vld [tilespmem:s10+$0x40]  }
0xd5: {  	v12 =	vmul.f32 v12, v12;
	v59 =	vld [tilespmem:s10+$0x50];
	v21 =	vadd.f32 v24, v21;
	v24 =	vmul.f32 v15, v15  }
0xd6: {  	s8 =	sadd.s32 $0x100, s8;
	v54 =	vld [tilespmem:s11+$0xFFFFFFD0];
	v7 =	vsub.f32 v26, v7;
	v2 =	vsub.f32 v23, v2;
	v26 =	vmul.f32 v55, v13  }
0xd7: {  	v36 =	vld [tilespmem:s8+$0x40];
	v23 =	vmul.f32 v30, v30;
	v21 =	vadd.f32 v24, v21;
	v24 =	vmul.f32 v20, v14  }
0xd8: {  	v22 =	vmul.f32 v22, v22;
	v33 =	vld [tilespmem:s8+$0x50];
	v0 =	vadd.f32 v0, v16;
	v25 =	vadd.f32 v17, v25  }
0xd9: {  	v32 =	vld [tilespmem:s10+$0x60];
	v16 =	vadd.f32 v23, v21;
	v17 =	vadd.f32 v24, v26;
	v21 =	vmul.f32 v28, v15  }
0xda: {  	v34 =	vadd.f32 v37, v34;
	v37 =	vld [tilespmem:s8+$0x60];
	v23 =	vmul.f32 v35, v13;
	v24 =	vmul.f32 v59, v14  }
0xdb: {  	v31 =	vld [tilespmem:s10+$0x70];
	v39 =	vadd.f32 v10, v9;
	v17 =	vadd.f32 v21, v17;
	v21 =	vmul.f32 v53, v30;
	(xrf2) =	vadd.scan.msk.f32 $0xffff, v16  }
0xdc: {  	v6 =	vmul.f32 v6, v6;
	v38 =	vld [tilespmem:s8+$0x70];
	v10 =	vadd.f32 v24, v23;
	v24 =	vadd.f32 v4, v5  }
0xdd: {  	v29 =	vld [tilespmem:s11+$0xFFFFFFE0];
	v5 =	vadd.f32 v21, v17;
	v17 =	vmul.f32 v36, v13;
	v21 =	vmul.f32 v33, v14  }
0xde: {  	v58 =	vld [tilespmem:s11+$0x60];
	v60 =	vbroadcast v60, $0x0;
	v16 =	vmul.f32 v32, v15  }
0xdf: {  	v34 =	vadd.f32 v34, v6;
	v4 =	vld [tilespmem:s11+$0x40];
	v6 =	vadd.f32 v21, v17;
	v21 =	vmul.f32 v37, v15  }
0xe0: {  	v1 =	vmul.f32 v1, v1;
	v10 =	vadd.f32 v16, v10;
	v16 =	vmul.f32 v31, v30;
	(xrf2) =	vadd.scan.msk.f32 $0xffff, v5;
	v5 =	vld [tilespmem:s11+$0x50]  }
0xe1: {  	v18 =	vld [tilespmem:s11+$0xFFFFFF70];
	v42 =	vmul.f32 v7, v7;
	v6 =	vadd.f32 v21, v6;
	v21 =	vmul.f32 v38, v30  }
0xe2: {  	v0 =	vadd.f32 v12, v0;
	v40 =	vmul.f32 v54, v54;
	v10 =	vadd.f32 v16, v10;
	v17 =	vld [tilespmem:s11+$0xFFFFFF40]  }
0xe3: {  	v46 =	vld [tilespmem:s11+$0x80];
	v23 =	vmul.f32 v27, v27;
	v27 =	vmul.f32 v56, v56;
	v21 =	vadd.f32 v21, v6  }
0xe4: {  	v44 =	vadd.f32 v25, v22;
	v41 =	vmul.f32 v19, v19;
	v26 =	vadd.f32 v11, v8;
	v16 =	vld [tilespmem:s11+$0xFFFFFF60];
	(xrf2) =	vadd.scan.msk.f32 $0xffff, v10  }
0xe5: {  	v57 =	vld [tilespmem:s11+$0xFFFFFFF0];
	v25 =	vadd.f32 v40, v27;
	v43 =	vmul.f32 v4, v4;
	v27 =	vmul.f32 v5, v5;
	v49, _, _ =	vpop (xrf2);
	(xrf2) =	vadd.scan.msk.f32 $0xffff, v21  }
0xe6: {  	v45 =	vadd.f32 v23, v26;
	v40 =	vadd.f32 v39, v1;
	v39 =	vld [tilespmem:s11+$0xB0];
	v23 =	vmax.f32 v49, $1.000000020e-24  }
0xe7: {  	v6 =	vld [tilespmem:s11+$0x70];
	v21 =	vmul.f32 v17, v17;
	v26 =	vadd.f32 v27, v43;
	v27 =	vbroadcast v23, $0xF  }
0xe8: {  	v22 =	vmul.f32 v2, v2;
	v51 =	vmul.f32 v29, v29;
	v46 =	vadd.f32 v46, v55  }
0xe9: {  	v3 =	vld [tilespmem:s12+$0xFFFFFF90];
	v50 =	vmul.f32 v16, v16;
	v21 =	vadd.f32 v41, v21;
	(erf) = vrcp.f32 v27  }
0xea: {  	v52 =	vmul.f32 v58, v58;
	v62 =	vmul.f32 v18, v18;
	v34 =	vadd.f32 v34, v22  }
0xeb: {  	v2 =	vld [tilespmem:s12+$0xFFFFFF80];
	v22 =	vmul.f32 v57, v57;
	v35 =	vsub.f32 v46, v35;
	v61 =	vadd.f32 v50, v21  }
0xec: {  	s14 =	sadd.s32 $0x1, s7;
	v36 =	vsub.f32 v46, v36;
	v39 =	vadd.f32 v39, v53;
	v41 =	vld [tilespmem:s11+$0xA0];
	v63 =	vmul.f32 v6, v6  }
0xed: {  	v43, _, _ =	vpop (xrf2);
	(xrf2) =	vadd.scan.msk.f32 $0xffff, v0;
	v21 =	vadd.f32 v51, v25;
	v27 =	vmov s14;
	v51 =	vld [tilespmem:s11+$0x90];
	v0 =	vadd.f32 v62, v61  }
0xee: {  	[tilespmem:$0x1FF30] =	vst v3;
	v25 =	vadd.f32 v52, v26;
	s14 =	sadd.s32 $0x2, s7;
	v52 =	vmul.f32 v3, v19;
	v47, _, _ =	vpop (xrf2);
	v61 =	vand.u32 $0xFFFFFFFD, v27  }
0xef: {  	v48 =	vmov s14;
	v47 =	vsub.f32 v43, v47;
	(xrf2) =	vadd.scan.msk.f32 $0xffff, v0;
	v0 =	vbroadcast v61, $0x0;
	v3, _, _ =	vpop (xrf2)  }
0xf0: {  	v49 =	vmul.f32 v2, v17;
	v62 =	vand.u32 $0xFFFFFFFE, v48;
	v43 =	vsub.f32 v43, v3  }
0xf1: {  	v1 =	vadd.f32 v63, v25;
	v63 =	vbroadcast v47, $0xF;
	[tilespmem:$0x1FFB0] =	vst v0;
	v0 =	vbroadcast v62, $0x0  }
0xf2: {  	v41 =	vadd.f32 v41, v28;
	v47 =	vadd.f32 v51, v20;
	v43 =	vbroadcast v43, $0xF;
	v20 =	vpop (erf)  }
0xf3: {  	v50 =	vadd.f32 v22, v21;
	v48 =	vsub.f32 v39, v31;
	[tilespmem:$0x1FFC0] =	vst v0;
	v0 =	vmul.f32 v63, v20  }
0xf4: {  	[tilespmem:$0x1FF90] =	vst v60;
	v51 =	vsub.f32 v39, v38;
	v37 =	vsub.f32 v41, v37;
	v43 =	vmul.f32 v43, v20  }
0xf5: {  	v7 =	vld [tilespmem:s8+$0xFFFFFF80];
	[tilespmem:$0x1FF20] =	vst v2;
	v55 =	vsub.f32 v47, v59;
	v53 =	vmul.f32 v0, v13;
	v59 =	vmul.f32 v0, v14  }
0xf6: {  	v2 =	vld [tilespmem:s10+$0xFFFFFF90];
	(xrf2) =	vadd.scan.msk.f32 $0xffff, v50;
	v50 =	vsub.f32 v41, v32;
	v60 =	vmul.f32 v0, v30;
	v0 =	vmul.f32 v0, v15  }
0xf7: {  	v23 =	vld [tilespmem:s10+$0x0];
	[tilespmem:$0x1FF10] =	vst v6;
	v33 =	vsub.f32 v47, v33;
	v61 =	vmul.f32 v43, v30;
	v63 =	vmul.f32 v43, v13  }
0xf8: {  	v6 =	vld [tilespmem:s10+$0xFFFFFF80];
	v8, _, _ =	vpop (xrf2);
	(xrf2) =	vadd.scan.msk.f32 $0xffff, v1;
	v14 =	vmul.f32 v43, v14;
	v1 =	vsub.f32 v35, v53;
	v62 =	vsub.f32 v55, v59  }
0xf9: {  	v26 =	vld [tilespmem:s10+$0x10];
	v15 =	vmul.f32 v43, v15;
	v0 =	vsub.f32 v50, v0;
	v36 =	vsub.f32 v36, v63  }
0xfa: {  	v31 =	vld [tilespmem:s12+$0xFFFFFFD0];
	(xrf2) =	vadd.scan.msk.f32 $0xffff, v44;
	v33 =	vsub.f32 v33, v14;
	v1 =	vmul.f32 v1, v1;
	v35 =	vmul.f32 v62, v62  }
0xfb: {  	v25 =	vld [tilespmem:s8+$0xFFFFFFC0];
	v41 =	vsub.f32 v48, v60;
	v15 =	vsub.f32 v37, v15;
	v0 =	vmul.f32 v0, v0  }
0xfc: {  	v28 =	vld [tilespmem:s12+$0xFFFFFFC0];
	v50 =	vmul.f32 v36, v36;
	v33 =	vmul.f32 v33, v33;
	v1 =	vadd.f32 v35, v1  }
0xfd: {  	v38 =	vld [tilespmem:s12+$0x0];
	v60 =	vsub.f32 v51, v61;
	v53 =	vmul.f32 v41, v41  }
0xfe: {  	v3 =	vld [tilespmem:s8+$0xFFFFFF90];
	v59 =	vmul.f32 v15, v15;
	v55 =	vadd.f32 v33, v50;
	v0 =	vadd.f32 v0, v1  }
0xff: {  	v30 =	vld [tilespmem:s8+$0xFFFFFFD0]  }
0x100: {  	v39 =	vld [tilespmem:s12+$0x10];
	v62 =	vmul.f32 v60, v60;
	v41 =	vadd.f32 v55, v59;
	v63 =	vadd.f32 v53, v0  }
0x101: {  	v42 =	vadd.f32 v42, v24;
	v22, _, _ =	vpop (xrf2);
	(xrf2) =	vadd.scan.msk.f32 $0xffff, v45;
	v37 =	vld [tilespmem:s12+$0xFFFFFFA0]  }
0x102: {  	v46 =	vmul.f32 v7, v17;
	v32 =	vld [tilespmem:s10+$0xFFFFFFC0];
	v44 =	vmul.f32 v6, v17;
	v20, _, _ =	vpop (xrf2);
	(xrf2) =	vadd.scan.msk.f32 $0xffff, v40;
	v47 =	vadd.f32 v41, v62  }
0x103: {  	[tilespmem:$0x1FF40] =	vst v8;
	v8 =	vld [tilespmem:s10+$0xFFFFFFD0];
	v61 =	vmul.f32 v2, v19;
	v36 =	vmul.f32 v3, v19;
	v24, _, _ =	vpop (xrf2);
	(xrf2) =	vadd.scan.msk.f32 $0xffff, v63  }
0x104: {  	v49 =	vadd.f32 v52, v49;
	v51 =	vmul.f32 v31, v54;
	v15 =	vld [tilespmem:s10+$0xFFFFFFA0];
	v60 =	vmul.f32 v30, v54;
	v63, _, _ =	vpop (xrf2);
	(xrf2) =	vadd.scan.msk.f32 $0xffff, v47  }
0x105: {  	[tilespmem:$0x1FF60] =	vst v7;
	v33 =	vld [tilespmem:s8+$0xFFFFFFA0];
	v50 =	vmul.f32 v28, v56;
	v7 =	vadd.f32 v36, v46;
	v46 =	vmul.f32 v38, v4  }
0x106: {  	[tilespmem:$0x1FF70] =	vst v2;
	v36 =	vmul.f32 v39, v5;
	v2 =	vmul.f32 v37, v16;
	v55 =	vadd.f32 v61, v44;
	v44 =	vld [tilespmem:s10+$0x20]  }
0x107: {  	v40 =	vld [tilespmem:s10+$0xFFFFFFE0];
	v59 =	vmul.f32 v25, v56;
	v0 =	vmul.f32 v32, v56  }
0x108: {  	v21 =	vld [tilespmem:s8+$0x10];
	v53 =	vmul.f32 v8, v54;
	v11 =	vadd.f32 v2, v49;
	v62 =	vadd.f32 v51, v50  }
0x109: {  	s7 =	smov.u32 s6;
	v43 =	vld [tilespmem:s12+$0xFFFFFFE0];
	v59 =	vadd.f32 v60, v59;
	v60 =	vadd.f32 v36, v46;
	v36 =	vmul.f32 v15, v16  }
0x10a: {  	s14 =	sadd.s32 $0x3, s7;
	v13 =	vld [tilespmem:s8+$0x30];
	v50 =	vmul.f32 v26, v5;
	v9 =	vadd.f32 v53, v0;
	v47 =	vmul.f32 v23, v4  }
0x10b: {  	[tilespmem:$0x1FF80] =	vst v3;
	v35 =	vld [tilespmem:s8+$0x0];
	v2 =	vmul.f32 v33, v16;
	v0 =	vmov s14;
	v3 =	vmul.f32 v44, v58;
	v27, _, _ =	vpop (xrf2)  }
0x10c: {  	v48 =	vld [tilespmem:s12+$0x20];
	v61, _, _ =	vpop (xrf2);
	(xrf2) =	vadd.scan.msk.f32 $0xffff, v42;
	v47 =	vadd.f32 v50, v47;
	v42 =	vadd.f32 v36, v55;
	v55 =	vmul.f32 v40, v29  }
0x10d: {  	v45 =	vld [tilespmem:s8+$0x20];
	v10 =	vadd.f32 v2, v7;
	v36, _, _ =	vpop (xrf2)  }
0x10e: {  	[tilespmem:$0x1FFE0] =	vst v5;
	v46 =	vld [tilespmem:s10+$0xFFFFFFB0];
	v7 =	vadd.f32 v55, v9;
	v9 =	vadd.f32 v3, v47;
	v47 =	vbroadcast v36, $0xF;
	v36, _, _ =	vpop (xrf2)  }
0x10f: {  	v53 =	vld [tilespmem:s12+$0xFFFFFFB0];
	[tilespmem:$0x1FFA0] =	vst v63;
	v36 =	vbroadcast v36, $0xF  }
0x110: {  	v51 =	vmul.f32 v35, v4;
	v55 =	vld [tilespmem:s12+$0x30];
	[tilespmem:v0+s31+$0x0] =	vst.idx.msk $0x1, v47  }
0x111: {  	v63 =	vmul.f32 v21, v5;
	v5 =	vmul.f32 v43, v29;
	[tilespmem:v0+s0+$0x0] =	vst.idx.msk $0x1, v36;
	v36 =	vld [tilespmem:$0x1FF10]  }
0x112: {  	v2 =	vmul.f32 v45, v58;
	(xrf2) =	vadd.scan.msk.f32 $0xffff, v34;
	v34 =	vmul.f32 v48, v58  }
0x113: {  	v52 =	vmovc v8;
	v50 =	vadd.f32 v63, v51;
	v8 =	vadd.f32 v5, v62;
	v5 =	vmul.f32 v46, v18  }
0x114: {  	[tilespmem:$0x1FF50] =	vst v6;
	v6 =	vmul.f32 v53, v18;
	v34 =	vadd.f32 v34, v60  }
0x115: {  	v50 =	vadd.f32 v2, v50;
	v5 =	vadd.f32 v5, v42  }
0x116: {  	v0 =	vadd.f32 v6, v11;
	v11 =	vmul.f32 v55, v36;
	v42 =	vmul.f32 v13, v36  }
0x117: {  	v62 =	vld [tilespmem:s11+$0xFFFFFF00]  }
0x118: {  	v11 =	vadd.f32 v11, v34;
	v34 =	vadd.f32 v42, v50;
	v50 =	vld [tilespmem:$0x1FF20];
	_ =	sdelay $0x1  }
0x119: {  	v12 =	vld [tilespmem:s8+$0xFFFFFFF0]  }
0x11a: {  	v14 =	vld [tilespmem:s10+$0x30];
	v22 =	vmax.f32 v22, $1.000000020e-24  }
0x11b: {  	v22 =	vbroadcast v22, $0xF;
	v47 =	vld [tilespmem:s11+$0xFFFFFF10]  }
0x11c: {  	v42 =	vadd.f32 v62, v50;
	v62 =	vld [tilespmem:$0x1FF30]  }
0x11d: {  	(erf) = vrcp.f32 v22;
	v22 =	vld [tilespmem:$0x1FF60]  }
0x11e: {  	v41 =	vld [tilespmem:s8+$0xFFFFFFE0]  }
0x11f: {  	v63 =	vld [tilespmem:s8+$0xFFFFFFB0]  }
0x120: {  	v60, _, _ =	vpop (xrf2);
	(xrf2) =	vadd.scan.msk.f32 $0xffff, v0;
	v0 =	vld [tilespmem:s11+$0x10]  }
0x121: {  	v47 =	vadd.f32 v47, v62;
	v62 =	vld [tilespmem:$0x1FF50]  }
0x122: {  	v49 =	vld [tilespmem:s10+$0xFFFFFFF0]  }
0x123: {  	[tilespmem:$0x1FFD0] =	vst v4;
	v4 =	vmul.f32 v41, v29;
	v51 =	vld [tilespmem:s12+$0xFFFFFFF0]  }
0x124: {  	v20 =	vmax.f32 v20, $1.000000020e-24;
	v6 =	vld [tilespmem:s11+$0xFFFFFF80]  }
0x125: {  	v20 =	vbroadcast v20, $0xF;
	v59 =	vadd.f32 v4, v59;
	v39 =	vadd.f32 v0, v39;
	v0 =	vld [tilespmem:$0x1FF80]  }
0x126: {  	v3 =	vmul.f32 v63, v18;
	v22 =	vsub.f32 v42, v22;
	v62 =	vsub.f32 v42, v62;
	v42 =	vld [tilespmem:$0x1FF70]  }
0x127: {  	(erf) = vrcp.f32 v20;
	v20 =	vld [tilespmem:$0x1FF90];
	v2 =	vmul.f32 v12, v57  }
0x128: {  	v4 =	vmul.f32 v51, v57;
	v3 =	vadd.f32 v3, v10;
	v10 =	vld [tilespmem:s11+$0xFFFFFF90]  }
0x129: {  	v2 =	vadd.f32 v2, v59;
	v59, _, _ =	vpop (xrf2);
	(xrf2) =	vadd.scan.msk.f32 $0xffff, v5;
	v5 =	vadd.f32 v6, v28;
	v28 =	vld [tilespmem:$0x1FF40]  }
0x12a: {  	v1 =	vmul.f32 v49, v57;
	v4 =	vadd.f32 v4, v8;
	v8 =	vmul.f32 v14, v36  }
0x12b: {  	v42 =	vsub.f32 v47, v42;
	v47 =	vsub.f32 v47, v0;
	v0 =	vld [tilespmem:$0x1FFA0]  }
0x12c: {  	v7 =	vadd.f32 v1, v7;
	v1 =	vld [tilespmem:s11+$0x0];
	v8 =	vadd.f32 v8, v9;
	v9 =	vmax.f32 v24, $1.000000020e-24  }
0x12d: {  	v24 =	vld [tilespmem:s11+$0xFFFFFF20];
	v9 =	vbroadcast v9, $0xF  }
0x12e: {  	v6 =	vadd.f32 v10, v31;
	v28 =	vbroadcast v28, $0xF;
	v50 =	vld [tilespmem:s11+$0xFFFFFFA0]  }
0x12f: {  	v31 =	vld [tilespmem:s11+$0xFFFFFF30];
	(erf) = vrcp.f32 v9  }
0x130: {  	v9 =	vsub.f32 v6, v52;
	v6 =	vsub.f32 v6, v30;
	v30 =	vld [tilespmem:$0x1FFB0];
	[tilespmem:v20+s31+$0x0] =	vst.idx.msk $0x1, v28;
	v28 =	vbroadcast v0, $0xF  }
0x131: {  	(xrf2) =	vadd.scan.msk.f32 $0xffff, v3;
	v3 =	vld [tilespmem:s11+$0x30]  }
0x132: {  	v1 =	vadd.f32 v1, v38;
	v10 =	vld [tilespmem:s11+$0x20];
	[tilespmem:v20+s0+$0x0] =	vst.idx.msk $0x1, v28;
	v28 =	vsub.f32 v39, v21  }
0x133: {  	v21 =	vadd.f32 v24, v37;
	v24 =	vadd.f32 v50, v43;
	v50 =	vld [tilespmem:$0x1FFC0]  }
0x134: {  	(xrf2) =	vadd.scan.msk.f32 $0xffff, v4  }
0x135: {  	v0 =	vsub.f32 v1, v23;
	v23, _, _ =	vpop (xrf2);
	(xrf2) =	vadd.scan.msk.f32 $0xffff, v7  }
0x136: {  	v4 =	vbroadcast v27, $0xF;
	v32 =	vsub.f32 v5, v32  }
0x137: {  	v5 =	vsub.f32 v5, v25;
	v25 =	vbroadcast v61, $0xF;
	v10 =	vadd.f32 v10, v48  }
0x138: {  	v38 =	vld [tilespmem:s11+$0xFFFFFFB0];
	v3 =	vadd.f32 v3, v55;
	v52 =	vsub.f32 v1, v35;
	[tilespmem:v30+s31+$0x0] =	vst.idx.msk $0x1, v4  }
0x139: {  	v48 =	vsub.f32 v10, v44;
	v4 =	vbroadcast v60, $0xF;
	[tilespmem:v30+s0+$0x0] =	vst.idx.msk $0x1, v25;
	v1 =	vsub.f32 v39, v26;
	v27, _, _ =	vpop (xrf2)  }
0x13a: {  	v7 =	vbroadcast v59, $0xF;
	v26 =	vadd.f32 v31, v53;
	(xrf2) =	vadd.scan.msk.f32 $0xffff, v2;
	v25 =	vsub.f32 v23, v27  }
0x13b: {  	v15 =	vsub.f32 v21, v15;
	[tilespmem:v50+s31+$0x0] =	vst.idx.msk $0x1, v4;
	v4 =	vsub.f32 v21, v33;
	v21, _, _ =	vpop (xrf2)  }
0x13c: {  	v59 =	vsub.f32 v26, v46;
	[tilespmem:v50+s0+$0x0] =	vst.idx.msk $0x1, v7;
	v7 =	vbroadcast v25, $0xF;
	v21 =	vsub.f32 v23, v21  }
0x13d: {  	v30 =	vpop (erf);
	v50 =	vsub.f32 v10, v45;
	v10 =	vadd.f32 v38, v51  }
0x13e: {  	v31 =	vsub.f32 v24, v40;
	(xrf2) =	vadd.scan.msk.f32 $0xffff, v11;
	v23, _, _ =	vpop (xrf2);
	v7 =	vmul.f32 v7, v30;
	v11 =	vbroadcast v21, $0xF  }
0x13f: {  	v27 =	vmov s7;
	v53 =	vsub.f32 v24, v41;
	v21 =	vsub.f32 v10, v12;
	v12, _, _ =	vpop (xrf2)  }
0x140: {  	v12 =	vsub.f32 v23, v12;
	v24 =	vmul.f32 v7, v17;
	v11 =	vmul.f32 v11, v30  }
0x141: {  	v61 =	vsub.f32 v26, v63;
	(xrf2) =	vadd.scan.msk.f32 $0xffff, v8;
	v25 =	vmul.f32 v7, v19;
	v26 =	vmul.f32 v7, v16  }
0x142: {  	v63 =	vsub.f32 v10, v49;
	v12 =	vbroadcast v12, $0xF;
	v17 =	vmul.f32 v11, v17  }
0x143: {  	(xrf2) =	vadd.scan.msk.f32 $0xffff, v34;
	v8 =	vsub.f32 v62, v24;
	v24 =	vsub.f32 v15, v26;
	v15 =	vmul.f32 v11, v16  }
0x144: {  	v10 =	vsub.f32 v42, v25;
	v20 =	vmul.f32 v11, v19;
	v19, _, _ =	vpop (xrf2);
	v16 =	vsub.f32 v22, v17  }
0x145: {  	v2 =	vpop (erf);
	v8 =	vmul.f32 v8, v8;
	v25 =	vsub.f32 v4, v15;
	v4 =	vsub.f32 v23, v19  }
0x146: {  	v17 =	vsub.f32 v47, v20;
	v10 =	vmul.f32 v10, v10;
	v19 =	vmul.f32 v12, v2  }
0x147: {  	v26 =	vsub.f32 v3, v14;
	v15 =	vmul.f32 v16, v16;
	v4 =	vbroadcast v4, $0xF  }
0x148: {  	v12 =	vmul.f32 v17, v17;
	v16 =	vadd.f32 v10, v8;
	v8 =	vmul.f32 v19, v56  }
0x149: {  	v23 =	vsub.f32 v3, v13;
	v14 =	vmul.f32 v19, v54;
	v2 =	vmul.f32 v4, v2  }
0x14a: {  	v13 =	vmul.f32 v11, v18;
	v3, _, _ =	vpop (xrf2);
	v17 =	vadd.f32 v12, v15;
	v8 =	vsub.f32 v32, v8  }
0x14b: {  	v4 =	vmul.f32 v19, v29;
	v9 =	vsub.f32 v9, v14;
	v10, _, _ =	vpop (xrf2);
	v14 =	vmul.f32 v2, v54  }
0x14c: {  	v10 =	vsub.f32 v3, v10;
	v15 =	vmul.f32 v2, v56;
	v8 =	vmul.f32 v8, v8  }
0x14d: {  	v11 =	vsub.f32 v31, v4;
	v12, _, _ =	vpop (xrf2);
	v6 =	vsub.f32 v6, v14;
	v14 =	vmul.f32 v9, v9  }
0x14e: {  	v3 =	vsub.f32 v3, v12;
	v5 =	vsub.f32 v5, v15;
	v15 =	vld [tilespmem:$0x1FFE0]  }
0x14f: {  	v4 =	vmul.f32 v2, v29;
	v10 =	vbroadcast v10, $0xF;
	v8 =	vadd.f32 v14, v8;
	v14 =	vld [tilespmem:$0x1FFD0]  }
0x150: {  	v60 =	vand.u32 $0xFFFFFFFC, v27;
	v27 =	vpop (erf);
	v7 =	vmul.f32 v7, v18;
	v3 =	vbroadcast v3, $0xF  }
0x151: {  	v9 =	vsub.f32 v53, v4;
	v4 =	vmul.f32 v5, v5;
	v5 =	vmul.f32 v10, v27  }
0x152: {  	v22 =	vsub.f32 v61, v13;
	v6 =	vmul.f32 v6, v6  }
0x153: {  	v12 =	vsub.f32 v59, v7;
	v33 =	vmul.f32 v3, v27;
	v3 =	vmul.f32 v5, v58  }
0x154: {  	s12 =	sadd.s32 $0x100, s12;
	v10 =	vadd.f32 v6, v4;
	v13 =	vmul.f32 v5, v15;
	v7 =	vmul.f32 v5, v14  }
0x155: {  	p1 =	slt.u32 s13, $0x7C;
	v55 =	vld [tilespmem:s12+$0x40];
	v6 =	vmul.f32 v19, v57;
	v15 =	vmul.f32 v33, v15;
	v4 =	vsub.f32 v48, v3  }
.Ltmp0:
0x156: {  	v20 =	vld [tilespmem:s12+$0x50];
	v1 =	vsub.f32 v1, v13;
	v0 =	vsub.f32 v0, v7;
	v7 =	vmul.f32 v33, v14;
	(pc) =	sbr.rel @p1 .LBB2_2-.Ltmp0, $4  }
0x157: {  	s11 =	sadd.s32 $0x200, s11;
	v53 =	vld [tilespmem:s12+$0x70];
	v27 =	vsub.f32 v63, v6;
	v3 =	vmul.f32 v33, v58;
	v19 =	vsub.f32 v28, v15  }
0x158: {  	v13 =	vld [tilespmem:s11+$0xC0];
	v1 =	vmul.f32 v1, v1;
	v0 =	vmul.f32 v0, v0;
	v18 =	vsub.f32 v52, v7  }
0x159: {  	v15 =	vld [tilespmem:s11+$0xE0];
	v28 =	vmul.f32 v2, v57;
	v6 =	vsub.f32 v50, v3;
	v37 =	vmul.f32 v19, v19  }
0x15a: {  	s6 =	smov.u32 s13;
	s13 =	sadd.s32 $0x4, s13;
	v38 =	vmovc v36;
	v14 =	vld [tilespmem:s11+$0xD0];
	v7 =	vmul.f32 v5, v36;
	v34 =	vmul.f32 v18, v18;
	v5 =	vadd.f32 v1, v0  }
0x15b: {  	v32 =	vld [tilespmem:s11+$0xF0]  }
0x15c: {  	v31 =	vld [tilespmem:s12+$0x60]  }
0x15d: {  	v2 =	vmul.f32 v24, v24;
	v24 =	vmul.f32 v11, v11;
	v11 =	vld [tilespmem:s11+$0xFFFFFF50]  }
0x15e: {  	v62 =	vld [tilespmem:s11+$0x50]  }
0x15f: {  	s10 =	sadd.s32 $0x100, s10;
	v54 =	vmul.f32 v12, v12;
	v12 =	vld [tilespmem:s11+$0xFFFFFF70]  }
0x160: {  	v29 =	vld [tilespmem:s10+$0x40]  }
0x161: {  	v35 =	vld [tilespmem:s10+$0x50]  }
0x162: {  	s8 =	sadd.s32 $0x100, s8;
	v18 =	vmul.f32 v33, v38;
	v39 =	vld [tilespmem:s10+$0x60]  }
0x163: {  	v3 =	vsub.f32 v21, v28;
	v21 =	vmul.f32 v25, v25;
	v50 =	vmul.f32 v4, v4;
	v36 =	vld [tilespmem:s8+$0x40]  }
0x164: {  	v33 =	vld [tilespmem:s8+$0x50];
	v0 =	vmul.f32 v13, v13;
	v1 =	vmul.f32 v14, v14  }
0x165: {  	v6 =	vmul.f32 v6, v6;
	v19 =	vadd.f32 v37, v34;
	v40 =	vld [tilespmem:s10+$0x70];
	v25 =	vsub.f32 v26, v7  }
0x166: {  	v26 =	vmul.f32 v9, v9;
	v41 =	vld [tilespmem:s8+$0x60];
	v48 =	vmul.f32 v15, v15;
	v0 =	vadd.f32 v1, v0  }
0x167: {  	v42 =	vld [tilespmem:s8+$0x70];
	v7 =	vmul.f32 v55, v13;
	v18 =	vsub.f32 v23, v18;
	v23 =	vadd.f32 v2, v16  }
0x168: {  	v37 =	vld [tilespmem:s11+$0x60];
	v9 =	vmul.f32 v20, v14;
	v49 =	vmul.f32 v32, v32;
	v0 =	vadd.f32 v48, v0  }
0x169: {  	v28 =	vadd.f32 v17, v21;
	v2 =	vld [tilespmem:s11+$0x40];
	v19 =	vadd.f32 v19, v6;
	v4 =	vmul.f32 v31, v15  }
0x16a: {  	v6 =	vld [tilespmem:s11+$0x70];
	v30 =	vmul.f32 v53, v32;
	v51 =	vadd.f32 v9, v7;
	v0 =	vadd.f32 v49, v0  }
0x16b: {  	v24 =	vadd.f32 v24, v8;
	v7 =	vld [tilespmem:s11+$0xFFFFFFC0];
	v17 =	vmul.f32 v36, v13;
	v21 =	vmul.f32 v33, v14  }
0x16c: {  	v52 =	vmul.f32 v29, v13;
	v16 =	vmul.f32 v35, v14;
	v8 =	vadd.f32 v4, v51;
	v4 =	vld [tilespmem:s12+$0xFFFFFF80];
	(xrf2) =	vadd.scan.msk.f32 $0xffff, v0  }
0x16d: {  	v26 =	vadd.f32 v10, v26;
	v9 =	vld [tilespmem:s11+$0xFFFFFFD0];
	v10 =	vadd.f32 v21, v17;
	v21 =	vmul.f32 v41, v15  }
0x16e: {  	v17 =	vld [tilespmem:s11+$0xFFFFFF40];
	v8 =	vadd.f32 v30, v8;
	v0 =	vadd.f32 v16, v52;
	v16 =	vmul.f32 v39, v15  }
0x16f: {  	v21 =	vadd.f32 v21, v10;
	v10 =	vld [tilespmem:s11+$0xFFFFFFE0]  }
0x170: {  	v1 =	vadd.f32 v50, v5;
	v5 =	vmul.f32 v40, v32;
	(xrf2) =	vadd.scan.msk.f32 $0xffff, v8;
	v8 =	vld [tilespmem:s11+$0xFFFFFFF0];
	v0 =	vadd.f32 v16, v0  }
0x171: {  	v16 =	vld [tilespmem:s11+$0xFFFFFF60];
	[tilespmem:$0x1FE70] =	vst v4  }
0x172: {  	v30 =	vmul.f32 v42, v32;
	v0 =	vadd.f32 v5, v0;
	v5 =	vld [tilespmem:s12+$0xFFFFFF90]  }
0x173: {  	v22 =	vmul.f32 v22, v22;
	v27 =	vmul.f32 v27, v27  }
0x174: {  	v57 =	vmul.f32 v3, v3;
	v44 =	vadd.f32 v54, v23;
	v21 =	vadd.f32 v30, v21  }
0x175: {  	v23 =	vmul.f32 v25, v25;
	v34 =	vadd.f32 v28, v22;
	v56 =	vmul.f32 v11, v11;
	(xrf2) =	vadd.scan.msk.f32 $0xffff, v0  }
0x176: {  	v3 =	vmul.f32 v9, v9;
	v30 =	vmul.f32 v7, v7;
	(xrf2) =	vadd.scan.msk.f32 $0xffff, v21;
	v21 =	vadd.f32 v27, v24;
	v25, _, _ =	vpop (xrf2)  }
0x177: {  	v43 =	vmul.f32 v2, v2;
	v28 =	vmul.f32 v17, v17;
	[tilespmem:$0x1FE80] =	vst v5;
	v25 =	vmax.f32 v25, $1.000000020e-24  }
0x178: {  	v3 =	vadd.f32 v3, v30;
	v30 =	vmul.f32 v62, v62;
	[tilespmem:$0x1FE60] =	vst v21;
	v25 =	vbroadcast v25, $0xF  }
0x179: {  	v61 =	vmul.f32 v37, v37;
	v45 =	vadd.f32 v56, v28;
	v27 =	vld [tilespmem:s11+$0xB0]  }
0x17a: {  	v58 =	vadd.f32 v30, v43;
	v24 =	vmul.f32 v16, v16;
	v59 =	vld [tilespmem:s11+$0x80];
	(erf) = vrcp.f32 v25  }
0x17b: {  	v18 =	vmul.f32 v18, v18;
	v38 =	vadd.f32 v26, v57;
	v47 =	vmul.f32 v12, v12;
	v46 =	vld [tilespmem:s11+$0xA0]  }
0x17c: {  	v51 =	vmul.f32 v6, v6;
	v0 =	vadd.f32 v61, v58;
	v26 =	vadd.f32 v24, v45;
	v63 =	vld [tilespmem:s11+$0x90]  }
0x17d: {  	v28 =	vadd.f32 v23, v1;
	v30 =	vadd.f32 v19, v18;
	v24 =	vld [tilespmem:s10+$0xFFFFFF80]  }
0x17e: {  	v22 =	vadd.f32 v51, v0;
	v23 =	vld [tilespmem:s10+$0xFFFFFF90];
	v48, _, _ =	vpop (xrf2);
	v54 =	vadd.f32 v47, v26  }
0x17f: {  	v45 =	vld [tilespmem:s12+$0x10];
	v25 =	vmul.f32 v10, v10;
	v27 =	vadd.f32 v27, v53;
	v43 =	vadd.f32 v59, v55;
	v18, _, _ =	vpop (xrf2)  }
0x180: {  	v50 =	vmul.f32 v5, v11;
	v26 =	vld [tilespmem:s8+$0xFFFFFF80];
	v46 =	vadd.f32 v46, v31;
	v56 =	vsub.f32 v48, v18  }
0x181: {  	v47 =	vmul.f32 v4, v17;
	v31 =	vld [tilespmem:s12+$0xFFFFFFD0];
	v49 =	vadd.f32 v63, v20;
	v3 =	vadd.f32 v25, v3;
	v18, _, _ =	vpop (xrf2)  }
0x182: {  	v20 =	vld [tilespmem:s10+$0xFFFFFFC0];
	v40 =	vsub.f32 v27, v40;
	v19 =	vsub.f32 v48, v18;
	v1 =	vbroadcast v56, $0xF  }
0x183: {  	v25 =	vmul.f32 v8, v8;
	v39 =	vsub.f32 v46, v39;
	v58 =	vsub.f32 v43, v29;
	v29 =	vld [tilespmem:s8+$0xFFFFFFC0];
	v57 =	vpop (erf)  }
0x184: {  	v42 =	vsub.f32 v27, v42;
	v27 =	vld [tilespmem:s8+$0xFFFFFFD0];
	v48 =	vbroadcast v19, $0xF;
	v1 =	vmul.f32 v1, v57  }
0x185: {  	v0 =	vmul.f32 v26, v17;
	v46 =	vsub.f32 v46, v41;
	v35 =	vsub.f32 v49, v35;
	v41 =	vld [tilespmem:s8+$0x0]  }
0x186: {  	v33 =	vsub.f32 v49, v33;
	v49 =	vld [tilespmem:s12+$0xFFFFFFE0];
	v51 =	vmul.f32 v48, v57;
	v59 =	vmul.f32 v1, v13  }
0x187: {  	v21 =	vadd.f32 v25, v3;
	v25 =	vld [tilespmem:s8+$0xFFFFFF90];
	v52 =	vmul.f32 v1, v14;
	v61 =	vmul.f32 v1, v32  }
0x188: {  	v36 =	vsub.f32 v43, v36;
	v18 =	vld [tilespmem:s12+$0xFFFFFFC0];
	v63 =	vmul.f32 v51, v32;
	v1 =	vmul.f32 v1, v15  }
0x189: {  	v19 =	vld [tilespmem:s10+$0xFFFFFFD0];
	v13 =	vmul.f32 v51, v13;
	v14 =	vmul.f32 v51, v14;
	v55 =	vsub.f32 v58, v59  }
0x18a: {  	v48 =	vld [tilespmem:s12+$0x0];
	v15 =	vmul.f32 v51, v15;
	v56 =	vsub.f32 v35, v52;
	v1 =	vsub.f32 v39, v1  }
0x18b: {  	v32 =	vld [tilespmem:s10+$0x10];
	v51 =	vmul.f32 v29, v7;
	v13 =	vsub.f32 v36, v13;
	v14 =	vsub.f32 v33, v14  }
0x18c: {  	v35 =	vld [tilespmem:s10+$0x0];
	v59 =	vsub.f32 v40, v61;
	v57 =	vmul.f32 v55, v55;
	v52 =	vmul.f32 v56, v56  }
0x18d: {  	v39 =	vld [tilespmem:s8+$0x10];
	v15 =	vsub.f32 v46, v15;
	v13 =	vmul.f32 v13, v13;
	v14 =	vmul.f32 v14, v14  }
0x18e: {  	v40 =	vld [tilespmem:s12+$0xFFFFFFA0];
	v61 =	vmul.f32 v24, v17;
	v1 =	vmul.f32 v1, v1;
	v58 =	vadd.f32 v52, v57  }
0x18f: {  	v33 =	vld [tilespmem:s10+$0xFFFFFFA0];
	v13 =	vadd.f32 v14, v13;
	v14 =	vmul.f32 v15, v15;
	v15 =	vsub.f32 v42, v63  }
0x190: {  	v36 =	vld [tilespmem:s8+$0xFFFFFFA0];
	v43 =	vmul.f32 v59, v59;
	v63 =	vmul.f32 v23, v11  }
0x191: {  	v42 =	vld [tilespmem:s10+$0xFFFFFFE0];
	v1 =	vadd.f32 v1, v58;
	v13 =	vadd.f32 v13, v14;
	v14 =	vmul.f32 v15, v15  }
0x192: {  	v57 =	vmul.f32 v20, v7;
	v52 =	vld [tilespmem:s12+$0x20];
	v15 =	vadd.f32 v50, v47;
	v58 =	vmul.f32 v19, v9  }
0x193: {  	v47 =	vld [tilespmem:s10+$0x20];
	v4 =	vadd.f32 v43, v1;
	v1 =	vmul.f32 v25, v11;
	v13 =	vadd.f32 v13, v14  }
0x194: {  	v55 =	vmul.f32 v45, v62;
	v43 =	vld [tilespmem:s8+$0xFFFFFFE0];
	v14 =	vadd.f32 v63, v61;
	[tilespmem:$0x1FEA0] =	vst v62;
	v57 =	vadd.f32 v58, v57  }
0x195: {  	v58 =	vmul.f32 v41, v2;
	v61 =	vadd.f32 v1, v0;
	v0 =	vmovc v62;
	v62 =	vmul.f32 v35, v2  }
0x196: {  	v63 =	vmul.f32 v32, v0;
	v0 =	vmul.f32 v39, v0  }
0x197: {  	v53 =	vmul.f32 v48, v2;
	v59 =	vmul.f32 v27, v9  }
0x198: {  	[tilespmem:$0x1FE90] =	vst v2;
	v62 =	vadd.f32 v63, v62;
	v63 =	vadd.f32 v0, v58;
	v0 =	vmul.f32 v33, v16  }
0x199: {  	v56 =	vmul.f32 v31, v9;
	v50 =	vmul.f32 v18, v7;
	v46 =	vld [tilespmem:s8+$0x20]  }
0x19a: {  	v59 =	vadd.f32 v59, v51;
	v5 =	vld [tilespmem:s12+$0xFFFFFFB0];
	v2 =	vadd.f32 v0, v14;
	v0 =	vmul.f32 v43, v10  }
0x19b: {  	v56 =	vadd.f32 v56, v50;
	v50 =	vld [tilespmem:s10+$0xFFFFFFB0]  }
0x19c: {  	(xrf2) =	vadd.scan.msk.f32 $0xffff, v44;
	v53 =	vadd.f32 v55, v53;
	v55 =	vmul.f32 v40, v16;
	v3 =	vadd.f32 v0, v59;
	v59 =	vld [tilespmem:$0x1FE60]  }
0x19d: {  	(xrf2) =	vadd.scan.msk.f32 $0xffff, v54;
	v44 =	vmul.f32 v36, v16;
	v51 =	vld [tilespmem:s8+$0xFFFFFFB0]  }
0x19e: {  	(xrf2) =	vadd.scan.msk.f32 $0xffff, v21;
	v15 =	vadd.f32 v55, v15;
	v55 =	vld [tilespmem:s10+$0xFFFFFFF0];
	v1 =	vmul.f32 v49, v10  }
0x19f: {  	(xrf2) =	vadd.scan.msk.f32 $0xffff, v22;
	v21 =	vadd.f32 v44, v61;
	v61 =	vld [tilespmem:s12+$0x30]  }
0x1a0: {  	(xrf2) =	vadd.scan.msk.f32 $0xffff, v34;
	v1 =	vadd.f32 v1, v56;
	v56 =	vmul.f32 v52, v37;
	v44 =	vld [tilespmem:s10+$0x30]  }
0x1a1: {  	v54 =	vld [tilespmem:s8+$0xFFFFFFF0];
	v22 =	vmul.f32 v47, v37;
	v14 =	vmul.f32 v42, v10;
	(xrf2) =	vadd.scan.msk.f32 $0xffff, v59  }
0x1a2: {  	v58 =	vld [tilespmem:s12+$0xFFFFFFF0];
	v53 =	vadd.f32 v56, v53;
	v56 =	vmul.f32 v46, v37;
	v0 =	vmul.f32 v51, v12;
	(xrf2) =	vadd.scan.msk.f32 $0xffff, v38  }
0x1a3: {  	v34 =	vld [tilespmem:s8+$0x30];
	v22 =	vadd.f32 v22, v62;
	v14 =	vadd.f32 v14, v57;
	(xrf2) =	vadd.scan.msk.f32 $0xffff, v4;
	v4 =	vmul.f32 v55, v8  }
0x1a4: {  	v62 =	vld [tilespmem:s11+$0xFFFFFF00];
	v0 =	vadd.f32 v0, v21;
	v59 =	vmul.f32 v50, v12;
	v38 =	vadd.f32 v56, v63  }
0x1a5: {  	v21 =	vld [tilespmem:s11+$0xFFFFFF80];
	v56 =	vmul.f32 v61, v6;
	(xrf2) =	vadd.scan.msk.f32 $0xffff, v13;
	v4 =	vadd.f32 v4, v14;
	v14 =	vmul.f32 v44, v6  }
0x1a6: {  	v57 =	vmul.f32 v5, v12;
	v2 =	vadd.f32 v59, v2;
	v59 =	vld [tilespmem:s11+$0xFFFFFF90];
	(xrf2) =	vadd.scan.msk.f32 $0xffff, v28  }
0x1a7: {  	v63 =	vmul.f32 v58, v8;
	(xrf2) =	vadd.scan.msk.f32 $0xffff, v30;
	v30 =	vadd.f32 v56, v53;
	v56 =	vadd.f32 v14, v22;
	v14 =	vld [tilespmem:$0x1FE70]  }
0x1a8: {  	v13 =	vmul.f32 v54, v8  }
0x1a9: {  	v15 =	vadd.f32 v57, v15;
	v1 =	vadd.f32 v63, v1;
	v63 =	vmul.f32 v34, v6;
	v28 =	vld [tilespmem:s11+$0x0]  }
0x1aa: {  	v3 =	vadd.f32 v13, v3;
	v53 =	vld [tilespmem:s11+$0x10]  }
0x1ab: {  	v57 =	vld [tilespmem:s11+$0xFFFFFF10];
	v38 =	vadd.f32 v63, v38;
	v63 =	vadd.f32 v21, v18  }
0x1ac: {  	v13, _, _ =	vpop (xrf2);
	v59 =	vadd.f32 v59, v31;
	v22 =	vadd.f32 v62, v14;
	v14 =	vld [tilespmem:$0x1FE80]  }
0x1ad: {  	(xrf2) =	vadd.scan.msk.f32 $0xffff, v15;
	v20 =	vsub.f32 v63, v20;
	v29 =	vsub.f32 v63, v29;
	v15, _, _ =	vpop (xrf2)  }
0x1ae: {  	v28 =	vadd.f32 v28, v48;
	v19 =	vsub.f32 v59, v19;
	v62, _, _ =	vpop (xrf2);
	(xrf2) =	vadd.scan.msk.f32 $0xffff, v2  }
0x1af: {  	v63 =	vld [tilespmem:s11+$0xFFFFFF30];
	v18 =	vmax.f32 v15, $1.000000020e-24;
	v59 =	vsub.f32 v59, v27;
	v45 =	vadd.f32 v53, v45;
	v2, _, _ =	vpop (xrf2);
	(xrf2) =	vadd.scan.msk.f32 $0xffff, v0  }
0x1b0: {  	s10 =	sadd.s32 $0x1, s7;
	v48 =	vld [tilespmem:s11+$0xFFFFFF20];
	v31, _, _ =	vpop (xrf2);
	v15 =	vsub.f32 v22, v24;
	v21 =	vsub.f32 v22, v26  }
0x1b1: {  	v53 =	vld [tilespmem:s11+$0xFFFFFFA0];
	v22 =	vbroadcast v18, $0xF;
	v26, _, _ =	vpop (xrf2);
	v57 =	vadd.f32 v57, v14;
	v14 =	vmov s10  }
0x1b2: {  	v35 =	vsub.f32 v28, v35;
	v28 =	vsub.f32 v28, v41;
	v0 =	vbroadcast v60, $0x0;
	v18, _, _ =	vpop (xrf2)  }
0x1b3: {  	(erf) = vrcp.f32 v22;
	v60 =	vsub.f32 v57, v23;
	v57 =	vsub.f32 v57, v25;
	v25, _, _ =	vpop (xrf2)  }
0x1b4: {  	v41 =	vmax.f32 v62, $1.000000020e-24;
	v32 =	vsub.f32 v45, v32;
	(xrf2) =	vadd.scan.msk.f32 $0xffff, v1;
	v24 =	vand.u32 $0xFFFFFFFD, v14;
	v23 =	vld [tilespmem:s11+$0x20];
	v14, _, _ =	vpop (xrf2)  }
0x1b5: {  	v39 =	vsub.f32 v45, v39;
	v40 =	vadd.f32 v48, v40;
	(xrf2) =	vadd.scan.msk.f32 $0xffff, v4;
	v4 =	vbroadcast v41, $0xF;
	v41 =	vld [tilespmem:s11+$0x30];
	v27, _, _ =	vpop (xrf2)  }
0x1b6: {  	v45 =	vld [tilespmem:s11+$0xFFFFFFB0];
	v5 =	vadd.f32 v63, v5;
	v62 =	vadd.f32 v53, v49;
	v1, _, _ =	vpop (xrf2)  }
0x1b7: {  	v33 =	vsub.f32 v40, v33;
	(erf) = vrcp.f32 v4;
	v4 =	vsub.f32 v40, v36;
	v49, _, _ =	vpop (xrf2)  }
0x1b8: {  	v2 =	vmax.f32 v2, $1.000000020e-24;
	v36 =	vsub.f32 v62, v42;
	v40 =	vsub.f32 v62, v43;
	v63, _, _ =	vpop (xrf2)  }
0x1b9: {  	s12 =	sadd.s32 $0x3, s6;
	v2 =	vbroadcast v2, $0xF;
	v23 =	vadd.f32 v23, v52;
	v52 =	vsub.f32 v49, v63;
	v53, _, _ =	vpop (xrf2)  }
0x1ba: {  	v22 =	vmov s12;
	(xrf2) =	vadd.scan.msk.f32 $0xffff, v3;
	v41 =	vadd.f32 v41, v61;
	v43 =	vsub.f32 v49, v53  }
0x1bb: {  	(erf) = vrcp.f32 v2;
	v45 =	vadd.f32 v45, v58;
	v3 =	vbroadcast v52, $0xF  }
0x1bc: {  	v61 =	vsub.f32 v41, v44;
	v34 =	vsub.f32 v41, v34;
	v62 =	vpop (erf);
	v43 =	vbroadcast v43, $0xF  }
0x1bd: {  	v42 =	vsub.f32 v23, v47;
	v23 =	vsub.f32 v23, v46;
	v3 =	vmul.f32 v3, v62  }
0x1be: {  	(xrf2) =	vadd.scan.msk.f32 $0xffff, v30;
	v46 =	vsub.f32 v5, v50;
	v5 =	vsub.f32 v5, v51;
	v53, _, _ =	vpop (xrf2);
	v2 =	vmul.f32 v43, v62  }
0x1bf: {  	(xrf2) =	vadd.scan.msk.f32 $0xffff, v56;
	v52 =	vsub.f32 v45, v55;
	v56, _, _ =	vpop (xrf2);
	v30 =	vmul.f32 v3, v17;
	v63 =	vmul.f32 v3, v11  }
0x1c0: {  	v47 =	vsub.f32 v53, v56;
	v55 =	vmul.f32 v3, v16;
	v3 =	vmul.f32 v3, v12  }
0x1c1: {  	v17 =	vmul.f32 v2, v17;
	v11 =	vmul.f32 v2, v11;
	v15 =	vsub.f32 v15, v30  }
0x1c2: {  	v16 =	vmul.f32 v2, v16;
	v30 =	vsub.f32 v60, v63;
	v3 =	vsub.f32 v46, v3  }
0x1c3: {  	v2 =	vmul.f32 v2, v12;
	v17 =	vsub.f32 v21, v17;
	v11 =	vsub.f32 v57, v11  }
0x1c4: {  	v58, _, _ =	vpop (xrf2);
	v21 =	vbroadcast v47, $0xF;
	v4 =	vsub.f32 v4, v16;
	v15 =	vmul.f32 v15, v15  }
0x1c5: {  	(xrf2) =	vadd.scan.msk.f32 $0xffff, v38;
	v60 =	vpop (erf);
	v16 =	vsub.f32 v53, v58;
	v30 =	vmul.f32 v30, v30;
	v3 =	vmul.f32 v3, v3  }
0x1c6: {  	v2 =	vsub.f32 v5, v2;
	v17 =	vmul.f32 v17, v17;
	v21 =	vmul.f32 v21, v60  }
0x1c7: {  	v45 =	vsub.f32 v45, v54;
	v11 =	vmul.f32 v11, v11;
	v16 =	vbroadcast v16, $0xF  }
0x1c8: {  	v33 =	vsub.f32 v33, v55;
	v4 =	vmul.f32 v4, v4;
	v2 =	vmul.f32 v2, v2  }
0x1c9: {  	v15 =	vadd.f32 v30, v15;
	v30 =	vmul.f32 v21, v7;
	v62 =	vmul.f32 v21, v9  }
0x1ca: {  	v11 =	vadd.f32 v11, v17;
	v16 =	vmul.f32 v16, v60;
	v17 =	vmul.f32 v21, v10  }
0x1cb: {  	v63, _, _ =	vpop (xrf2);
	v21 =	vmul.f32 v21, v8;
	v12 =	vsub.f32 v20, v30;
	v19 =	vsub.f32 v19, v62  }
0x1cc: {  	v20, _, _ =	vpop (xrf2);
	v7 =	vmul.f32 v16, v7;
	v9 =	vmul.f32 v16, v9;
	v17 =	vsub.f32 v36, v17  }
0x1cd: {  	v44 =	vld [tilespmem:$0x1FE90];
	v10 =	vmul.f32 v16, v10;
	v21 =	vsub.f32 v52, v21;
	v20 =	vsub.f32 v63, v20  }
0x1ce: {  	v46 =	vld [tilespmem:$0x1FEA0];
	v8 =	vmul.f32 v16, v8;
	v4 =	vadd.f32 v11, v4;
	v12 =	vmul.f32 v12, v12  }
0x1cf: {  	v7 =	vsub.f32 v29, v7;
	v9 =	vsub.f32 v59, v9;
	v29, _, _ =	vpop (xrf2);
	v20 =	vbroadcast v20, $0xF  }
0x1d0: {  	v30 =	vpop (erf);
	v19 =	vmul.f32 v19, v19;
	v17 =	vmul.f32 v17, v17;
	v29 =	vsub.f32 v63, v29  }
0x1d1: {  	v10 =	vsub.f32 v40, v10;
	v7 =	vmul.f32 v7, v7;
	v20 =	vmul.f32 v20, v30  }
0x1d2: {  	v12 =	vadd.f32 v19, v12;
	v9 =	vmul.f32 v9, v9;
	v19 =	vbroadcast v29, $0xF  }
0x1d3: {  	v8 =	vsub.f32 v45, v8;
	v5 =	vmul.f32 v20, v44;
	v29 =	vmul.f32 v20, v46  }
0x1d4: {  	v2 =	vadd.f32 v4, v2;
	v10 =	vmul.f32 v10, v10;
	v7 =	vadd.f32 v9, v7  }
0x1d5: {  	v9 =	vmul.f32 v19, v30;
	v5 =	vsub.f32 v35, v5;
	v29 =	vsub.f32 v32, v29  }
0x1d6: {  	v12 =	vadd.f32 v17, v12;
	v19 =	vmul.f32 v20, v37;
	v20 =	vmul.f32 v20, v6  }
0x1d7: {  	v7 =	vadd.f32 v7, v10;
	v5 =	vmul.f32 v5, v5;
	v29 =	vmul.f32 v29, v29  }
0x1d8: {  	v30 =	vmul.f32 v9, v44;
	v47 =	vmul.f32 v9, v46;
	v19 =	vsub.f32 v42, v19  }
0x1d9: {  	v48 =	vmul.f32 v9, v37;
	v5 =	vadd.f32 v29, v5;
	v29 =	vmul.f32 v33, v33  }
0x1da: {  	v6 =	vmul.f32 v9, v6;
	v28 =	vsub.f32 v28, v30;
	v30 =	vsub.f32 v39, v47  }
0x1db: {  	v16 =	vsub.f32 v23, v48;
	v19 =	vmul.f32 v19, v19;
	v15 =	vadd.f32 v29, v15  }
0x1dc: {  	v20 =	vsub.f32 v61, v20;
	v23 =	vmul.f32 v28, v28;
	v28 =	vmul.f32 v30, v30  }
0x1dd: {  	v11 =	vmul.f32 v16, v16;
	v16 =	vmul.f32 v21, v21;
	v3 =	vadd.f32 v3, v15  }
0x1de: {  	v8 =	vmul.f32 v8, v8;
	v6 =	vsub.f32 v34, v6;
	v9 =	vadd.f32 v28, v23  }
0x1df: {  	v4 =	vadd.f32 v19, v5;
	v5 =	vmul.f32 v20, v20;
	v10 =	vadd.f32 v16, v12;
	(xrf2) =	vadd.scan.msk.f32 $0xffff, v3  }
0x1e0: {  	v7 =	vadd.f32 v7, v8;
	v6 =	vmul.f32 v6, v6;
	v3 =	vadd.f32 v9, v11;
	(xrf2) =	vadd.scan.msk.f32 $0xffff, v2  }
0x1e1: {  	s13 =	sadd.s32 $0x2, s7;
	v8 =	vbroadcast v24, $0x0;
	v4 =	vadd.f32 v5, v4;
	v5 =	vbroadcast v25, $0xF;
	(xrf2) =	vadd.scan.msk.f32 $0xffff, v10  }
0x1e2: {  	v49 =	vmov s13;
	v3 =	vadd.f32 v3, v6;
	v6 =	vbroadcast v14, $0xF;
	(xrf2) =	vadd.scan.msk.f32 $0xffff, v7  }
0x1e3: {  	[tilespmem:v22+s31+$0x0] =	vst.idx.msk $0x1, v5;
	v5 =	vmov s6;
	(xrf2) =	vadd.scan.msk.f32 $0xffff, v4;
	v4 =	vbroadcast v13, $0xF  }
0x1e4: {  	s14 =	sadd.s32 $0x1, s6;
	v2 =	vand.u32 $0xFFFFFFFE, v49;
	[tilespmem:v22+s0+$0x0] =	vst.idx.msk $0x1, v6;
	(xrf2) =	vadd.scan.msk.f32 $0xffff, v3;
	v3 =	vbroadcast v31, $0xF  }
0x1e5: {  	s7 =	sadd.s32 $0x2, s6;
	v2 =	vbroadcast v2, $0x0;
	v6 =	vmov s14;
	[tilespmem:v0+s31+$0x0] =	vst.idx.msk $0x1, v4;
	v4 =	vbroadcast v26, $0xF  }
0x1e6: {  	v5 =	vand.u32 $0xFFFFFFFC, v5;
	[tilespmem:v0+s0+$0x0] =	vst.idx.msk $0x1, v3;
	v3 =	vand.u32 $0xFFFFFFFD, v6;
	v6 =	vmov s7  }
0x1e7: {  	v5 =	vbroadcast v5, $0x0;
	[tilespmem:v8+s31+$0x0] =	vst.idx.msk $0x1, v4;
	v4 =	vbroadcast v27, $0xF  }
0x1e8: {  	v50 =	vbroadcast v18, $0xF  }
0x1e9: {  	v3 =	vbroadcast v3, $0x0;
	v51 =	vand.u32 $0xFFFFFFFE, v6;
	v6, _, _ =	vpop (xrf2)  }
0x1ea: {  	v1 =	vbroadcast v1, $0xF;
	[tilespmem:v8+s0+$0x0] =	vst.idx.msk $0x1, v50;
	v6 =	vbroadcast v6, $0xF  }
0x1eb: {  	v0 =	vbroadcast v51, $0x0;
	[tilespmem:v2+s31+$0x0] =	vst.idx.msk $0x1, v4;
	v4, _, _ =	vpop (xrf2)  }
0x1ec: {  	[tilespmem:v2+s0+$0x0] =	vst.idx.msk $0x1, v1;
	v52, _, _ =	vpop (xrf2);
	v53 =	vbroadcast v4, $0xF  }
0x1ed: {  	[tilespmem:v5+s31+$0x0] =	vst.idx.msk $0x1, v6;
	v4, _, _ =	vpop (xrf2);
	v1 =	vbroadcast v52, $0xF  }
0x1ee: {  	v6, _, _ =	vpop (xrf2);
	[tilespmem:v5+s0+$0x0] =	vst.idx.msk $0x1, v53;
	v54 =	vbroadcast v4, $0xF  }
0x1ef: {  	v4, _, _ =	vpop (xrf2);
	[tilespmem:v3+s31+$0x0] =	vst.idx.msk $0x1, v1;
	v55 =	vbroadcast v6, $0xF  }
0x1f0: {  	v4 =	vbroadcast v4, $0xF;
	[tilespmem:v3+s0+$0x0] =	vst.idx.msk $0x1, v54  }
0x1f1: {  	[tilespmem:v0+s31+$0x0] =	vst.idx.msk $0x1, v55  }
0x1f2: {  	s8 =	simm.s32 $0x100;
	[tilespmem:v0+s0+$0x0] =	vst.idx.msk $0x1, v4  }
0x1f3: {  	[tilespmem:s16], [sflag:$0x1] =	stream.indirect.gather [hbm4b:s3+s30], $0x40, s8, s30, $0xb8;
	[tilespmem:$0x1D9F0] =	vst v63  }
0x1f4: {  	s10 =	simm.s32 $0x500  }
0x1f5: {  	[tilespmem:s17], [sflag:$0x1] =	stream.indirect.gather [hbm4b:s3+s30], $0x40, s10, s30, $0xb8;
	[tilespmem:$0x1D9F0] =	vst v63  }
0x1f6: {  	s11 =	simm.s32 $0x700  }
0x1f7: {  	[tilespmem:s18], [sflag:$0x1] =	stream.indirect.gather [hbm4b:s3+s30], $0x40, s11, s30, $0xb8;
	[tilespmem:$0x1D9F0] =	vst v63  }
0x1f8: {  	s12 =	simm.s32 $0xC800;
	s13 =	simm.s32 $0x300  }
0x1f9: {  	[tilespmem:s12], [sflag:$0x1] =	stream.indirect.gather [hbm4b:s4+s30], $0x80, s13, s30, $0xb8;
	[tilespmem:$0x1D9F0] =	vst v63  }
0x1fa: {  	_ =	swait.ge [sflag:s1], $0x2000  }
0x1fb: {  	[sflag:s1] =	ssyncset.done $0x0  }
0x1fc: {  	[sflag:s1] =	ssyncadd.s32 $0xFFFFE000  }
0x1fd: {  	_ =	swait.ge [sflag:s1], $0x2000  }
0x1fe: {  	[sflag:s1] =	ssyncset.done $0x0  }
0x1ff: {  	[sflag:s1] =	ssyncadd.s32 $0xFFFFE000  }
0x200: {  	_ =	swait.ge [sflag:s1], $0x2000  }
0x201: {  	[sflag:s1] =	ssyncset.done $0x0  }
0x202: {  	[sflag:s1] =	ssyncadd.s32 $0xFFFFE000  }
0x203: {  	_ =	swait.ge [sflag:s1], $0x4000  }
0x204: {  	[sflag:s1] =	ssyncset.done $0x0  }
0x205: {  	s14 =	simm.s32 $0x2880;
	[sflag:s1] =	ssyncadd.s32 $0xFFFFC000  }
0x206: {  	s6 =	simm.s32 $0x10900;
	v0 =	vld [tilespmem:s14+$0x70]  }
0x207: {  	v28 =	vld [tilespmem:s6+$0xC0]  }
0x208: {  	v27 =	vld [tilespmem:s6+$0xD0]  }
0x209: {  	v1 =	vld [tilespmem:s14+$0x40]  }
0x20a: {  	v29 =	vld [tilespmem:s6+$0xE0]  }
0x20b: {  	v20 =	vld [tilespmem:s14+$0x50]  }
0x20c: {  	v26 =	vld [tilespmem:s6+$0xF0]  }
0x20d: {  	s7 =	simm.s32 $0x6880;
	v21 =	vld [tilespmem:s14+$0x60]  }
0x20e: {  	v22 =	vld [tilespmem:s7+$0x40]  }
0x20f: {  	v23 =	vld [tilespmem:s7+$0x50]  }
0x210: {  	s8 =	simm.s32 $0xA880;
	v30 =	vld [tilespmem:s7+$0x60];
	v56 =	vmul.f32 v28, v28;
	v3 =	vmul.f32 v27, v27  }
0x211: {  	v31 =	vld [tilespmem:s8+$0x40]  }
0x212: {  	v33 =	vld [tilespmem:s8+$0x50];
	v2 =	vadd.f32 v3, v56;
	v3 =	vmul.f32 v29, v29  }
0x213: {  	v57 =	vld [tilespmem:s7+$0x70]  }
0x214: {  	v36 =	vld [tilespmem:s8+$0x60];
	v2 =	vadd.f32 v3, v2;
	v3 =	vmul.f32 v26, v26  }
0x215: {  	v43 =	vld [tilespmem:s6+$0xFFFFFF50]  }
0x216: {  	v37 =	vld [tilespmem:s8+$0x70];
	v2 =	vadd.f32 v3, v2  }
0x217: {  	v7 =	vld [tilespmem:s6+$0xFFFFFFC0];
	v4 =	vmul.f32 v20, v27;
	v3 =	vmul.f32 v1, v28  }
0x218: {  	v8 =	vld [tilespmem:s6+$0xFFFFFFD0];
	v5 =	vmul.f32 v21, v29;
	(xrf2) =	vadd.scan.msk.f32 $0xffff, v2  }
0x219: {  	v58 =	vld [tilespmem:s6+$0x40];
	v9 =	vmul.f32 v31, v28;
	v11 =	vmul.f32 v33, v27;
	v3 =	vadd.f32 v4, v3  }
0x21a: {  	v13 =	vld [tilespmem:s6+$0xFFFFFF40];
	v6 =	vmul.f32 v23, v27;
	v4 =	vmul.f32 v22, v28  }
0x21b: {  	v9 =	vadd.f32 v11, v9;
	v11 =	vmul.f32 v36, v29;
	v5 =	vadd.f32 v5, v3;
	v3 =	vld [tilespmem:s6+$0x50]  }
0x21c: {  	v12 =	vld [tilespmem:s6+$0xFFFFFF60];
	v4 =	vadd.f32 v6, v4;
	v6 =	vmul.f32 v30, v29  }
0x21d: {  	v14 =	vmul.f32 v0, v26;
	v11 =	vadd.f32 v11, v9;
	v9 =	vld [tilespmem:s14+$0xFFFFFF80]  }
0x21e: {  	v54 =	vld [tilespmem:s6+$0xFFFFFFE0];
	v15 =	vmul.f32 v37, v26;
	v4 =	vadd.f32 v6, v4;
	v6 =	vmul.f32 v57, v26  }
0x21f: {  	v2 =	vld [tilespmem:s6+$0x70];
	v14 =	vadd.f32 v14, v5  }
0x220: {  	v16 =	vmul.f32 v43, v43;
	v25 =	vmul.f32 v13, v13;
	v4 =	vadd.f32 v6, v4;
	v5 =	vmovc v3;
	v3 =	vld [tilespmem:s6+$0xFFFFFFF0]  }
0x221: {  	v17 =	vmul.f32 v7, v7;
	v18 =	vmul.f32 v8, v8;
	v6 =	vld [tilespmem:s6+$0x60];
	(xrf2) =	vadd.scan.msk.f32 $0xffff, v14;
	v14 =	vadd.f32 v15, v11  }
0x222: {  	v16 =	vadd.f32 v16, v25;
	v11 =	vld [tilespmem:s6+$0xFFFFFF70];
	[tilespmem:$0x1FEE0] =	vst v9;
	(xrf2) =	vadd.scan.msk.f32 $0xffff, v4;
	v15, _, _ =	vpop (xrf2)  }
0x223: {  	v18 =	vadd.f32 v18, v17;
	v25 =	vmul.f32 v54, v54;
	v59 =	vld [tilespmem:s6+$0xB0];
	(xrf2) =	vadd.scan.msk.f32 $0xffff, v14;
	v15 =	vmax.f32 v15, $1.000000020e-24  }
0x224: {  	v60 =	vmul.f32 v5, v5;
	v61 =	vld [tilespmem:s6+$0xA0];
	v4 =	vmov v58;
	v19 =	vbroadcast v15, $0xF  }
0x225: {  	v18 =	vadd.f32 v25, v18;
	v62 =	vld [tilespmem:s6+$0x80];
	v24 =	vmul.f32 v4, v4;
	v25 =	vmul.f32 v3, v3  }
0x226: {  	v63 =	vld [tilespmem:s6+$0x90];
	(erf) = vrcp.f32 v19;
	v19 =	vmul.f32 v12, v12  }
0x227: {  	v17 =	vld [tilespmem:s7+$0xFFFFFF80];
	v46 =	vmul.f32 v6, v6;
	v24 =	vadd.f32 v60, v24  }
0x228: {  	v47 =	vmul.f32 v11, v11;
	v15 =	vld [tilespmem:s14+$0xFFFFFF90];
	v10 =	vadd.f32 v25, v18;
	v19 =	vadd.f32 v19, v16  }
0x229: {  	v16 =	vld [tilespmem:s7+$0xFFFFFF90]  }
0x22a: {  	v49 =	vmul.f32 v2, v2;
	v24 =	vadd.f32 v46, v24;
	v34 =	vadd.f32 v47, v19;
	v19 =	vld [tilespmem:s8+$0xFFFFFF80];
	[tilespmem:$0x1FEB0] =	vst v10  }
0x22b: {  	v48, _, _ =	vpop (xrf2);
	v18 =	vld [tilespmem:s8+$0xFFFFFF90]  }
0x22c: {  	v1 =	vadd.f32 v62, v1;
	v35 =	vadd.f32 v49, v24;
	v50, _, _ =	vpop (xrf2);
	v24 =	vld [tilespmem:s14+$0xFFFFFFC0]  }
0x22d: {  	v53 =	vadd.f32 v63, v20;
	v25 =	vsub.f32 v48, v50;
	v51, _, _ =	vpop (xrf2);
	v20 =	vld [tilespmem:s7+$0xFFFFFFC0]  }
0x22e: {  	v39 =	vadd.f32 v61, v21;
	v21 =	vld [tilespmem:s7+$0xFFFFFFD0];
	v42 =	vsub.f32 v48, v51  }
0x22f: {  	v0 =	vadd.f32 v59, v0;
	v59 =	vsub.f32 v1, v22;
	v22 =	vld [tilespmem:s8+$0xFFFFFFC0];
	v52 =	vbroadcast v25, $0xF  }
0x230: {  	v61 =	vsub.f32 v53, v23;
	v23 =	vld [tilespmem:s8+$0xFFFFFFD0];
	v58 =	vbroadcast v42, $0xF;
	v55 =	vpop (erf)  }
0x231: {  	v45 =	vmul.f32 v9, v13;
	v56 =	vsub.f32 v0, v57;
	v38 =	vld [tilespmem:s14+$0x0];
	v57 =	vmul.f32 v52, v55  }
0x232: {  	v40 =	vmul.f32 v17, v13;
	v30 =	vsub.f32 v39, v30;
	v32 =	vld [tilespmem:s14+$0x10];
	v41 =	vmul.f32 v58, v55  }
0x233: {  	v0 =	vsub.f32 v0, v37;
	v36 =	vsub.f32 v39, v36;
	v25 =	vld [tilespmem:s14+$0xFFFFFFD0];
	v60 =	vmul.f32 v57, v28  }
0x234: {  	v1 =	vsub.f32 v1, v31;
	v62 =	vmul.f32 v57, v27;
	v50 =	vmul.f32 v41, v27;
	v27 =	vld [tilespmem:s7+$0x0]  }
0x235: {  	v33 =	vsub.f32 v53, v33;
	v48 =	vmul.f32 v57, v29;
	v49 =	vmul.f32 v41, v28;
	v28 =	vld [tilespmem:s7+$0x10]  }
0x236: {  	v51 =	vmul.f32 v41, v29;
	v29 =	vld [tilespmem:s8+$0x10];
	v31 =	vsub.f32 v59, v60;
	v63 =	vsub.f32 v61, v62  }
0x237: {  	v47 =	vmul.f32 v57, v26;
	v41 =	vmul.f32 v41, v26;
	v26 =	vld [tilespmem:s7+$0xFFFFFFA0];
	v39 =	vsub.f32 v30, v48  }
0x238: {  	v33 =	vsub.f32 v33, v50;
	v30 =	vld [tilespmem:s8+$0x0];
	v31 =	vmul.f32 v31, v31;
	v37 =	vmul.f32 v63, v63  }
0x239: {  	v44 =	vmul.f32 v15, v43;
	v53 =	vsub.f32 v56, v47;
	v36 =	vsub.f32 v36, v51;
	v47 =	vld [tilespmem:s14+$0xFFFFFFE0]  }
0x23a: {  	v52 =	vmul.f32 v39, v39;
	v55 =	vmul.f32 v33, v33;
	v33 =	vld [tilespmem:s14+$0xFFFFFFA0];
	v31 =	vadd.f32 v37, v31  }
0x23b: {  	v44 =	vadd.f32 v44, v45;
	v1 =	vsub.f32 v1, v49;
	v56 =	vmul.f32 v36, v36;
	v36 =	vld [tilespmem:s7+$0xFFFFFFE0]  }
0x23c: {  	v58 =	vmul.f32 v19, v13;
	v39 =	vmul.f32 v53, v53;
	v37 =	vadd.f32 v52, v31;
	v31 =	vld [tilespmem:s8+$0xFFFFFFA0];
	[tilespmem:$0x1FEF0] =	vst v7  }
0x23d: {  	v57 =	vmul.f32 v16, v43;
	v0 =	vsub.f32 v0, v41;
	v1 =	vmul.f32 v1, v1;
	v51 =	vld [tilespmem:s14+$0x20]  }
0x23e: {  	v59 =	vmul.f32 v18, v43;
	v60 =	vmul.f32 v24, v7;
	v49 =	vadd.f32 v39, v37;
	v39 =	vld [tilespmem:s8+$0xFFFFFFE0];
	[tilespmem:$0x1FF00] =	vst v8  }
0x23f: {  	v61 =	vmul.f32 v25, v8;
	v62 =	vmul.f32 v20, v7;
	v1 =	vadd.f32 v55, v1;
	v41 =	vld [tilespmem:s7+$0x20]  }
0x240: {  	v40 =	vadd.f32 v57, v40;
	v48 =	vmul.f32 v32, v5;
	v0 =	vmul.f32 v0, v0;
	v14 =	vld [tilespmem:s8+$0x20]  }
0x241: {  	v63 =	vmul.f32 v21, v8;
	v53 =	vmul.f32 v38, v4;
	v1 =	vadd.f32 v1, v56;
	v56 =	vld [tilespmem:s14+$0xFFFFFFB0]  }
0x242: {  	v45 =	vmul.f32 v28, v5;
	v55 =	vmul.f32 v27, v4;
	v37 =	vadd.f32 v59, v58;
	v58 =	vld [tilespmem:s7+$0xFFFFFFB0]  }
0x243: {  	v42 =	vadd.f32 v61, v60;
	v57 =	vmul.f32 v30, v4;
	v52 =	vmul.f32 v29, v5;
	v60 =	vld [tilespmem:s8+$0xFFFFFFB0]  }
0x244: {  	v50 =	vadd.f32 v63, v62;
	v46 =	vadd.f32 v48, v53;
	v48 =	vmul.f32 v26, v12;
	v53 =	vld [tilespmem:s14+$0xFFFFFFF0]  }
0x245: {  	v45 =	vadd.f32 v45, v55;
	v59 =	vmul.f32 v33, v12;
	v52 =	vadd.f32 v52, v57;
	v57 =	vld [tilespmem:s7+$0xFFFFFFF0]  }
0x246: {  	v10 =	vadd.f32 v1, v0;
	v1 =	vmul.f32 v22, v7;
	v0 =	vmul.f32 v23, v8;
	v62 =	vld [tilespmem:s8+$0xFFFFFFF0]  }
0x247: {  	v48 =	vadd.f32 v48, v40;
	v9 =	vld [tilespmem:s14+$0x30];
	v44 =	vadd.f32 v59, v44;
	v59 =	vmul.f32 v47, v54  }
0x248: {  	v8 =	vld [tilespmem:s6+$0xFFFFFF00];
	v1 =	vadd.f32 v0, v1;
	v0 =	vmul.f32 v36, v54;
	v55 =	vmul.f32 v31, v12  }
0x249: {  	v63 =	vmul.f32 v51, v6;
	v42 =	vadd.f32 v59, v42;
	v59 =	vld [tilespmem:s6+$0xFFFFFF10];
	v40 =	vmul.f32 v39, v54  }
0x24a: {  	(xrf2) =	vadd.scan.msk.f32 $0xffff, v34;
	v50 =	vadd.f32 v0, v50;
	v34 =	vadd.f32 v55, v37;
	v37 =	vld [tilespmem:s7+$0x30];
	v0 =	vmul.f32 v14, v6  }
0x24b: {  	v46 =	vadd.f32 v63, v46;
	v63 =	vmul.f32 v58, v11;
	v7 =	vadd.f32 v40, v1;
	v40 =	vld [tilespmem:s8+$0x30]  }
0x24c: {  	v55 =	vmul.f32 v41, v6;
	v52 =	vadd.f32 v0, v52;
	v0 =	vld [tilespmem:$0x1FEB0]  }
0x24d: {  	v61 =	vmul.f32 v56, v11;
	v48 =	vadd.f32 v63, v48;
	v63 =	vld [tilespmem:s6+$0xFFFFFF80];
	[tilespmem:$0x1FEC0] =	vst v3  }
0x24e: {  	v45 =	vadd.f32 v55, v45;
	v55 =	vmul.f32 v60, v11;
	v1 =	vld [tilespmem:s6+$0xFFFFFF90]  }
0x24f: {  	v44 =	vadd.f32 v61, v44  }
0x250: {  	v61 =	vmul.f32 v53, v3;
	v34 =	vadd.f32 v55, v34;
	v55 =	vmul.f32 v62, v3;
	_ =	sdelay $0x1  }
0x251: {  	v42 =	vadd.f32 v61, v42;
	v61 =	vmul.f32 v37, v2;
	v7 =	vadd.f32 v55, v7;
	v55 =	vld [tilespmem:$0x1FEE0];
	(xrf2) =	vadd.scan.msk.f32 $0xffff, v0  }
0x252: {  	v15 =	vadd.f32 v59, v15;
	(xrf2) =	vadd.scan.msk.f32 $0xffff, v35;
	v35 =	vmul.f32 v57, v3;
	v1 =	vadd.f32 v1, v25  }
0x253: {  	v45 =	vadd.f32 v61, v45;
	v0 =	vld [tilespmem:s6+$0x0];
	v24 =	vadd.f32 v63, v24;
	(xrf2) =	vadd.scan.msk.f32 $0xffff, v49;
	v49 =	vmul.f32 v9, v2  }
0x254: {  	[tilespmem:$0x1FED0] =	vst v2;
	(xrf2) =	vadd.scan.msk.f32 $0xffff, v10;
	v10 =	vadd.f32 v35, v50;
	v59 =	vsub.f32 v1, v21  }
0x255: {  	v50 =	vmul.f32 v40, v2;
	v1 =	vsub.f32 v1, v23;
	(xrf2) =	vadd.scan.msk.f32 $0xffff, v44;
	v44 =	vadd.f32 v49, v46;
	v46 =	vld [tilespmem:s6+$0x10]  }
0x256: {  	v8 =	vadd.f32 v8, v55;
	v55 =	vsub.f32 v24, v22;
	(xrf2) =	vadd.scan.msk.f32 $0xffff, v48;
	v48 =	vld [tilespmem:s6+$0xFFFFFF20]  }
0x257: {  	v61, _, _ =	vpop (xrf2);
	v35 =	vadd.f32 v50, v52;
	v50 =	vsub.f32 v24, v20;
	v20 =	vld [tilespmem:s6+$0x20]  }
0x258: {  	v25 =	vmax.f32 v61, $1.000000020e-24;
	v49 =	vld [tilespmem:s6+$0xFFFFFF30];
	v0 =	vadd.f32 v0, v38;
	v38 =	vsub.f32 v8, v17;
	(xrf2) =	vadd.scan.msk.f32 $0xffff, v34  }
0x259: {  	v8 =	vsub.f32 v8, v19;
	v17 =	vbroadcast v25, $0xF;
	v25 =	vld [tilespmem:s6+$0xFFFFFFA0];
	v34 =	vsub.f32 v15, v16  }
0x25a: {  	v15 =	vsub.f32 v15, v18;
	v18 =	vsub.f32 v0, v27  }
0x25b: {  	v16 =	vsub.f32 v0, v30;
	v27 =	vld [tilespmem:s6+$0xFFFFFFB0];
	(erf) = vrcp.f32 v17;
	v32 =	vadd.f32 v46, v32;
	v46, _, _ =	vpop (xrf2)  }
0x25c: {  	v21 =	vadd.f32 v48, v33;
	v20 =	vadd.f32 v20, v51;
	v52, _, _ =	vpop (xrf2)  }
0x25d: {  	(xrf2) =	vadd.scan.msk.f32 $0xffff, v42;
	v19 =	vsub.f32 v32, v28;
	v17 =	vsub.f32 v32, v29;
	v61, _, _ =	vpop (xrf2)  }
0x25e: {  	v23 =	vadd.f32 v25, v47;
	(xrf2) =	vadd.scan.msk.f32 $0xffff, v10;
	v10 =	vadd.f32 v49, v56;
	v63, _, _ =	vpop (xrf2)  }
0x25f: {  	v25 =	vmax.f32 v46, $1.000000020e-24;
	v26 =	vsub.f32 v21, v26;
	v28 =	vsub.f32 v21, v31;
	v22, _, _ =	vpop (xrf2)  }
0x260: {  	v21 =	vbroadcast v25, $0xF;
	(xrf2) =	vadd.scan.msk.f32 $0xffff, v7;
	v7 =	vld [tilespmem:s6+$0x30];
	v27 =	vadd.f32 v27, v53;
	v25 =	vsub.f32 v23, v36;
	v24, _, _ =	vpop (xrf2)  }
0x261: {  	s16 =	simm.s32 $0x83;
	v31 =	vsub.f32 v23, v39;
	v24 =	vsub.f32 v22, v24  }
0x262: {  	v48 =	vsub.f32 v10, v60;
	v60 =	vmov s16;
	(erf) = vrcp.f32 v21;
	v23, _, _ =	vpop (xrf2)  }
0x263: {  	v0 =	vbroadcast v63, $0xF;
	v21 =	vsub.f32 v22, v23;
	v24 =	vbroadcast v24, $0xF  }
0x264: {  	v22 =	vpop (erf);
	v23 =	vsub.f32 v20, v41;
	v20 =	vsub.f32 v20, v14;
	v14 =	vmax.f32 v52, $1.000000020e-24  }
0x265: {  	v7 =	vadd.f32 v7, v9;
	v21 =	vbroadcast v21, $0xF;
	v29 =	vmul.f32 v24, v22  }
0x266: {  	v9 =	vsub.f32 v10, v58;
	v14 =	vbroadcast v14, $0xF;
	v24 =	vsub.f32 v27, v57  }
0x267: {  	v49 =	vmul.f32 v21, v22;
	v21 =	vsub.f32 v27, v62;
	v27 =	vmul.f32 v29, v12  }
0x268: {  	(xrf2) =	vadd.scan.msk.f32 $0xffff, v44;
	v32 =	vsub.f32 v7, v37;
	(erf) = vrcp.f32 v14;
	v22, _, _ =	vpop (xrf2);
	v30 =	vmul.f32 v29, v13  }
0x269: {  	(xrf2) =	vadd.scan.msk.f32 $0xffff, v45;
	v51, _, _ =	vpop (xrf2);
	v52 =	vmul.f32 v49, v13;
	v13 =	vsub.f32 v26, v27;
	v27 =	vmul.f32 v49, v43  }
0x26a: {  	v62 =	vbroadcast v61, $0xF;
	v10 =	vmul.f32 v29, v43;
	v14 =	vsub.f32 v22, v51  }
0x26b: {  	v12 =	vmul.f32 v49, v12;
	v30 =	vsub.f32 v38, v30;
	v26 =	vmul.f32 v29, v11;
	v29, _, _ =	vpop (xrf2)  }
0x26c: {  	v3 =	vld [tilespmem:$0x1FEF0];
	(xrf2) =	vadd.scan.msk.f32 $0xffff, v35;
	v10 =	vsub.f32 v34, v10;
	v53 =	vsub.f32 v22, v29;
	v14 =	vbroadcast v14, $0xF  }
0x26d: {  	v57 =	vld [tilespmem:$0x1FF00];
	v11 =	vmul.f32 v49, v11;
	v8 =	vsub.f32 v8, v52;
	v15 =	vsub.f32 v15, v27;
	v27 =	vpop (erf)  }
0x26e: {  	v29 =	vsub.f32 v28, v12;
	v22 =	vmul.f32 v14, v27;
	v14 =	vbroadcast v53, $0xF  }
0x26f: {  	s17 =	simm.s32 $0x80;
	v12 =	vsub.f32 v7, v40;
	v8 =	vmul.f32 v8, v8;
	v15 =	vmul.f32 v15, v15  }
0x270: {  	v52 =	vmov s17;
	v56 =	vmul.f32 v30, v30;
	v30 =	vmul.f32 v14, v27  }
0x271: {  	v7 =	vmul.f32 v22, v3;
	v27 =	vadd.f32 v15, v8;
	v8 =	vmul.f32 v22, v54  }
0x272: {  	v28, _, _ =	vpop (xrf2);
	v9 =	vsub.f32 v9, v26;
	v14 =	vmul.f32 v22, v57;
	v15 =	vmul.f32 v30, v3  }
0x273: {  	v7 =	vsub.f32 v50, v7;
	v58 =	vmul.f32 v30, v57;
	v8 =	vsub.f32 v25, v8;
	v25, _, _ =	vpop (xrf2)  }
0x274: {  	v14 =	vsub.f32 v59, v14;
	v59 =	vmul.f32 v30, v54;
	v25 =	vsub.f32 v28, v25  }
0x275: {  	v10 =	vmul.f32 v10, v10;
	v15 =	vsub.f32 v55, v15;
	v1 =	vsub.f32 v1, v58  }
0x276: {  	v7 =	vmul.f32 v7, v7;
	v33 =	vsub.f32 v31, v59;
	v31, _, _ =	vpop (xrf2);
	v25 =	vbroadcast v25, $0xF  }
0x277: {  	v26 =	vpop (erf);
	v14 =	vmul.f32 v14, v14;
	v28 =	vsub.f32 v28, v31;
	v15 =	vmul.f32 v15, v15  }
0x278: {  	v11 =	vsub.f32 v48, v11;
	v1 =	vmul.f32 v1, v1;
	v31 =	vmul.f32 v25, v26  }
0x279: {  	[tilespmem:v60+s31+$0x0] =	vst.idx.msk $0x1, v62;
	v10 =	vadd.f32 v10, v56;
	v7 =	vadd.f32 v14, v7;
	v63 =	vbroadcast v28, $0xF  }
0x27a: {  	s18 =	simm.s32 $0x81;
	v37 =	vadd.f32 v1, v15;
	v25 =	vmul.f32 v31, v4;
	v28 =	vmul.f32 v31, v5  }
0x27b: {  	s10 =	simm.s32 $0xFFFFFFFC;
	s11 =	simm.s32 $0x0;
	s12 =	simm.s32 $0x2980;
	[tilespmem:v60+s0+$0x0] =	vst.idx.msk $0x1, v0;
	v15 =	vmov s18;
	v34 =	vmul.f32 v63, v26;
	v35 =	vmul.f32 v31, v6  }
.LBB2_4:
0x27c: {  	v26 =	vld [tilespmem:s12+$0x70]  }
0x27d: {  	v14 =	vld [tilespmem:$0x1FEC0]  }
0x27e: {  	v53 =	vld [tilespmem:s12+$0x40]  }
0x27f: {  	v55 =	vld [tilespmem:s12+$0x50]  }
0x280: {  	s6 =	sadd.s32 $0x200, s6;
	v13 =	vmul.f32 v13, v13;
	v36 =	vld [tilespmem:s12+$0x60];
	v8 =	vmul.f32 v8, v8;
	v15 =	vand.u32 $0xFFFFFFFD, v15  }
0x281: {  	v1 =	vsub.f32 v18, v25;
	v2 =	vmul.f32 v34, v4;
	v3 =	vmul.f32 v34, v5;
	v25 =	vld [tilespmem:s6+$0xD0]  }
0x282: {  	v18 =	vsub.f32 v19, v28;
	v5 =	vmul.f32 v34, v6;
	v0 =	vmul.f32 v22, v14;
	v22 =	vld [tilespmem:s6+$0xC0]  }
0x283: {  	v19 =	vsub.f32 v23, v35;
	v4 =	vld [tilespmem:$0x1FED0];
	v9 =	vmul.f32 v9, v9;
	v11 =	vmul.f32 v11, v11  }
0x284: {  	s7 =	sadd.s32 $0x100, s7;
	v1 =	vmul.f32 v1, v1;
	v2 =	vsub.f32 v16, v2;
	v0 =	vsub.f32 v24, v0;
	v24 =	vld [tilespmem:s6+$0xE0]  }
0x285: {  	v57 =	vld [tilespmem:s7+$0x50];
	v16 =	vmul.f32 v18, v18;
	v5 =	vsub.f32 v20, v5;
	v20 =	vmul.f32 v33, v33  }
0x286: {  	s8 =	sadd.s32 $0x100, s8;
	v3 =	vsub.f32 v17, v3;
	v6 =	vmul.f32 v30, v14;
	v2 =	vmul.f32 v2, v2;
	v30 =	vld [tilespmem:s6+$0xF0]  }
0x287: {  	v35 =	vld [tilespmem:s8+$0x40];
	v1 =	vadd.f32 v16, v1;
	v18 =	vmul.f32 v25, v25;
	v16 =	vmul.f32 v22, v22  }
0x288: {  	v38 =	vld [tilespmem:s7+$0x70];
	v23 =	vadd.f32 v13, v10;
	v3 =	vmul.f32 v3, v3;
	v17 =	vmul.f32 v31, v4  }
0x289: {  	v54 =	vld [tilespmem:s6+$0xFFFFFF50];
	v4 =	vmul.f32 v34, v4;
	v16 =	vadd.f32 v18, v16;
	v18 =	vmul.f32 v24, v24  }
0x28a: {  	v34 =	vld [tilespmem:s7+$0x40];
	v6 =	vsub.f32 v21, v6;
	v2 =	vadd.f32 v3, v2;
	v3 =	vmul.f32 v29, v29  }
0x28b: {  	v56 =	vld [tilespmem:s6+$0xFFFFFFE0];
	v4 =	vsub.f32 v12, v4;
	v12 =	vadd.f32 v18, v16;
	v16 =	vmul.f32 v30, v30  }
0x28c: {  	v17 =	vsub.f32 v32, v17;
	v32 =	vld [tilespmem:s7+$0x60];
	v40 =	vadd.f32 v27, v3;
	v3 =	vmul.f32 v5, v5  }
0x28d: {  	v33 =	vld [tilespmem:s8+$0x50];
	v21 =	vmul.f32 v53, v22;
	v18 =	vmul.f32 v55, v25;
	v5 =	vadd.f32 v16, v12  }
0x28e: {  	v39 =	vld [tilespmem:s8+$0x70];
	v19 =	vmul.f32 v19, v19;
	v23 =	vadd.f32 v9, v23;
	v13 =	vmul.f32 v36, v24  }
0x28f: {  	v10 =	vld [tilespmem:s8+$0x60];
	v12 =	vadd.f32 v18, v21;
	v16 =	vmul.f32 v34, v22;
	v18 =	vmul.f32 v57, v25;
	(xrf2) =	vadd.scan.msk.f32 $0xffff, v5  }
0x290: {  	v58 =	vld [tilespmem:s6+$0xFFFFFFD0];
	v51 =	vmul.f32 v54, v54;
	v46 =	vmul.f32 v56, v56;
	v21 =	vadd.f32 v8, v7  }
0x291: {  	v28 =	vld [tilespmem:s6+$0xFFFFFF40];
	v8 =	vadd.f32 v13, v12;
	v5 =	vadd.f32 v18, v16;
	v13 =	vmul.f32 v32, v24  }
0x292: {  	v62 =	vld [tilespmem:s6+$0xB0];
	v1 =	vadd.f32 v19, v1;
	v16 =	vmul.f32 v35, v22;
	v18 =	vmul.f32 v33, v25  }
0x293: {  	v31 =	vld [tilespmem:s6+$0xFFFFFF70];
	v0 =	vmul.f32 v0, v0;
	v12 =	vmul.f32 v26, v30;
	v5 =	vadd.f32 v13, v5  }
0x294: {  	v29 =	vld [tilespmem:s6+$0xFFFFFF60];
	v13 =	vmul.f32 v38, v30;
	v16 =	vadd.f32 v18, v16;
	v18 =	vmul.f32 v10, v24  }
0x295: {  	v42 =	vmul.f32 v6, v6;
	v19 =	vadd.f32 v2, v3;
	v2 =	vld [tilespmem:s6+$0x40];
	v12 =	vadd.f32 v12, v8  }
0x296: {  	v7 =	vld [tilespmem:s6+$0xFFFFFFC0];
	v5 =	vadd.f32 v13, v5;
	v16 =	vadd.f32 v18, v16;
	v18 =	vmul.f32 v39, v30  }
0x297: {  	v20 =	vadd.f32 v37, v20;
	v6 =	vmul.f32 v58, v58;
	v17 =	vmul.f32 v17, v17;
	v3 =	vld [tilespmem:s6+$0x50];
	(xrf2) =	vadd.scan.msk.f32 $0xffff, v12  }
0x298: {  	v27 =	vld [tilespmem:s6+$0x70];
	v0 =	vadd.f32 v0, v21;
	v21 =	vmul.f32 v28, v28;
	(xrf2) =	vadd.scan.msk.f32 $0xffff, v5;
	v16 =	vadd.f32 v18, v16  }
0x299: {  	v44 =	vmul.f32 v4, v4;
	v43 =	vadd.f32 v40, v11;
	v40 =	vadd.f32 v20, v42;
	v8 =	vld [tilespmem:s6+$0x60];
	v4, _, _ =	vpop (xrf2)  }
0x29a: {  	v20 =	vmul.f32 v29, v29;
	v21 =	vadd.f32 v51, v21;
	v51 =	vld [tilespmem:s6+$0x90];
	(xrf2) =	vadd.scan.msk.f32 $0xffff, v16;
	v16 =	vmax.f32 v4, $1.000000020e-24  }
0x29b: {  	v37 =	vadd.f32 v19, v44;
	v44 =	vld [tilespmem:s6+$0xA0];
	v41 =	vmul.f32 v7, v7;
	v60 =	vbroadcast v16, $0xF  }
0x29c: {  	v59 =	vld [tilespmem:s6+$0x80];
	v42 =	vadd.f32 v17, v1;
	v45 =	vmul.f32 v3, v3;
	v18 =	vmul.f32 v2, v2  }
0x29d: {  	v26 =	vadd.f32 v62, v26;
	v13 =	vld [tilespmem:s6+$0xFFFFFFF0];
	v41 =	vadd.f32 v6, v41;
	(erf) = vrcp.f32 v60  }
0x29e: {  	v19 =	vadd.f32 v20, v21;
	v61 =	vmul.f32 v8, v8;
	v18 =	vadd.f32 v45, v18;
	v4 =	vld [tilespmem:s12+$0xFFFFFF80]  }
0x29f: {  	v20 =	vmul.f32 v31, v31;
	v5 =	vld [tilespmem:s12+$0xFFFFFF90];
	v21 =	vadd.f32 v46, v41;
	v46 =	vadd.f32 v51, v55  }
0x2a0: {  	v63 =	vmul.f32 v27, v27;
	v36 =	vadd.f32 v44, v36;
	v1 =	vadd.f32 v61, v18  }
0x2a1: {  	s14 =	sadd.s32 $0x86, s10;
	v14 =	vand.u32 $0xFFFFFFFC, v52;
	v19 =	vadd.f32 v20, v19;
	v33 =	vsub.f32 v46, v33;
	v47, _, _ =	vpop (xrf2)  }
0x2a2: {  	v18 =	vmov s14;
	v1 =	vadd.f32 v63, v1;
	v63 =	vadd.f32 v59, v53;
	(xrf2) =	vadd.scan.msk.f32 $0xffff, v23;
	v48, _, _ =	vpop (xrf2)  }
0x2a3: {  	v20 =	vld [tilespmem:s8+$0xFFFFFFC0];
	[tilespmem:$0x1FD90] =	vst v4;
	v49 =	vmul.f32 v4, v28;
	v4 =	vbroadcast v14, $0x0;
	v60 =	vsub.f32 v47, v48  }
0x2a4: {  	v9 =	vld [tilespmem:s7+$0xFFFFFFD0];
	[tilespmem:$0x1FDA0] =	vst v5;
	v59 =	vsub.f32 v36, v32;
	v36 =	vsub.f32 v36, v10;
	v23 =	vmul.f32 v13, v13;
	v61, _, _ =	vpop (xrf2)  }
0x2a5: {  	v6 =	vld [tilespmem:s7+$0xFFFFFF80];
	[tilespmem:$0x1FDE0] =	vst v4;
	v4 =	vbroadcast v15, $0x0;
	v62 =	vbroadcast v60, $0xF;
	v47 =	vsub.f32 v47, v61  }
0x2a6: {  	v45 =	vld [tilespmem:s12+$0xFFFFFFE0];
	v52 =	vmul.f32 v5, v54;
	v34 =	vsub.f32 v63, v34;
	v50 =	vadd.f32 v23, v21;
	(xrf2) =	vadd.scan.msk.f32 $0xffff, v19;
	v55 =	vpop (erf)  }
0x2a7: {  	v5 =	vld [tilespmem:s7+$0xFFFFFF90];
	v21 =	vand.u32 $0xFFFFFFFE, v18;
	[tilespmem:$0x1FE00] =	vst v4;
	v53 =	vbroadcast v47, $0xF;
	v41 =	vmul.f32 v62, v55  }
0x2a8: {  	v23 =	vld [tilespmem:s8+$0xFFFFFF80];
	v4 =	vbroadcast v21, $0x0;
	(xrf2) =	vadd.scan.msk.f32 $0xffff, v50;
	v61 =	vsub.f32 v46, v57;
	v46 =	vmul.f32 v20, v7  }
0x2a9: {  	v47 =	vsub.f32 v26, v38;
	v38 =	vld [tilespmem:s12+$0x0];
	v44 =	vmul.f32 v53, v55;
	v60 =	vmul.f32 v41, v22  }
0x2aa: {  	v35 =	vsub.f32 v63, v35;
	v19 =	vld [tilespmem:s12+$0xFFFFFFC0];
	v62 =	vmul.f32 v41, v25;
	v63 =	vmul.f32 v41, v30  }
0x2ab: {  	v18 =	vld [tilespmem:s12+$0xFFFFFFD0];
	v50 =	vsub.f32 v26, v39;
	v41 =	vmul.f32 v41, v24;
	v51 =	vmul.f32 v44, v30  }
0x2ac: {  	v39 =	vld [tilespmem:s12+$0x10];
	v32, _, _ =	vpop (xrf2);
	(xrf2) =	vadd.scan.msk.f32 $0xffff, v1;
	v57 =	vmul.f32 v44, v22;
	v25 =	vmul.f32 v44, v25;
	v1 =	vsub.f32 v34, v60  }
0x2ad: {  	[tilespmem:$0x1FE10] =	vst v4;
	v4 =	vld [tilespmem:s8+$0xFFFFFF90];
	v55 =	vsub.f32 v61, v62;
	v41 =	vsub.f32 v59, v41;
	v59 =	vmul.f32 v44, v24  }
0x2ae: {  	v26 =	vld [tilespmem:s7+$0xFFFFFFC0];
	(xrf2) =	vadd.scan.msk.f32 $0xffff, v43;
	v62 =	vsub.f32 v47, v63;
	v44 =	vmul.f32 v6, v28;
	v47 =	vmul.f32 v38, v2  }
0x2af: {  	v30 =	vld [tilespmem:s8+$0xFFFFFFD0];
	v35 =	vsub.f32 v35, v57;
	v25 =	vsub.f32 v33, v25;
	v1 =	vmul.f32 v1, v1  }
0x2b0: {  	v49 =	vadd.f32 v52, v49;
	v22 =	vld [tilespmem:s7+$0x0];
	v34 =	vmul.f32 v55, v55;
	v61 =	vmul.f32 v41, v41  }
0x2b1: {  	v16, _, _ =	vpop (xrf2);
	(xrf2) =	vadd.scan.msk.f32 $0xffff, v0;
	v24 =	vld [tilespmem:s7+$0x10];
	v33 =	vsub.f32 v36, v59;
	v43 =	vmul.f32 v35, v35;
	v25 =	vmul.f32 v25, v25  }
0x2b2: {  	v15, _, _ =	vpop (xrf2);
	v63 =	vmul.f32 v62, v62;
	(xrf2) =	vadd.scan.msk.f32 $0xffff, v40;
	v36 =	vld [tilespmem:s12+$0xFFFFFFA0];
	v55 =	vsub.f32 v50, v51;
	v60 =	vadd.f32 v34, v1  }
0x2b3: {  	v62 =	vmul.f32 v4, v54;
	v40 =	vld [tilespmem:s7+$0xFFFFFFE0];
	v53 =	vmul.f32 v33, v33;
	v48 =	vadd.f32 v25, v43  }
0x2b4: {  	v50 =	vmul.f32 v19, v7;
	v51 =	vmul.f32 v18, v58;
	v35 =	vld [tilespmem:s8+$0x10];
	v0 =	vadd.f32 v61, v60  }
0x2b5: {  	v34 =	vld [tilespmem:s8+$0x0];
	v59 =	vmul.f32 v30, v58;
	v43 =	vmul.f32 v55, v55;
	v41 =	vadd.f32 v48, v53  }
0x2b6: {  	[tilespmem:$0x1FDC0] =	vst v5;
	v33 =	vld [tilespmem:s8+$0xFFFFFFA0];
	v60 =	vmul.f32 v5, v54;
	v61 =	vmul.f32 v23, v28;
	v5 =	vadd.f32 v63, v0  }
0x2b7: {  	v25 =	vld [tilespmem:s7+$0xFFFFFFA0];
	v57, _, _ =	vpop (xrf2);
	v59 =	vadd.f32 v59, v46;
	v53 =	vmul.f32 v9, v58;
	v43 =	vadd.f32 v41, v43  }
0x2b8: {  	v48 =	vld [tilespmem:s12+$0x20];
	v63, _, _ =	vpop (xrf2);
	v0 =	vmul.f32 v26, v7;
	v55 =	vadd.f32 v60, v44;
	v60 =	vmul.f32 v39, v3;
	(xrf2) =	vadd.scan.msk.f32 $0xffff, v5  }
0x2b9: {  	s13 =	smov.u32 s11;
	v44 =	vld [tilespmem:s8+$0x20];
	[tilespmem:$0x1FDF0] =	vst v63;
	v63 =	vmul.f32 v35, v3;
	v5 =	vadd.f32 v62, v61;
	(xrf2) =	vadd.scan.msk.f32 $0xffff, v43  }
0x2ba: {  	s10 =	smov.u32 s13;
	[tilespmem:$0x1FE30] =	vst v2;
	v41 =	vld [tilespmem:s8+$0xFFFFFFE0];
	v61 =	vadd.f32 v51, v50;
	v50 =	vmul.f32 v22, v2;
	v51 =	vmul.f32 v24, v3  }
0x2bb: {  	s13 =	sadd.s32 $0x87, s10;
	[tilespmem:$0x1FDD0] =	vst v4;
	v21, _, _ =	vpop (xrf2);
	v4 =	vadd.f32 v53, v0;
	v62 =	vmul.f32 v34, v2;
	v53 =	vld [tilespmem:s12+$0xFFFFFFB0];
	v2 =	vmul.f32 v36, v29  }
0x2bc: {  	v60 =	vadd.f32 v60, v47;
	v0 =	vmov s13;
	v43 =	vld [tilespmem:s7+$0x20];
	v17, _, _ =	vpop (xrf2);
	(xrf2) =	vadd.scan.msk.f32 $0xffff, v42;
	v42 =	vmul.f32 v25, v29  }
0x2bd: {  	[tilespmem:$0x1FE50] =	vst v3;
	v3 =	vadd.f32 v51, v50;
	v62 =	vadd.f32 v63, v62;
	v50 =	vmul.f32 v33, v29;
	v51 =	vld [tilespmem:s12+$0xFFFFFFF0]  }
0x2be: {  	[tilespmem:$0x1FDB0] =	vst v6;
	v12 =	vadd.f32 v2, v49;
	v63 =	vmul.f32 v45, v56;
	v49 =	vld [tilespmem:s7+$0xFFFFFFF0];
	v6 =	vmul.f32 v48, v8  }
0x2bf: {  	v52 =	vmovc v9;
	v11 =	vadd.f32 v42, v55;
	v42 =	vmul.f32 v40, v56;
	v9 =	vadd.f32 v50, v5;
	v50 =	vld [tilespmem:s8+$0xFFFFFFF0]  }
0x2c0: {  	[tilespmem:$0x1FE20] =	vst v7;
	v55 =	vmul.f32 v41, v56;
	v61 =	vadd.f32 v63, v61;
	v63 =	vmul.f32 v44, v8  }
0x2c1: {  	(xrf2) =	vadd.scan.msk.f32 $0xffff, v37;
	v6 =	vadd.f32 v6, v60;
	v7 =	vmul.f32 v53, v31;
	v37 =	vmul.f32 v43, v8  }
0x2c2: {  	[tilespmem:$0x1FE40] =	vst v8;
	v8 =	vadd.f32 v42, v4;
	v42 =	vadd.f32 v55, v59;
	v4 =	vmul.f32 v51, v13;
	v1, _, _ =	vpop (xrf2)  }
0x2c3: {  	v10 =	vadd.f32 v37, v3;
	v37 =	vbroadcast v1, $0xF;
	v2, _, _ =	vpop (xrf2);
	v1 =	vmul.f32 v49, v13  }
0x2c4: {  	[tilespmem:$0x1FEC0] =	vst v13;
	v59 =	vld [tilespmem:s7+$0x30];
	v60 =	vbroadcast v2, $0xF;
	v2 =	vmul.f32 v50, v13;
	v13 =	vadd.f32 v7, v12  }
0x2c5: {  	v62 =	vadd.f32 v63, v62;
	v63 =	vld [tilespmem:s6+$0xFFFFFF00];
	[tilespmem:v0+s31+$0x0] =	vst.idx.msk $0x1, v37  }
0x2c6: {  	[tilespmem:v0+s0+$0x0] =	vst.idx.msk $0x1, v60;
	v0, _, _ =	vpop (xrf2);
	(xrf2) =	vadd.scan.msk.f32 $0xffff, v13;
	v13 =	vld [tilespmem:$0x1FD90];
	_ =	sdelay $0x1  }
0x2c7: {  	v46 =	vld [tilespmem:s7+$0xFFFFFFB0]  }
0x2c8: {  	v47 =	vld [tilespmem:s8+$0xFFFFFFB0];
	v60 =	vmul.f32 v59, v27  }
0x2c9: {  	v37 =	vld [tilespmem:s6+$0xFFFFFF10]  }
0x2ca: {  	v10 =	vadd.f32 v60, v10;
	v60 =	vadd.f32 v63, v13;
	v13 =	vld [tilespmem:$0x1FDA0];
	_ =	sdelay $0x3  }
0x2cb: {  	v5 =	vmul.f32 v46, v31  }
0x2cc: {  	v3 =	vmul.f32 v47, v31;
	v37 =	vadd.f32 v37, v13;
	v13 =	vld [tilespmem:$0x1FDB0]  }
0x2cd: {  	v5 =	vadd.f32 v5, v11  }
0x2ce: {  	v3 =	vadd.f32 v3, v9  }
0x2cf: {  	v7, _, _ =	vpop (xrf2);
	(xrf2) =	vadd.scan.msk.f32 $0xffff, v5  }
0x2d0: {  	(xrf2) =	vadd.scan.msk.f32 $0xffff, v3;
	v3 =	vld [tilespmem:$0x1FDC0]  }
0x2d1: {  	v63 =	vsub.f32 v60, v13;
	v13 =	vld [tilespmem:$0x1FDD0]  }
0x2d2: {  	v14 =	vld [tilespmem:s8+$0x30]  }
0x2d3: {  	v55 =	vld [tilespmem:s12+$0x30]  }
0x2d4: {  	v16 =	vmax.f32 v16, $1.000000020e-24;
	v11 =	vld [tilespmem:s6+$0xFFFFFF80]  }
0x2d5: {  	v16 =	vbroadcast v16, $0xF;
	v15 =	vmax.f32 v15, $1.000000020e-24;
	v9 =	vld [tilespmem:s6+$0xFFFFFF90]  }
0x2d6: {  	v15 =	vbroadcast v15, $0xF;
	v3 =	vsub.f32 v37, v3;
	v37 =	vsub.f32 v37, v13;
	v13 =	vld [tilespmem:$0x1FDE0]  }
0x2d7: {  	(erf) = vrcp.f32 v16;
	v1 =	vadd.f32 v1, v8;
	v8 =	vld [tilespmem:s6+$0x0]  }
0x2d8: {  	(erf) = vrcp.f32 v15;
	v15 =	vld [tilespmem:$0x1FDF0]  }
0x2d9: {  	v12 =	vmul.f32 v55, v27  }
0x2da: {  	v4 =	vadd.f32 v4, v61;
	v61 =	vld [tilespmem:s6+$0x10];
	v2 =	vadd.f32 v2, v42;
	v42 =	vmul.f32 v14, v27  }
0x2db: {  	v6 =	vadd.f32 v12, v6;
	v12 =	vmax.f32 v57, $1.000000020e-24;
	v57 =	vld [tilespmem:s6+$0xFFFFFF20];
	v5 =	vadd.f32 v11, v19  }
0x2dc: {  	v9 =	vadd.f32 v9, v18;
	v11 =	vld [tilespmem:s6+$0x20];
	v18 =	vbroadcast v32, $0xF;
	v8 =	vadd.f32 v8, v38  }
0x2dd: {  	v15 =	vbroadcast v15, $0xF;
	v32 =	vld [tilespmem:s6+$0xFFFFFF30]  }
0x2de: {  	v42 =	vadd.f32 v42, v62;
	v62 =	vld [tilespmem:s6+$0xFFFFFFA0];
	[tilespmem:v13+s31+$0x0] =	vst.idx.msk $0x1, v18  }
0x2df: {  	[tilespmem:v13+s0+$0x0] =	vst.idx.msk $0x1, v15;
	v13 =	vld [tilespmem:$0x1FE00]  }
0x2e0: {  	v12 =	vbroadcast v12, $0xF;
	v16 =	vsub.f32 v8, v34;
	v18 =	vsub.f32 v8, v22;
	v8, _, _ =	vpop (xrf2)  }
0x2e1: {  	v26 =	vsub.f32 v5, v26;
	v5 =	vsub.f32 v5, v20;
	v20, _, _ =	vpop (xrf2)  }
0x2e2: {  	(erf) = vrcp.f32 v12;
	v20 =	vsub.f32 v8, v20  }
0x2e3: {  	(xrf2) =	vadd.scan.msk.f32 $0xffff, v4;
	v4 =	vbroadcast v21, $0xF;
	v11 =	vadd.f32 v11, v48;
	v38 =	vsub.f32 v60, v23;
	v60 =	vld [tilespmem:s6+$0xFFFFFFB0]  }
0x2e4: {  	v23 =	vadd.f32 v61, v39;
	(xrf2) =	vadd.scan.msk.f32 $0xffff, v1;
	v15 =	vadd.f32 v62, v45;
	v45 =	vbroadcast v20, $0xF  }
0x2e5: {  	v12 =	vbroadcast v17, $0xF;
	v21 =	vpop (erf);
	v61 =	vsub.f32 v9, v52;
	v9 =	vsub.f32 v9, v30  }
0x2e6: {  	[tilespmem:$0x1FED0] =	vst v27;
	v19 =	vsub.f32 v23, v24;
	v17 =	vsub.f32 v23, v35;
	v1 =	vmul.f32 v45, v21  }
0x2e7: {  	v39 =	vld [tilespmem:s6+$0x30];
	v23 =	vsub.f32 v11, v43;
	(xrf2) =	vadd.scan.msk.f32 $0xffff, v2;
	v20 =	vsub.f32 v11, v44;
	[tilespmem:v13+s31+$0x0] =	vst.idx.msk $0x1, v4  }
0x2e8: {  	v11 =	vadd.f32 v60, v51;
	v27 =	vmul.f32 v1, v54;
	[tilespmem:v13+s0+$0x0] =	vst.idx.msk $0x1, v12;
	v13 =	vld [tilespmem:$0x1FE10]  }
0x2e9: {  	v4 =	vadd.f32 v57, v36;
	v57 =	vbroadcast v7, $0xF;
	v7 =	vadd.f32 v32, v53;
	v12, _, _ =	vpop (xrf2)  }
0x2ea: {  	v0 =	vbroadcast v0, $0xF;
	v24 =	vsub.f32 v11, v49;
	v8 =	vsub.f32 v8, v12  }
0x2eb: {  	v30 =	vmul.f32 v1, v29;
	v3 =	vsub.f32 v3, v27;
	v22 =	vsub.f32 v4, v25  }
0x2ec: {  	(xrf2) =	vadd.scan.msk.f32 $0xffff, v6;
	v62 =	vsub.f32 v4, v33;
	v12 =	vadd.f32 v39, v55;
	v6 =	vbroadcast v8, $0xF  }
0x2ed: {  	v53 =	vsub.f32 v7, v46;
	v55 =	vsub.f32 v7, v47;
	v7, _, _ =	vpop (xrf2);
	v8 =	vmul.f32 v1, v28  }
0x2ee: {  	v4 =	vsub.f32 v15, v40;
	(xrf2) =	vadd.scan.msk.f32 $0xffff, v10;
	v10, _, _ =	vpop (xrf2);
	v6 =	vmul.f32 v6, v21;
	v21 =	vsub.f32 v11, v50  }
0x2ef: {  	v3 =	vmul.f32 v3, v3;
	v8 =	vsub.f32 v63, v8;
	v10 =	vsub.f32 v7, v10  }
0x2f0: {  	v11 =	vmul.f32 v6, v28;
	v27 =	vmul.f32 v6, v54;
	[tilespmem:v13+s31+$0x0] =	vst.idx.msk $0x1, v0  }
0x2f1: {  	v10 =	vbroadcast v10, $0xF;
	v28, _, _ =	vpop (xrf2);
	[tilespmem:v13+s0+$0x0] =	vst.idx.msk $0x1, v57;
	v13 =	vsub.f32 v22, v30;
	v22 =	vmul.f32 v6, v29  }
0x2f2: {  	v40 =	vpop (erf);
	v8 =	vmul.f32 v8, v8;
	v11 =	vsub.f32 v38, v11;
	v57 =	vsub.f32 v7, v28;
	v28 =	vld [tilespmem:$0x1FE20]  }
0x2f3: {  	(xrf2) =	vadd.scan.msk.f32 $0xffff, v42;
	v27 =	vsub.f32 v37, v27;
	v29 =	vsub.f32 v62, v22;
	v22 =	vmul.f32 v10, v40  }
0x2f4: {  	v32 =	vsub.f32 v12, v59;
	v7 =	vmul.f32 v11, v11;
	v0 =	vbroadcast v57, $0xF  }
0x2f5: {  	v11 =	vmul.f32 v27, v27;
	v10 =	vadd.f32 v3, v8;
	v8 =	vmul.f32 v22, v58  }
0x2f6: {  	v12 =	vsub.f32 v12, v14;
	v30 =	vmul.f32 v0, v40;
	v59 =	vmul.f32 v22, v56  }
0x2f7: {  	v60 =	vmul.f32 v6, v31;
	v14, _, _ =	vpop (xrf2);
	v27 =	vadd.f32 v11, v7;
	v3 =	vmul.f32 v22, v28  }
0x2f8: {  	v6 =	vsub.f32 v61, v8;
	v7, _, _ =	vpop (xrf2);
	v11 =	vmul.f32 v30, v28;
	v8 =	vsub.f32 v4, v59  }
0x2f9: {  	v3 =	vsub.f32 v26, v3;
	v7 =	vsub.f32 v14, v7  }
0x2fa: {  	v26 =	vmul.f32 v30, v58;
	v4 =	vsub.f32 v5, v11;
	v6 =	vmul.f32 v6, v6  }
0x2fb: {  	v3 =	vmul.f32 v3, v3;
	v7 =	vbroadcast v7, $0xF  }
0x2fc: {  	v48 =	vpop (erf);
	v5 =	vsub.f32 v9, v26;
	v63 =	vmul.f32 v4, v4;
	v4 =	vld [tilespmem:$0x1FE30]  }
0x2fd: {  	s11 =	sadd.s32 $0x4, s11;
	v1 =	vmul.f32 v1, v31;
	v9, _, _ =	vpop (xrf2);
	v31 =	vmul.f32 v7, v48;
	v7 =	vadd.f32 v6, v3;
	v6 =	vld [tilespmem:$0x1FE40]  }
0x2fe: {  	p1 =	slt.u32 s11, $0x7C;
	v62 =	vsub.f32 v14, v9;
	v3 =	vmul.f32 v5, v5;
	v5 =	vld [tilespmem:$0x1FE50]  }
.Ltmp1:
0x2ff: {  	s17 =	sadd.s32 $0x84, s10;
	v25 =	vsub.f32 v15, v41;
	v61 =	vmul.f32 v30, v56;
	(pc) =	sbr.rel @p1 .LBB2_4-.Ltmp1, $4  }
0x300: {  	s18 =	sadd.s32 $0x85, s10;
	v52 =	vmov s17;
	v0 =	vbroadcast v62, $0xF  }
0x301: {  	v15 =	vmov s18;
	v33 =	vsub.f32 v25, v61;
	v11 =	vsub.f32 v55, v60  }
0x302: {  	v9 =	vsub.f32 v53, v1;
	v34 =	vmul.f32 v0, v48;
	v25 =	vmul.f32 v31, v4  }
0x303: {  	s12 =	sadd.s32 $0x100, s12;
	v37 =	vadd.f32 v3, v63;
	v28 =	vmul.f32 v31, v5;
	v35 =	vmul.f32 v31, v6  }
0x304: {  	v3 =	vmul.f32 v34, v4;
	v4 =	vmul.f32 v34, v5  }
0x305: {  	v1 =	vsub.f32 v18, v25;
	v6 =	vmul.f32 v34, v6;
	v8 =	vmul.f32 v8, v8  }
0x306: {  	v14 =	vld [tilespmem:$0x1FEC0];
	v9 =	vmul.f32 v9, v9;
	v2 =	vsub.f32 v19, v28;
	v5 =	vsub.f32 v23, v35  }
0x307: {  	v1 =	vmul.f32 v1, v1;
	v3 =	vsub.f32 v16, v3;
	v4 =	vsub.f32 v17, v4  }
0x308: {  	v6 =	vsub.f32 v20, v6;
	v2 =	vmul.f32 v2, v2;
	v5 =	vmul.f32 v5, v5  }
0x309: {  	v17 =	vld [tilespmem:$0x1FED0];
	v3 =	vmul.f32 v3, v3;
	v56 =	vmul.f32 v4, v4  }
0x30a: {  	v4 =	vmul.f32 v13, v13;
	v6 =	vmul.f32 v6, v6  }
0x30b: {  	v7 =	vadd.f32 v8, v7;
	v0 =	vmul.f32 v22, v14;
	v14 =	vmul.f32 v30, v14  }
0x30c: {  	v1 =	vadd.f32 v2, v1;
	v2 =	vadd.f32 v56, v3;
	v3 =	vmul.f32 v29, v29  }
0x30d: {  	v4 =	vadd.f32 v4, v10;
	v10 =	vmul.f32 v11, v11;
	v0 =	vsub.f32 v24, v0  }
0x30e: {  	v16 =	vmul.f32 v31, v17;
	v13 =	vsub.f32 v21, v14;
	v3 =	vadd.f32 v27, v3  }
0x30f: {  	v14 =	vmul.f32 v34, v17;
	v17 =	vmul.f32 v33, v33;
	v4 =	vadd.f32 v9, v4  }
0x310: {  	v16 =	vsub.f32 v32, v16;
	v0 =	vmul.f32 v0, v0;
	v3 =	vadd.f32 v3, v10  }
0x311: {  	v12 =	vsub.f32 v12, v14;
	v8 =	vadd.f32 v37, v17;
	v9 =	vmul.f32 v13, v13;
	(xrf2) =	vadd.scan.msk.f32 $0xffff, v4  }
0x312: {  	v1 =	vadd.f32 v5, v1;
	v5 =	vmul.f32 v16, v16;
	v0 =	vadd.f32 v0, v7;
	(xrf2) =	vadd.scan.msk.f32 $0xffff, v3  }
0x313: {  	v2 =	vadd.f32 v2, v6;
	v4 =	vmul.f32 v12, v12;
	v6 =	vadd.f32 v8, v9  }
0x314: {  	v1 =	vadd.f32 v5, v1;
	(xrf2) =	vadd.scan.msk.f32 $0xffff, v0  }
0x315: {  	v57 =	vadd.f32 v2, v4;
	(xrf2) =	vadd.scan.msk.f32 $0xffff, v6  }
0x316: {  	(xrf2) =	vadd.scan.msk.f32 $0xffff, v1  }
0x317: {  	(xrf2) =	vadd.scan.msk.f32 $0xffff, v57  }
0x318: {  	v58 =	vand.u32 $0xFFFFFFFC, v52  }
0x319: {  	s6 =	sadd.s32 $0x86, s10;
	v0 =	vbroadcast v58, $0x0  }
0x31a: {  	v59 =	vand.u32 $0xFFFFFFFD, v15;
	v60 =	vmov s6  }
0x31b: {  	v2 =	vand.u32 $0xFFFFFFFE, v60;
	v1 =	vbroadcast v59, $0x0;
	v3, _, _ =	vpop (xrf2)  }
0x31c: {  	v2 =	vbroadcast v2, $0x0;
	v4, _, _ =	vpop (xrf2)  }
0x31d: {  	v3 =	vbroadcast v3, $0xF;
	v4 =	vbroadcast v4, $0xF  }
0x31e: {  	v5, _, _ =	vpop (xrf2)  }
0x31f: {  	[tilespmem:v0+s31+$0x0] =	vst.idx.msk $0x1, v3;
	v6, _, _ =	vpop (xrf2);
	v3 =	vbroadcast v5, $0xF  }
0x320: {  	v5, _, _ =	vpop (xrf2);
	[tilespmem:v0+s0+$0x0] =	vst.idx.msk $0x1, v4;
	v61 =	vbroadcast v6, $0xF  }
0x321: {  	[tilespmem:v1+s31+$0x0] =	vst.idx.msk $0x1, v3;
	v3 =	vbroadcast v5, $0xF;
	v4, _, _ =	vpop (xrf2)  }
0x322: {  	[tilespmem:v1+s0+$0x0] =	vst.idx.msk $0x1, v61;
	v4 =	vbroadcast v4, $0xF  }
0x323: {  	[tilespmem:v2+s31+$0x0] =	vst.idx.msk $0x1, v3  }
0x324: {  	s18 =	simm.s32 $0x2800;
	s7 =	simm.s32 $0x180;
	[tilespmem:v2+s0+$0x0] =	vst.idx.msk $0x1, v4  }
0x325: {  	[tilespmem:s18], [sflag:$0x2] =	stream.indirect.gather [hbm4b:s3+s30], $0x40, s7, s30, $0xb8;
	[tilespmem:$0x1D9F0] =	vst v63  }
0x326: {  	s8 =	simm.s32 $0x6800;
	s10 =	simm.s32 $0x580  }
0x327: {  	[tilespmem:s8], [sflag:$0x2] =	stream.indirect.gather [hbm4b:s3+s30], $0x40, s10, s30, $0xb8;
	[tilespmem:$0x1D9F0] =	vst v63  }
0x328: {  	s11 =	simm.s32 $0xA800;
	s12 =	simm.s32 $0x780  }
0x329: {  	[tilespmem:s11], [sflag:$0x2] =	stream.indirect.gather [hbm4b:s3+s30], $0x40, s12, s30, $0xb8;
	[tilespmem:$0x1D9F0] =	vst v63  }
0x32a: {  	s13 =	simm.s32 $0x10800;
	s14 =	simm.s32 $0x380  }
0x32b: {  	[tilespmem:s13], [sflag:$0x2] =	stream.indirect.gather [hbm4b:s4+s30], $0x80, s14, s30, $0xb8;
	[tilespmem:$0x1D9F0] =	vst v63  }
0x32c: {  	_ =	swait.ge [sflag:s24], $0x2000  }
0x32d: {  	[sflag:s24] =	ssyncset.done $0x0  }
0x32e: {  	[sflag:s24] =	ssyncadd.s32 $0xFFFFE000  }
0x32f: {  	_ =	swait.ge [sflag:s24], $0x2000  }
0x330: {  	[sflag:s24] =	ssyncset.done $0x0  }
0x331: {  	[sflag:s24] =	ssyncadd.s32 $0xFFFFE000  }
0x332: {  	_ =	swait.ge [sflag:s24], $0x2000  }
0x333: {  	[sflag:s24] =	ssyncset.done $0x0  }
0x334: {  	[sflag:s24] =	ssyncadd.s32 $0xFFFFE000  }
0x335: {  	_ =	swait.ge [sflag:s24], $0x4000  }
0x336: {  	[sflag:s24] =	ssyncset.done $0x0  }
0x337: {  	s16 =	simm.s32 $0x880;
	[sflag:s24] =	ssyncadd.s32 $0xFFFFC000  }
0x338: {  	s6 =	simm.s32 $0xC900;
	v62 =	vld [tilespmem:s16+$0x70]  }
0x339: {  	v28 =	vld [tilespmem:s6+$0xC0]  }
0x33a: {  	v27 =	vld [tilespmem:s6+$0xD0]  }
0x33b: {  	v63 =	vld [tilespmem:s16+$0x40]  }
0x33c: {  	v29 =	vld [tilespmem:s6+$0xE0]  }
0x33d: {  	v20 =	vld [tilespmem:s16+$0x50]  }
0x33e: {  	v26 =	vld [tilespmem:s6+$0xF0]  }
0x33f: {  	s7 =	simm.s32 $0x4880;
	v21 =	vld [tilespmem:s16+$0x60]  }
0x340: {  	v22 =	vld [tilespmem:s7+$0x40]  }
0x341: {  	v23 =	vld [tilespmem:s7+$0x50]  }
0x342: {  	s8 =	simm.s32 $0x8880;
	v30 =	vld [tilespmem:s7+$0x60];
	v47 =	vmul.f32 v28, v28;
	v3 =	vmul.f32 v27, v27  }
0x343: {  	v31 =	vld [tilespmem:s8+$0x40]  }
0x344: {  	v33 =	vld [tilespmem:s8+$0x50];
	v2 =	vadd.f32 v3, v47;
	v3 =	vmul.f32 v29, v29  }
0x345: {  	v48 =	vld [tilespmem:s7+$0x70]  }
0x346: {  	v36 =	vld [tilespmem:s8+$0x60];
	v2 =	vadd.f32 v3, v2;
	v3 =	vmul.f32 v26, v26  }
0x347: {  	v43 =	vld [tilespmem:s6+$0xFFFFFF50]  }
0x348: {  	v49 =	vld [tilespmem:s8+$0x70];
	v2 =	vadd.f32 v3, v2  }
0x349: {  	v7 =	vld [tilespmem:s6+$0xFFFFFFC0];
	v4 =	vmul.f32 v20, v27;
	v3 =	vmul.f32 v63, v28  }
0x34a: {  	v8 =	vld [tilespmem:s6+$0xFFFFFFD0];
	v5 =	vmul.f32 v21, v29;
	(xrf2) =	vadd.scan.msk.f32 $0xffff, v2  }
0x34b: {  	v50 =	vld [tilespmem:s6+$0x40];
	v9 =	vmul.f32 v31, v28;
	v11 =	vmul.f32 v33, v27;
	v3 =	vadd.f32 v4, v3  }
0x34c: {  	v13 =	vld [tilespmem:s6+$0xFFFFFF40];
	v6 =	vmul.f32 v23, v27;
	v4 =	vmul.f32 v22, v28  }
0x34d: {  	v9 =	vadd.f32 v11, v9;
	v11 =	vmul.f32 v36, v29;
	v5 =	vadd.f32 v5, v3;
	v3 =	vld [tilespmem:s6+$0x50]  }
0x34e: {  	v12 =	vld [tilespmem:s6+$0xFFFFFF60];
	v4 =	vadd.f32 v6, v4;
	v6 =	vmul.f32 v30, v29  }
0x34f: {  	v14 =	vmul.f32 v62, v26;
	v11 =	vadd.f32 v11, v9;
	v9 =	vld [tilespmem:s16+$0xFFFFFF80]  }
0x350: {  	v54 =	vld [tilespmem:s6+$0xFFFFFFE0];
	v15 =	vmul.f32 v49, v26;
	v4 =	vadd.f32 v6, v4;
	v6 =	vmul.f32 v48, v26  }
0x351: {  	v2 =	vld [tilespmem:s6+$0x70];
	v14 =	vadd.f32 v14, v5  }
0x352: {  	v16 =	vmul.f32 v43, v43;
	v25 =	vmul.f32 v13, v13;
	v4 =	vadd.f32 v6, v4;
	v5 =	vmovc v3;
	v3 =	vld [tilespmem:s6+$0xFFFFFFF0]  }
0x353: {  	v17 =	vmul.f32 v7, v7;
	v18 =	vmul.f32 v8, v8;
	v6 =	vld [tilespmem:s6+$0x60];
	(xrf2) =	vadd.scan.msk.f32 $0xffff, v14;
	v14 =	vadd.f32 v15, v11  }
0x354: {  	v16 =	vadd.f32 v16, v25;
	v11 =	vld [tilespmem:s6+$0xFFFFFF70];
	[tilespmem:$0x1FD60] =	vst v9;
	(xrf2) =	vadd.scan.msk.f32 $0xffff, v4;
	v15, _, _ =	vpop (xrf2)  }
0x355: {  	v18 =	vadd.f32 v18, v17;
	v25 =	vmul.f32 v54, v54;
	v38 =	vld [tilespmem:s6+$0xB0];
	(xrf2) =	vadd.scan.msk.f32 $0xffff, v14;
	v15 =	vmax.f32 v15, $1.000000020e-24  }
0x356: {  	v51 =	vmul.f32 v5, v5;
	v39 =	vld [tilespmem:s6+$0xA0];
	v4 =	vmov v50;
	v19 =	vbroadcast v15, $0xF  }
0x357: {  	v18 =	vadd.f32 v25, v18;
	v40 =	vld [tilespmem:s6+$0x80];
	v24 =	vmul.f32 v4, v4;
	v25 =	vmul.f32 v3, v3  }
0x358: {  	v41 =	vld [tilespmem:s6+$0x90];
	(erf) = vrcp.f32 v19;
	v19 =	vmul.f32 v12, v12  }
0x359: {  	v17 =	vld [tilespmem:s7+$0xFFFFFF80];
	v52 =	vmul.f32 v6, v6;
	v24 =	vadd.f32 v51, v24  }
0x35a: {  	v53 =	vmul.f32 v11, v11;
	v15 =	vld [tilespmem:s16+$0xFFFFFF90];
	v10 =	vadd.f32 v25, v18;
	v19 =	vadd.f32 v19, v16  }
0x35b: {  	v16 =	vld [tilespmem:s7+$0xFFFFFF90]  }
0x35c: {  	v55 =	vmul.f32 v2, v2;
	v24 =	vadd.f32 v52, v24;
	v34 =	vadd.f32 v53, v19;
	v19 =	vld [tilespmem:s8+$0xFFFFFF80];
	[tilespmem:$0x1FD30] =	vst v10  }
0x35d: {  	v0 =	vadd.f32 v38, v62;
	v42, _, _ =	vpop (xrf2);
	v18 =	vld [tilespmem:s8+$0xFFFFFF90]  }
0x35e: {  	v1 =	vadd.f32 v40, v63;
	v35 =	vadd.f32 v55, v24;
	v44, _, _ =	vpop (xrf2);
	v24 =	vld [tilespmem:s16+$0xFFFFFFC0]  }
0x35f: {  	v58 =	vadd.f32 v41, v20;
	v25 =	vsub.f32 v42, v44;
	v56, _, _ =	vpop (xrf2);
	v20 =	vld [tilespmem:s7+$0xFFFFFFC0]  }
0x360: {  	v39 =	vadd.f32 v39, v21;
	v21 =	vld [tilespmem:s7+$0xFFFFFFD0];
	v42 =	vsub.f32 v42, v56  }
0x361: {  	v61 =	vsub.f32 v1, v22;
	v22 =	vld [tilespmem:s8+$0xFFFFFFC0];
	v57 =	vbroadcast v25, $0xF  }
0x362: {  	v46 =	vsub.f32 v0, v48;
	v48 =	vsub.f32 v58, v23;
	v23 =	vld [tilespmem:s8+$0xFFFFFFD0];
	v60 =	vbroadcast v42, $0xF;
	v59 =	vpop (erf)  }
0x363: {  	v45 =	vmul.f32 v9, v13;
	v38 =	vld [tilespmem:s16+$0x0];
	v47 =	vmul.f32 v57, v59  }
0x364: {  	v30 =	vsub.f32 v39, v30;
	v0 =	vsub.f32 v0, v49;
	v32 =	vld [tilespmem:s16+$0x10];
	v41 =	vmul.f32 v60, v59  }
0x365: {  	v36 =	vsub.f32 v39, v36;
	v1 =	vsub.f32 v1, v31;
	v25 =	vld [tilespmem:s16+$0xFFFFFFD0];
	v49 =	vmul.f32 v47, v27  }
0x366: {  	v33 =	vsub.f32 v58, v33;
	v62 =	vmul.f32 v47, v28;
	v50 =	vmul.f32 v41, v27;
	v27 =	vld [tilespmem:s7+$0x0]  }
0x367: {  	v44 =	vmul.f32 v15, v43;
	v63 =	vsub.f32 v48, v49;
	v49 =	vmul.f32 v41, v28;
	v28 =	vld [tilespmem:s7+$0x10]  }
0x368: {  	v51 =	vmul.f32 v41, v29;
	v31 =	vsub.f32 v61, v62;
	v48 =	vmul.f32 v47, v29;
	v29 =	vld [tilespmem:s8+$0x10]  }
0x369: {  	v47 =	vmul.f32 v47, v26;
	v33 =	vsub.f32 v33, v50;
	v41 =	vmul.f32 v41, v26;
	v26 =	vld [tilespmem:s7+$0xFFFFFFA0]  }
0x36a: {  	v31 =	vmul.f32 v31, v31;
	v37 =	vmul.f32 v63, v63;
	v39 =	vsub.f32 v30, v48;
	v30 =	vld [tilespmem:s8+$0x0]  }
0x36b: {  	v56 =	vmul.f32 v17, v13;
	v36 =	vsub.f32 v36, v51;
	v55 =	vmul.f32 v33, v33;
	v33 =	vld [tilespmem:s16+$0xFFFFFFA0]  }
0x36c: {  	v53 =	vsub.f32 v46, v47;
	v47 =	vld [tilespmem:s16+$0xFFFFFFE0];
	v31 =	vadd.f32 v37, v31;
	v52 =	vmul.f32 v39, v39  }
0x36d: {  	v58 =	vmul.f32 v16, v43;
	v57 =	vmul.f32 v36, v36;
	v36 =	vld [tilespmem:s7+$0xFFFFFFE0]  }
0x36e: {  	v59 =	vmul.f32 v19, v13;
	v39 =	vmul.f32 v53, v53;
	v37 =	vadd.f32 v52, v31;
	v31 =	vld [tilespmem:s8+$0xFFFFFFA0];
	[tilespmem:$0x1FD70] =	vst v7  }
0x36f: {  	v44 =	vadd.f32 v44, v45;
	v60 =	vmul.f32 v18, v43;
	v61 =	vmul.f32 v24, v7;
	v51 =	vld [tilespmem:s16+$0x20]  }
0x370: {  	v62 =	vmul.f32 v25, v8;
	v1 =	vsub.f32 v1, v49;
	v49 =	vadd.f32 v39, v37;
	v39 =	vld [tilespmem:s8+$0xFFFFFFE0];
	[tilespmem:$0x1FD80] =	vst v8  }
0x371: {  	v50 =	vmul.f32 v20, v7;
	v0 =	vsub.f32 v0, v41;
	v63 =	vmul.f32 v21, v8;
	v41 =	vld [tilespmem:s7+$0x20]  }
0x372: {  	v40 =	vadd.f32 v58, v56;
	v48 =	vmul.f32 v32, v5;
	v1 =	vmul.f32 v1, v1;
	v14 =	vld [tilespmem:s8+$0x20]  }
0x373: {  	v42 =	vadd.f32 v62, v61;
	v0 =	vmul.f32 v0, v0;
	v53 =	vmul.f32 v38, v4;
	v56 =	vld [tilespmem:s16+$0xFFFFFFB0]  }
0x374: {  	v50 =	vadd.f32 v63, v50;
	v45 =	vmul.f32 v28, v5;
	v1 =	vadd.f32 v55, v1;
	v58 =	vld [tilespmem:s7+$0xFFFFFFB0]  }
0x375: {  	v55 =	vmul.f32 v27, v4;
	v52 =	vmul.f32 v29, v5;
	v37 =	vadd.f32 v60, v59;
	v60 =	vld [tilespmem:s8+$0xFFFFFFB0]  }
0x376: {  	v46 =	vadd.f32 v48, v53;
	v48 =	vmul.f32 v26, v12;
	v1 =	vadd.f32 v1, v57;
	v53 =	vld [tilespmem:s16+$0xFFFFFFF0]  }
0x377: {  	v61 =	vmul.f32 v36, v54;
	v57 =	vmul.f32 v30, v4;
	v45 =	vadd.f32 v45, v55;
	v62 =	vld [tilespmem:s8+$0xFFFFFFF0]  }
0x378: {  	v9 =	vld [tilespmem:s16+$0x30];
	v10 =	vadd.f32 v1, v0;
	v1 =	vmul.f32 v22, v7;
	v0 =	vmul.f32 v23, v8  }
0x379: {  	v59 =	vmul.f32 v33, v12;
	v48 =	vadd.f32 v48, v40;
	v52 =	vadd.f32 v52, v57;
	v57 =	vld [tilespmem:s7+$0xFFFFFFF0]  }
0x37a: {  	v8 =	vld [tilespmem:s6+$0xFFFFFF00];
	v55 =	vmul.f32 v31, v12;
	v1 =	vadd.f32 v0, v1;
	v0 =	vmul.f32 v47, v54  }
0x37b: {  	v44 =	vadd.f32 v59, v44;
	v59 =	vld [tilespmem:s6+$0xFFFFFF10];
	v63 =	vmul.f32 v51, v6;
	v40 =	vmul.f32 v39, v54  }
0x37c: {  	(xrf2) =	vadd.scan.msk.f32 $0xffff, v34;
	v34 =	vadd.f32 v55, v37;
	v37 =	vld [tilespmem:s7+$0x30];
	v42 =	vadd.f32 v0, v42;
	v0 =	vmul.f32 v14, v6  }
0x37d: {  	v46 =	vadd.f32 v63, v46;
	v63 =	vmul.f32 v58, v11;
	v7 =	vadd.f32 v40, v1;
	v40 =	vld [tilespmem:s8+$0x30]  }
0x37e: {  	v55 =	vmul.f32 v41, v6;
	v52 =	vadd.f32 v0, v52;
	v0 =	vld [tilespmem:$0x1FD30]  }
0x37f: {  	v50 =	vadd.f32 v61, v50;
	v61 =	vmul.f32 v56, v11;
	v48 =	vadd.f32 v63, v48;
	v63 =	vld [tilespmem:s6+$0xFFFFFF80];
	[tilespmem:$0x1FD40] =	vst v3  }
0x380: {  	v45 =	vadd.f32 v55, v45;
	v55 =	vmul.f32 v60, v11;
	v1 =	vld [tilespmem:s6+$0xFFFFFF90]  }
0x381: {  	v44 =	vadd.f32 v61, v44  }
0x382: {  	v61 =	vmul.f32 v53, v3;
	v34 =	vadd.f32 v55, v34;
	v55 =	vmul.f32 v62, v3;
	_ =	sdelay $0x1  }
0x383: {  	v42 =	vadd.f32 v61, v42;
	v61 =	vmul.f32 v37, v2;
	v7 =	vadd.f32 v55, v7;
	v55 =	vld [tilespmem:$0x1FD60];
	(xrf2) =	vadd.scan.msk.f32 $0xffff, v0  }
0x384: {  	v15 =	vadd.f32 v59, v15;
	(xrf2) =	vadd.scan.msk.f32 $0xffff, v35;
	v35 =	vmul.f32 v57, v3;
	v1 =	vadd.f32 v1, v25  }
0x385: {  	v45 =	vadd.f32 v61, v45;
	v0 =	vld [tilespmem:s6+$0x0];
	v24 =	vadd.f32 v63, v24;
	(xrf2) =	vadd.scan.msk.f32 $0xffff, v49;
	v49 =	vmul.f32 v9, v2  }
0x386: {  	[tilespmem:$0x1FD50] =	vst v2;
	(xrf2) =	vadd.scan.msk.f32 $0xffff, v10;
	v10 =	vadd.f32 v35, v50;
	v59 =	vsub.f32 v1, v21  }
0x387: {  	v50 =	vmul.f32 v40, v2;
	v1 =	vsub.f32 v1, v23;
	(xrf2) =	vadd.scan.msk.f32 $0xffff, v44;
	v44 =	vadd.f32 v49, v46;
	v46 =	vld [tilespmem:s6+$0x10]  }
0x388: {  	v8 =	vadd.f32 v8, v55;
	v55 =	vsub.f32 v24, v22;
	(xrf2) =	vadd.scan.msk.f32 $0xffff, v48;
	v48 =	vld [tilespmem:s6+$0xFFFFFF20]  }
0x389: {  	v61, _, _ =	vpop (xrf2);
	v35 =	vadd.f32 v50, v52;
	v50 =	vsub.f32 v24, v20;
	v20 =	vld [tilespmem:s6+$0x20]  }
0x38a: {  	v25 =	vmax.f32 v61, $1.000000020e-24;
	v49 =	vld [tilespmem:s6+$0xFFFFFF30];
	v0 =	vadd.f32 v0, v38;
	v38 =	vsub.f32 v8, v17;
	(xrf2) =	vadd.scan.msk.f32 $0xffff, v34  }
0x38b: {  	v8 =	vsub.f32 v8, v19;
	v17 =	vbroadcast v25, $0xF;
	v25 =	vld [tilespmem:s6+$0xFFFFFFA0];
	v34 =	vsub.f32 v15, v16  }
0x38c: {  	v15 =	vsub.f32 v15, v18;
	v18 =	vsub.f32 v0, v27  }
0x38d: {  	v16 =	vsub.f32 v0, v30;
	v27 =	vld [tilespmem:s6+$0xFFFFFFB0];
	(erf) = vrcp.f32 v17;
	v32 =	vadd.f32 v46, v32;
	v46, _, _ =	vpop (xrf2)  }
0x38e: {  	v21 =	vadd.f32 v48, v33;
	v20 =	vadd.f32 v20, v51;
	v52, _, _ =	vpop (xrf2)  }
0x38f: {  	(xrf2) =	vadd.scan.msk.f32 $0xffff, v42;
	v19 =	vsub.f32 v32, v28;
	v17 =	vsub.f32 v32, v29;
	v61, _, _ =	vpop (xrf2)  }
0x390: {  	v23 =	vadd.f32 v25, v47;
	(xrf2) =	vadd.scan.msk.f32 $0xffff, v10;
	v10 =	vadd.f32 v49, v56;
	v63, _, _ =	vpop (xrf2)  }
0x391: {  	v25 =	vmax.f32 v46, $1.000000020e-24;
	v26 =	vsub.f32 v21, v26;
	v28 =	vsub.f32 v21, v31;
	v22, _, _ =	vpop (xrf2)  }
0x392: {  	v21 =	vbroadcast v25, $0xF;
	(xrf2) =	vadd.scan.msk.f32 $0xffff, v7;
	v7 =	vld [tilespmem:s6+$0x30];
	v27 =	vadd.f32 v27, v53;
	v25 =	vsub.f32 v23, v36;
	v24, _, _ =	vpop (xrf2)  }
0x393: {  	s17 =	simm.s32 $0x103;
	v31 =	vsub.f32 v23, v39;
	v24 =	vsub.f32 v22, v24  }
0x394: {  	v48 =	vsub.f32 v10, v60;
	v60 =	vmov s17;
	(erf) = vrcp.f32 v21;
	v23, _, _ =	vpop (xrf2)  }
0x395: {  	v0 =	vbroadcast v63, $0xF;
	v21 =	vsub.f32 v22, v23;
	v24 =	vbroadcast v24, $0xF  }
0x396: {  	v22 =	vpop (erf);
	v23 =	vsub.f32 v20, v41;
	v20 =	vsub.f32 v20, v14;
	v14 =	vmax.f32 v52, $1.000000020e-24  }
0x397: {  	v7 =	vadd.f32 v7, v9;
	v21 =	vbroadcast v21, $0xF;
	v29 =	vmul.f32 v24, v22  }
0x398: {  	v9 =	vsub.f32 v10, v58;
	v14 =	vbroadcast v14, $0xF;
	v24 =	vsub.f32 v27, v57  }
0x399: {  	v49 =	vmul.f32 v21, v22;
	v21 =	vsub.f32 v27, v62;
	v27 =	vmul.f32 v29, v12  }
0x39a: {  	(xrf2) =	vadd.scan.msk.f32 $0xffff, v44;
	v32 =	vsub.f32 v7, v37;
	(erf) = vrcp.f32 v14;
	v22, _, _ =	vpop (xrf2);
	v30 =	vmul.f32 v29, v13  }
0x39b: {  	(xrf2) =	vadd.scan.msk.f32 $0xffff, v45;
	v51, _, _ =	vpop (xrf2);
	v52 =	vmul.f32 v49, v13;
	v13 =	vsub.f32 v26, v27;
	v27 =	vmul.f32 v49, v43  }
0x39c: {  	v62 =	vbroadcast v61, $0xF;
	v10 =	vmul.f32 v29, v43;
	v14 =	vsub.f32 v22, v51  }
0x39d: {  	v12 =	vmul.f32 v49, v12;
	v30 =	vsub.f32 v38, v30;
	v26 =	vmul.f32 v29, v11;
	v29, _, _ =	vpop (xrf2)  }
0x39e: {  	v3 =	vld [tilespmem:$0x1FD70];
	(xrf2) =	vadd.scan.msk.f32 $0xffff, v35;
	v10 =	vsub.f32 v34, v10;
	v53 =	vsub.f32 v22, v29;
	v14 =	vbroadcast v14, $0xF  }
0x39f: {  	v57 =	vld [tilespmem:$0x1FD80];
	v11 =	vmul.f32 v49, v11;
	v8 =	vsub.f32 v8, v52;
	v15 =	vsub.f32 v15, v27;
	v27 =	vpop (erf)  }
0x3a0: {  	v29 =	vsub.f32 v28, v12;
	v22 =	vmul.f32 v14, v27;
	v14 =	vbroadcast v53, $0xF  }
0x3a1: {  	s18 =	simm.s32 $0x100;
	v12 =	vsub.f32 v7, v40;
	v8 =	vmul.f32 v8, v8;
	v15 =	vmul.f32 v15, v15  }
0x3a2: {  	v52 =	vmov s18;
	v56 =	vmul.f32 v30, v30;
	v30 =	vmul.f32 v14, v27  }
0x3a3: {  	v7 =	vmul.f32 v22, v3;
	v27 =	vadd.f32 v15, v8;
	v8 =	vmul.f32 v22, v54  }
0x3a4: {  	v28, _, _ =	vpop (xrf2);
	v9 =	vsub.f32 v9, v26;
	v14 =	vmul.f32 v22, v57;
	v15 =	vmul.f32 v30, v3  }
0x3a5: {  	v7 =	vsub.f32 v50, v7;
	v58 =	vmul.f32 v30, v57;
	v8 =	vsub.f32 v25, v8;
	v25, _, _ =	vpop (xrf2)  }
0x3a6: {  	v14 =	vsub.f32 v59, v14;
	v59 =	vmul.f32 v30, v54;
	v25 =	vsub.f32 v28, v25  }
0x3a7: {  	v10 =	vmul.f32 v10, v10;
	v15 =	vsub.f32 v55, v15;
	v1 =	vsub.f32 v1, v58  }
0x3a8: {  	v7 =	vmul.f32 v7, v7;
	v33 =	vsub.f32 v31, v59;
	v31, _, _ =	vpop (xrf2);
	v25 =	vbroadcast v25, $0xF  }
0x3a9: {  	v26 =	vpop (erf);
	v14 =	vmul.f32 v14, v14;
	v28 =	vsub.f32 v28, v31;
	v15 =	vmul.f32 v15, v15  }
0x3aa: {  	v11 =	vsub.f32 v48, v11;
	v1 =	vmul.f32 v1, v1;
	v31 =	vmul.f32 v25, v26  }
0x3ab: {  	[tilespmem:v60+s31+$0x0] =	vst.idx.msk $0x1, v62;
	v10 =	vadd.f32 v10, v56;
	v7 =	vadd.f32 v14, v7;
	v63 =	vbroadcast v28, $0xF  }
0x3ac: {  	s12 =	simm.s32 $0x101;
	v37 =	vadd.f32 v1, v15;
	v25 =	vmul.f32 v31, v4;
	v28 =	vmul.f32 v31, v5  }
0x3ad: {  	s10 =	simm.s32 $0xFFFFFFFC;
	s11 =	simm.s32 $0x0;
	[tilespmem:v60+s0+$0x0] =	vst.idx.msk $0x1, v0;
	v15 =	vmov s12;
	s12 =	simm.s32 $0x980;
	v34 =	vmul.f32 v63, v26;
	v35 =	vmul.f32 v31, v6  }
.LBB2_6:
0x3ae: {  	v26 =	vld [tilespmem:s12+$0x70]  }
0x3af: {  	v14 =	vld [tilespmem:$0x1FD40]  }
0x3b0: {  	v53 =	vld [tilespmem:s12+$0x40]  }
0x3b1: {  	v55 =	vld [tilespmem:s12+$0x50]  }
0x3b2: {  	s6 =	sadd.s32 $0x200, s6;
	v13 =	vmul.f32 v13, v13;
	v36 =	vld [tilespmem:s12+$0x60];
	v8 =	vmul.f32 v8, v8;
	v15 =	vand.u32 $0xFFFFFFFD, v15  }
0x3b3: {  	v1 =	vsub.f32 v18, v25;
	v2 =	vmul.f32 v34, v4;
	v3 =	vmul.f32 v34, v5;
	v25 =	vld [tilespmem:s6+$0xD0]  }
0x3b4: {  	v18 =	vsub.f32 v19, v28;
	v5 =	vmul.f32 v34, v6;
	v0 =	vmul.f32 v22, v14;
	v22 =	vld [tilespmem:s6+$0xC0]  }
0x3b5: {  	v19 =	vsub.f32 v23, v35;
	v4 =	vld [tilespmem:$0x1FD50];
	v9 =	vmul.f32 v9, v9;
	v11 =	vmul.f32 v11, v11  }
0x3b6: {  	s7 =	sadd.s32 $0x100, s7;
	v1 =	vmul.f32 v1, v1;
	v2 =	vsub.f32 v16, v2;
	v0 =	vsub.f32 v24, v0;
	v24 =	vld [tilespmem:s6+$0xE0]  }
0x3b7: {  	v57 =	vld [tilespmem:s7+$0x50];
	v16 =	vmul.f32 v18, v18;
	v5 =	vsub.f32 v20, v5;
	v20 =	vmul.f32 v33, v33  }
0x3b8: {  	s8 =	sadd.s32 $0x100, s8;
	v3 =	vsub.f32 v17, v3;
	v6 =	vmul.f32 v30, v14;
	v2 =	vmul.f32 v2, v2;
	v30 =	vld [tilespmem:s6+$0xF0]  }
0x3b9: {  	v35 =	vld [tilespmem:s8+$0x40];
	v1 =	vadd.f32 v16, v1;
	v18 =	vmul.f32 v25, v25;
	v16 =	vmul.f32 v22, v22  }
0x3ba: {  	v38 =	vld [tilespmem:s7+$0x70];
	v23 =	vadd.f32 v13, v10;
	v3 =	vmul.f32 v3, v3;
	v17 =	vmul.f32 v31, v4  }
0x3bb: {  	v54 =	vld [tilespmem:s6+$0xFFFFFF50];
	v4 =	vmul.f32 v34, v4;
	v16 =	vadd.f32 v18, v16;
	v18 =	vmul.f32 v24, v24  }
0x3bc: {  	v34 =	vld [tilespmem:s7+$0x40];
	v6 =	vsub.f32 v21, v6;
	v2 =	vadd.f32 v3, v2;
	v3 =	vmul.f32 v29, v29  }
0x3bd: {  	v56 =	vld [tilespmem:s6+$0xFFFFFFE0];
	v4 =	vsub.f32 v12, v4;
	v12 =	vadd.f32 v18, v16;
	v16 =	vmul.f32 v30, v30  }
0x3be: {  	v17 =	vsub.f32 v32, v17;
	v32 =	vld [tilespmem:s7+$0x60];
	v40 =	vadd.f32 v27, v3;
	v3 =	vmul.f32 v5, v5  }
0x3bf: {  	v33 =	vld [tilespmem:s8+$0x50];
	v21 =	vmul.f32 v53, v22;
	v18 =	vmul.f32 v55, v25;
	v5 =	vadd.f32 v16, v12  }
0x3c0: {  	v39 =	vld [tilespmem:s8+$0x70];
	v19 =	vmul.f32 v19, v19;
	v23 =	vadd.f32 v9, v23;
	v13 =	vmul.f32 v36, v24  }
0x3c1: {  	v10 =	vld [tilespmem:s8+$0x60];
	v12 =	vadd.f32 v18, v21;
	v16 =	vmul.f32 v34, v22;
	v18 =	vmul.f32 v57, v25;
	(xrf2) =	vadd.scan.msk.f32 $0xffff, v5  }
0x3c2: {  	v58 =	vld [tilespmem:s6+$0xFFFFFFD0];
	v51 =	vmul.f32 v54, v54;
	v46 =	vmul.f32 v56, v56;
	v21 =	vadd.f32 v8, v7  }
0x3c3: {  	v28 =	vld [tilespmem:s6+$0xFFFFFF40];
	v8 =	vadd.f32 v13, v12;
	v5 =	vadd.f32 v18, v16;
	v13 =	vmul.f32 v32, v24  }
0x3c4: {  	v62 =	vld [tilespmem:s6+$0xB0];
	v1 =	vadd.f32 v19, v1;
	v16 =	vmul.f32 v35, v22;
	v18 =	vmul.f32 v33, v25  }
0x3c5: {  	v31 =	vld [tilespmem:s6+$0xFFFFFF70];
	v0 =	vmul.f32 v0, v0;
	v12 =	vmul.f32 v26, v30;
	v5 =	vadd.f32 v13, v5  }
0x3c6: {  	v29 =	vld [tilespmem:s6+$0xFFFFFF60];
	v13 =	vmul.f32 v38, v30;
	v16 =	vadd.f32 v18, v16;
	v18 =	vmul.f32 v10, v24  }
0x3c7: {  	v42 =	vmul.f32 v6, v6;
	v19 =	vadd.f32 v2, v3;
	v2 =	vld [tilespmem:s6+$0x40];
	v12 =	vadd.f32 v12, v8  }
0x3c8: {  	v7 =	vld [tilespmem:s6+$0xFFFFFFC0];
	v5 =	vadd.f32 v13, v5;
	v16 =	vadd.f32 v18, v16;
	v18 =	vmul.f32 v39, v30  }
0x3c9: {  	v20 =	vadd.f32 v37, v20;
	v6 =	vmul.f32 v58, v58;
	v17 =	vmul.f32 v17, v17;
	v3 =	vld [tilespmem:s6+$0x50];
	(xrf2) =	vadd.scan.msk.f32 $0xffff, v12  }
0x3ca: {  	v27 =	vld [tilespmem:s6+$0x70];
	v0 =	vadd.f32 v0, v21;
	v21 =	vmul.f32 v28, v28;
	(xrf2) =	vadd.scan.msk.f32 $0xffff, v5;
	v16 =	vadd.f32 v18, v16  }
0x3cb: {  	v44 =	vmul.f32 v4, v4;
	v43 =	vadd.f32 v40, v11;
	v40 =	vadd.f32 v20, v42;
	v8 =	vld [tilespmem:s6+$0x60];
	v4, _, _ =	vpop (xrf2)  }
0x3cc: {  	v20 =	vmul.f32 v29, v29;
	v21 =	vadd.f32 v51, v21;
	v51 =	vld [tilespmem:s6+$0x90];
	(xrf2) =	vadd.scan.msk.f32 $0xffff, v16;
	v16 =	vmax.f32 v4, $1.000000020e-24  }
0x3cd: {  	v37 =	vadd.f32 v19, v44;
	v44 =	vld [tilespmem:s6+$0xA0];
	v41 =	vmul.f32 v7, v7;
	v60 =	vbroadcast v16, $0xF  }
0x3ce: {  	v59 =	vld [tilespmem:s6+$0x80];
	v42 =	vadd.f32 v17, v1;
	v45 =	vmul.f32 v3, v3;
	v18 =	vmul.f32 v2, v2  }
0x3cf: {  	v26 =	vadd.f32 v62, v26;
	v13 =	vld [tilespmem:s6+$0xFFFFFFF0];
	v41 =	vadd.f32 v6, v41;
	(erf) = vrcp.f32 v60  }
0x3d0: {  	v19 =	vadd.f32 v20, v21;
	v61 =	vmul.f32 v8, v8;
	v18 =	vadd.f32 v45, v18;
	v4 =	vld [tilespmem:s12+$0xFFFFFF80]  }
0x3d1: {  	v20 =	vmul.f32 v31, v31;
	v5 =	vld [tilespmem:s12+$0xFFFFFF90];
	v21 =	vadd.f32 v46, v41;
	v46 =	vadd.f32 v51, v55  }
0x3d2: {  	v63 =	vmul.f32 v27, v27;
	v36 =	vadd.f32 v44, v36;
	v1 =	vadd.f32 v61, v18  }
0x3d3: {  	s14 =	sadd.s32 $0x106, s10;
	v14 =	vand.u32 $0xFFFFFFFC, v52;
	v19 =	vadd.f32 v20, v19;
	v33 =	vsub.f32 v46, v33;
	v47, _, _ =	vpop (xrf2)  }
0x3d4: {  	v18 =	vmov s14;
	v1 =	vadd.f32 v63, v1;
	v63 =	vadd.f32 v59, v53;
	(xrf2) =	vadd.scan.msk.f32 $0xffff, v23;
	v48, _, _ =	vpop (xrf2)  }
0x3d5: {  	v20 =	vld [tilespmem:s8+$0xFFFFFFC0];
	[tilespmem:$0x1FC60] =	vst v4;
	v49 =	vmul.f32 v4, v28;
	v4 =	vbroadcast v14, $0x0;
	v60 =	vsub.f32 v47, v48  }
0x3d6: {  	v9 =	vld [tilespmem:s7+$0xFFFFFFD0];
	[tilespmem:$0x1FC70] =	vst v5;
	v59 =	vsub.f32 v36, v32;
	v36 =	vsub.f32 v36, v10;
	v23 =	vmul.f32 v13, v13;
	v61, _, _ =	vpop (xrf2)  }
0x3d7: {  	v6 =	vld [tilespmem:s7+$0xFFFFFF80];
	[tilespmem:$0x1FCB0] =	vst v4;
	v4 =	vbroadcast v15, $0x0;
	v62 =	vbroadcast v60, $0xF;
	v47 =	vsub.f32 v47, v61  }
0x3d8: {  	v45 =	vld [tilespmem:s12+$0xFFFFFFE0];
	v52 =	vmul.f32 v5, v54;
	v34 =	vsub.f32 v63, v34;
	v50 =	vadd.f32 v23, v21;
	(xrf2) =	vadd.scan.msk.f32 $0xffff, v19;
	v55 =	vpop (erf)  }
0x3d9: {  	v5 =	vld [tilespmem:s7+$0xFFFFFF90];
	v21 =	vand.u32 $0xFFFFFFFE, v18;
	[tilespmem:$0x1FCD0] =	vst v4;
	v53 =	vbroadcast v47, $0xF;
	v41 =	vmul.f32 v62, v55  }
0x3da: {  	v23 =	vld [tilespmem:s8+$0xFFFFFF80];
	v4 =	vbroadcast v21, $0x0;
	(xrf2) =	vadd.scan.msk.f32 $0xffff, v50;
	v61 =	vsub.f32 v46, v57;
	v46 =	vmul.f32 v20, v7  }
0x3db: {  	v47 =	vsub.f32 v26, v38;
	v38 =	vld [tilespmem:s12+$0x0];
	v44 =	vmul.f32 v53, v55;
	v60 =	vmul.f32 v41, v22  }
0x3dc: {  	v35 =	vsub.f32 v63, v35;
	v19 =	vld [tilespmem:s12+$0xFFFFFFC0];
	v62 =	vmul.f32 v41, v25;
	v63 =	vmul.f32 v41, v30  }
0x3dd: {  	v18 =	vld [tilespmem:s12+$0xFFFFFFD0];
	v50 =	vsub.f32 v26, v39;
	v41 =	vmul.f32 v41, v24;
	v51 =	vmul.f32 v44, v30  }
0x3de: {  	v39 =	vld [tilespmem:s12+$0x10];
	v32, _, _ =	vpop (xrf2);
	(xrf2) =	vadd.scan.msk.f32 $0xffff, v1;
	v57 =	vmul.f32 v44, v22;
	v25 =	vmul.f32 v44, v25;
	v1 =	vsub.f32 v34, v60  }
0x3df: {  	[tilespmem:$0x1FCE0] =	vst v4;
	v4 =	vld [tilespmem:s8+$0xFFFFFF90];
	v55 =	vsub.f32 v61, v62;
	v41 =	vsub.f32 v59, v41;
	v59 =	vmul.f32 v44, v24  }
0x3e0: {  	v26 =	vld [tilespmem:s7+$0xFFFFFFC0];
	(xrf2) =	vadd.scan.msk.f32 $0xffff, v43;
	v62 =	vsub.f32 v47, v63;
	v44 =	vmul.f32 v6, v28;
	v47 =	vmul.f32 v38, v2  }
0x3e1: {  	v30 =	vld [tilespmem:s8+$0xFFFFFFD0];
	v35 =	vsub.f32 v35, v57;
	v25 =	vsub.f32 v33, v25;
	v1 =	vmul.f32 v1, v1  }
0x3e2: {  	v49 =	vadd.f32 v52, v49;
	v22 =	vld [tilespmem:s7+$0x0];
	v34 =	vmul.f32 v55, v55;
	v61 =	vmul.f32 v41, v41  }
0x3e3: {  	v16, _, _ =	vpop (xrf2);
	(xrf2) =	vadd.scan.msk.f32 $0xffff, v0;
	v24 =	vld [tilespmem:s7+$0x10];
	v33 =	vsub.f32 v36, v59;
	v43 =	vmul.f32 v35, v35;
	v25 =	vmul.f32 v25, v25  }
0x3e4: {  	v15, _, _ =	vpop (xrf2);
	v63 =	vmul.f32 v62, v62;
	(xrf2) =	vadd.scan.msk.f32 $0xffff, v40;
	v36 =	vld [tilespmem:s12+$0xFFFFFFA0];
	v55 =	vsub.f32 v50, v51;
	v60 =	vadd.f32 v34, v1  }
0x3e5: {  	v62 =	vmul.f32 v4, v54;
	v40 =	vld [tilespmem:s7+$0xFFFFFFE0];
	v53 =	vmul.f32 v33, v33;
	v48 =	vadd.f32 v25, v43  }
0x3e6: {  	v50 =	vmul.f32 v19, v7;
	v51 =	vmul.f32 v18, v58;
	v35 =	vld [tilespmem:s8+$0x10];
	v0 =	vadd.f32 v61, v60  }
0x3e7: {  	v34 =	vld [tilespmem:s8+$0x0];
	v59 =	vmul.f32 v30, v58;
	v43 =	vmul.f32 v55, v55;
	v41 =	vadd.f32 v48, v53  }
0x3e8: {  	[tilespmem:$0x1FC90] =	vst v5;
	v33 =	vld [tilespmem:s8+$0xFFFFFFA0];
	v60 =	vmul.f32 v5, v54;
	v61 =	vmul.f32 v23, v28;
	v5 =	vadd.f32 v63, v0  }
0x3e9: {  	v25 =	vld [tilespmem:s7+$0xFFFFFFA0];
	v57, _, _ =	vpop (xrf2);
	v59 =	vadd.f32 v59, v46;
	v53 =	vmul.f32 v9, v58;
	v43 =	vadd.f32 v41, v43  }
0x3ea: {  	v48 =	vld [tilespmem:s12+$0x20];
	v63, _, _ =	vpop (xrf2);
	v0 =	vmul.f32 v26, v7;
	v55 =	vadd.f32 v60, v44;
	v60 =	vmul.f32 v39, v3;
	(xrf2) =	vadd.scan.msk.f32 $0xffff, v5  }
0x3eb: {  	s13 =	smov.u32 s11;
	v44 =	vld [tilespmem:s8+$0x20];
	[tilespmem:$0x1FCC0] =	vst v63;
	v63 =	vmul.f32 v35, v3;
	v5 =	vadd.f32 v62, v61;
	(xrf2) =	vadd.scan.msk.f32 $0xffff, v43  }
0x3ec: {  	s10 =	smov.u32 s13;
	[tilespmem:$0x1FD00] =	vst v2;
	v41 =	vld [tilespmem:s8+$0xFFFFFFE0];
	v61 =	vadd.f32 v51, v50;
	v50 =	vmul.f32 v22, v2;
	v51 =	vmul.f32 v24, v3  }
0x3ed: {  	s13 =	sadd.s32 $0x107, s10;
	[tilespmem:$0x1FCA0] =	vst v4;
	v21, _, _ =	vpop (xrf2);
	v4 =	vadd.f32 v53, v0;
	v62 =	vmul.f32 v34, v2;
	v53 =	vld [tilespmem:s12+$0xFFFFFFB0];
	v2 =	vmul.f32 v36, v29  }
0x3ee: {  	v60 =	vadd.f32 v60, v47;
	v0 =	vmov s13;
	v43 =	vld [tilespmem:s7+$0x20];
	v17, _, _ =	vpop (xrf2);
	(xrf2) =	vadd.scan.msk.f32 $0xffff, v42;
	v42 =	vmul.f32 v25, v29  }
0x3ef: {  	[tilespmem:$0x1FD20] =	vst v3;
	v3 =	vadd.f32 v51, v50;
	v62 =	vadd.f32 v63, v62;
	v50 =	vmul.f32 v33, v29;
	v51 =	vld [tilespmem:s12+$0xFFFFFFF0]  }
0x3f0: {  	[tilespmem:$0x1FC80] =	vst v6;
	v12 =	vadd.f32 v2, v49;
	v63 =	vmul.f32 v45, v56;
	v49 =	vld [tilespmem:s7+$0xFFFFFFF0];
	v6 =	vmul.f32 v48, v8  }
0x3f1: {  	v52 =	vmovc v9;
	v11 =	vadd.f32 v42, v55;
	v42 =	vmul.f32 v40, v56;
	v9 =	vadd.f32 v50, v5;
	v50 =	vld [tilespmem:s8+$0xFFFFFFF0]  }
0x3f2: {  	[tilespmem:$0x1FCF0] =	vst v7;
	v55 =	vmul.f32 v41, v56;
	v61 =	vadd.f32 v63, v61;
	v63 =	vmul.f32 v44, v8  }
0x3f3: {  	(xrf2) =	vadd.scan.msk.f32 $0xffff, v37;
	v6 =	vadd.f32 v6, v60;
	v7 =	vmul.f32 v53, v31;
	v37 =	vmul.f32 v43, v8  }
0x3f4: {  	[tilespmem:$0x1FD10] =	vst v8;
	v8 =	vadd.f32 v42, v4;
	v42 =	vadd.f32 v55, v59;
	v4 =	vmul.f32 v51, v13;
	v1, _, _ =	vpop (xrf2)  }
0x3f5: {  	v10 =	vadd.f32 v37, v3;
	v37 =	vbroadcast v1, $0xF;
	v2, _, _ =	vpop (xrf2);
	v1 =	vmul.f32 v49, v13  }
0x3f6: {  	[tilespmem:$0x1FD40] =	vst v13;
	v59 =	vld [tilespmem:s7+$0x30];
	v60 =	vbroadcast v2, $0xF;
	v2 =	vmul.f32 v50, v13;
	v13 =	vadd.f32 v7, v12  }
0x3f7: {  	v62 =	vadd.f32 v63, v62;
	v63 =	vld [tilespmem:s6+$0xFFFFFF00];
	[tilespmem:v0+s31+$0x0] =	vst.idx.msk $0x1, v37  }
0x3f8: {  	[tilespmem:v0+s0+$0x0] =	vst.idx.msk $0x1, v60;
	v0, _, _ =	vpop (xrf2);
	(xrf2) =	vadd.scan.msk.f32 $0xffff, v13;
	v13 =	vld [tilespmem:$0x1FC60];
	_ =	sdelay $0x1  }
0x3f9: {  	v46 =	vld [tilespmem:s7+$0xFFFFFFB0]  }
0x3fa: {  	v47 =	vld [tilespmem:s8+$0xFFFFFFB0];
	v60 =	vmul.f32 v59, v27  }
0x3fb: {  	v37 =	vld [tilespmem:s6+$0xFFFFFF10]  }
0x3fc: {  	v10 =	vadd.f32 v60, v10;
	v60 =	vadd.f32 v63, v13;
	v13 =	vld [tilespmem:$0x1FC70];
	_ =	sdelay $0x3  }
0x3fd: {  	v5 =	vmul.f32 v46, v31  }
0x3fe: {  	v3 =	vmul.f32 v47, v31;
	v37 =	vadd.f32 v37, v13;
	v13 =	vld [tilespmem:$0x1FC80]  }
0x3ff: {  	v5 =	vadd.f32 v5, v11  }
0x400: {  	v3 =	vadd.f32 v3, v9  }
0x401: {  	v7, _, _ =	vpop (xrf2);
	(xrf2) =	vadd.scan.msk.f32 $0xffff, v5  }
0x402: {  	(xrf2) =	vadd.scan.msk.f32 $0xffff, v3;
	v3 =	vld [tilespmem:$0x1FC90]  }
0x403: {  	v63 =	vsub.f32 v60, v13;
	v13 =	vld [tilespmem:$0x1FCA0]  }
0x404: {  	v14 =	vld [tilespmem:s8+$0x30]  }
0x405: {  	v55 =	vld [tilespmem:s12+$0x30]  }
0x406: {  	v16 =	vmax.f32 v16, $1.000000020e-24;
	v11 =	vld [tilespmem:s6+$0xFFFFFF80]  }
0x407: {  	v16 =	vbroadcast v16, $0xF;
	v15 =	vmax.f32 v15, $1.000000020e-24;
	v9 =	vld [tilespmem:s6+$0xFFFFFF90]  }
0x408: {  	v15 =	vbroadcast v15, $0xF;
	v3 =	vsub.f32 v37, v3;
	v37 =	vsub.f32 v37, v13;
	v13 =	vld [tilespmem:$0x1FCB0]  }
0x409: {  	(erf) = vrcp.f32 v16;
	v1 =	vadd.f32 v1, v8;
	v8 =	vld [tilespmem:s6+$0x0]  }
0x40a: {  	(erf) = vrcp.f32 v15;
	v15 =	vld [tilespmem:$0x1FCC0]  }
0x40b: {  	v12 =	vmul.f32 v55, v27  }
0x40c: {  	v4 =	vadd.f32 v4, v61;
	v61 =	vld [tilespmem:s6+$0x10];
	v2 =	vadd.f32 v2, v42;
	v42 =	vmul.f32 v14, v27  }
0x40d: {  	v6 =	vadd.f32 v12, v6;
	v12 =	vmax.f32 v57, $1.000000020e-24;
	v57 =	vld [tilespmem:s6+$0xFFFFFF20];
	v5 =	vadd.f32 v11, v19  }
0x40e: {  	v9 =	vadd.f32 v9, v18;
	v11 =	vld [tilespmem:s6+$0x20];
	v18 =	vbroadcast v32, $0xF;
	v8 =	vadd.f32 v8, v38  }
0x40f: {  	v15 =	vbroadcast v15, $0xF;
	v32 =	vld [tilespmem:s6+$0xFFFFFF30]  }
0x410: {  	v42 =	vadd.f32 v42, v62;
	v62 =	vld [tilespmem:s6+$0xFFFFFFA0];
	[tilespmem:v13+s31+$0x0] =	vst.idx.msk $0x1, v18  }
0x411: {  	[tilespmem:v13+s0+$0x0] =	vst.idx.msk $0x1, v15;
	v13 =	vld [tilespmem:$0x1FCD0]  }
0x412: {  	v12 =	vbroadcast v12, $0xF;
	v16 =	vsub.f32 v8, v34;
	v18 =	vsub.f32 v8, v22;
	v8, _, _ =	vpop (xrf2)  }
0x413: {  	v26 =	vsub.f32 v5, v26;
	v5 =	vsub.f32 v5, v20;
	v20, _, _ =	vpop (xrf2)  }
0x414: {  	(erf) = vrcp.f32 v12;
	v20 =	vsub.f32 v8, v20  }
0x415: {  	(xrf2) =	vadd.scan.msk.f32 $0xffff, v4;
	v4 =	vbroadcast v21, $0xF;
	v11 =	vadd.f32 v11, v48;
	v38 =	vsub.f32 v60, v23;
	v60 =	vld [tilespmem:s6+$0xFFFFFFB0]  }
0x416: {  	v23 =	vadd.f32 v61, v39;
	(xrf2) =	vadd.scan.msk.f32 $0xffff, v1;
	v15 =	vadd.f32 v62, v45;
	v45 =	vbroadcast v20, $0xF  }
0x417: {  	v12 =	vbroadcast v17, $0xF;
	v21 =	vpop (erf);
	v61 =	vsub.f32 v9, v52;
	v9 =	vsub.f32 v9, v30  }
0x418: {  	[tilespmem:$0x1FD50] =	vst v27;
	v19 =	vsub.f32 v23, v24;
	v17 =	vsub.f32 v23, v35;
	v1 =	vmul.f32 v45, v21  }
0x419: {  	v39 =	vld [tilespmem:s6+$0x30];
	v23 =	vsub.f32 v11, v43;
	(xrf2) =	vadd.scan.msk.f32 $0xffff, v2;
	v20 =	vsub.f32 v11, v44;
	[tilespmem:v13+s31+$0x0] =	vst.idx.msk $0x1, v4  }
0x41a: {  	v11 =	vadd.f32 v60, v51;
	v27 =	vmul.f32 v1, v54;
	[tilespmem:v13+s0+$0x0] =	vst.idx.msk $0x1, v12;
	v13 =	vld [tilespmem:$0x1FCE0]  }
0x41b: {  	v4 =	vadd.f32 v57, v36;
	v57 =	vbroadcast v7, $0xF;
	v7 =	vadd.f32 v32, v53;
	v12, _, _ =	vpop (xrf2)  }
0x41c: {  	v0 =	vbroadcast v0, $0xF;
	v24 =	vsub.f32 v11, v49;
	v8 =	vsub.f32 v8, v12  }
0x41d: {  	v30 =	vmul.f32 v1, v29;
	v3 =	vsub.f32 v3, v27;
	v22 =	vsub.f32 v4, v25  }
0x41e: {  	(xrf2) =	vadd.scan.msk.f32 $0xffff, v6;
	v62 =	vsub.f32 v4, v33;
	v12 =	vadd.f32 v39, v55;
	v6 =	vbroadcast v8, $0xF  }
0x41f: {  	v53 =	vsub.f32 v7, v46;
	v55 =	vsub.f32 v7, v47;
	v7, _, _ =	vpop (xrf2);
	v8 =	vmul.f32 v1, v28  }
0x420: {  	v4 =	vsub.f32 v15, v40;
	(xrf2) =	vadd.scan.msk.f32 $0xffff, v10;
	v10, _, _ =	vpop (xrf2);
	v6 =	vmul.f32 v6, v21;
	v21 =	vsub.f32 v11, v50  }
0x421: {  	v3 =	vmul.f32 v3, v3;
	v8 =	vsub.f32 v63, v8;
	v10 =	vsub.f32 v7, v10  }
0x422: {  	v11 =	vmul.f32 v6, v28;
	v27 =	vmul.f32 v6, v54;
	[tilespmem:v13+s31+$0x0] =	vst.idx.msk $0x1, v0  }
0x423: {  	v10 =	vbroadcast v10, $0xF;
	v28, _, _ =	vpop (xrf2);
	[tilespmem:v13+s0+$0x0] =	vst.idx.msk $0x1, v57;
	v13 =	vsub.f32 v22, v30;
	v22 =	vmul.f32 v6, v29  }
0x424: {  	v40 =	vpop (erf);
	v8 =	vmul.f32 v8, v8;
	v11 =	vsub.f32 v38, v11;
	v57 =	vsub.f32 v7, v28;
	v28 =	vld [tilespmem:$0x1FCF0]  }
0x425: {  	(xrf2) =	vadd.scan.msk.f32 $0xffff, v42;
	v27 =	vsub.f32 v37, v27;
	v29 =	vsub.f32 v62, v22;
	v22 =	vmul.f32 v10, v40  }
0x426: {  	v32 =	vsub.f32 v12, v59;
	v7 =	vmul.f32 v11, v11;
	v0 =	vbroadcast v57, $0xF  }
0x427: {  	v11 =	vmul.f32 v27, v27;
	v10 =	vadd.f32 v3, v8;
	v8 =	vmul.f32 v22, v58  }
0x428: {  	v12 =	vsub.f32 v12, v14;
	v30 =	vmul.f32 v0, v40;
	v59 =	vmul.f32 v22, v56  }
0x429: {  	v60 =	vmul.f32 v6, v31;
	v14, _, _ =	vpop (xrf2);
	v27 =	vadd.f32 v11, v7;
	v3 =	vmul.f32 v22, v28  }
0x42a: {  	v6 =	vsub.f32 v61, v8;
	v7, _, _ =	vpop (xrf2);
	v11 =	vmul.f32 v30, v28;
	v8 =	vsub.f32 v4, v59  }
0x42b: {  	v3 =	vsub.f32 v26, v3;
	v7 =	vsub.f32 v14, v7  }
0x42c: {  	v26 =	vmul.f32 v30, v58;
	v4 =	vsub.f32 v5, v11;
	v6 =	vmul.f32 v6, v6  }
0x42d: {  	v3 =	vmul.f32 v3, v3;
	v7 =	vbroadcast v7, $0xF  }
0x42e: {  	v48 =	vpop (erf);
	v5 =	vsub.f32 v9, v26;
	v63 =	vmul.f32 v4, v4;
	v4 =	vld [tilespmem:$0x1FD00]  }
0x42f: {  	s11 =	sadd.s32 $0x4, s11;
	v1 =	vmul.f32 v1, v31;
	v9, _, _ =	vpop (xrf2);
	v31 =	vmul.f32 v7, v48;
	v7 =	vadd.f32 v6, v3;
	v6 =	vld [tilespmem:$0x1FD10]  }
0x430: {  	p1 =	slt.u32 s11, $0x7C;
	v62 =	vsub.f32 v14, v9;
	v3 =	vmul.f32 v5, v5;
	v5 =	vld [tilespmem:$0x1FD20]  }
.Ltmp2:
0x431: {  	s17 =	sadd.s32 $0x104, s10;
	v25 =	vsub.f32 v15, v41;
	v61 =	vmul.f32 v30, v56;
	(pc) =	sbr.rel @p1 .LBB2_6-.Ltmp2, $4  }
0x432: {  	s18 =	sadd.s32 $0x105, s10;
	v52 =	vmov s17;
	v0 =	vbroadcast v62, $0xF  }
0x433: {  	v15 =	vmov s18;
	v33 =	vsub.f32 v25, v61;
	v11 =	vsub.f32 v55, v60  }
0x434: {  	v9 =	vsub.f32 v53, v1;
	v34 =	vmul.f32 v0, v48;
	v25 =	vmul.f32 v31, v4  }
0x435: {  	s12 =	sadd.s32 $0x100, s12;
	v37 =	vadd.f32 v3, v63;
	v28 =	vmul.f32 v31, v5;
	v35 =	vmul.f32 v31, v6  }
0x436: {  	v3 =	vmul.f32 v34, v4;
	v4 =	vmul.f32 v34, v5  }
0x437: {  	v1 =	vsub.f32 v18, v25;
	v6 =	vmul.f32 v34, v6;
	v8 =	vmul.f32 v8, v8  }
0x438: {  	v14 =	vld [tilespmem:$0x1FD40];
	v9 =	vmul.f32 v9, v9;
	v2 =	vsub.f32 v19, v28;
	v5 =	vsub.f32 v23, v35  }
0x439: {  	v1 =	vmul.f32 v1, v1;
	v3 =	vsub.f32 v16, v3;
	v4 =	vsub.f32 v17, v4  }
0x43a: {  	v6 =	vsub.f32 v20, v6;
	v2 =	vmul.f32 v2, v2;
	v5 =	vmul.f32 v5, v5  }
0x43b: {  	v17 =	vld [tilespmem:$0x1FD50];
	v3 =	vmul.f32 v3, v3;
	v56 =	vmul.f32 v4, v4  }
0x43c: {  	v4 =	vmul.f32 v13, v13;
	v6 =	vmul.f32 v6, v6  }
0x43d: {  	v7 =	vadd.f32 v8, v7;
	v0 =	vmul.f32 v22, v14;
	v14 =	vmul.f32 v30, v14  }
0x43e: {  	v1 =	vadd.f32 v2, v1;
	v2 =	vadd.f32 v56, v3;
	v3 =	vmul.f32 v29, v29  }
0x43f: {  	v4 =	vadd.f32 v4, v10;
	v10 =	vmul.f32 v11, v11;
	v0 =	vsub.f32 v24, v0  }
0x440: {  	v16 =	vmul.f32 v31, v17;
	v13 =	vsub.f32 v21, v14;
	v3 =	vadd.f32 v27, v3  }
0x441: {  	v14 =	vmul.f32 v34, v17;
	v17 =	vmul.f32 v33, v33;
	v4 =	vadd.f32 v9, v4  }
0x442: {  	v16 =	vsub.f32 v32, v16;
	v0 =	vmul.f32 v0, v0;
	v3 =	vadd.f32 v3, v10  }
0x443: {  	v12 =	vsub.f32 v12, v14;
	v8 =	vadd.f32 v37, v17;
	v9 =	vmul.f32 v13, v13;
	(xrf2) =	vadd.scan.msk.f32 $0xffff, v4  }
0x444: {  	v1 =	vadd.f32 v5, v1;
	v5 =	vmul.f32 v16, v16;
	v0 =	vadd.f32 v0, v7;
	(xrf2) =	vadd.scan.msk.f32 $0xffff, v3  }
0x445: {  	v2 =	vadd.f32 v2, v6;
	v4 =	vmul.f32 v12, v12;
	v6 =	vadd.f32 v8, v9  }
0x446: {  	v1 =	vadd.f32 v5, v1;
	(xrf2) =	vadd.scan.msk.f32 $0xffff, v0  }
0x447: {  	v57 =	vadd.f32 v2, v4;
	(xrf2) =	vadd.scan.msk.f32 $0xffff, v6  }
0x448: {  	(xrf2) =	vadd.scan.msk.f32 $0xffff, v1  }
0x449: {  	(xrf2) =	vadd.scan.msk.f32 $0xffff, v57  }
0x44a: {  	v58 =	vand.u32 $0xFFFFFFFC, v52  }
0x44b: {  	s6 =	sadd.s32 $0x106, s10;
	v0 =	vbroadcast v58, $0x0  }
0x44c: {  	v59 =	vand.u32 $0xFFFFFFFD, v15;
	v60 =	vmov s6  }
0x44d: {  	v2 =	vand.u32 $0xFFFFFFFE, v60;
	v1 =	vbroadcast v59, $0x0;
	v3, _, _ =	vpop (xrf2)  }
0x44e: {  	v2 =	vbroadcast v2, $0x0;
	v4, _, _ =	vpop (xrf2)  }
0x44f: {  	v3 =	vbroadcast v3, $0xF;
	v4 =	vbroadcast v4, $0xF  }
0x450: {  	v5, _, _ =	vpop (xrf2)  }
0x451: {  	[tilespmem:v0+s31+$0x0] =	vst.idx.msk $0x1, v3;
	v6, _, _ =	vpop (xrf2);
	v3 =	vbroadcast v5, $0xF  }
0x452: {  	v5, _, _ =	vpop (xrf2);
	[tilespmem:v0+s0+$0x0] =	vst.idx.msk $0x1, v4;
	v61 =	vbroadcast v6, $0xF  }
0x453: {  	[tilespmem:v1+s31+$0x0] =	vst.idx.msk $0x1, v3;
	v3 =	vbroadcast v5, $0xF;
	v4, _, _ =	vpop (xrf2)  }
0x454: {  	[tilespmem:v1+s0+$0x0] =	vst.idx.msk $0x1, v61;
	v4 =	vbroadcast v4, $0xF  }
0x455: {  	[tilespmem:v2+s31+$0x0] =	vst.idx.msk $0x1, v3  }
0x456: {  	[tilespmem:v2+s0+$0x0] =	vst.idx.msk $0x1, v4  }
0x457: {  	_ =	swait.ge [sflag:s1], $0x2000  }
0x458: {  	[sflag:s1] =	ssyncset.done $0x0  }
0x459: {  	[sflag:s1] =	ssyncadd.s32 $0xFFFFE000  }
0x45a: {  	_ =	swait.ge [sflag:s1], $0x2000  }
0x45b: {  	[sflag:s1] =	ssyncset.done $0x0  }
0x45c: {  	[sflag:s1] =	ssyncadd.s32 $0xFFFFE000  }
0x45d: {  	_ =	swait.ge [sflag:s1], $0x2000  }
0x45e: {  	[sflag:s1] =	ssyncset.done $0x0  }
0x45f: {  	[sflag:s1] =	ssyncadd.s32 $0xFFFFE000  }
0x460: {  	_ =	swait.ge [sflag:s1], $0x4000  }
0x461: {  	[sflag:s1] =	ssyncset.done $0x0  }
0x462: {  	s16 =	simm.s32 $0x2880;
	[sflag:s1] =	ssyncadd.s32 $0xFFFFC000  }
0x463: {  	s7 =	simm.s32 $0x10900;
	v62 =	vld [tilespmem:s16+$0x70]  }
0x464: {  	v28 =	vld [tilespmem:s7+$0xC0]  }
0x465: {  	v27 =	vld [tilespmem:s7+$0xD0]  }
0x466: {  	v63 =	vld [tilespmem:s16+$0x40]  }
0x467: {  	v29 =	vld [tilespmem:s7+$0xE0]  }
0x468: {  	v20 =	vld [tilespmem:s16+$0x50]  }
0x469: {  	v26 =	vld [tilespmem:s7+$0xF0]  }
0x46a: {  	s8 =	simm.s32 $0x6880;
	v21 =	vld [tilespmem:s16+$0x60];
	v47 =	vmul.f32 v28, v28;
	v3 =	vmul.f32 v27, v27  }
0x46b: {  	v22 =	vld [tilespmem:s8+$0x40]  }
0x46c: {  	v23 =	vld [tilespmem:s8+$0x50];
	v2 =	vadd.f32 v3, v47;
	v3 =	vmul.f32 v29, v29  }
0x46d: {  	s10 =	simm.s32 $0xA880;
	v30 =	vld [tilespmem:s8+$0x60]  }
0x46e: {  	v31 =	vld [tilespmem:s10+$0x40];
	v2 =	vadd.f32 v3, v2;
	v3 =	vmul.f32 v26, v26  }
0x46f: {  	v33 =	vld [tilespmem:s10+$0x50]  }
0x470: {  	v48 =	vld [tilespmem:s8+$0x70];
	v4 =	vmul.f32 v20, v27;
	v2 =	vadd.f32 v3, v2;
	v3 =	vmul.f32 v63, v28  }
0x471: {  	v36 =	vld [tilespmem:s10+$0x60]  }
0x472: {  	v43 =	vld [tilespmem:s7+$0xFFFFFF50];
	v6 =	vmul.f32 v23, v27;
	v3 =	vadd.f32 v4, v3;
	v4 =	vmul.f32 v22, v28  }
0x473: {  	v49 =	vld [tilespmem:s10+$0x70];
	v5 =	vmul.f32 v21, v29  }
0x474: {  	v7 =	vld [tilespmem:s7+$0xFFFFFFC0];
	(xrf2) =	vadd.scan.msk.f32 $0xffff, v2;
	v4 =	vadd.f32 v6, v4;
	v6 =	vmul.f32 v30, v29  }
0x475: {  	v5 =	vadd.f32 v5, v3;
	v3 =	vld [tilespmem:s7+$0x50]  }
0x476: {  	v8 =	vld [tilespmem:s7+$0xFFFFFFD0];
	v4 =	vadd.f32 v6, v4;
	v6 =	vmul.f32 v48, v26  }
0x477: {  	v50 =	vld [tilespmem:s7+$0x40];
	v9 =	vmul.f32 v31, v28;
	v11 =	vmul.f32 v33, v27  }
0x478: {  	v13 =	vld [tilespmem:s7+$0xFFFFFF40];
	v14 =	vmul.f32 v62, v26  }
0x479: {  	v12 =	vld [tilespmem:s7+$0xFFFFFF60];
	v15 =	vmul.f32 v49, v26;
	v9 =	vadd.f32 v11, v9  }
0x47a: {  	v11 =	vmul.f32 v36, v29;
	v14 =	vadd.f32 v14, v5;
	v4 =	vadd.f32 v6, v4;
	v6 =	vmovc v3;
	v3 =	vld [tilespmem:s16+$0xFFFFFF80]  }
0x47b: {  	v54 =	vld [tilespmem:s7+$0xFFFFFFE0]  }
0x47c: {  	v11 =	vadd.f32 v11, v9;
	v9 =	vld [tilespmem:s7+$0x60];
	(xrf2) =	vadd.scan.msk.f32 $0xffff, v14  }
0x47d: {  	v16 =	vmul.f32 v43, v43;
	v25 =	vmul.f32 v13, v13;
	(xrf2) =	vadd.scan.msk.f32 $0xffff, v4;
	v4 =	vld [tilespmem:s7+$0xFFFFFFF0]  }
0x47e: {  	v17 =	vmul.f32 v7, v7;
	v18 =	vmul.f32 v8, v8;
	v2 =	vld [tilespmem:s7+$0x70];
	v14 =	vadd.f32 v15, v11;
	v15, _, _ =	vpop (xrf2)  }
0x47f: {  	v16 =	vadd.f32 v16, v25;
	v11 =	vld [tilespmem:s7+$0xFFFFFF70];
	v15 =	vmax.f32 v15, $1.000000020e-24;
	[tilespmem:$0x1FC30] =	vst v3  }
0x480: {  	v18 =	vadd.f32 v18, v17;
	v25 =	vmul.f32 v54, v54;
	v5 =	vmovc v50;
	(xrf2) =	vadd.scan.msk.f32 $0xffff, v14;
	v19 =	vbroadcast v15, $0xF;
	v15 =	vld [tilespmem:s16+$0xFFFFFF90]  }
0x481: {  	v24 =	vmul.f32 v5, v5;
	v38 =	vld [tilespmem:s7+$0xB0]  }
0x482: {  	v18 =	vadd.f32 v25, v18;
	v51 =	vmul.f32 v6, v6;
	v25 =	vmul.f32 v4, v4;
	v39 =	vld [tilespmem:s7+$0xA0]  }
0x483: {  	(erf) = vrcp.f32 v19;
	v19 =	vmul.f32 v12, v12;
	v40 =	vld [tilespmem:s7+$0x80]  }
0x484: {  	v52 =	vmul.f32 v9, v9;
	v24 =	vadd.f32 v51, v24;
	v41 =	vld [tilespmem:s7+$0x90]  }
0x485: {  	v53 =	vmul.f32 v11, v11;
	v17 =	vld [tilespmem:s8+$0xFFFFFF80];
	v10 =	vadd.f32 v25, v18;
	v19 =	vadd.f32 v19, v16  }
0x486: {  	v16 =	vld [tilespmem:s8+$0xFFFFFF90]  }
0x487: {  	v55 =	vmul.f32 v2, v2;
	v24 =	vadd.f32 v52, v24;
	v42, _, _ =	vpop (xrf2);
	v34 =	vadd.f32 v53, v19;
	v19 =	vld [tilespmem:s10+$0xFFFFFF80];
	[tilespmem:$0x1FC00] =	vst v10  }
0x488: {  	v44, _, _ =	vpop (xrf2);
	v18 =	vld [tilespmem:s10+$0xFFFFFF90]  }
0x489: {  	v35 =	vadd.f32 v55, v24;
	v25 =	vsub.f32 v42, v44;
	v24 =	vld [tilespmem:s16+$0xFFFFFFC0]  }
0x48a: {  	v56, _, _ =	vpop (xrf2);
	v0 =	vadd.f32 v38, v62;
	v58 =	vadd.f32 v41, v20;
	v20 =	vld [tilespmem:s8+$0xFFFFFFC0]  }
0x48b: {  	v45 =	vmul.f32 v3, v13;
	v39 =	vadd.f32 v39, v21;
	v21 =	vld [tilespmem:s8+$0xFFFFFFD0];
	v42 =	vsub.f32 v42, v56  }
0x48c: {  	v44 =	vmul.f32 v15, v43;
	v1 =	vadd.f32 v40, v63;
	v38 =	vld [tilespmem:s16+$0x0];
	v57 =	vbroadcast v25, $0xF  }
0x48d: {  	v32 =	vld [tilespmem:s16+$0x10];
	v56 =	vmul.f32 v17, v13;
	v46 =	vsub.f32 v0, v48;
	v60 =	vbroadcast v42, $0xF;
	v59 =	vpop (erf)  }
0x48e: {  	v25 =	vld [tilespmem:s16+$0xFFFFFFD0];
	v30 =	vsub.f32 v39, v30;
	v0 =	vsub.f32 v0, v49;
	v47 =	vmul.f32 v57, v59  }
0x48f: {  	v61 =	vsub.f32 v1, v22;
	v22 =	vld [tilespmem:s10+$0xFFFFFFC0];
	v48 =	vsub.f32 v58, v23;
	v41 =	vmul.f32 v60, v59  }
0x490: {  	v23 =	vld [tilespmem:s10+$0xFFFFFFD0];
	v36 =	vsub.f32 v39, v36;
	v1 =	vsub.f32 v1, v31;
	v49 =	vmul.f32 v47, v27  }
0x491: {  	v33 =	vsub.f32 v58, v33;
	v62 =	vmul.f32 v47, v28;
	v50 =	vmul.f32 v41, v27;
	v27 =	vld [tilespmem:s8+$0x0]  }
0x492: {  	v58 =	vmul.f32 v16, v43;
	v63 =	vsub.f32 v48, v49;
	v49 =	vmul.f32 v41, v28;
	v28 =	vld [tilespmem:s8+$0x10]  }
0x493: {  	v51 =	vmul.f32 v41, v29;
	v31 =	vsub.f32 v61, v62;
	v48 =	vmul.f32 v47, v29;
	v29 =	vld [tilespmem:s10+$0x10]  }
0x494: {  	v47 =	vmul.f32 v47, v26;
	v33 =	vsub.f32 v33, v50;
	v41 =	vmul.f32 v41, v26;
	v26 =	vld [tilespmem:s8+$0xFFFFFFA0]  }
0x495: {  	v31 =	vmul.f32 v31, v31;
	v37 =	vmul.f32 v63, v63;
	v39 =	vsub.f32 v30, v48;
	v30 =	vld [tilespmem:s10+$0x0]  }
0x496: {  	v59 =	vmul.f32 v19, v13;
	v36 =	vsub.f32 v36, v51;
	v55 =	vmul.f32 v33, v33;
	v33 =	vld [tilespmem:s16+$0xFFFFFFA0]  }
0x497: {  	v53 =	vsub.f32 v46, v47;
	v47 =	vld [tilespmem:s16+$0xFFFFFFE0];
	v31 =	vadd.f32 v37, v31;
	v52 =	vmul.f32 v39, v39  }
0x498: {  	v60 =	vmul.f32 v18, v43;
	v57 =	vmul.f32 v36, v36;
	v36 =	vld [tilespmem:s8+$0xFFFFFFE0]  }
0x499: {  	v61 =	vmul.f32 v24, v7;
	v1 =	vsub.f32 v1, v49;
	v37 =	vadd.f32 v52, v31;
	v31 =	vld [tilespmem:s10+$0xFFFFFFA0];
	[tilespmem:$0x1FC40] =	vst v7  }
0x49a: {  	v44 =	vadd.f32 v44, v45;
	v62 =	vmul.f32 v25, v8;
	v50 =	vmul.f32 v20, v7;
	v51 =	vld [tilespmem:s16+$0x20]  }
0x49b: {  	v0 =	vsub.f32 v0, v41;
	v48 =	vmul.f32 v32, v6;
	v1 =	vmul.f32 v1, v1;
	v41 =	vld [tilespmem:s8+$0x20]  }
0x49c: {  	v40 =	vadd.f32 v58, v56;
	v39 =	vmul.f32 v53, v53;
	v53 =	vmul.f32 v38, v5;
	v14 =	vld [tilespmem:s10+$0x20]  }
0x49d: {  	v63 =	vmul.f32 v21, v8;
	v42 =	vadd.f32 v62, v61;
	v1 =	vadd.f32 v55, v1;
	v56 =	vld [tilespmem:s16+$0xFFFFFFB0]  }
0x49e: {  	v0 =	vmul.f32 v0, v0;
	v45 =	vmul.f32 v28, v6;
	v46 =	vadd.f32 v48, v53;
	v58 =	vld [tilespmem:s8+$0xFFFFFFB0]  }
0x49f: {  	v52 =	vmul.f32 v29, v6;
	v53 =	vld [tilespmem:s16+$0xFFFFFFF0];
	v49 =	vadd.f32 v39, v37;
	v1 =	vadd.f32 v1, v57  }
0x4a0: {  	v62 =	vld [tilespmem:s10+$0xFFFFFFF0];
	v37 =	vadd.f32 v60, v59;
	v57 =	vmul.f32 v30, v5;
	v59 =	vmul.f32 v33, v12  }
0x4a1: {  	v39 =	vld [tilespmem:s10+$0xFFFFFFE0];
	v10 =	vadd.f32 v1, v0;
	v1 =	vmul.f32 v22, v7;
	v0 =	vmul.f32 v23, v8  }
0x4a2: {  	v55 =	vmul.f32 v27, v5;
	v60 =	vld [tilespmem:s10+$0xFFFFFFB0];
	v52 =	vadd.f32 v52, v57;
	v44 =	vadd.f32 v59, v44  }
0x4a3: {  	v57 =	vld [tilespmem:s8+$0xFFFFFFF0];
	v59 =	vmul.f32 v47, v54;
	[tilespmem:$0x1FC50] =	vst v9;
	v1 =	vadd.f32 v0, v1;
	v0 =	vmul.f32 v26, v12  }
0x4a4: {  	v3 =	vmov v8;
	v45 =	vadd.f32 v45, v55;
	v55 =	vmul.f32 v31, v12;
	v8 =	vld [tilespmem:s7+$0xFFFFFF00]  }
0x4a5: {  	v50 =	vadd.f32 v63, v50;
	v63 =	vmul.f32 v51, v9;
	v42 =	vadd.f32 v59, v42;
	v59 =	vld [tilespmem:s7+$0xFFFFFF10]  }
0x4a6: {  	(xrf2) =	vadd.scan.msk.f32 $0xffff, v34;
	v34 =	vadd.f32 v55, v37;
	v37 =	vld [tilespmem:s8+$0x30];
	v48 =	vadd.f32 v0, v40;
	v40 =	vmul.f32 v39, v54  }
0x4a7: {  	v61 =	vmul.f32 v36, v54;
	v46 =	vadd.f32 v63, v46;
	v63 =	vmul.f32 v58, v11;
	v0 =	vmovc v9;
	v9 =	vld [tilespmem:s16+$0x30]  }
0x4a8: {  	v7 =	vadd.f32 v40, v1;
	v40 =	vld [tilespmem:s10+$0x30];
	v55 =	vmul.f32 v41, v0;
	v0 =	vmul.f32 v14, v0  }
0x4a9: {  	v48 =	vadd.f32 v63, v48;
	v63 =	vld [tilespmem:s7+$0xFFFFFF80]  }
0x4aa: {  	v50 =	vadd.f32 v61, v50;
	v61 =	vmul.f32 v56, v11;
	[tilespmem:$0x1FC10] =	vst v4;
	v52 =	vadd.f32 v0, v52;
	v0 =	vld [tilespmem:$0x1FC00]  }
0x4ab: {  	v1 =	vld [tilespmem:s7+$0xFFFFFF90];
	v45 =	vadd.f32 v55, v45;
	v55 =	vmul.f32 v60, v11  }
0x4ac: {  	v44 =	vadd.f32 v61, v44  }
0x4ad: {  	v61 =	vmul.f32 v53, v4;
	v34 =	vadd.f32 v55, v34;
	v55 =	vmul.f32 v62, v4;
	_ =	sdelay $0x1  }
0x4ae: {  	v42 =	vadd.f32 v61, v42;
	v61 =	vmul.f32 v37, v2;
	v7 =	vadd.f32 v55, v7;
	v55 =	vld [tilespmem:$0x1FC30];
	(xrf2) =	vadd.scan.msk.f32 $0xffff, v0  }
0x4af: {  	v15 =	vadd.f32 v59, v15;
	v1 =	vadd.f32 v1, v25;
	(xrf2) =	vadd.scan.msk.f32 $0xffff, v35  }
0x4b0: {  	v45 =	vadd.f32 v61, v45;
	v24 =	vadd.f32 v63, v24;
	v0 =	vld [tilespmem:s7+$0x0];
	v35 =	vmul.f32 v57, v4;
	(xrf2) =	vadd.scan.msk.f32 $0xffff, v49  }
0x4b1: {  	[tilespmem:$0x1FC20] =	vst v2;
	v59 =	vsub.f32 v1, v21;
	v49 =	vmul.f32 v9, v2;
	(xrf2) =	vadd.scan.msk.f32 $0xffff, v10  }
0x4b2: {  	v1 =	vsub.f32 v1, v23;
	v10 =	vadd.f32 v35, v50;
	v50 =	vmul.f32 v40, v2;
	(xrf2) =	vadd.scan.msk.f32 $0xffff, v44  }
0x4b3: {  	v44 =	vadd.f32 v49, v46;
	v46 =	vld [tilespmem:s7+$0x10];
	v8 =	vadd.f32 v8, v55;
	(xrf2) =	vadd.scan.msk.f32 $0xffff, v48  }
0x4b4: {  	v61, _, _ =	vpop (xrf2);
	v55 =	vsub.f32 v24, v22;
	v35 =	vadd.f32 v50, v52;
	v48 =	vld [tilespmem:s7+$0xFFFFFF20]  }
0x4b5: {  	v25 =	vmax.f32 v61, $1.000000020e-24;
	v0 =	vadd.f32 v0, v38;
	v50 =	vsub.f32 v24, v20;
	v20 =	vld [tilespmem:s7+$0x20];
	(xrf2) =	vadd.scan.msk.f32 $0xffff, v34  }
0x4b6: {  	v38 =	vsub.f32 v8, v17;
	v8 =	vsub.f32 v8, v19;
	v17 =	vbroadcast v25, $0xF;
	v25 =	vld [tilespmem:s7+$0xFFFFFFA0]  }
0x4b7: {  	v49 =	vld [tilespmem:s7+$0xFFFFFF30];
	v34 =	vsub.f32 v15, v16;
	v15 =	vsub.f32 v15, v18  }
0x4b8: {  	v18 =	vsub.f32 v0, v27;
	v27 =	vld [tilespmem:s7+$0xFFFFFFB0];
	(erf) = vrcp.f32 v17;
	v32 =	vadd.f32 v46, v32;
	v46, _, _ =	vpop (xrf2)  }
0x4b9: {  	v4 =	vsub.f32 v0, v30;
	v21 =	vadd.f32 v48, v33;
	v52, _, _ =	vpop (xrf2)  }
0x4ba: {  	v20 =	vadd.f32 v20, v51;
	v19 =	vsub.f32 v32, v28;
	v61, _, _ =	vpop (xrf2)  }
0x4bb: {  	(xrf2) =	vadd.scan.msk.f32 $0xffff, v42;
	v17 =	vsub.f32 v32, v29;
	v23 =	vadd.f32 v25, v47;
	v63, _, _ =	vpop (xrf2)  }
0x4bc: {  	(xrf2) =	vadd.scan.msk.f32 $0xffff, v10;
	v10 =	vadd.f32 v49, v56;
	v26 =	vsub.f32 v21, v26;
	v22, _, _ =	vpop (xrf2)  }
0x4bd: {  	v25 =	vmax.f32 v46, $1.000000020e-24;
	v28 =	vsub.f32 v21, v31;
	v27 =	vadd.f32 v27, v53;
	v24, _, _ =	vpop (xrf2)  }
0x4be: {  	v21 =	vbroadcast v25, $0xF;
	(xrf2) =	vadd.scan.msk.f32 $0xffff, v7;
	v7 =	vld [tilespmem:s7+$0x30];
	v25 =	vsub.f32 v23, v36;
	v24 =	vsub.f32 v22, v24  }
0x4bf: {  	v29 =	vsub.f32 v23, v39;
	v47 =	vsub.f32 v10, v60;
	v23, _, _ =	vpop (xrf2)  }
0x4c0: {  	(erf) = vrcp.f32 v21;
	v21 =	vsub.f32 v22, v23;
	v24 =	vbroadcast v24, $0xF  }
0x4c1: {  	v0 =	vbroadcast v63, $0xF;
	v22 =	vpop (erf);
	v23 =	vsub.f32 v20, v41;
	v20 =	vsub.f32 v20, v14  }
0x4c2: {  	v14 =	vmax.f32 v52, $1.000000020e-24;
	v21 =	vbroadcast v21, $0xF;
	v30 =	vmul.f32 v24, v22  }
0x4c3: {  	v7 =	vadd.f32 v7, v9;
	v14 =	vbroadcast v14, $0xF;
	v24 =	vsub.f32 v27, v57  }
0x4c4: {  	v48 =	vmul.f32 v21, v22;
	v21 =	vsub.f32 v27, v62;
	v27 =	vmul.f32 v30, v12  }
0x4c5: {  	v9 =	vsub.f32 v10, v58;
	(erf) = vrcp.f32 v14;
	v22, _, _ =	vpop (xrf2);
	v31 =	vmul.f32 v30, v13  }
0x4c6: {  	(xrf2) =	vadd.scan.msk.f32 $0xffff, v44;
	v49, _, _ =	vpop (xrf2);
	v51 =	vmul.f32 v48, v13;
	v13 =	vsub.f32 v26, v27;
	v27 =	vmul.f32 v48, v43  }
0x4c7: {  	(xrf2) =	vadd.scan.msk.f32 $0xffff, v45;
	v62 =	vbroadcast v61, $0xF;
	v10 =	vmul.f32 v30, v43;
	v14 =	vsub.f32 v22, v49  }
0x4c8: {  	v12 =	vmul.f32 v48, v12;
	v26 =	vmul.f32 v30, v11;
	v30, _, _ =	vpop (xrf2)  }
0x4c9: {  	v53 =	vld [tilespmem:$0x1FC40];
	v31 =	vsub.f32 v38, v31;
	v30 =	vsub.f32 v22, v30;
	v14 =	vbroadcast v14, $0xF  }
0x4ca: {  	(xrf2) =	vadd.scan.msk.f32 $0xffff, v35;
	v11 =	vmul.f32 v48, v11;
	v8 =	vsub.f32 v8, v51;
	v15 =	vsub.f32 v15, v27;
	v27 =	vpop (erf)  }
0x4cb: {  	v10 =	vsub.f32 v34, v10;
	v22 =	vmul.f32 v14, v27;
	v14 =	vbroadcast v30, $0xF  }
0x4cc: {  	v28 =	vsub.f32 v28, v12;
	v52 =	vmul.f32 v31, v31;
	v8 =	vmul.f32 v8, v8  }
0x4cd: {  	v12 =	vsub.f32 v7, v40;
	v15 =	vmul.f32 v15, v15;
	v30 =	vmul.f32 v14, v27  }
0x4ce: {  	v31 =	vsub.f32 v7, v37;
	v7 =	vmul.f32 v22, v53;
	v14 =	vmul.f32 v22, v3  }
0x4cf: {  	v27 =	vadd.f32 v15, v8;
	v8 =	vmul.f32 v22, v54;
	v15 =	vmul.f32 v30, v53  }
0x4d0: {  	s17 =	simm.s32 $0x183;
	v56, _, _ =	vpop (xrf2);
	v7 =	vsub.f32 v50, v7;
	v14 =	vsub.f32 v59, v14;
	v57 =	vmul.f32 v30, v3  }
0x4d1: {  	v8 =	vsub.f32 v25, v8;
	v25, _, _ =	vpop (xrf2);
	v58 =	vmul.f32 v30, v54;
	v59 =	vmov s17  }
0x4d2: {  	v25 =	vsub.f32 v56, v25;
	v7 =	vmul.f32 v7, v7;
	v14 =	vmul.f32 v14, v14  }
0x4d3: {  	v10 =	vmul.f32 v10, v10;
	v15 =	vsub.f32 v55, v15;
	v1 =	vsub.f32 v1, v57  }
0x4d4: {  	v34 =	vsub.f32 v29, v58;
	v29, _, _ =	vpop (xrf2);
	v25 =	vbroadcast v25, $0xF;
	v7 =	vadd.f32 v14, v7;
	v14 =	vld [tilespmem:$0x1FC50]  }
0x4d5: {  	s18 =	simm.s32 $0x180;
	v9 =	vsub.f32 v9, v26;
	v26 =	vpop (erf);
	v29 =	vsub.f32 v56, v29;
	v15 =	vmul.f32 v15, v15  }
0x4d6: {  	v60 =	vmov s18;
	v1 =	vmul.f32 v1, v1;
	v32 =	vmul.f32 v25, v26  }
0x4d7: {  	v11 =	vsub.f32 v47, v11;
	v10 =	vadd.f32 v10, v52;
	[tilespmem:v59+s31+$0x0] =	vst.idx.msk $0x1, v62;
	v63 =	vbroadcast v29, $0xF  }
0x4d8: {  	s12 =	simm.s32 $0xFFFFFFFC;
	s13 =	simm.s32 $0x0;
	s14 =	simm.s32 $0x181;
	v37 =	vadd.f32 v1, v15;
	v25 =	vmul.f32 v32, v5;
	v29 =	vmul.f32 v32, v6  }
0x4d9: {  	s11 =	simm.s32 $0x14810;
	s6 =	simm.s32 $0x14A10;
	[tilespmem:v59+s0+$0x0] =	vst.idx.msk $0x1, v0;
	v15 =	vmov s14;
	s14 =	simm.s32 $0x2980;
	v33 =	vmul.f32 v63, v26;
	v35 =	vmul.f32 v32, v14  }
.LBB2_8:
0x4da: {  	v26 =	vld [tilespmem:s14+$0x70]  }
0x4db: {  	v36 =	vld [tilespmem:$0x1FC10]  }
0x4dc: {  	v53 =	vld [tilespmem:s14+$0x50]  }
0x4dd: {  	v13 =	vmul.f32 v13, v13;
	v38 =	vld [tilespmem:s14+$0x60];
	v8 =	vmul.f32 v8, v8  }
0x4de: {  	s7 =	sadd.s32 $0x200, s7;
	v61 =	vld [tilespmem:s14+$0xFFFFFF80];
	v15 =	vand.u32 $0xFFFFFFFD, v15;
	v1 =	vsub.f32 v18, v25;
	v2 =	vmul.f32 v33, v5  }
0x4df: {  	v18 =	vsub.f32 v19, v29;
	v3 =	vmul.f32 v33, v6;
	v25 =	vld [tilespmem:s7+$0xD0];
	v5 =	vmul.f32 v33, v14  }
0x4e0: {  	v19 =	vsub.f32 v23, v35;
	v9 =	vmul.f32 v9, v9;
	v0 =	vmul.f32 v22, v36;
	v22 =	vld [tilespmem:s7+$0xC0]  }
0x4e1: {  	v11 =	vmul.f32 v11, v11;
	v14 =	vand.u32 $0xFFFFFFFC, v60;
	v2 =	vsub.f32 v4, v2;
	v4 =	vld [tilespmem:$0x1FC20]  }
0x4e2: {  	v1 =	vmul.f32 v1, v1;
	v16 =	vmul.f32 v18, v18;
	v0 =	vsub.f32 v24, v0;
	v24 =	vld [tilespmem:s7+$0xE0]  }
0x4e3: {  	v29 =	vld [tilespmem:s14+$0x40];
	v5 =	vsub.f32 v20, v5;
	v20 =	vmul.f32 v34, v34;
	v19 =	vmul.f32 v19, v19  }
0x4e4: {  	s8 =	sadd.s32 $0x100, s8;
	v3 =	vsub.f32 v17, v3;
	v6 =	vmul.f32 v30, v36;
	v2 =	vmul.f32 v2, v2;
	v30 =	vld [tilespmem:s7+$0xF0]  }
0x4e5: {  	v35 =	vld [tilespmem:s8+$0x40];
	v1 =	vadd.f32 v16, v1;
	v18 =	vmul.f32 v25, v25;
	v16 =	vmul.f32 v22, v22  }
0x4e6: {  	v39 =	vld [tilespmem:s8+$0x60];
	v23 =	vadd.f32 v13, v10;
	v3 =	vmul.f32 v3, v3;
	v17 =	vmul.f32 v32, v4  }
0x4e7: {  	v55 =	vld [tilespmem:s7+$0xFFFFFFC0];
	v4 =	vmul.f32 v33, v4;
	v16 =	vadd.f32 v18, v16;
	v18 =	vmul.f32 v24, v24  }
0x4e8: {  	s10 =	sadd.s32 $0x100, s10;
	v23 =	vadd.f32 v9, v23;
	v2 =	vadd.f32 v3, v2;
	v3 =	vmul.f32 v28, v28;
	v33 =	vld [tilespmem:s8+$0x50]  }
0x4e9: {  	v34 =	vld [tilespmem:s10+$0x50];
	v4 =	vsub.f32 v12, v4;
	v12 =	vadd.f32 v18, v16;
	v16 =	vmul.f32 v30, v30  }
0x4ea: {  	v36 =	vld [tilespmem:s10+$0x40];
	v6 =	vsub.f32 v21, v6;
	v28 =	vadd.f32 v27, v3;
	v3 =	vmul.f32 v5, v5  }
0x4eb: {  	v56 =	vld [tilespmem:s7+$0xFFFFFF50];
	v21 =	vmul.f32 v29, v22;
	v18 =	vmul.f32 v53, v25;
	v5 =	vadd.f32 v16, v12  }
0x4ec: {  	v10 =	vld [tilespmem:s10+$0x60];
	v20 =	vadd.f32 v37, v20;
	v40 =	vmul.f32 v55, v55;
	v17 =	vsub.f32 v31, v17  }
0x4ed: {  	v31 =	vld [tilespmem:s8+$0x70];
	v12 =	vadd.f32 v18, v21;
	v16 =	vmul.f32 v35, v22;
	v18 =	vmul.f32 v33, v25;
	(xrf2) =	vadd.scan.msk.f32 $0xffff, v5  }
0x4ee: {  	v41 =	vld [tilespmem:s10+$0x70];
	v1 =	vadd.f32 v19, v1;
	v13 =	vmul.f32 v38, v24;
	v21 =	vadd.f32 v8, v7  }
0x4ef: {  	v58 =	vld [tilespmem:s7+$0xFFFFFFD0];
	v5 =	vadd.f32 v18, v16;
	v16 =	vmul.f32 v36, v22;
	v18 =	vmul.f32 v34, v25  }
0x4f0: {  	v52 =	vld [tilespmem:s7+$0xFFFFFF60];
	v8 =	vadd.f32 v13, v12;
	v12 =	vmul.f32 v26, v30;
	v13 =	vmul.f32 v39, v24  }
0x4f1: {  	v57 =	vld [tilespmem:s7+$0xFFFFFFE0];
	v0 =	vmul.f32 v0, v0;
	v16 =	vadd.f32 v18, v16;
	v18 =	vmul.f32 v10, v24  }
0x4f2: {  	v32 =	vld [tilespmem:s7+$0xFFFFFF40];
	v12 =	vadd.f32 v12, v8;
	v5 =	vadd.f32 v13, v5;
	v13 =	vmul.f32 v31, v30  }
0x4f3: {  	v42 =	vmul.f32 v6, v6;
	v7 =	vld [tilespmem:s7+$0x50];
	v16 =	vadd.f32 v18, v16;
	v18 =	vmul.f32 v41, v30  }
0x4f4: {  	v6 =	vmul.f32 v58, v58;
	v19 =	vadd.f32 v2, v3;
	v3 =	vld [tilespmem:s7+$0x40];
	(xrf2) =	vadd.scan.msk.f32 $0xffff, v12;
	v5 =	vadd.f32 v13, v5  }
0x4f5: {  	v27 =	vld [tilespmem:s7+$0x70];
	v43 =	vadd.f32 v28, v11;
	v28 =	vmul.f32 v4, v4;
	v16 =	vadd.f32 v18, v16  }
0x4f6: {  	v50 =	vmul.f32 v56, v56;
	v46 =	vmul.f32 v57, v57;
	v44 =	vadd.f32 v6, v40;
	v8 =	vld [tilespmem:s7+$0x60];
	(xrf2) =	vadd.scan.msk.f32 $0xffff, v5  }
0x4f7: {  	v17 =	vmul.f32 v17, v17;
	v37 =	vadd.f32 v19, v28;
	v28 =	vld [tilespmem:s7+$0xB0];
	v0 =	vadd.f32 v0, v21;
	v4, _, _ =	vpop (xrf2);
	(xrf2) =	vadd.scan.msk.f32 $0xffff, v16  }
0x4f8: {  	v54 =	vld [tilespmem:s7+$0xFFFFFF70];
	v21 =	vmul.f32 v32, v32;
	v45 =	vmul.f32 v7, v7;
	v16 =	vmax.f32 v4, $1.000000020e-24  }
0x4f9: {  	v40 =	vadd.f32 v20, v42;
	v13 =	vld [tilespmem:s7+$0xFFFFFFF0];
	v18 =	vmul.f32 v3, v3;
	v59 =	vbroadcast v16, $0xF  }
0x4fa: {  	v20 =	vmul.f32 v52, v52;
	v42 =	vadd.f32 v17, v1;
	v21 =	vadd.f32 v50, v21  }
0x4fb: {  	v62 =	vmul.f32 v8, v8;
	v18 =	vadd.f32 v45, v18;
	v4 =	vld [tilespmem:s14+$0xFFFFFF90];
	(erf) = vrcp.f32 v59  }
0x4fc: {  	v63 =	vmul.f32 v27, v27;
	v26 =	vadd.f32 v28, v26;
	v19 =	vadd.f32 v20, v21;
	v59 =	vld [tilespmem:s7+$0x80]  }
0x4fd: {  	v20 =	vmul.f32 v54, v54;
	v21 =	vadd.f32 v46, v44;
	v44 =	vld [tilespmem:s7+$0xA0];
	v1 =	vadd.f32 v62, v18  }
0x4fe: {  	s17 =	sadd.s32 $0x186, s12;
	v51 =	vld [tilespmem:s7+$0x90];
	v49 =	vmul.f32 v61, v32;
	v41 =	vsub.f32 v26, v41;
	v47, _, _ =	vpop (xrf2);
	(xrf2) =	vadd.scan.msk.f32 $0xffff, v23;
	v23 =	vmul.f32 v13, v13  }
0x4ff: {  	v19 =	vadd.f32 v20, v19;
	v18 =	vmov s17;
	v1 =	vadd.f32 v63, v1  }
0x500: {  	[tilespmem:$0x1FB40] =	vst v61;
	v48, _, _ =	vpop (xrf2);
	v50 =	vadd.f32 v23, v21;
	v2 =	vmul.f32 v4, v56;
	v21 =	vand.u32 $0xFFFFFFFE, v18  }
0x501: {  	v6 =	vld [tilespmem:s8+$0xFFFFFF80];
	[tilespmem:$0x1FB50] =	vst v4;
	v4 =	vbroadcast v14, $0x0;
	v61 =	vsub.f32 v47, v48;
	v46 =	vadd.f32 v59, v29;
	v62, _, _ =	vpop (xrf2)  }
0x502: {  	v28 =	vld [tilespmem:s14+$0xFFFFFFC0];
	v9 =	vbroadcast v21, $0x0;
	v29 =	vadd.f32 v44, v38;
	v47 =	vsub.f32 v47, v62  }
0x503: {  	v5 =	vld [tilespmem:s8+$0xFFFFFF90];
	[tilespmem:$0x1FB90] =	vst v4;
	v4 =	vbroadcast v15, $0x0;
	v45 =	vbroadcast v61, $0xF;
	v44 =	vadd.f32 v51, v53  }
0x504: {  	v20 =	vld [tilespmem:s8+$0xFFFFFFD0];
	v60 =	vsub.f32 v29, v39;
	v35 =	vsub.f32 v46, v35;
	v63 =	vbroadcast v47, $0xF;
	v59 =	vpop (erf)  }
0x505: {  	(xrf2) =	vadd.scan.msk.f32 $0xffff, v19;
	v23 =	vld [tilespmem:s10+$0xFFFFFF80];
	v51 =	vsub.f32 v29, v10;
	v33 =	vsub.f32 v44, v33;
	v45 =	vmul.f32 v45, v59  }
0x506: {  	v38 =	vld [tilespmem:s14+$0x0];
	(xrf2) =	vadd.scan.msk.f32 $0xffff, v50;
	v36 =	vsub.f32 v46, v36;
	v46 =	vmul.f32 v6, v32;
	v48 =	vmul.f32 v63, v59  }
0x507: {  	v21 =	vld [tilespmem:s10+$0xFFFFFF90];
	v34 =	vsub.f32 v44, v34;
	v61 =	vmul.f32 v45, v22;
	v62 =	vmul.f32 v45, v25  }
0x508: {  	[tilespmem:$0x1FBB0] =	vst v4;
	v29 =	vld [tilespmem:s10+$0xFFFFFFC0];
	v47 =	vsub.f32 v26, v31;
	v63 =	vmul.f32 v45, v30;
	v45 =	vmul.f32 v45, v24  }
0x509: {  	v39 =	vld [tilespmem:s14+$0x10];
	v4, _, _ =	vpop (xrf2);
	(xrf2) =	vadd.scan.msk.f32 $0xffff, v1;
	v53 =	vmul.f32 v48, v30;
	v59 =	vmul.f32 v48, v22;
	v1 =	vsub.f32 v35, v61  }
0x50a: {  	v44 =	vld [tilespmem:s10+$0x20];
	v25 =	vmul.f32 v48, v25;
	v33 =	vsub.f32 v33, v62;
	v35 =	vsub.f32 v60, v45  }
0x50b: {  	v31 =	vld [tilespmem:s14+$0xFFFFFFD0];
	v60 =	vmul.f32 v48, v24;
	v63 =	vsub.f32 v47, v63;
	v47 =	vmul.f32 v38, v3  }
0x50c: {  	v26 =	vld [tilespmem:s8+$0xFFFFFFC0];
	(xrf2) =	vadd.scan.msk.f32 $0xffff, v43;
	v36 =	vsub.f32 v36, v59;
	v25 =	vsub.f32 v34, v25;
	v59 =	vmul.f32 v5, v56  }
0x50d: {  	v30 =	vld [tilespmem:s10+$0xFFFFFFD0];
	v41 =	vsub.f32 v41, v53;
	v1 =	vmul.f32 v1, v1;
	v33 =	vmul.f32 v33, v33  }
0x50e: {  	v22 =	vld [tilespmem:s8+$0x0];
	v53 =	vmul.f32 v20, v58;
	v62 =	vmul.f32 v35, v35;
	v43 =	vsub.f32 v51, v60  }
0x50f: {  	v16, _, _ =	vpop (xrf2);
	(xrf2) =	vadd.scan.msk.f32 $0xffff, v0;
	v24 =	vld [tilespmem:s8+$0x10];
	v48 =	vmul.f32 v36, v36;
	v25 =	vmul.f32 v25, v25;
	v61 =	vadd.f32 v33, v1  }
0x510: {  	v34 =	vld [tilespmem:s10+$0x0];
	v15, _, _ =	vpop (xrf2);
	v50 =	vmul.f32 v63, v63;
	(xrf2) =	vadd.scan.msk.f32 $0xffff, v40;
	v60 =	vmul.f32 v23, v32  }
0x511: {  	v35 =	vld [tilespmem:s10+$0x10];
	v43 =	vmul.f32 v43, v43;
	v51 =	vadd.f32 v25, v48;
	v0 =	vadd.f32 v62, v61  }
0x512: {  	[tilespmem:$0x1FBD0] =	vst v55;
	v49 =	vadd.f32 v2, v49;
	v36 =	vld [tilespmem:s14+$0xFFFFFFA0];
	v41 =	vmul.f32 v41, v41;
	v61 =	vmul.f32 v21, v56  }
0x513: {  	[tilespmem:$0x1FB60] =	vst v4;
	v45 =	vld [tilespmem:s14+$0xFFFFFFE0];
	v43 =	vadd.f32 v51, v43;
	v51 =	vmul.f32 v31, v58;
	v4 =	vadd.f32 v50, v0  }
0x514: {  	v40 =	vld [tilespmem:s8+$0xFFFFFFE0];
	v62 =	vmovc v55;
	v50 =	vmul.f32 v28, v55;
	v0 =	vmul.f32 v26, v55;
	v55 =	vadd.f32 v59, v46  }
0x515: {  	[tilespmem:$0x1FB80] =	vst v5;
	v33 =	vld [tilespmem:s10+$0xFFFFFFA0];
	v18, _, _ =	vpop (xrf2);
	v46 =	vmul.f32 v29, v62;
	v59 =	vmul.f32 v30, v58;
	v43 =	vadd.f32 v43, v41  }
0x516: {  	v25 =	vld [tilespmem:s8+$0xFFFFFFA0];
	v63, _, _ =	vpop (xrf2);
	v5 =	vadd.f32 v61, v60;
	v60 =	vmul.f32 v39, v7;
	v62 =	vmul.f32 v34, v3;
	(xrf2) =	vadd.scan.msk.f32 $0xffff, v4  }
0x517: {  	v48 =	vld [tilespmem:s14+$0x20];
	[tilespmem:$0x1FBA0] =	vst v63;
	v63 =	vmul.f32 v35, v7;
	v2 =	vmul.f32 v36, v52;
	(xrf2) =	vadd.scan.msk.f32 $0xffff, v43  }
0x518: {  	v41 =	vld [tilespmem:s10+$0xFFFFFFE0];
	v61 =	vadd.f32 v51, v50;
	v50 =	vmul.f32 v22, v3;
	v4 =	vadd.f32 v53, v0  }
0x519: {  	s16 =	smov.u32 s13;
	v19, _, _ =	vpop (xrf2);
	v51 =	vmul.f32 v24, v7;
	v53 =	vld [tilespmem:s14+$0xFFFFFFB0];
	v59 =	vadd.f32 v59, v46;
	v60 =	vadd.f32 v60, v47  }
0x51a: {  	s12 =	smov.u32 s16;
	v62 =	vadd.f32 v63, v62;
	v12 =	vadd.f32 v2, v49;
	v43 =	vld [tilespmem:s8+$0x20];
	v17, _, _ =	vpop (xrf2);
	(xrf2) =	vadd.scan.msk.f32 $0xffff, v42  }
0x51b: {  	s16 =	sadd.s32 $0x187, s12;
	[tilespmem:$0x1FBE0] =	vst v3;
	v63 =	vmul.f32 v45, v57;
	v3 =	vadd.f32 v51, v50;
	v50 =	vmul.f32 v33, v52;
	v51 =	vld [tilespmem:s14+$0xFFFFFFF0]  }
0x51c: {  	[tilespmem:$0x1FB70] =	vst v6;
	v49 =	vld [tilespmem:s8+$0xFFFFFFF0];
	v6 =	vmul.f32 v48, v8;
	v0 =	vmov s16;
	v42 =	vmul.f32 v25, v52  }
0x51d: {  	[tilespmem:$0x1FBC0] =	vst v9;
	v61 =	vadd.f32 v63, v61;
	v63 =	vmul.f32 v44, v8;
	v9 =	vadd.f32 v50, v5;
	v50 =	vld [tilespmem:s10+$0xFFFFFFF0]  }
0x51e: {  	[tilespmem:$0x1FBF0] =	vst v7;
	v11 =	vadd.f32 v42, v55;
	v42 =	vmul.f32 v40, v57;
	v55 =	vmul.f32 v41, v57  }
0x51f: {  	v6 =	vadd.f32 v6, v60;
	(xrf2) =	vadd.scan.msk.f32 $0xffff, v37;
	v7 =	vmul.f32 v53, v54;
	v37 =	vmul.f32 v43, v8  }
0x520: {  	[tilespmem:$0x1FC50] =	vst v8;
	v8 =	vadd.f32 v42, v4;
	v42 =	vadd.f32 v55, v59;
	v4 =	vmul.f32 v51, v13;
	v1, _, _ =	vpop (xrf2)  }
0x521: {  	v10 =	vadd.f32 v37, v3;
	v37 =	vbroadcast v1, $0xF;
	v2, _, _ =	vpop (xrf2);
	v1 =	vmul.f32 v49, v13  }
0x522: {  	[tilespmem:$0x1FC10] =	vst v13;
	v55 =	vld [tilespmem:s14+$0x30];
	v60 =	vbroadcast v2, $0xF;
	v2 =	vmul.f32 v50, v13;
	v13 =	vadd.f32 v7, v12  }
0x523: {  	v62 =	vadd.f32 v63, v62;
	v63 =	vld [tilespmem:s7+$0xFFFFFF00];
	[tilespmem:v0+s31+$0x0] =	vst.idx.msk $0x1, v37  }
0x524: {  	[tilespmem:v0+s0+$0x0] =	vst.idx.msk $0x1, v60;
	v0, _, _ =	vpop (xrf2);
	(xrf2) =	vadd.scan.msk.f32 $0xffff, v13;
	v13 =	vld [tilespmem:$0x1FB40];
	_ =	sdelay $0x1  }
0x525: {  	v46 =	vld [tilespmem:s8+$0xFFFFFFB0]  }
0x526: {  	v12 =	vmul.f32 v55, v27  }
0x527: {  	v37 =	vld [tilespmem:s7+$0xFFFFFF10]  }
0x528: {  	v6 =	vadd.f32 v12, v6;
	v12 =	vmax.f32 v18, $1.000000020e-24;
	v18 =	vadd.f32 v63, v13;
	v13 =	vld [tilespmem:$0x1FB50];
	_ =	sdelay $0x1  }
0x529: {  	v5 =	vmul.f32 v46, v54;
	_ =	sdelay $0x1  }
0x52a: {  	v5 =	vadd.f32 v5, v11;
	v11 =	vld [tilespmem:s7+$0xFFFFFF80]  }
0x52b: {  	v37 =	vadd.f32 v37, v13;
	v13 =	vld [tilespmem:$0x1FB60];
	_ =	sdelay $0x3  }
0x52c: {  	v47 =	vld [tilespmem:s10+$0xFFFFFFB0]  }
0x52d: {  	v16 =	vmax.f32 v16, $1.000000020e-24;
	v7, _, _ =	vpop (xrf2);
	(xrf2) =	vadd.scan.msk.f32 $0xffff, v5;
	v5 =	vadd.f32 v11, v28;
	v28 =	vbroadcast v13, $0xF;
	v13 =	vld [tilespmem:$0x1FB70]  }
0x52e: {  	v16 =	vbroadcast v16, $0xF;
	v15 =	vmax.f32 v15, $1.000000020e-24  }
0x52f: {  	v15 =	vbroadcast v15, $0xF  }
0x530: {  	(erf) = vrcp.f32 v16  }
0x531: {  	(erf) = vrcp.f32 v15;
	v15 =	vld [tilespmem:$0x1FBA0]  }
0x532: {  	v3 =	vmul.f32 v47, v54;
	v63 =	vsub.f32 v18, v13;
	v13 =	vld [tilespmem:$0x1FB90]  }
0x533: {  	v59 =	vld [tilespmem:s8+$0x30]  }
0x534: {  	v3 =	vadd.f32 v3, v9;
	v9 =	vld [tilespmem:s7+$0xFFFFFF90];
	_ =	sdelay $0x3  }
0x535: {  	v14 =	vld [tilespmem:s10+$0x30];
	v60 =	vmul.f32 v59, v27  }
0x536: {  	v15 =	vbroadcast v15, $0xF;
	v9 =	vadd.f32 v9, v31;
	v31 =	vld [tilespmem:s7+$0xFFFFFF30]  }
0x537: {  	v10 =	vadd.f32 v60, v10;
	v60 =	vld [tilespmem:s7+$0xFFFFFF20];
	[tilespmem:v13+s31+$0x0] =	vst.idx.msk $0x1, v28  }
0x538: {  	[tilespmem:v13+s0+$0x0] =	vst.idx.msk $0x1, v15;
	v13 =	vld [tilespmem:$0x1FBB0];
	_ =	sdelay $0x1  }
0x539: {  	v1 =	vadd.f32 v1, v8;
	v8 =	vld [tilespmem:s7+$0x0];
	_ =	sdelay $0x1  }
0x53a: {  	v12 =	vbroadcast v12, $0xF  }
0x53b: {  	v2 =	vadd.f32 v2, v42;
	v42 =	vmul.f32 v14, v27;
	v11 =	vld [tilespmem:s7+$0x20]  }
0x53c: {  	v4 =	vadd.f32 v4, v61;
	v61 =	vld [tilespmem:s7+$0x10];
	(erf) = vrcp.f32 v12;
	v12 =	vbroadcast v19, $0xF  }
0x53d: {  	v42 =	vadd.f32 v42, v62;
	v62 =	vld [tilespmem:s7+$0xFFFFFFA0];
	(xrf2) =	vadd.scan.msk.f32 $0xffff, v3;
	v8 =	vadd.f32 v8, v38;
	v15 =	vbroadcast v17, $0xF  }
0x53e: {  	v16 =	vld [tilespmem:s7+$0xFFFFFFB0];
	v26 =	vsub.f32 v5, v26;
	[tilespmem:v13+s31+$0x0] =	vst.idx.msk $0x1, v12  }
0x53f: {  	v5 =	vsub.f32 v5, v29;
	v29 =	vsub.f32 v9, v20;
	[tilespmem:v13+s0+$0x0] =	vst.idx.msk $0x1, v15;
	v13 =	vld [tilespmem:$0x1FBC0]  }
0x540: {  	v3 =	vld [tilespmem:$0x1FB80];
	(xrf2) =	vadd.scan.msk.f32 $0xffff, v4;
	v4 =	vsub.f32 v8, v34;
	v11 =	vadd.f32 v11, v48  }
0x541: {  	v38 =	vsub.f32 v18, v23;
	v18 =	vsub.f32 v8, v22;
	v8, _, _ =	vpop (xrf2)  }
0x542: {  	v23 =	vadd.f32 v61, v39;
	v20 =	vadd.f32 v62, v45;
	v22, _, _ =	vpop (xrf2)  }
0x543: {  	v0 =	vbroadcast v0, $0xF;
	v12 =	vadd.f32 v60, v36;
	v15 =	vsub.f32 v8, v22  }
0x544: {  	v45 =	vbroadcast v7, $0xF;
	v7 =	vadd.f32 v31, v53;
	v19 =	vsub.f32 v23, v24;
	(xrf2) =	vadd.scan.msk.f32 $0xffff, v1  }
0x545: {  	v61 =	vsub.f32 v20, v40;
	v3 =	vsub.f32 v37, v3;
	v40 =	vbroadcast v15, $0xF  }
0x546: {  	v37 =	vsub.f32 v37, v21;
	v22 =	vsub.f32 v12, v25;
	v25 =	vpop (erf)  }
0x547: {  	v21 =	vld [tilespmem:s7+$0x30];
	(xrf2) =	vadd.scan.msk.f32 $0xffff, v2;
	v1 =	vmul.f32 v40, v25;
	[tilespmem:v13+s31+$0x0] =	vst.idx.msk $0x1, v0;
	v0 =	vsub.f32 v12, v33;
	v12, _, _ =	vpop (xrf2)  }
0x548: {  	v53 =	vsub.f32 v7, v47;
	v8 =	vsub.f32 v8, v12  }
0x549: {  	[tilespmem:$0x1FC20] =	vst v27;
	v17 =	vsub.f32 v23, v35;
	v23 =	vsub.f32 v11, v43;
	v27 =	vmul.f32 v1, v56  }
0x54a: {  	(xrf2) =	vadd.scan.msk.f32 $0xffff, v6;
	[tilespmem:v13+s0+$0x0] =	vst.idx.msk $0x1, v45;
	v45 =	vsub.f32 v20, v41;
	v6 =	vbroadcast v8, $0xF  }
0x54b: {  	v20 =	vsub.f32 v11, v44;
	v11 =	vadd.f32 v16, v51  }
0x54c: {  	v3 =	vsub.f32 v3, v27;
	v12 =	vadd.f32 v21, v55;
	v6 =	vmul.f32 v6, v25  }
0x54d: {  	v16 =	vsub.f32 v7, v46;
	v7, _, _ =	vpop (xrf2);
	v24 =	vsub.f32 v11, v49;
	v25 =	vmul.f32 v1, v52  }
0x54e: {  	(xrf2) =	vadd.scan.msk.f32 $0xffff, v10;
	v10, _, _ =	vpop (xrf2);
	v21 =	vsub.f32 v11, v50;
	v11 =	vmul.f32 v6, v32;
	v28 =	vmul.f32 v6, v56  }
0x54f: {  	v8 =	vmul.f32 v1, v32;
	v10 =	vsub.f32 v7, v10;
	v13 =	vsub.f32 v22, v25  }
0x550: {  	(xrf2) =	vadd.scan.msk.f32 $0xffff, v42;
	v11 =	vsub.f32 v38, v11;
	v25 =	vsub.f32 v37, v28  }
0x551: {  	v27, _, _ =	vpop (xrf2);
	v8 =	vsub.f32 v63, v8;
	v10 =	vbroadcast v10, $0xF;
	v22 =	vmul.f32 v6, v52  }
0x552: {  	v55 =	vsub.f32 v7, v27;
	v7 =	vmul.f32 v11, v11;
	v11 =	vmul.f32 v25, v25;
	v25 =	vld [tilespmem:$0x1FBD0]  }
0x553: {  	v9 =	vsub.f32 v9, v30;
	v62 =	vpop (erf);
	v3 =	vmul.f32 v3, v3;
	v8 =	vmul.f32 v8, v8  }
0x554: {  	v28 =	vsub.f32 v0, v22;
	v22 =	vmul.f32 v10, v62;
	v0 =	vbroadcast v55, $0xF  }
0x555: {  	v31 =	vsub.f32 v12, v59;
	v12 =	vsub.f32 v12, v14  }
0x556: {  	v10 =	vadd.f32 v3, v8;
	v8 =	vmul.f32 v22, v58;
	v30 =	vmul.f32 v0, v62  }
0x557: {  	v59 =	vmul.f32 v6, v54;
	v14, _, _ =	vpop (xrf2);
	v27 =	vadd.f32 v11, v7;
	v3 =	vmul.f32 v22, v25  }
0x558: {  	v6 =	vsub.f32 v29, v8;
	v7, _, _ =	vpop (xrf2);
	v11 =	vmul.f32 v30, v25;
	v25 =	vmul.f32 v30, v58  }
0x559: {  	v7 =	vsub.f32 v14, v7;
	v3 =	vsub.f32 v26, v3  }
0x55a: {  	v6 =	vmul.f32 v6, v6;
	v5 =	vsub.f32 v5, v11;
	v11 =	vsub.f32 v9, v25;
	v9, _, _ =	vpop (xrf2)  }
0x55b: {  	v7 =	vbroadcast v7, $0xF;
	v62 =	vsub.f32 v14, v9;
	v14 =	vld [tilespmem:$0x1FC50];
	v3 =	vmul.f32 v3, v3  }
0x55c: {  	s13 =	sadd.s32 $0x4, s13;
	v48 =	vpop (erf);
	v56 =	vmul.f32 v22, v57;
	v63 =	vmul.f32 v5, v5;
	v5 =	vld [tilespmem:$0x1FBE0]  }
0x55d: {  	p1 =	slt.u32 s13, $0x7C;
	v32 =	vmul.f32 v7, v48;
	v7 =	vadd.f32 v6, v3;
	v6 =	vld [tilespmem:$0x1FBF0]  }
.Ltmp3:
0x55e: {  	s18 =	sadd.s32 $0x185, s12;
	s17 =	sadd.s32 $0x184, s12;
	v1 =	vmul.f32 v1, v54;
	v8 =	vsub.f32 v61, v56;
	v61 =	vmul.f32 v30, v57;
	(pc) =	sbr.rel @p1 .LBB2_8-.Ltmp3, $4  }
0x55f: {  	v60 =	vmov s17;
	v15 =	vmov s18;
	v0 =	vbroadcast v62, $0xF  }
0x560: {  	v34 =	vsub.f32 v45, v61;
	v9 =	vsub.f32 v16, v1;
	v3 =	vmul.f32 v11, v11  }
0x561: {  	v11 =	vsub.f32 v53, v59;
	v33 =	vmul.f32 v0, v48;
	v35 =	vmul.f32 v32, v14  }
0x562: {  	s14 =	sadd.s32 $0x100, s14;
	v37 =	vadd.f32 v3, v63;
	v25 =	vmul.f32 v32, v5;
	v29 =	vmul.f32 v32, v6  }
0x563: {  	v3 =	vmul.f32 v33, v5;
	v5 =	vmul.f32 v33, v6;
	v6 =	vsub.f32 v23, v35  }
0x564: {  	v16 =	vld [tilespmem:$0x1FC10];
	v14 =	vmul.f32 v33, v14;
	v1 =	vsub.f32 v18, v25;
	v2 =	vsub.f32 v19, v29  }
0x565: {  	v8 =	vmul.f32 v8, v8;
	v9 =	vmul.f32 v9, v9;
	v3 =	vsub.f32 v4, v3  }
0x566: {  	v4 =	vsub.f32 v17, v5;
	v17 =	vld [tilespmem:$0x1FC20];
	v1 =	vmul.f32 v1, v1;
	v2 =	vmul.f32 v2, v2  }
0x567: {  	v11 =	vmul.f32 v11, v11;
	v14 =	vsub.f32 v20, v14;
	v6 =	vmul.f32 v6, v6  }
0x568: {  	v3 =	vmul.f32 v3, v3;
	v1 =	vadd.f32 v2, v1;
	v2 =	vmul.f32 v4, v4  }
0x569: {  	v7 =	vadd.f32 v8, v7;
	v0 =	vmul.f32 v22, v16;
	v4 =	vmul.f32 v13, v13  }
0x56a: {  	v5 =	vmul.f32 v30, v16;
	v2 =	vadd.f32 v2, v3;
	v3 =	vmul.f32 v28, v28  }
0x56b: {  	v0 =	vsub.f32 v24, v0;
	v16 =	vmul.f32 v32, v17;
	v4 =	vadd.f32 v4, v10  }
0x56c: {  	v5 =	vsub.f32 v21, v5;
	v13 =	vmul.f32 v33, v17;
	v3 =	vadd.f32 v27, v3  }
0x56d: {  	v17 =	vmul.f32 v34, v34;
	v10 =	vmul.f32 v14, v14;
	v4 =	vadd.f32 v9, v4  }
0x56e: {  	v16 =	vsub.f32 v31, v16;
	v0 =	vmul.f32 v0, v0;
	v3 =	vadd.f32 v3, v11  }
0x56f: {  	v12 =	vsub.f32 v12, v13;
	v8 =	vadd.f32 v37, v17;
	v5 =	vmul.f32 v5, v5;
	(xrf2) =	vadd.scan.msk.f32 $0xffff, v4  }
0x570: {  	v1 =	vadd.f32 v6, v1;
	v6 =	vmul.f32 v16, v16;
	v0 =	vadd.f32 v0, v7;
	(xrf2) =	vadd.scan.msk.f32 $0xffff, v3  }
0x571: {  	v2 =	vadd.f32 v2, v10;
	v4 =	vmul.f32 v12, v12;
	v5 =	vadd.f32 v8, v5  }
0x572: {  	v1 =	vadd.f32 v6, v1;
	(xrf2) =	vadd.scan.msk.f32 $0xffff, v0  }
0x573: {  	v0 =	vadd.f32 v2, v4;
	(xrf2) =	vadd.scan.msk.f32 $0xffff, v5  }
0x574: {  	(xrf2) =	vadd.scan.msk.f32 $0xffff, v1  }
0x575: {  	(xrf2) =	vadd.scan.msk.f32 $0xffff, v0  }
0x576: {  	v0 =	vand.u32 $0xFFFFFFFC, v60  }
0x577: {  	s7 =	sadd.s32 $0x186, s12;
	v0 =	vbroadcast v0, $0x0  }
0x578: {  	v2 =	vmov s7;
	v1 =	vand.u32 $0xFFFFFFFD, v15  }
0x579: {  	v2 =	vand.u32 $0xFFFFFFFE, v2;
	v1 =	vbroadcast v1, $0x0;
	v3, _, _ =	vpop (xrf2)  }
0x57a: {  	v2 =	vbroadcast v2, $0x0;
	v4, _, _ =	vpop (xrf2)  }
0x57b: {  	v3 =	vbroadcast v3, $0xF;
	v4 =	vbroadcast v4, $0xF  }
0x57c: {  	v5, _, _ =	vpop (xrf2)  }
0x57d: {  	[tilespmem:v0+s31+$0x0] =	vst.idx.msk $0x1, v3;
	v6, _, _ =	vpop (xrf2);
	v3 =	vbroadcast v5, $0xF  }
0x57e: {  	v5, _, _ =	vpop (xrf2);
	[tilespmem:v0+s0+$0x0] =	vst.idx.msk $0x1, v4;
	v0 =	vbroadcast v6, $0xF  }
0x57f: {  	[tilespmem:v1+s31+$0x0] =	vst.idx.msk $0x1, v3;
	v3 =	vbroadcast v5, $0xF;
	v4, _, _ =	vpop (xrf2)  }
0x580: {  	[tilespmem:v1+s0+$0x0] =	vst.idx.msk $0x1, v0;
	v4 =	vbroadcast v4, $0xF  }
0x581: {  	[tilespmem:v2+s31+$0x0] =	vst.idx.msk $0x1, v3  }
0x582: {  	[tilespmem:v2+s0+$0x0] =	vst.idx.msk $0x1, v4  }
0x583: {  	v0 =	vld [tilespmem:s11+$0x0];
	_ =	sdelay $0x1  }
0x584: {  	v1 =	vld [tilespmem:s11+$0xFFFFFFF0];
	_ =	sdelay $0x2  }
0x585: {  	v0 =	vmax.f32 v0, $1.000000000e-30  }
0x586: {  	v2 =	vshra.s32 v0, $0x1;
	v4 =	vmul.f32 $5.000000000e-01, v0  }
0x587: {  	v20 =	vmax.f32 v1, $1.000000000e-30;
	v2 =	vsub.s32 $0x5F3759DF, v2  }
0x588: {  	v6 =	vld [tilespmem:s6+$0x0];
	v5 =	vshra.s32 v20, $0x1;
	v8 =	vmul.f32 $5.000000000e-01, v20;
	v1 =	vmul.f32 v2, v4  }
0x589: {  	v3 =	vld [tilespmem:s6+$0xFFFFFFF0];
	v7 =	vsub.s32 $0x5F3759DF, v5  }
0x58a: {  	v5 =	vmul.f32 v7, v8;
	v1 =	vmul.f32 v2, v1  }
0x58b: {  	s7 =	simm.s32 $0x14830  }
0x58c: {  	v10 =	vld [tilespmem:s7+$0x0];
	v9 =	vmul.f32 v7, v5;
	v1 =	vsub.f32 $1.500000000e+00, v1  }
0x58d: {  	v23 =	vmax.f32 v6, $1.000000000e-30  }
0x58e: {  	v5 =	vmax.f32 v3, $1.000000000e-30;
	v3 =	vsub.f32 $1.500000000e+00, v9;
	v1 =	vmul.f32 v2, v1  }
0x58f: {  	v6 =	vshra.s32 v23, $0x1;
	v21 =	vmul.f32 $5.000000000e-01, v5;
	v9 =	vmul.f32 $5.000000000e-01, v23  }
0x590: {  	v6 =	vsub.s32 $0x5F3759DF, v6;
	v12 =	vmul.f32 v7, v3;
	v7 =	vld [tilespmem:s7+$0xFFFFFFF0];
	v11 =	vmul.f32 v1, v4  }
0x591: {  	v2 =	vshra.s32 v5, $0x1;
	v13 =	vmul.f32 v6, v9;
	v3 =	vmax.f32 v10, $1.000000000e-30  }
0x592: {  	v14 =	vshra.s32 v3, $0x1;
	v10 =	vmul.f32 v12, v8;
	v11 =	vmul.f32 v11, v1  }
0x593: {  	v15 =	vmul.f32 $5.000000000e-01, v3;
	v16 =	vsub.s32 $0x5F3759DF, v2;
	v13 =	vmul.f32 v6, v13  }
0x594: {  	v14 =	vsub.s32 $0x5F3759DF, v14;
	v10 =	vmul.f32 v10, v12;
	v11 =	vsub.f32 $1.500000000e+00, v11  }
0x595: {  	v18 =	vmul.f32 v16, v21;
	v17 =	vmul.f32 v14, v15;
	v2 =	vmax.f32 v7, $1.000000000e-30  }
0x596: {  	s8 =	simm.s32 $0x14A30;
	v10 =	vsub.f32 $1.500000000e+00, v10;
	v1 =	vmul.f32 v11, v1;
	v11 =	vsub.f32 $1.500000000e+00, v13  }
0x597: {  	v7 =	vld [tilespmem:s8+$0xFFFFFFF0];
	v17 =	vmul.f32 v14, v17;
	v26 =	vmul.f32 $5.000000000e-01, v2;
	v13 =	vshra.s32 v2, $0x1  }
0x598: {  	v12 =	vmul.f32 v10, v12;
	v19 =	vmul.f32 v6, v11;
	v11 =	vsub.s32 $0x5F3759DF, v13  }
0x599: {  	v4 =	vmul.f32 v1, v4;
	v13 =	vsub.f32 $1.500000000e+00, v17;
	v6 =	vmul.f32 v11, v26  }
0x59a: {  	v17 =	vmul.f32 v16, v18;
	v18 =	vld [tilespmem:s8+$0x0];
	v8 =	vmul.f32 v12, v8  }
0x59b: {  	v14 =	vmul.f32 v14, v13;
	v6 =	vmul.f32 v11, v6  }
0x59c: {  	v22 =	vmul.f32 v19, v9;
	v24 =	vmul.f32 v4, v1;
	v4 =	vmax.f32 v7, $1.000000000e-30  }
0x59d: {  	v8 =	vmul.f32 v8, v12;
	v25 =	vmul.f32 v14, v15;
	v13 =	vsub.f32 $1.500000000e+00, v6  }
0x59e: {  	v17 =	vsub.f32 $1.500000000e+00, v17;
	v27 =	vshra.s32 v4, $0x1;
	v7 =	vmul.f32 $5.000000000e-01, v4  }
0x59f: {  	v6 =	vmax.f32 v18, $1.000000000e-30;
	v28 =	vmul.f32 v11, v13;
	v11 =	vmul.f32 v25, v14  }
0x5a0: {  	v22 =	vmul.f32 v22, v19;
	v10 =	vmul.f32 $5.000000000e-01, v6;
	v13 =	vshra.s32 v6, $0x1  }
0x5a1: {  	v18 =	vsub.s32 $0x5F3759DF, v13;
	v25 =	vmul.f32 v28, v26;
	v11 =	vsub.f32 $1.500000000e+00, v11  }
0x5a2: {  	s10 =	simm.s32 $0x14850;
	v16 =	vmul.f32 v16, v17;
	v13 =	vsub.s32 $0x5F3759DF, v27;
	v27 =	vmul.f32 v18, v10  }
0x5a3: {  	v30 =	vld [tilespmem:s10+$0xFFFFFFF0];
	v25 =	vmul.f32 v25, v28;
	v11 =	vmul.f32 v11, v14;
	v14 =	vsub.f32 $1.500000000e+00, v22  }
0x5a4: {  	v29 =	vld [tilespmem:s10+$0x0];
	v22 =	vsub.f32 $1.500000000e+00, v24;
	v24 =	vmul.f32 v13, v7;
	v27 =	vmul.f32 v18, v27  }
0x5a5: {  	v31 =	vmul.f32 v11, v15;
	v55 =	vmul.f32 v14, v19  }
0x5a6: {  	v15 =	vmul.f32 v13, v24;
	v14 =	vsub.f32 $1.500000000e+00, v27;
	v1 =	vmul.f32 v22, v1  }
0x5a7: {  	v24 =	vsub.f32 $1.500000000e+00, v8;
	v19 =	vmul.f32 v31, v11;
	v17 =	vmul.f32 v55, v9  }
0x5a8: {  	s12 =	simm.s32 $0x14A50;
	v8 =	vmax.f32 v30, $1.000000000e-30;
	v18 =	vmul.f32 v18, v14;
	v14 =	vmul.f32 v16, v21  }
0x5a9: {  	v57 =	vld [tilespmem:s12+$0x0];
	v9 =	vmax.f32 v29, $1.000000000e-30;
	v0 =	vmul.f32 v1, v0;
	v24 =	vmul.f32 v24, v12  }
0x5aa: {  	v29 =	vshra.s32 v9, $0x1;
	v22 =	vmul.f32 $5.000000000e-01, v9;
	v30 =	vmul.f32 v18, v10  }
0x5ab: {  	v27 =	vld [tilespmem:s12+$0xFFFFFFF0];
	v29 =	vsub.s32 $0x5F3759DF, v29;
	v31 =	vmul.f32 v14, v16;
	v56 =	vmul.f32 v17, v55  }
0x5ac: {  	v17 =	vshra.s32 v8, $0x1;
	v14 =	vmul.f32 $5.000000000e-01, v8;
	v58 =	vmul.f32 v29, v22  }
0x5ad: {  	v60 =	vmul.f32 v24, v20;
	v36 =	vsub.s32 $0x5F3759DF, v17;
	v31 =	vsub.f32 $1.500000000e+00, v31  }
0x5ae: {  	v12 =	vmax.f32 v57, $1.000000000e-30;
	v1 =	vmul.f32 v36, v14;
	v35 =	vmul.f32 v29, v58  }
0x5af: {  	v24 =	vmul.f32 $5.000000000e-01, v12;
	v31 =	vmul.f32 v31, v16  }
0x5b0: {  	v17 =	vmax.f32 v27, $1.000000000e-30;
	v1 =	vmul.f32 v36, v1;
	v27 =	vsub.f32 $1.500000000e+00, v35  }
0x5b1: {  	v25 =	vsub.f32 $1.500000000e+00, v25;
	v30 =	vmul.f32 v30, v18;
	v59 =	vmul.f32 v31, v21  }
0x5b2: {  	v16 =	vmul.f32 $5.000000000e-01, v17;
	v1 =	vsub.f32 $1.500000000e+00, v1;
	v35 =	vmul.f32 v29, v27  }
0x5b3: {  	v21 =	vmul.f32 v25, v28;
	v27 =	vsub.f32 $1.500000000e+00, v56;
	v61 =	vmul.f32 v59, v31  }
0x5b4: {  	v28 =	vshra.s32 v17, $0x1;
	v20 =	vmul.f32 v36, v1;
	v29 =	vmul.f32 v35, v22  }
0x5b5: {  	v25 =	vshra.s32 v12, $0x1;
	v26 =	vmul.f32 v21, v26;
	v1 =	vmul.f32 v27, v55  }
0x5b6: {  	v25 =	vsub.s32 $0x5F3759DF, v25;
	v63 =	vmul.f32 v20, v14;
	v27 =	vmul.f32 v29, v35  }
0x5b7: {  	v62 =	vsub.f32 $1.500000000e+00, v61;
	v1 =	vmul.f32 v1, v23;
	v29 =	vmul.f32 v25, v24  }
0x5b8: {  	[tilespmem:s11+$0x0] =	vst v0;
	v23 =	vsub.s32 $0x5F3759DF, v28;
	v28 =	vmul.f32 v63, v20;
	v0 =	vsub.f32 $1.500000000e+00, v27  }
0x5b9: {  	v19 =	vsub.f32 $1.500000000e+00, v19;
	[tilespmem:s11+$0xFFFFFFF0] =	vst v60;
	v32 =	vmul.f32 v62, v31;
	v31 =	vmul.f32 v23, v16  }
0x5ba: {  	s13 =	simm.s32 $0x4;
	s14 =	simm.s32 $0x14870;
	v30 =	vsub.f32 $1.500000000e+00, v30;
	v27 =	vmul.f32 v26, v21;
	[tilespmem:s6+$0x0] =	vst v1;
	v26 =	vmul.f32 v0, v35  }
.LBB2_10:
0x5bb: {  	v0 =	vld [tilespmem:s14+$0x0];
	s13 =	sadd.s32 $0x2, s13;
	v1 =	vmul.f32 v25, v29;
	v29 =	vmul.f32 v32, v5;
	v5 =	vmovc v4;
	v4 =	vmov v17  }
0x5bc: {  	v32 =	vsub.f32 $1.500000000e+00, v15;
	v17 =	vld [tilespmem:s14+$0xFFFFFFF0];
	p1 =	slt.u32 s13, $0x1E;
	v22 =	vmul.f32 v26, v22;
	v30 =	vmul.f32 v30, v18  }
0x5bd: {  	v15 =	vmul.f32 v23, v31;
	v31 =	vmul.f32 v19, v11;
	v11 =	vmovc v26;
	v1 =	vsub.f32 $1.500000000e+00, v1;
	[tilespmem:s6+$0xFFFFFFF0] =	vst v29;
	s6 =	smov.u32 s8;
	s8 =	smov.u32 s12;
	s12 =	sadd.s32 $0x20, s12  }
0x5be: {  	v28 =	vsub.f32 $1.500000000e+00, v28;
	v26 =	vld [tilespmem:s12+$0xFFFFFFF0];
	v19 =	vmul.f32 v22, v11;
	v22 =	vmul.f32 v30, v10;
	v10 =	vmovc v24  }
0x5bf: {  	v24 =	vmul.f32 v13, v32;
	v13 =	vmovc v23;
	v18 =	vmul.f32 v25, v1;
	v1 =	vsub.f32 $1.500000000e+00, v27  }
0x5c0: {  	v0 =	vmax.f32 v0, $1.000000000e-30;
	v19 =	vsub.f32 $1.500000000e+00, v19;
	v25 =	vmul.f32 v22, v30  }
0x5c1: {  	v23 =	vmul.f32 v24, v7;
	v27 =	vmax.f32 v17, $1.000000000e-30;
	v17 =	vshra.s32 v0, $0x1  }
0x5c2: {  	v22 =	vmul.f32 $5.000000000e-01, v0;
	v33 =	vmul.f32 v18, v10;
	v29 =	vld [tilespmem:s12+$0x0];
	v32 =	vsub.s32 $0x5F3759DF, v17  }
0x5c3: {  	v34 =	vmul.f32 v23, v24;
	v17 =	vmax.f32 v26, $1.000000000e-30;
	v26 =	vshra.s32 v27, $0x1  }
0x5c4: {  	v35 =	vmul.f32 v32, v22;
	v33 =	vmul.f32 v33, v18;
	v23 =	vshra.s32 v17, $0x1  }
0x5c5: {  	v36 =	vmul.f32 $5.000000000e-01, v27;
	v34 =	vsub.f32 $1.500000000e+00, v34;
	v23 =	vsub.s32 $0x5F3759DF, v23  }
0x5c6: {  	v31 =	vmul.f32 v31, v3;
	v3 =	vmovc v9;
	v9 =	vmovc v0;
	v26 =	vsub.s32 $0x5F3759DF, v26;
	v35 =	vmul.f32 v32, v35  }
0x5c7: {  	v0 =	vmul.f32 v26, v36;
	v34 =	vmul.f32 v34, v24;
	v29 =	vmax.f32 v29, $1.000000000e-30  }
0x5c8: {  	v1 =	vmul.f32 v1, v21;
	v37 =	vmul.f32 $5.000000000e-01, v17;
	v24 =	vsub.f32 $1.500000000e+00, v35;
	[tilespmem:s7+$0x0] =	vst v31  }
0x5c9: {  	v0 =	vmul.f32 v26, v0;
	v31 =	vshra.s32 v29, $0x1;
	v35 =	vmul.f32 v34, v7;
	v7 =	vmovc v16  }
0x5ca: {  	v1 =	vmul.f32 v1, v2;
	v2 =	vmovc v8;
	v8 =	vmovc v27;
	v38 =	vmul.f32 v32, v24;
	v32 =	vsub.f32 $1.500000000e+00, v25  }
0x5cb: {  	v21 =	vmul.f32 v28, v20;
	v16 =	vmovc v37;
	v0 =	vsub.f32 $1.500000000e+00, v0;
	v24 =	vmul.f32 $5.000000000e-01, v29  }
0x5cc: {  	v28 =	vmul.f32 v35, v34;
	v27 =	vmul.f32 v38, v22  }
0x5cd: {  	v25 =	vsub.s32 $0x5F3759DF, v31;
	v20 =	vmul.f32 v26, v0;
	v0 =	vmul.f32 v32, v30  }
.Ltmp4:
0x5ce: {  	v30 =	vsub.f32 $1.500000000e+00, v28;
	v26 =	vmul.f32 v27, v38;
	v27 =	vmul.f32 v21, v14;
	v14 =	vmovc v36;
	(pc) =	sbr.rel @p1 .LBB2_10-.Ltmp4, $4  }
0x5cf: {  	v0 =	vmul.f32 v0, v6;
	v6 =	vmovc v12;
	v12 =	vmov v29;
	v28 =	vmul.f32 v20, v14  }
0x5d0: {  	v29 =	vmul.f32 v25, v24;
	v26 =	vsub.f32 $1.500000000e+00, v26;
	v27 =	vmul.f32 v27, v21  }
0x5d1: {  	v32 =	vmul.f32 v30, v34;
	v28 =	vmul.f32 v28, v20;
	[tilespmem:s6+$0x0] =	vst v0  }
0x5d2: {  	v31 =	vmul.f32 v23, v16;
	v30 =	vsub.f32 $1.500000000e+00, v33;
	v26 =	vmul.f32 v26, v38;
	[tilespmem:s7+$0xFFFFFFF0] =	vst v1;
	s7 =	smov.u32 s10;
	s10 =	smov.u32 s14;
	s14 =	sadd.s32 $0x20, s14  }
0x5d3: {  	v0 =	vsub.f32 $1.500000000e+00, v15;
	v1 =	vmul.f32 v25, v29  }
0x5d4: {  	v46 =	vmul.f32 v23, v31  }
0x5d5: {  	v0 =	vmul.f32 v13, v0;
	v1 =	vsub.f32 $1.500000000e+00, v1  }
0x5d6: {  	v5 =	vmul.f32 v32, v5;
	v11 =	vmul.f32 v19, v11;
	v13 =	vsub.f32 $1.500000000e+00, v46  }
0x5d7: {  	v47 =	vmul.f32 v0, v7;
	v1 =	vmul.f32 v25, v1  }
0x5d8: {  	v22 =	vmul.f32 v26, v22;
	v13 =	vmul.f32 v23, v13  }
0x5d9: {  	v15 =	vmul.f32 v47, v0;
	v25 =	vmul.f32 v1, v24  }
0x5da: {  	v51 =	vsub.f32 $1.500000000e+00, v28;
	v18 =	vmul.f32 v30, v18;
	v23 =	vmul.f32 v13, v16  }
0x5db: {  	v3 =	vmul.f32 v11, v3;
	v15 =	vsub.f32 $1.500000000e+00, v15;
	v48 =	vmul.f32 v25, v1  }
0x5dc: {  	v10 =	vmul.f32 v18, v10;
	v50 =	vmul.f32 v23, v13  }
0x5dd: {  	v55 =	vmul.f32 v51, v20;
	v0 =	vmul.f32 v15, v0;
	v49 =	vsub.f32 $1.500000000e+00, v48  }
0x5de: {  	v22 =	vmul.f32 v22, v26;
	v10 =	vmul.f32 v10, v18;
	v54 =	vsub.f32 $1.500000000e+00, v50  }
0x5df: {  	v52 =	vmul.f32 v0, v7;
	v1 =	vmul.f32 v49, v1  }
0x5e0: {  	v14 =	vmul.f32 v55, v14;
	v10 =	vsub.f32 $1.500000000e+00, v10;
	v13 =	vmul.f32 v54, v13  }
0x5e1: {  	v7 =	vmul.f32 v52, v0;
	v56 =	vmul.f32 v1, v24  }
0x5e2: {  	v60 =	vmul.f32 v14, v55;
	v25 =	vsub.f32 $1.500000000e+00, v27;
	v10 =	vmul.f32 v10, v18  }
0x5e3: {  	v58 =	vmul.f32 v13, v16;
	v7 =	vsub.f32 $1.500000000e+00, v7;
	v57 =	vmul.f32 v56, v1  }
0x5e4: {  	v59 =	vsub.f32 $1.500000000e+00, v22;
	v53 =	vmul.f32 v25, v21;
	v6 =	vmul.f32 v10, v6  }
0x5e5: {  	[tilespmem:s6+$0xFFFFFFF0] =	vst v5;
	v62 =	vmul.f32 v58, v13;
	v0 =	vmul.f32 v7, v0;
	v61 =	vsub.f32 $1.500000000e+00, v57  }
0x5e6: {  	[tilespmem:s7+$0x0] =	vst v3;
	v3 =	vmul.f32 v59, v26;
	v10 =	vsub.f32 $1.500000000e+00, v60;
	v2 =	vmul.f32 v53, v2  }
0x5e7: {  	[tilespmem:s8+$0x0] =	vst v6;
	v63 =	vsub.f32 $1.500000000e+00, v62;
	v0 =	vmul.f32 v0, v4;
	v1 =	vmul.f32 v61, v1  }
0x5e8: {  	[tilespmem:s7+$0xFFFFFFF0] =	vst v2;
	v2 =	vmul.f32 v3, v9;
	v3 =	vmul.f32 v10, v55  }
0x5e9: {  	[tilespmem:s8+$0xFFFFFFF0] =	vst v0;
	v0 =	vmul.f32 v1, v12;
	v1 =	vmul.f32 v63, v13  }
0x5ea: {  	[tilespmem:s10+$0x0] =	vst v2;
	v2 =	vmul.f32 v3, v8  }
0x5eb: {  	[tilespmem:s12+$0x0] =	vst v0;
	v0 =	vmul.f32 v1, v17  }
0x5ec: {  	[tilespmem:s10+$0xFFFFFFF0] =	vst v2  }
0x5ed: {  	[tilespmem:s12+$0xFFFFFFF0] =	vst v0  }
0x5ee: {  	s6 =	simm.s32 $0x0;
	s7 =	rddreg [dreg:$0x10]  }
0x5ef: {  	[hbm4b:s7+s6] =	stream.linear.scatter [tilespmem:s31], [sflag:$0x4], $0x200, $0x38;
	[tilespmem:$0x1D9F0] =	vst v63  }
0x5f0: {  	s8 =	simm.s32 $0x0;
	s18 =	rddreg [dreg:$0x11];
	s7 =	simm.s32 $0x0  }
0x5f1: {  	v25 =	vimm.s32 $0x7C;
	v24 =	vimm.f32 $1.000000000e+00;
	v2 =	vimm.f32 $0.0e+00;
	[hbm4b:s18+s6] =	stream.linear.scatter [tilespmem:s0], [sflag:$0x4], $0x200, $0x38;
	[tilespmem:$0x1D9F0] =	vst v63  }
.LBB2_12:
0x5f2: {  	p1 =	sgt.u32 s8, $0x15  }
0x5f3: {  	s10 =	sadd.s32 @!p1 $0xFFFFFFFF, s8  }
0x5f4: {  	s11 =	smul.u32 @!p1 $0x7D, s8;
	s10 =	sand.u32 @!p1 $0x3, s10  }
0x5f5: {  	s10 =	smul.u32 @!p1 $0x7D00, s10  }
0x5f6: {  	s11 =	sadd.s32 @!p1 s9, s11  }
0x5f7: {  	s12 =	sand.u32 $0x3, s7;
	s11 =	sshll.u32 @!p1 s11, $0x3;
	s10 =	sshrl.u32 @!p1 s10, $0x2  }
0x5f8: {  	s13 =	simm.s32 @!p1 $0x0;
	s11 =	sadd.s32 @!p1 s11, s15;
	s10 =	sadd.s32 @!p1 $0x14C00, s10  }
0x5f9: {  	[tilespmem:s10], [sflag:$0x3] =	stream.linear.gather @!p1 [hbm4b:s11+s13], $0x1F40, $0x38;
	[tilespmem:$0x1D9F0] =	vst v63  }
0x5fa: {  	s16 =	smul.u32 $0x7D00, s12;
	_ =	swait.ge [sflag:s26], $0x1F40  }
0x5fb: {  	[sflag:s26] =	ssyncset.done $0x0  }
0x5fc: {  	s10 =	sshrl.u32 s16, $0x2;
	[sflag:s26] =	ssyncadd.s32 $0xFFFFE0C0  }
0x5fd: {  	s10 =	sadd.s32 $0x14C80, s10;
	[tilespmem:$0x1C970] =	vst v24  }
0x5fe: {  	v0 =	vld [tilespmem:s10+$0x40]  }
0x5ff: {  	v1 =	vld [tilespmem:s10+$0x50]  }
0x600: {  	v3 =	vld [tilespmem:s10+$0xFFFFFF90]  }
0x601: {  	v4 =	vld [tilespmem:s10+$0x60]  }
0x602: {  	v5 =	vld [tilespmem:s10+$0xFFFFFFC0]  }
0x603: {  	v6 =	vld [tilespmem:s10+$0x70]  }
0x604: {  	v7 =	vld [tilespmem:s10+$0xFFFFFFD0]  }
0x605: {  	v8 =	vld [tilespmem:s10+$0x0]  }
0x606: {  	v9 =	vld [tilespmem:s10+$0x10]  }
0x607: {  	v10 =	vld [tilespmem:s10+$0xFFFFFF80];
	v0 =	vmul.f32 v0, v0;
	v1 =	vmul.f32 v1, v1  }
0x608: {  	v11 =	vld [tilespmem:s10+$0xFFFFFFA0]  }
0x609: {  	v12 =	vld [tilespmem:s10+$0x20];
	v0 =	vadd.f32 v1, v0;
	v1 =	vmul.f32 v4, v4  }
0x60a: {  	v13 =	vld [tilespmem:s10+$0xFFFFFFF0]  }
0x60b: {  	v0 =	vadd.f32 v1, v0;
	v1 =	vmul.f32 v6, v6;
	v6 =	vld [tilespmem:s10+$0xFFFFFFB0]  }
0x60c: {  	v3 =	vmul.f32 v3, v3;
	v10 =	vmul.f32 v10, v10;
	v4 =	vld [tilespmem:s10+$0xFFFFFFE0]  }
0x60d: {  	v0 =	vadd.f32 v1, v0;
	v1 =	vld [tilespmem:s10+$0x30];
	s10 =	sadd.s32 $0x100, s10  }
0x60e: {  	v11 =	vmul.f32 v11, v11;
	v3 =	vadd.f32 v3, v10;
	v14 =	vld [tilespmem:s10+$0x40]  }
0x60f: {  	v5 =	vmul.f32 v5, v5;
	v10 =	vld [tilespmem:s10+$0xFFFFFF90];
	(xrf2) =	vadd.scan.msk.f32 $0xffff, v0  }
0x610: {  	v7 =	vmul.f32 v7, v7;
	v3 =	vadd.f32 v11, v3;
	v0 =	vld [tilespmem:s10+$0x50];
	v6 =	vmul.f32 v6, v6  }
0x611: {  	v8 =	vmul.f32 v8, v8;
	v9 =	vmul.f32 v9, v9;
	v11 =	vld [tilespmem:s10+$0x60]  }
0x612: {  	v5 =	vadd.f32 v7, v5;
	v15 =	vld [tilespmem:s10+$0xFFFFFFC0];
	v4 =	vmul.f32 v4, v4;
	v3 =	vadd.f32 v6, v3  }
0x613: {  	v8 =	vadd.f32 v9, v8;
	v7 =	vld [tilespmem:s10+$0x70];
	v6 =	vmul.f32 v12, v12  }
0x614: {  	v9 =	vld [tilespmem:s10+$0xFFFFFFD0];
	v12 =	vmul.f32 v14, v14;
	(xrf2) =	vadd.scan.msk.f32 $0xffff, v3;
	v3 =	vadd.f32 v4, v5;
	v4 =	vmul.f32 v13, v13  }
0x615: {  	v16 =	vmul.f32 v10, v10;
	v10 =	vld [tilespmem:s10+$0xFFFFFFA0];
	v0 =	vmul.f32 v0, v0;
	v6 =	vadd.f32 v6, v8  }
0x616: {  	s17 =	simm.s32 $0x3;
	v1 =	vmul.f32 v1, v1;
	v14 =	vld [tilespmem:s10+$0xFFFFFFE0];
	v4 =	vadd.f32 v4, v3  }
0x617: {  	v11 =	vmul.f32 v11, v11;
	v8 =	vld [tilespmem:s10+$0x10];
	v0 =	vadd.f32 v0, v12;
	v3 =	vmov s17  }
0x618: {  	v12 =	vld [tilespmem:s10+$0xFFFFFF80];
	(xrf2) =	vadd.scan.msk.f32 $0xffff, v4  }
0x619: {  	v7 =	vmul.f32 v7, v7;
	v5 =	vld [tilespmem:s10+$0x0];
	v1 =	vadd.f32 v1, v6;
	v0 =	vadd.f32 v11, v0;
	v6, _, _ =	vpop (xrf2)  }
0x61a: {  	v11 =	vmul.f32 v15, v15;
	v15 =	vld [tilespmem:s10+$0x20];
	v13 =	vbroadcast v6, $0xF;
	v6 =	vmov s6  }
0x61b: {  	v9 =	vmul.f32 v9, v9;
	v0 =	vadd.f32 v7, v0;
	v17 =	vand.u32 $0xFFFFFFFC, v6  }
0x61c: {  	v14 =	vmul.f32 v14, v14;
	v7 =	vld [tilespmem:s10+$0xFFFFFFB0];
	[tilespmem:v3+s28+$0x0] =	vst.idx.msk $0x1, v13;
	v3 =	vbroadcast v17, $0x0  }
0x61d: {  	s18 =	simm.s32 $0x1;
	v6 =	vadd.f32 v9, v11;
	v11 =	vmul.f32 v8, v8;
	v8 =	vld [tilespmem:s10+$0xFFFFFFF0];
	v12 =	vmul.f32 v12, v12;
	(xrf2) =	vadd.scan.msk.f32 $0xffff, v0  }
0x61e: {  	s13 =	sadd.s32 $0x100, s10;
	v5 =	vmul.f32 v5, v5;
	v9 =	vld [tilespmem:s10+$0x30];
	v17 =	vmov s18;
	v13 =	vmul.f32 v10, v10  }
0x61f: {  	s14 =	simm.s32 $0x0;
	s12 =	simm.s32 $0x4;
	v10 =	vld [tilespmem:s13+$0x40];
	v4 =	vand.u32 $0xFFFFFFFD, v17;
	v16 =	vadd.f32 v16, v12;
	v15 =	vmul.f32 v15, v15;
	v0, _, _ =	vpop (xrf2)  }
0x620: {  	s11 =	simm.s32 $0x8;
	s16 =	simm.s32 $0xC;
	s10 =	sand.u32 $0x3, s8;
	v11 =	vadd.f32 v11, v5;
	v12 =	vld [tilespmem:s13+$0x50];
	v4 =	vbroadcast v4, $0x0;
	(xrf2) =	vadd.scan.msk.f32 $0xffff, v1;
	v5 =	vbroadcast v0, $0xF  }
.LBB2_13:
0x621: {  	p1 =	slt.u32 s16, $0x78;
	v0 =	vld [tilespmem:s13+$0xFFFFFF90];
	v1 =	vadd.f32 v13, v16;
	v7 =	vmul.f32 v7, v7;
	v6 =	vadd.f32 v14, v6  }
0x622: {  	v13 =	vld [tilespmem:s13+$0x60];
	v8 =	vmul.f32 v8, v8;
	v11 =	vadd.f32 v15, v11;
	[tilespmem:v3+s28+$0x0] =	vst.idx.msk $0x1, v5;
	v3, _, _ =	vpop (xrf2)  }
0x623: {  	s17 =	sadd.s32 $0x2, s14;
	s14 =	smov.u32 s12;
	s12 =	smov.u32 s11;
	v5 =	vld [tilespmem:s13+$0xFFFFFFC0];
	v1 =	vadd.f32 v7, v1;
	v7 =	vmul.f32 v9, v9;
	v3 =	vbroadcast v3, $0xF  }
0x624: {  	s11 =	smov.u32 s16;
	s18 =	sadd.s32 $0x3, s14;
	v9 =	vld [tilespmem:s13+$0x70];
	v6 =	vadd.f32 v8, v6;
	v8 =	vmov s17  }
0x625: {  	v15 =	vmov s18;
	v16 =	vmul.f32 v10, v10;
	v14 =	vld [tilespmem:s13+$0xFFFFFFD0];
	v12 =	vmul.f32 v12, v12;
	(xrf2) =	vadd.scan.msk.f32 $0xffff, v1  }
0x626: {  	v17 =	vadd.f32 v7, v11;
	v0 =	vmul.f32 v0, v0;
	v1 =	vld [tilespmem:s13+$0x0];
	[tilespmem:v4+s28+$0x0] =	vst.idx.msk $0x1, v3;
	v3 =	vand.u32 $0xFFFFFFFE, v8  }
0x627: {  	v4 =	vld [tilespmem:s13+$0x10];
	v7 =	vadd.f32 v12, v16;
	v8 =	vmul.f32 v13, v13;
	v10, _, _ =	vpop (xrf2);
	v11 =	vbroadcast v3, $0x0  }
0x628: {  	v12 =	vld [tilespmem:s13+$0xFFFFFF80];
	v3 =	vmul.f32 v5, v5;
	v13 =	vbroadcast v10, $0xF;
	(xrf2) =	vadd.scan.msk.f32 $0xffff, v6  }
0x629: {  	v10 =	vld [tilespmem:s13+$0xFFFFFFA0];
	v6 =	vadd.f32 v8, v7;
	v7 =	vmul.f32 v9, v9;
	v8 =	vmov s14  }
0x62a: {  	v18 =	vld [tilespmem:s13+$0xFFFFFFE0];
	v9 =	vmul.f32 v14, v14;
	v8 =	vand.u32 $0xFFFFFFFC, v8;
	[tilespmem:v15+s28+$0x0] =	vst.idx.msk $0x1, v13;
	v5, _, _ =	vpop (xrf2)  }
0x62b: {  	v15 =	vld [tilespmem:s13+$0x20];
	v1 =	vmul.f32 v1, v1;
	v13 =	vadd.f32 v7, v6;
	v5 =	vbroadcast v5, $0xF  }
.Ltmp5:
0x62c: {  	s17 =	sadd.s32 $0x1, s14;
	v7 =	vld [tilespmem:s13+$0xFFFFFFB0];
	v6 =	vadd.f32 v9, v3;
	v4 =	vmul.f32 v4, v4;
	v3 =	vbroadcast v8, $0x0;
	(pc) =	sbr.rel @p1 .LBB2_13-.Ltmp5, $4  }
0x62d: {  	v14 =	vmov s17;
	v12 =	vmul.f32 v12, v12;
	v8 =	vld [tilespmem:s13+$0xFFFFFFF0];
	(xrf2) =	vadd.scan.msk.f32 $0xffff, v13;
	[tilespmem:v11+s28+$0x0] =	vst.idx.msk $0x1, v5  }
0x62e: {  	v13 =	vmul.f32 v10, v10;
	v9 =	vld [tilespmem:s13+$0x30];
	v11 =	vadd.f32 v4, v1;
	s13 =	sadd.s32 $0x100, s13;
	v1 =	vand.u32 $0xFFFFFFFD, v14  }
0x62f: {  	v10 =	vld [tilespmem:s13+$0x40];
	v16 =	vadd.f32 v0, v12;
	v14 =	vmul.f32 v18, v18;
	v4 =	vbroadcast v1, $0x0;
	v0, _, _ =	vpop (xrf2)  }
0x630: {  	s16 =	sadd.s32 $0x4, s16;
	v12 =	vld [tilespmem:s13+$0x50];
	v15 =	vmul.f32 v15, v15;
	v5 =	vbroadcast v0, $0xF;
	(xrf2) =	vadd.scan.msk.f32 $0xffff, v17  }
0x631: {  	v0 =	vld [tilespmem:s13+$0xFFFFFF90]  }
0x632: {  	v1 =	vld [tilespmem:s13+$0x60]  }
0x633: {  	v17 =	vld [tilespmem:s13+$0xFFFFFFC0]  }
0x634: {  	v18 =	vld [tilespmem:s13+$0x70]  }
0x635: {  	v19 =	vld [tilespmem:s13+$0xFFFFFFD0]  }
0x636: {  	v20 =	vld [tilespmem:s13+$0x0]  }
0x637: {  	v21 =	vld [tilespmem:s13+$0x10]  }
0x638: {  	v7 =	vmul.f32 v7, v7;
	v51 =	vld [tilespmem:s13+$0xFFFFFF80];
	v8 =	vmul.f32 v8, v8  }
0x639: {  	v13 =	vadd.f32 v13, v16;
	v52 =	vld [tilespmem:s13+$0xFFFFFFA0];
	v9 =	vmul.f32 v9, v9;
	v10 =	vmul.f32 v10, v10  }
0x63a: {  	v6 =	vadd.f32 v14, v6;
	v53 =	vld [tilespmem:s13+$0xFFFFFFE0];
	v12 =	vmul.f32 v12, v12;
	v0 =	vmul.f32 v0, v0  }
0x63b: {  	v54 =	vld [tilespmem:s13+$0x20];
	v11 =	vadd.f32 v15, v11;
	v1 =	vmul.f32 v1, v1;
	v55 =	vmul.f32 v17, v17  }
0x63c: {  	v57 =	vld [tilespmem:s13+$0xFFFFFFB0];
	v7 =	vadd.f32 v7, v13;
	v56 =	vmul.f32 v18, v18;
	v58 =	vmul.f32 v19, v19  }
0x63d: {  	v59 =	vld [tilespmem:s13+$0xFFFFFFF0];
	v16 =	vmul.f32 v51, v51;
	v60 =	vmul.f32 v20, v20;
	v10 =	vadd.f32 v12, v10  }
0x63e: {  	v62 =	vld [tilespmem:s13+$0x30];
	v6 =	vadd.f32 v8, v6;
	v61 =	vmul.f32 v21, v21;
	v14 =	vmul.f32 v52, v52  }
0x63f: {  	v63 =	vmul.f32 v53, v53;
	v0 =	vadd.f32 v0, v16;
	v1 =	vadd.f32 v1, v10  }
0x640: {  	(xrf2) =	vadd.scan.msk.f32 $0xffff, v7;
	v12 =	vmul.f32 v54, v54;
	v7 =	vadd.f32 v61, v60;
	v10 =	vadd.f32 v58, v55  }
0x641: {  	v16 =	vmul.f32 v57, v57;
	v0 =	vadd.f32 v14, v0;
	v1 =	vadd.f32 v56, v1  }
0x642: {  	v9 =	vadd.f32 v9, v11;
	(xrf2) =	vadd.scan.msk.f32 $0xffff, v6;
	v18 =	vmul.f32 v59, v59;
	v17 =	vadd.f32 v63, v10  }
0x643: {  	v19 =	vmul.f32 v62, v62;
	v0 =	vadd.f32 v16, v0;
	(xrf2) =	vadd.scan.msk.f32 $0xffff, v1;
	v1 =	vadd.f32 v12, v7  }
0x644: {  	s16 =	sadd.s32 $0x2, s14;
	v29 =	vmov s12;
	v20, _, _ =	vpop (xrf2);
	v6 =	vadd.f32 v18, v17;
	(xrf2) =	vadd.scan.msk.f32 $0xffff, v9  }
0x645: {  	s18 =	sadd.s32 $0x1, s12;
	v36 =	vmov s11;
	v21 =	vmov s16;
	(xrf2) =	vadd.scan.msk.f32 $0xffff, v0;
	v0 =	vadd.f32 v19, v1  }
0x646: {  	s17 =	sadd.s32 $0x3, s12;
	s14 =	sadd.s32 $0x2, s12;
	v31 =	vand.u32 $0xFFFFFFFC, v29;
	v33 =	vmov s18;
	v23 =	vand.u32 $0xFFFFFFFE, v21;
	v28, _, _ =	vpop (xrf2);
	(xrf2) =	vadd.scan.msk.f32 $0xffff, v6  }
0x647: {  	v34 =	vmov s14;
	v32, _, _ =	vpop (xrf2);
	v9 =	vbroadcast v23, $0x0;
	v1 =	vmov s17;
	(xrf2) =	vadd.scan.msk.f32 $0xffff, v0  }
0x648: {  	v38 =	vand.u32 $0xFFFFFFFC, v36;
	v11 =	vand.u32 $0xFFFFFFFD, v33;
	v7 =	vbroadcast v31, $0x0  }
0x649: {  	s18 =	sadd.s32 $0x2, s11;
	v35 =	vand.u32 $0xFFFFFFFE, v34;
	v11 =	vbroadcast v11, $0x0;
	v22 =	vbroadcast v20, $0xF  }
0x64a: {  	[tilespmem:v3+s28+$0x0] =	vst.idx.msk $0x1, v5;
	v42 =	vmov s18;
	v37 =	vbroadcast v35, $0x0;
	s16 =	sadd.s32 $0x3, s11;
	v30 =	vbroadcast v28, $0xF;
	s17 =	sadd.s32 $0x1, s11  }
0x64b: {  	v3 =	vmov s16;
	[tilespmem:v4+s28+$0x0] =	vst.idx.msk $0x1, v22;
	v10 =	vbroadcast v32, $0xF;
	v39 =	vmov s17;
	v0, _, _ =	vpop (xrf2)  }
0x64c: {  	v41 =	vand.u32 $0xFFFFFFFD, v39;
	v0 =	vbroadcast v0, $0xF;
	v40, _, _ =	vpop (xrf2);
	[tilespmem:v1+s28+$0x0] =	vst.idx.msk $0x1, v30;
	v1 =	vbroadcast v38, $0x0  }
0x64d: {  	v6 =	vand.u32 $0xFFFFFFFE, v42;
	v5 =	vbroadcast v41, $0x0;
	[tilespmem:v9+s28+$0x0] =	vst.idx.msk $0x1, v10;
	v44 =	vbroadcast v40, $0xF;
	v43, _, _ =	vpop (xrf2)  }
0x64e: {  	v6 =	vbroadcast v6, $0x0;
	[tilespmem:v7+s28+$0x0] =	vst.idx.msk $0x1, v0;
	v45, _, _ =	vpop (xrf2);
	v0 =	vbroadcast v43, $0xF  }
0x64f: {  	[tilespmem:v11+s28+$0x0] =	vst.idx.msk $0x1, v44;
	v46 =	vbroadcast v45, $0xF;
	v47, _, _ =	vpop (xrf2)  }
0x650: {  	[tilespmem:v3+s28+$0x0] =	vst.idx.msk $0x1, v0;
	v0 =	vbroadcast v47, $0xF;
	v3, _, _ =	vpop (xrf2)  }
0x651: {  	[tilespmem:v37+s28+$0x0] =	vst.idx.msk $0x1, v46;
	v3 =	vbroadcast v3, $0xF;
	v48, _, _ =	vpop (xrf2)  }
0x652: {  	s10 =	smul.u32 $0x7D00, s10;
	[tilespmem:v1+s28+$0x0] =	vst.idx.msk $0x1, v0;
	v0 =	vbroadcast v48, $0xF  }
0x653: {  	[tilespmem:v5+s28+$0x0] =	vst.idx.msk $0x1, v3  }
0x654: {  	s10 =	sshrl.u32 s10, $0x2;
	[tilespmem:v6+s28+$0x0] =	vst.idx.msk $0x1, v0  }
0x655: {  	v0 =	vld [tilespmem:s10+$0x16B00]  }
0x656: {  	v1 =	vld [tilespmem:s10+$0x16B10];
	_ =	sdelay $0x1  }
0x657: {  	v3 =	vld [tilespmem:s10+$0x16B20];
	_ =	sdelay $0x1  }
0x658: {  	v49 =	vld [tilespmem:s10+$0x16B30]  }
0x659: {  	v0 =	vmul.f32 v0, v0;
	v1 =	vmul.f32 v1, v1;
	_ =	sdelay $0x1  }
0x65a: {  	v0 =	vadd.f32 v1, v0;
	v1 =	vmul.f32 v3, v3;
	_ =	sdelay $0x1  }
0x65b: {  	v0 =	vadd.f32 v1, v0;
	v1 =	vmul.f32 v49, v49;
	_ =	sdelay $0x1  }
0x65c: {  	v0 =	vadd.f32 v1, v0;
	_ =	sdelay $0x1  }
0x65d: {  	(xrf2) =	vadd.scan.msk.f32 $0xffff, v0;
	_ =	sdelay $0x9  }
0x65e: {  	v0, _, _ =	vpop (xrf2)  }
0x65f: {  	v0 =	vbroadcast v0, $0xF;
	_ =	sdelay $0x1  }
0x660: {  	[tilespmem:v25+s28+$0x0] =	vst.idx.msk $0x1, v0  }
0x661: {  	v0 =	vld [tilespmem:$0x1C900];
	_ =	sdelay $0x3  }
0x662: {  	v1 =	vld [tilespmem:$0x1C910]  }
0x663: {  	v0 =	vmax.f32 v0, $1.000000000e+00  }
0x664: {  	v3 =	vshra.s32 v0, $0x1;
	v50 =	vmul.f32 $5.000000000e-01, v0  }
0x665: {  	v3 =	vsub.s32 $0x5F3759DF, v3  }
0x666: {  	v51 =	vmul.f32 v3, v50  }
0x667: {  	v6 =	vld [tilespmem:$0x1C920];
	v1 =	vmax.f32 v1, $1.000000000e+00  }
0x668: {  	v52 =	vshra.s32 v1, $0x1;
	v53 =	vmul.f32 $5.000000000e-01, v1;
	v5 =	vmul.f32 v3, v51  }
0x669: {  	v7 =	vsub.s32 $0x5F3759DF, v52  }
0x66a: {  	v54 =	vmul.f32 v7, v53;
	v5 =	vsub.f32 $1.500000000e+00, v5  }
0x66b: {  	v11 =	vld [tilespmem:$0x1C930]  }
0x66c: {  	v6 =	vmax.f32 v6, $1.000000000e+00;
	v55 =	vmul.f32 v7, v54;
	v3 =	vmul.f32 v3, v5  }
0x66d: {  	v56 =	vshra.s32 v6, $0x1;
	v57 =	vmul.f32 $5.000000000e-01, v6  }
0x66e: {  	v9 =	vsub.s32 $0x5F3759DF, v56;
	v5 =	vsub.f32 $1.500000000e+00, v55;
	v58 =	vmul.f32 v3, v50  }
0x66f: {  	v59 =	vmul.f32 v9, v57  }
0x670: {  	v11 =	vmax.f32 v11, $1.000000000e+00;
	v5 =	vmul.f32 v7, v5;
	v12 =	vmul.f32 v58, v3  }
0x671: {  	v62 =	vshra.s32 v11, $0x1;
	v63 =	vmul.f32 $5.000000000e-01, v11;
	v60 =	vmul.f32 v9, v59  }
0x672: {  	v21 =	vsub.s32 $0x5F3759DF, v62;
	v61 =	vmul.f32 v5, v53;
	v12 =	vsub.f32 $1.500000000e+00, v12  }
0x673: {  	v22 =	vmul.f32 v21, v63;
	v7 =	vsub.f32 $1.500000000e+00, v60  }
0x674: {  	v29 =	vld [tilespmem:$0x1C940];
	v20 =	vmul.f32 v61, v5;
	v3 =	vmul.f32 v12, v3  }
0x675: {  	v36 =	vld [tilespmem:$0x1C960];
	v7 =	vmul.f32 v9, v7;
	v9 =	vmul.f32 v21, v22  }
0x676: {  	v37 =	vld [tilespmem:$0x1C970];
	v12 =	vsub.f32 $1.500000000e+00, v20;
	v4 =	vmul.f32 v3, v50  }
0x677: {  	v23 =	vmul.f32 v7, v57;
	v9 =	vsub.f32 $1.500000000e+00, v9  }
0x678: {  	v5 =	vmul.f32 v12, v5;
	v4 =	vmul.f32 v4, v3  }
0x679: {  	v33 =	vmax.f32 v29, $1.000000000e+00;
	v9 =	vmul.f32 v21, v9  }
0x67a: {  	v32 =	vld [tilespmem:$0x1C950];
	v28 =	vmul.f32 v23, v7;
	v8 =	vmul.f32 v5, v53;
	v4 =	vsub.f32 $1.500000000e+00, v4  }
0x67b: {  	v14 =	vmax.f32 v36, $1.000000000e+00;
	v16 =	vmax.f32 v37, $1.000000000e+00;
	v31 =	vmul.f32 v9, v63  }
0x67c: {  	v12 =	vsub.f32 $1.500000000e+00, v28;
	v30 =	vmul.f32 v8, v5;
	v3 =	vmul.f32 v4, v3  }
0x67d: {  	v34 =	vshra.s32 v33, $0x1;
	v35 =	vmul.f32 $5.000000000e-01, v33;
	v8 =	vmul.f32 v31, v9  }
0x67e: {  	v7 =	vmul.f32 v12, v7;
	v0 =	vmul.f32 v3, v0;
	v3 =	vsub.f32 $1.500000000e+00, v30  }
0x67f: {  	v43 =	vmul.f32 $5.000000000e-01, v14;
	v8 =	vsub.f32 $1.500000000e+00, v8;
	v4 =	vmax.f32 v32, $1.000000000e+00  }
0x680: {  	v10 =	vmul.f32 v7, v57;
	v38 =	vshra.s32 v4, $0x1;
	v3 =	vmul.f32 v3, v5  }
0x681: {  	v39 =	vmul.f32 $5.000000000e-01, v4;
	v8 =	vmul.f32 v8, v9;
	v5 =	vsub.s32 $0x5F3759DF, v34  }
0x682: {  	v9 =	vsub.s32 $0x5F3759DF, v38;
	v1 =	vmul.f32 v3, v1;
	v3 =	vmul.f32 v5, v35  }
0x683: {  	v42 =	vshra.s32 v14, $0x1;
	v45 =	vmul.f32 $5.000000000e-01, v16;
	v41 =	vmul.f32 v9, v39  }
0x684: {  	v18 =	vsub.s32 $0x5F3759DF, v42;
	v10 =	vmul.f32 v10, v7;
	v3 =	vmul.f32 v5, v3  }
0x685: {  	v44 =	vshra.s32 v16, $0x1;
	v22 =	vmul.f32 v18, v43;
	v15 =	vmul.f32 v9, v41  }
0x686: {  	v20 =	vsub.s32 $0x5F3759DF, v44;
	v10 =	vsub.f32 $1.500000000e+00, v10;
	v3 =	vsub.f32 $1.500000000e+00, v3  }
0x687: {  	v22 =	vmul.f32 v18, v22;
	v46 =	vmul.f32 v20, v45;
	v15 =	vsub.f32 $1.500000000e+00, v15  }
0x688: {  	v7 =	vmul.f32 v10, v7;
	v3 =	vmul.f32 v5, v3  }
0x689: {  	v48 =	vsub.f32 $1.500000000e+00, v22;
	v40 =	vmul.f32 v8, v63;
	v47 =	vmul.f32 v9, v15  }
0x68a: {  	v5 =	vmul.f32 v20, v46;
	v23 =	vmul.f32 v3, v35  }
0x68b: {  	v9 =	vmul.f32 v18, v48;
	v50 =	vmul.f32 v47, v39  }
0x68c: {  	v10 =	vmul.f32 v40, v8;
	v5 =	vsub.f32 $1.500000000e+00, v5;
	v49 =	vmul.f32 v23, v3  }
0x68d: {  	v0 =	vadd.f32 $-1.000000000e+00, v0;
	v53 =	vmul.f32 v9, v43;
	v52 =	vmul.f32 v50, v47  }
0x68e: {  	v6 =	vmul.f32 v7, v6;
	v5 =	vmul.f32 v20, v5;
	v51 =	vsub.f32 $1.500000000e+00, v49  }
0x68f: {  	v10 =	vsub.f32 $1.500000000e+00, v10;
	v18 =	vmul.f32 v53, v9;
	v15 =	vsub.f32 $1.500000000e+00, v52  }
0x690: {  	v0 =	vmax.f32 v0, $0.0e+00;
	v54 =	vmul.f32 v5, v45;
	v3 =	vmul.f32 v51, v3  }
0x691: {  	v8 =	vmul.f32 v10, v8;
	v55 =	vsub.f32 $1.500000000e+00, v18;
	v7 =	vmul.f32 v15, v47  }
0x692: {  	v1 =	vadd.f32 $-1.000000000e+00, v1;
	v10 =	vmul.f32 v54, v5;
	v13 =	vmul.f32 v3, v35  }
0x693: {  	v0 =	vadd.f32 v0, v2;
	v2 =	vmul.f32 v55, v9;
	v56 =	vmul.f32 v7, v39  }
0x694: {  	v1 =	vmax.f32 v1, $0.0e+00;
	v10 =	vsub.f32 $1.500000000e+00, v10;
	v13 =	vmul.f32 v13, v3  }
0x695: {  	v0 =	vadd.f32 v1, v0;
	v58 =	vmul.f32 v2, v43;
	v1 =	vmul.f32 v56, v7  }
0x696: {  	v5 =	vmul.f32 v10, v5;
	v57 =	vsub.f32 $1.500000000e+00, v13  }
0x697: {  	v8 =	vmul.f32 v8, v11;
	v9 =	vmul.f32 v58, v2;
	v1 =	vsub.f32 $1.500000000e+00, v1  }
0x698: {  	v6 =	vadd.f32 $-1.000000000e+00, v6;
	v59 =	vmul.f32 v5, v45;
	v3 =	vmul.f32 v57, v3  }
0x699: {  	v8 =	vadd.f32 $-1.000000000e+00, v8;
	v60 =	vsub.f32 $1.500000000e+00, v9;
	v1 =	vmul.f32 v1, v7  }
0x69a: {  	v6 =	vmax.f32 v6, $0.0e+00;
	v61 =	vmul.f32 v59, v5;
	v3 =	vmul.f32 v3, v33  }
0x69b: {  	v0 =	vadd.f32 v6, v0;
	v62 =	vmax.f32 v8, $0.0e+00;
	v2 =	vmul.f32 v60, v2  }
0x69c: {  	v1 =	vmul.f32 v1, v4;
	v63 =	vsub.f32 $1.500000000e+00, v61;
	v3 =	vadd.f32 $-1.000000000e+00, v3  }
0x69d: {  	v0 =	vadd.f32 v62, v0;
	v2 =	vmul.f32 v2, v14  }
0x69e: {  	v1 =	vadd.f32 $-1.000000000e+00, v1;
	v4 =	vmul.f32 v63, v5;
	v3 =	vmax.f32 v3, $0.0e+00  }
0x69f: {  	s8 =	sadd.s32 $0x1, s8;
	v0 =	vadd.f32 v3, v0  }
0x6a0: {  	p1 =	sne.s32 s8, $0x19;
	v2 =	vadd.f32 $-1.000000000e+00, v2;
	v1 =	vmax.f32 v1, $0.0e+00;
	v3 =	vmul.f32 v4, v16  }
.Ltmp6:
0x6a1: {  	v0 =	vadd.f32 v1, v0;
	(pc) =	sbr.rel @p1 .LBB2_12-.Ltmp6, $4  }
0x6a2: {  	v1 =	vmax.f32 v2, $0.0e+00;
	v2 =	vadd.f32 $-1.000000000e+00, v3  }
0x6a3: {  	v0 =	vadd.f32 v1, v0  }
0x6a4: {  	v1 =	vmax.f32 v2, $0.0e+00  }
0x6a5: {  	s7 =	sadd.s32 $0x1, s7;
	v2 =	vadd.f32 v1, v0  }
0x6a6: {  	_ = 	snop  }
0x6a7: {  	s6 =	simm.s32 $0x0;
	s7 =	rddreg [dreg:$0x12];
	s8 =	simm.s32 $0x1D9E0;
	[tilespmem:$0x1D9E0] =	vst v2  }
0x6a8: {  	[hbm4b:s7+s6] =	stream.linear.scatter [tilespmem:s8], [sflag:$0x5], $0x10, $0x38;
	[tilespmem:$0x1D9F0] =	vst v63  }
0x6a9: {  	_ =	swait.ge [sflag:s29], $0x10  }
0x6aa: {  	[sflag:s29] =	ssyncset.done $0x0  }
0x6ab: {  	s13 =	simm.s32 $0x1C980;
	s12 =	rddreg [dreg:$0x13];
	[sflag:s29] =	ssyncadd.s32 $0xFFFFFFF0  }
0x6ac: {  	[tilespmem:s13], [sflag:$0x5] =	stream.linear.gather [hbm4b:s12+s6], $0x800, $0x38;
	[tilespmem:$0x1D9F0] =	vst v63  }
0x6ad: {  	_ =	swait.ge [sflag:s29], $0x800  }
0x6ae: {  	[sflag:s29] =	ssyncset.done $0x0  }
0x6af: {  	s16 =	simm.s32 $0x1D180;
	s14 =	rddreg [dreg:$0x14];
	[sflag:s29] =	ssyncadd.s32 $0xFFFFF800  }
0x6b0: {  	[tilespmem:s16], [sflag:$0x5] =	stream.linear.gather [hbm4b:s14+s6], $0x800, $0x38;
	[tilespmem:$0x1D9F0] =	vst v63  }
0x6b1: {  	_ =	swait.ge [sflag:s29], $0x800  }
0x6b2: {  	[sflag:s29] =	ssyncset.done $0x0  }
0x6b3: {  	s17 =	simm.s32 $0x1CA00;
	[sflag:s29] =	ssyncadd.s32 $0xFFFFF800  }
0x6b4: {  	v0 =	vld [tilespmem:s17+$0x40]  }
0x6b5: {  	s18 =	simm.s32 $0x1D200;
	v1 =	vld [tilespmem:s17+$0x50]  }
0x6b6: {  	v2 =	vld [tilespmem:s18+$0x40]  }
0x6b7: {  	v3 =	vld [tilespmem:s18+$0x50]  }
0x6b8: {  	v4 =	vld [tilespmem:s17+$0x60]  }
0x6b9: {  	v5 =	vld [tilespmem:s18+$0x60]  }
0x6ba: {  	v6 =	vld [tilespmem:s17+$0x70]  }
0x6bb: {  	v7 =	vld [tilespmem:s18+$0x70]  }
0x6bc: {  	v8 =	vld [tilespmem:s17+$0xFFFFFF90]  }
0x6bd: {  	v9 =	vld [tilespmem:s18+$0xFFFFFF80]  }
0x6be: {  	v10 =	vld [tilespmem:s18+$0xFFFFFF90]  }
0x6bf: {  	v11 =	vld [tilespmem:s17+$0xFFFFFFC0]  }
0x6c0: {  	v12 =	vld [tilespmem:s17+$0xFFFFFFD0]  }
0x6c1: {  	v13 =	vld [tilespmem:s18+$0xFFFFFFC0]  }
0x6c2: {  	v14 =	vld [tilespmem:s17+$0x0]  }
0x6c3: {  	v15 =	vld [tilespmem:s18+$0x10];
	v2 =	vmul.f32 v2, v0;
	v3 =	vmul.f32 v3, v1  }
0x6c4: {  	v19 =	vld [tilespmem:s18+$0x20];
	v0 =	vmul.f32 v0, v0;
	v1 =	vmul.f32 v1, v1  }
0x6c5: {  	v2 =	vadd.f32 v3, v2;
	v3 =	vmul.f32 v5, v4;
	v5 =	vld [tilespmem:s18+$0xFFFFFFD0]  }
0x6c6: {  	v0 =	vadd.f32 v1, v0;
	v1 =	vmul.f32 v4, v4;
	v4 =	vld [tilespmem:s18+$0x0]  }
0x6c7: {  	v7 =	vmul.f32 v7, v6;
	v2 =	vadd.f32 v3, v2;
	v3 =	vld [tilespmem:s17+$0x10]  }
0x6c8: {  	v0 =	vadd.f32 v1, v0;
	v1 =	vmul.f32 v6, v6;
	v6 =	vld [tilespmem:s17+$0xFFFFFF80]  }
0x6c9: {  	v16 =	vmul.f32 v11, v11;
	v2 =	vadd.f32 v7, v2;
	v7 =	vld [tilespmem:s17+$0xFFFFFFA0]  }
0x6ca: {  	v17 =	vmul.f32 v12, v12;
	v11 =	vmul.f32 v13, v11;
	v0 =	vadd.f32 v1, v0;
	v1 =	vld [tilespmem:s18+$0xFFFFFFA0]  }
0x6cb: {  	v13 =	vmul.f32 v14, v14;
	v5 =	vmul.f32 v5, v12;
	v12 =	vld [tilespmem:s17+$0x20]  }
0x6cc: {  	(xrf2) =	vadd.scan.msk.f32 $0xffff, v2;
	v2 =	vmul.f32 v8, v8;
	v8 =	vmul.f32 v10, v8;
	v10 =	vld [tilespmem:s17+$0xFFFFFFE0]  }
0x6cd: {  	v4 =	vmul.f32 v4, v14;
	(xrf2) =	vadd.scan.msk.f32 $0xffff, v0;
	v0 =	vld [tilespmem:s18+$0xFFFFFFE0];
	v18 =	vmul.f32 v3, v3  }
0x6ce: {  	v59 =	vld [tilespmem:s17+$0xFFFFFFB0];
	v16 =	vadd.f32 v17, v16;
	v14 =	vmul.f32 v6, v6;
	v6 =	vmul.f32 v9, v6  }
0x6cf: {  	v5 =	vadd.f32 v5, v11;
	v3 =	vmul.f32 v15, v3;
	v9 =	vld [tilespmem:s18+$0xFFFFFFB0];
	v11 =	vadd.f32 v18, v13  }
0x6d0: {  	v2 =	vadd.f32 v2, v14;
	v14 =	vld [tilespmem:s17+$0xFFFFFFF0];
	v6 =	vadd.f32 v8, v6;
	v1 =	vmul.f32 v1, v7  }
0x6d1: {  	v13 =	vmul.f32 v7, v7;
	v7 =	vld [tilespmem:s18+$0xFFFFFFF0];
	v3 =	vadd.f32 v3, v4;
	v4 =	vmul.f32 v10, v10  }
0x6d2: {  	s10 =	simm.s32 $0x3;
	v1 =	vadd.f32 v1, v6;
	v6 =	vmul.f32 v12, v12;
	v0 =	vmul.f32 v0, v10;
	v10 =	vld [tilespmem:s17+$0x30]  }
0x6d3: {  	v15 =	vmov s10;
	s10 =	simm.s32 $0x1D300;
	v2 =	vadd.f32 v13, v2;
	v13 =	vld [tilespmem:s18+$0x30];
	v12 =	vmul.f32 v19, v12  }
0x6d4: {  	v4 =	vadd.f32 v4, v16;
	v62 =	vadd.f32 v6, v11;
	v6 =	vmul.f32 v9, v59;
	v11 =	vld [tilespmem:s10+$0x40]  }
0x6d5: {  	s8 =	simm.s32 $0x1CB00;
	v3 =	vadd.f32 v12, v3;
	v9 =	vmul.f32 v59, v59;
	v12 =	vld [tilespmem:s10+$0x50];
	v0 =	vadd.f32 v0, v5  }
0x6d6: {  	v5 =	vld [tilespmem:s8+$0x40];
	v1 =	vadd.f32 v6, v1;
	v6 =	vmul.f32 v14, v14;
	v14 =	vmul.f32 v7, v14;
	v8, _, _ =	vpop (xrf2)  }
0x6d7: {  	v7 =	vadd.f32 v9, v2;
	v60 =	vbroadcast v8, $0xF;
	v61, _, _ =	vpop (xrf2);
	v8 =	vld [tilespmem:s8+$0x50];
	v2 =	vmul.f32 v10, v10  }
0x6d8: {  	v9 =	vld [tilespmem:s8+$0x60];
	v63 =	vmul.f32 v13, v10;
	(xrf2) =	vadd.scan.msk.f32 $0xffff, v1;
	v16 =	vbroadcast v61, $0xF  }
0x6d9: {  	v4 =	vadd.f32 v6, v4;
	v6 =	vadd.f32 v14, v0;
	v13 =	vld [tilespmem:s10+$0x60];
	[tilespmem:v15+s22+$0x0] =	vst.idx.msk $0x1, v60  }
0x6da: {  	s11 =	simm.s32 $0x8;
	s7 =	simm.s32 $0x4;
	v10 =	vld [tilespmem:s8+$0x70];
	v2 =	vadd.f32 v2, v62;
	v3 =	vadd.f32 v63, v3;
	[tilespmem:v15+s23+$0x0] =	vst.idx.msk $0x1, v16  }
.LBB2_16:
0x6db: {  	p1 =	slt.u32 s11, $0x1C;
	v0 =	vld [tilespmem:s10+$0x70];
	(xrf2) =	vadd.scan.msk.f32 $0xffff, v7  }
0x6dc: {  	v7 =	vmul.f32 v11, v5;
	v1 =	vld [tilespmem:s8+$0xFFFFFF90];
	v11 =	vmul.f32 v12, v8  }
0x6dd: {  	v12 =	vld [tilespmem:s10+$0xFFFFFF80]  }
0x6de: {  	v14 =	vld [tilespmem:s10+$0xFFFFFF90];
	v7 =	vadd.f32 v11, v7;
	v11 =	vmul.f32 v13, v9;
	v13 =	vmov s6;
	(xrf2) =	vadd.scan.msk.f32 $0xffff, v6  }
0x6df: {  	v5 =	vmul.f32 v5, v5;
	v8 =	vmul.f32 v8, v8;
	v6 =	vld [tilespmem:s8+$0xFFFFFFC0];
	v13 =	vand.u32 $0xFFFFFFFC, v13  }
0x6e0: {  	v15 =	vld [tilespmem:s8+$0xFFFFFFD0];
	v7 =	vadd.f32 v11, v7;
	v0 =	vmul.f32 v0, v10;
	v11 =	vbroadcast v13, $0x0  }
0x6e1: {  	s12 =	sadd.s32 $0x1, s6;
	v5 =	vadd.f32 v8, v5;
	v8 =	vmul.f32 v9, v9;
	v13 =	vmul.f32 v1, v1;
	v16 =	vld [tilespmem:s10+$0xFFFFFFC0];
	(xrf2) =	vadd.scan.msk.f32 $0xffff, v4  }
0x6e2: {  	v4 =	vld [tilespmem:s10+$0xFFFFFFD0];
	v0 =	vadd.f32 v0, v7;
	v7 =	vmov s12;
	v9, _, _ =	vpop (xrf2)  }
0x6e3: {  	v19 =	vmul.f32 v10, v10;
	v5 =	vadd.f32 v8, v5;
	v1 =	vmul.f32 v14, v1;
	v14 =	vld [tilespmem:s8+$0x0]  }
0x6e4: {  	v7 =	vand.u32 $0xFFFFFFFD, v7;
	v10 =	vmul.f32 v6, v6;
	v17 =	vld [tilespmem:s8+$0x10];
	(xrf2) =	vadd.scan.msk.f32 $0xffff, v0;
	v0 =	vbroadcast v9, $0xF  }
0x6e5: {  	v5 =	vadd.f32 v19, v5;
	v7 =	vbroadcast v7, $0x0;
	v9 =	vmul.f32 v15, v15;
	v18 =	vld [tilespmem:s10+$0x0];
	v8, _, _ =	vpop (xrf2)  }
0x6e6: {  	v6 =	vmul.f32 v16, v6;
	v16 =	vld [tilespmem:s10+$0x10];
	[tilespmem:v11+s22+$0x0] =	vst.idx.msk $0x1, v0;
	v19 =	vbroadcast v8, $0xF  }
0x6e7: {  	v8 =	vld [tilespmem:s8+$0xFFFFFF80];
	v4 =	vmul.f32 v4, v15;
	v9 =	vadd.f32 v9, v10;
	(xrf2) =	vadd.scan.msk.f32 $0xffff, v5  }
0x6e8: {  	v5 =	vld [tilespmem:s8+$0xFFFFFFA0];
	v10 =	vmul.f32 v14, v14;
	[tilespmem:v11+s23+$0x0] =	vst.idx.msk $0x1, v19;
	v0, _, _ =	vpop (xrf2)  }
0x6e9: {  	v11 =	vld [tilespmem:s10+$0xFFFFFFA0];
	v4 =	vadd.f32 v4, v6;
	v6 =	vmul.f32 v17, v17;
	v19 =	vbroadcast v0, $0xF  }
0x6ea: {  	v15 =	vld [tilespmem:s8+$0xFFFFFFE0];
	v14 =	vmul.f32 v18, v14;
	(xrf2) =	vadd.scan.msk.f32 $0xffff, v3  }
0x6eb: {  	v3 =	vld [tilespmem:s10+$0xFFFFFFE0];
	v16 =	vmul.f32 v16, v17;
	v6 =	vadd.f32 v6, v10;
	[tilespmem:v7+s22+$0x0] =	vst.idx.msk $0x1, v19;
	v0, _, _ =	vpop (xrf2)  }
0x6ec: {  	v10 =	vmul.f32 v12, v8;
	v8 =	vmul.f32 v8, v8;
	v12 =	vld [tilespmem:s8+$0x20]  }
0x6ed: {  	s12 =	sadd.s32 $0x3, s7;
	v0 =	vbroadcast v0, $0xF;
	v17 =	vmul.f32 v5, v5;
	v18 =	vld [tilespmem:s10+$0x20];
	v14 =	vadd.f32 v16, v14;
	(xrf2) =	vadd.scan.msk.f32 $0xffff, v2  }
0x6ee: {  	v2 =	vld [tilespmem:s8+$0xFFFFFFB0];
	v1 =	vadd.f32 v1, v10;
	v8 =	vadd.f32 v13, v8;
	v10 =	vmov s12;
	v13, _, _ =	vpop (xrf2);
	s12 =	sadd.s32 $0x2, s6;
	s6 =	smov.u32 s7;
	s7 =	smov.u32 s11  }
0x6ef: {  	v5 =	vmul.f32 v11, v5;
	v16 =	vld [tilespmem:s10+$0xFFFFFFB0];
	v11 =	vmul.f32 v15, v15;
	[tilespmem:v7+s23+$0x0] =	vst.idx.msk $0x1, v0;
	v0 =	vmov s12  }
0x6f0: {  	v7 =	vadd.f32 v17, v8;
	v17 =	vld [tilespmem:s8+$0xFFFFFFF0];
	v3 =	vmul.f32 v3, v15;
	v0 =	vand.u32 $0xFFFFFFFE, v0  }
0x6f1: {  	v1 =	vadd.f32 v5, v1;
	v8 =	vbroadcast v13, $0xF;
	v15 =	vld [tilespmem:s10+$0xFFFFFFF0];
	v5 =	vmul.f32 v12, v12;
	v13, _, _ =	vpop (xrf2)  }
0x6f2: {  	v3 =	vadd.f32 v3, v4;
	v19 =	vld [tilespmem:s8+$0x30];
	v20 =	vmul.f32 v18, v12;
	v12 =	vbroadcast v13, $0xF  }
0x6f3: {  	v9 =	vadd.f32 v11, v9;
	v0 =	vbroadcast v0, $0x0;
	s8 =	sadd.s32 $0x100, s8;
	v13 =	vld [tilespmem:s10+$0x30];
	v18 =	vadd.f32 v5, v6;
	[tilespmem:v10+s22+$0x0] =	vst.idx.msk $0x1, v8  }
0x6f4: {  	v5 =	vld [tilespmem:s8+$0x40];
	v6 =	vmul.f32 v16, v2;
	v14 =	vadd.f32 v20, v14;
	[tilespmem:v10+s23+$0x0] =	vst.idx.msk $0x1, v12;
	v4, _, _ =	vpop (xrf2)  }
0x6f5: {  	s10 =	sadd.s32 $0x100, s10;
	v2 =	vmul.f32 v2, v2;
	v8 =	vld [tilespmem:s8+$0x50];
	v16 =	vmul.f32 v17, v17  }
.Ltmp7:
0x6f6: {  	v11 =	vld [tilespmem:s10+$0x40];
	v1 =	vadd.f32 v6, v1;
	v6 =	vmul.f32 v15, v17;
	v15 =	vbroadcast v4, $0xF;
	(pc) =	sbr.rel @p1 .LBB2_16-.Ltmp7, $4  }
0x6f7: {  	v7 =	vadd.f32 v2, v7;
	v12 =	vld [tilespmem:s10+$0x50];
	v4 =	vadd.f32 v16, v9;
	v2 =	vmul.f32 v19, v19;
	v10, _, _ =	vpop (xrf2)  }
0x6f8: {  	v9 =	vld [tilespmem:s8+$0x60];
	v6 =	vadd.f32 v6, v3;
	v3 =	vmul.f32 v13, v19;
	(xrf2) =	vadd.scan.msk.f32 $0xffff, v1;
	v1 =	vbroadcast v10, $0xF  }
0x6f9: {  	v13 =	vld [tilespmem:s10+$0x60];
	v2 =	vadd.f32 v2, v18;
	[tilespmem:v0+s22+$0x0] =	vst.idx.msk $0x1, v15  }
0x6fa: {  	s11 =	sadd.s32 $0x4, s11;
	v10 =	vld [tilespmem:s8+$0x70];
	v3 =	vadd.f32 v3, v14;
	[tilespmem:v0+s23+$0x0] =	vst.idx.msk $0x1, v1  }
0x6fb: {  	v0 =	vld [tilespmem:s10+$0x70]  }
0x6fc: {  	v1 =	vld [tilespmem:s8+$0xFFFFFF90]  }
0x6fd: {  	v14 =	vld [tilespmem:s10+$0xFFFFFF80]  }
0x6fe: {  	v15 =	vld [tilespmem:s10+$0xFFFFFF90]  }
0x6ff: {  	v16 =	vld [tilespmem:s8+$0xFFFFFFC0]  }
0x700: {  	v17 =	vld [tilespmem:s8+$0xFFFFFFD0]  }
0x701: {  	v18 =	vld [tilespmem:s10+$0xFFFFFFC0]  }
0x702: {  	v19 =	vld [tilespmem:s10+$0xFFFFFFD0]  }
0x703: {  	v20 =	vld [tilespmem:s8+$0x0]  }
0x704: {  	v21 =	vld [tilespmem:s8+$0x10]  }
0x705: {  	v11 =	vmul.f32 v11, v5;
	v22 =	vld [tilespmem:s10+$0x0];
	v23 =	vmov s6;
	v63 =	vmul.f32 v5, v5;
	s11 =	sadd.s32 $0x1, s6  }
0x706: {  	v24 =	vld [tilespmem:s10+$0x10];
	v28 =	vmul.f32 v8, v8;
	v12 =	vmul.f32 v12, v8;
	v46 =	vmov s11  }
0x707: {  	v25 =	vld [tilespmem:s8+$0xFFFFFF80];
	v23 =	vand.u32 $0xFFFFFFFC, v23;
	v30 =	vmul.f32 v9, v9;
	v52 =	vand.u32 $0xFFFFFFFD, v46  }
0x708: {  	v29 =	vld [tilespmem:s8+$0xFFFFFFA0];
	v13 =	vmul.f32 v13, v9;
	v11 =	vadd.f32 v12, v11;
	v12 =	vbroadcast v23, $0x0  }
0x709: {  	v31 =	vld [tilespmem:s10+$0xFFFFFFA0];
	v54 =	vbroadcast v52, $0x0;
	v32 =	vmul.f32 v10, v10  }
0x70a: {  	v33 =	vld [tilespmem:s8+$0xFFFFFFE0];
	v0 =	vmul.f32 v0, v10;
	v26 =	vmul.f32 v1, v1  }
0x70b: {  	v36 =	vld [tilespmem:s10+$0xFFFFFFE0];
	v1 =	vmul.f32 v15, v1;
	v34 =	vmul.f32 v16, v16  }
0x70c: {  	v38 =	vld [tilespmem:s8+$0x20];
	v35 =	vmul.f32 v18, v16;
	v37 =	vmul.f32 v17, v17  }
0x70d: {  	v43 =	vld [tilespmem:s8+$0xFFFFFFB0];
	v5 =	vadd.f32 v28, v63;
	v17 =	vmul.f32 v19, v17;
	v39 =	vmul.f32 v20, v20  }
0x70e: {  	v45 =	vld [tilespmem:s10+$0xFFFFFFB0];
	v40 =	vmul.f32 v22, v20;
	v42 =	vmul.f32 v21, v21  }
0x70f: {  	v41 =	vld [tilespmem:s10+$0x20];
	v5 =	vadd.f32 v30, v5;
	v21 =	vmul.f32 v24, v21;
	v14 =	vmul.f32 v14, v25  }
0x710: {  	v47 =	vld [tilespmem:s8+$0xFFFFFFF0];
	v11 =	vadd.f32 v13, v11;
	v44 =	vmul.f32 v25, v25;
	v49 =	vmul.f32 v29, v29  }
0x711: {  	v50 =	vld [tilespmem:s10+$0xFFFFFFF0];
	v9 =	vmul.f32 v31, v29;
	v56 =	vmul.f32 v36, v33  }
0x712: {  	(xrf2) =	vadd.scan.msk.f32 $0xffff, v7;
	v59 =	vmul.f32 v33, v33;
	v5 =	vadd.f32 v32, v5;
	v0 =	vadd.f32 v0, v11  }
0x713: {  	v53 =	vld [tilespmem:s8+$0x30];
	v60 =	vmul.f32 v45, v43;
	v8 =	vadd.f32 v37, v34;
	v48, _, _ =	vpop (xrf2);
	v1 =	vadd.f32 v1, v14;
	(xrf2) =	vadd.scan.msk.f32 $0xffff, v6  }
0x714: {  	v57 =	vld [tilespmem:s10+$0x30];
	v62 =	vmul.f32 v41, v38;
	v15 =	vadd.f32 v17, v35;
	v17 =	vadd.f32 v26, v44;
	(xrf2) =	vadd.scan.msk.f32 $0xffff, v4  }
0x715: {  	v63 =	vmul.f32 v43, v43;
	v10 =	vadd.f32 v42, v39;
	(xrf2) =	vadd.scan.msk.f32 $0xffff, v0;
	v58 =	vadd.f32 v9, v1  }
0x716: {  	v18 =	vmul.f32 v50, v47;
	v19 =	vadd.f32 v21, v40;
	v55 =	vadd.f32 v49, v17;
	(xrf2) =	vadd.scan.msk.f32 $0xffff, v5  }
0x717: {  	v20 =	vmul.f32 v47, v47;
	v61 =	vadd.f32 v56, v15;
	(xrf2) =	vadd.scan.msk.f32 $0xffff, v3;
	v0 =	vadd.f32 v60, v58  }
0x718: {  	v17 =	vmul.f32 v38, v38;
	v1 =	vadd.f32 v59, v8;
	v7 =	vadd.f32 v63, v55;
	(xrf2) =	vadd.scan.msk.f32 $0xffff, v2  }
0x719: {  	v22 =	vmul.f32 v57, v53;
	v21 =	vadd.f32 v62, v19;
	v5 =	vadd.f32 v18, v61;
	(xrf2) =	vadd.scan.msk.f32 $0xffff, v0  }
0x71a: {  	s14 =	sadd.s32 $0x2, s6;
	v24 =	vmul.f32 v53, v53;
	v23 =	vadd.f32 v17, v10;
	v1 =	vadd.f32 v20, v1;
	(xrf2) =	vadd.scan.msk.f32 $0xffff, v7  }
0x71b: {  	s16 =	sadd.s32 $0x3, s7;
	v27 =	vmov s14;
	v25 =	vadd.f32 v22, v21;
	(xrf2) =	vadd.scan.msk.f32 $0xffff, v5  }
0x71c: {  	v30 =	vmov s16;
	v51 =	vbroadcast v48, $0xF;
	v26, _, _ =	vpop (xrf2);
	v0 =	vadd.f32 v24, v23;
	(xrf2) =	vadd.scan.msk.f32 $0xffff, v1  }
0x71d: {  	v32 =	vmov s7;
	v6 =	vand.u32 $0xFFFFFFFE, v27;
	v28 =	vbroadcast v26, $0xF;
	v29, _, _ =	vpop (xrf2);
	(xrf2) =	vadd.scan.msk.f32 $0xffff, v25  }
0x71e: {  	v6 =	vbroadcast v6, $0x0;
	[tilespmem:v12+s22+$0x0] =	vst.idx.msk $0x1, v51;
	v2 =	vbroadcast v29, $0xF;
	v31, _, _ =	vpop (xrf2);
	(xrf2) =	vadd.scan.msk.f32 $0xffff, v0  }
0x71f: {  	s17 =	sadd.s32 $0x1, s7;
	v35 =	vand.u32 $0xFFFFFFFC, v32;
	[tilespmem:v12+s23+$0x0] =	vst.idx.msk $0x1, v28;
	v33, _, _ =	vpop (xrf2);
	v34 =	vbroadcast v31, $0xF  }
0x720: {  	v37 =	vbroadcast v35, $0x0;
	v38 =	vmov s17;
	v36, _, _ =	vpop (xrf2);
	[tilespmem:v54+s22+$0x0] =	vst.idx.msk $0x1, v2;
	v0 =	vbroadcast v33, $0xF  }
0x721: {  	s18 =	sadd.s32 $0x2, s7;
	v3 =	vand.u32 $0xFFFFFFFD, v38;
	v39, _, _ =	vpop (xrf2);
	[tilespmem:v54+s23+$0x0] =	vst.idx.msk $0x1, v34;
	v40 =	vbroadcast v36, $0xF  }
0x722: {  	v43 =	vmov s18;
	v3 =	vbroadcast v3, $0x0;
	v41, _, _ =	vpop (xrf2);
	[tilespmem:v30+s22+$0x0] =	vst.idx.msk $0x1, v0;
	v42 =	vbroadcast v39, $0xF  }
0x723: {  	v46 =	vand.u32 $0xFFFFFFFE, v43;
	v44, _, _ =	vpop (xrf2);
	[tilespmem:v30+s23+$0x0] =	vst.idx.msk $0x1, v40;
	v45 =	vbroadcast v41, $0xF  }
0x724: {  	v4 =	vbroadcast v46, $0x0;
	v47, _, _ =	vpop (xrf2);
	[tilespmem:v6+s22+$0x0] =	vst.idx.msk $0x1, v42;
	v48 =	vbroadcast v44, $0xF  }
0x725: {  	[tilespmem:v6+s23+$0x0] =	vst.idx.msk $0x1, v45;
	v49 =	vbroadcast v47, $0xF;
	v50, _, _ =	vpop (xrf2)  }
0x726: {  	[tilespmem:v37+s22+$0x0] =	vst.idx.msk $0x1, v48;
	v51 =	vbroadcast v50, $0xF;
	v52, _, _ =	vpop (xrf2)  }
0x727: {  	[tilespmem:v37+s23+$0x0] =	vst.idx.msk $0x1, v49;
	v53 =	vbroadcast v52, $0xF;
	v54, _, _ =	vpop (xrf2)  }
0x728: {  	[tilespmem:v3+s22+$0x0] =	vst.idx.msk $0x1, v51;
	v55 =	vbroadcast v54, $0xF;
	v56, _, _ =	vpop (xrf2)  }
0x729: {  	[tilespmem:v3+s23+$0x0] =	vst.idx.msk $0x1, v53;
	v57 =	vbroadcast v56, $0xF  }
0x72a: {  	[tilespmem:v4+s22+$0x0] =	vst.idx.msk $0x1, v55  }
0x72b: {  	[tilespmem:v4+s23+$0x0] =	vst.idx.msk $0x1, v57  }
0x72c: {  	v0 =	vld [tilespmem:$0x1D9A0]  }
0x72d: {  	v1 =	vld [tilespmem:$0x1D9B0];
	_ =	sdelay $0x3  }
0x72e: {  	v58 =	vshra.s32 v0, $0x1;
	v0 =	vmul.f32 $5.000000000e-01, v0  }
0x72f: {  	v59 =	vshra.s32 v1, $0x1;
	v1 =	vmul.f32 $5.000000000e-01, v1;
	v2 =	vsub.s32 $0x5F3759DF, v58  }
0x730: {  	v3 =	vsub.s32 $0x5F3759DF, v59;
	v60 =	vmul.f32 v2, v0  }
0x731: {  	v61 =	vmul.f32 v3, v1  }
0x732: {  	v4 =	vmul.f32 v2, v60  }
0x733: {  	v5 =	vmul.f32 v3, v61  }
0x734: {  	v4 =	vsub.f32 $1.500000000e+00, v4  }
0x735: {  	v5 =	vsub.f32 $1.500000000e+00, v5  }
0x736: {  	v2 =	vmul.f32 v2, v4  }
0x737: {  	v3 =	vmul.f32 v3, v5  }
0x738: {  	v4 =	vmul.f32 v2, v0  }
0x739: {  	v5 =	vmul.f32 v3, v1  }
0x73a: {  	v4 =	vmul.f32 v4, v2  }
0x73b: {  	v5 =	vmul.f32 v5, v3  }
0x73c: {  	v4 =	vsub.f32 $1.500000000e+00, v4  }
0x73d: {  	v5 =	vsub.f32 $1.500000000e+00, v5  }
0x73e: {  	v2 =	vmul.f32 v4, v2  }
0x73f: {  	v3 =	vmul.f32 v5, v3  }
0x740: {  	v0 =	vmul.f32 v2, v0  }
0x741: {  	v1 =	vmul.f32 v3, v1  }
0x742: {  	v0 =	vmul.f32 v0, v2  }
0x743: {  	v62 =	vld [tilespmem:$0x1D980];
	v1 =	vmul.f32 v1, v3  }
0x744: {  	v63 =	vld [tilespmem:$0x1D990];
	v0 =	vsub.f32 $1.500000000e+00, v0  }
0x745: {  	v1 =	vsub.f32 $1.500000000e+00, v1  }
0x746: {  	v0 =	vmul.f32 v0, v2  }
0x747: {  	v1 =	vmul.f32 v1, v3  }
0x748: {  	v0 =	vmul.f32 v0, v62  }
0x749: {  	v1 =	vmul.f32 v1, v63  }
0x74a: {  	[tilespmem:$0x1D9C0] =	vst v0  }
0x74b: {  	s6 =	simm.s32 @p0 $0x0;
	s7 =	simm.s32 @p0 $0x1D9D8;
	[tilespmem:$0x1D9D0] =	vst v1  }
0x74c: {  	[hbm4b:s20+s6] =	stream.linear.scatter @p0 [tilespmem:s7], [sflag:$0x5], $0x8, $0x38;
	[tilespmem:$0x1D9F0] =	vst v63  }
0x74d: {  	s6 =	simm.s32 @p0 $0x5  }
0x74e: {  	_ =	swait.ge @p0 [sflag:s6], $0x8  }
0x74f: {  	[sflag:s6] =	ssyncset.done @p0 $0x0  }
0x750: {  	s7 =	simm.s32 @!p0 $0x1D9C0;
	[sflag:s6] =	ssyncadd.s32 @p0 $0xFFFFFFF8;
	s6 =	simm.s32 @!p0 $0x0  }
0x751: {  	[hbm4b:s19+s6] =	stream.linear.scatter @!p0 [tilespmem:s7], [sflag:$0x5], $0x20, $0x38;
	[tilespmem:$0x1D9F0] =	vst v63  }
0x752: {  	s6 =	simm.s32 @!p0 $0x5  }
0x753: {  	_ =	swait.ge @!p0 [sflag:s6], $0x20  }
0x754: {  	[sflag:s6] =	ssyncset.done @!p0 $0x0  }
0x755: {  	s5 =	sadd.s32 $0x1, s5;
	[sflag:s6] =	ssyncadd.s32 @!p0 $0xFFFFFFE0  }
0x756: {  	p1 =	sne.s32 s5, s21;
	_ =	swait.ge [sflag:s25], $0x200  }
.Ltmp8:
0x757: {  	[sflag:s25] =	ssyncset.done $0x0;
	(pc) =	sbr.rel @p1 .LBB2_1-.Ltmp8, $4  }
0x758: {  	[sflag:s25] =	ssyncadd.s32 $0xFFFFFE00  }
0x759: {  	_ =	swait.ge [sflag:s25], $0x200  }
0x75a: {  	s16 =	simm.s32 $0x800;
	[sflag:s25] =	ssyncset.done $0x0  }
0x75b: {  	s18 =	simm.s32 $0x8800;
	s17 =	simm.s32 $0x4800;
	[sflag:s25] =	ssyncadd.s32 $0xFFFFFE00  }
0x75c: {  	_ =	sfence.sel $0x180000  }
0x75d: {  	[bflag:$0x0] =	sbarrier.arrive $0xFFFF  }
0x75e: {  	_ =	strace $0x90000047  }
0x75f: {  	s0 =	stileid.u32;
	[bflag:$0x2] =	sbarrier.arrive $0xFFFF  }
0x760: {  	p0 =	sne.s32 s0, $0x0;
	s0 =	rddreg [dreg:$0x8]  }
0x761: {  	s0 =	sadd.s32 @!p0 $0x100000, s0  }
0x762: {  	[sflag:s0] =	ssyncadd.tile.s32 @!p0 $0x1;
	_ =	shalt  }
.Lfunc_end2:
_tile_overlayer_lowered:
.L_overlay_start_2:
0x763: {  	(tag) =	ssettag $0x2  }
0x764: {  	s0 =	rddreg [dreg:$0x0];
	s2 =	stileid.u32  }
0x765: {  	s1 =	rddreg [dreg:$0x1];
	p0 =	sne.s32 s2, $0x0  }
0x766: {  	s3 =	rddreg [dreg:$0x2];
	[bflag:$0x3] =	sbarrier.arrive $0xFFFF;
	s2 =	simm.s32 @!p0 $0x1C05  }
0x767: {  	[timem:s3], [sflag:s2] =	dma.local @!p0 [hbm:s0], s1  }
0x768: {  	s0 =	simm.s32 @!p0 $0x5  }
0x769: {  	_ =	swait.ge @!p0 [sflag:s0], s1  }
0x76a: {  	s1 =	ssub.s32 @!p0 $0x0, s1;
	[sflag:s0] =	ssyncset.done @!p0 $0x0  }
0x76b: {  	[sflag:s0] =	ssyncadd.s32 @!p0 s1  }
0x76c: {  	[bflag:$0x3] =	sbarrier.arrive $0xFFFF  }
0x76d: {  	_ =	shalt  }

</sc_bundles>
